<compile_context>
chip_gen: v7x
topology: tpu7x:2x2x1
jax: 0.10.2.dev20260603
libtpu: 0.0.44.dev20260713+nightly
codegen_flags: <defaults>
</compile_context>

<pallas_src>
import functools

import numpy as np

import jax
import jax.numpy as jnp
from jax import lax
from jax.experimental import pallas as pl
from jax.experimental.pallas import tpu as pltpu
from jax.experimental.pallas import tpu_sc as plsc

N = 10000
E = 320000
F_IN = 128
C = 40
CP = 48
DW = 16

NC, NS = 2, 16
NT = NC * NS
CH = 128
KS = 5
SUP = CH * KS

NPAD = 10240
EPT = 10240
EPAD = EPT * NT
NSUP = EPT // SUP
NCH = EPT // CH
ROWS_PER_SUB = NPAD // NS

_JUNK = (N + np.arange(EPAD - E, dtype=np.int32) % (NPAD - N))
_PAD_EDGES = np.stack([_JUNK, _JUNK])

_MESH = plsc.VectorSubcoreMesh(core_axis_name="c", subcore_axis_name="s")
_SC_PARAMS = pltpu.CompilerParams(use_tc_tiling_on_sc=False)

_F32 = jnp.float32



@functools.partial(
    pl.kernel,
    out_type=jax.ShapeDtypeStruct((NC, NPAD, DW), _F32),
    mesh=_MESH,
    scratch_types=[
        pltpu.VMEM((NCH, CH), jnp.int32),
        pltpu.VMEM((CH, DW), _F32),
        pltpu.VMEM_SHARED((NPAD, DW), _F32),
        pltpu.SemaphoreType.DMA,
    ],
    compiler_params=_SC_PARAMS,
)
def _sc_degree(col_hbm, ones_hbm, zeros_hbm, out_hbm,
               idxc, onesv, acc, sem):
    c = lax.axis_index("c")
    s = lax.axis_index("s")
    tid = c * NS + s
    r0 = s * ROWS_PER_SUB
    pltpu.sync_copy(col_hbm.at[pl.ds(tid * NCH, NCH)], idxc)
    pltpu.sync_copy(zeros_hbm.at[pl.ds(r0, ROWS_PER_SUB)],
                    acc.at[pl.ds(r0, ROWS_PER_SUB)])
    pltpu.sync_copy(ones_hbm, onesv)
    plsc.subcore_barrier()

    @pl.loop(0, NCH, step=KS)
    def _(k):
        copies = [
            pltpu.async_copy(onesv, acc.at[idxc.at[k + j]], sem, add=True)
            for j in range(KS)
        ]
        for cp in copies:
            cp.wait()

    plsc.subcore_barrier()
    pltpu.sync_copy(acc.at[pl.ds(r0, ROWS_PER_SUB)],
                    out_hbm.at[c].at[pl.ds(r0, ROWS_PER_SUB)])


@functools.partial(
    pl.kernel,
    out_type=jax.ShapeDtypeStruct((NC, NPAD, CP), _F32),
    mesh=_MESH,
    scratch_types=[
        pltpu.VMEM((NCH, CH), jnp.int32),
        pltpu.VMEM((NCH, CH), jnp.int32),
        pltpu.VMEM((2, KS, CH, CP), _F32),
        pltpu.VMEM_SHARED((NPAD, CP), _F32),
        pltpu.SemaphoreType.DMA,
        pltpu.SemaphoreType.DMA,
    ],
    compiler_params=_SC_PARAMS,
)
def _sc_hop(g_hbm, row_hbm, col_hbm, zeros_hbm, out_hbm,
            idxr, idxc, vals, acc, gsem, ssem):
    c = lax.axis_index("c")
    s = lax.axis_index("s")
    tid = c * NS + s
    r0 = s * ROWS_PER_SUB

    pltpu.sync_copy(row_hbm.at[pl.ds(tid * NCH, NCH)], idxr)
    pltpu.sync_copy(col_hbm.at[pl.ds(tid * NCH, NCH)], idxc)
    pltpu.sync_copy(zeros_hbm.at[pl.ds(r0, ROWS_PER_SUB)],
                    acc.at[pl.ds(r0, ROWS_PER_SUB)])
    plsc.subcore_barrier()

    def issue_gathers(k, b):
        for j in range(KS):
            pltpu.async_copy(g_hbm.at[idxr.at[k * KS + j]], vals.at[b].at[j],
                             gsem)

    def wait_gathers(b):
        for j in range(KS):
            pltpu.make_async_copy(g_hbm.at[idxr.at[j]], vals.at[b].at[j],
                                  gsem).wait()

    def issue_scatters(k, b):
        for j in range(KS):
            pltpu.async_copy(vals.at[b].at[j], acc.at[idxc.at[k * KS + j]],
                             ssem, add=True)

    def wait_scatters(b):
        for j in range(KS):
            pltpu.make_async_copy(vals.at[b].at[j], acc.at[idxc.at[j]],
                                  ssem).wait()

    issue_gathers(0, 0)

    @pl.loop(0, NSUP - 1)
    def _(k):
        p = lax.rem(k, 2)
        q = 1 - p

        @pl.when(k >= 1)
        def _():
            wait_scatters(q)
        issue_gathers(k + 1, q)
        wait_gathers(p)
        issue_scatters(k, p)

    last = NSUP - 1
    pb = (NSUP - 1) % 2
    wait_scatters(1 - pb)
    wait_gathers(pb)
    issue_scatters(last, pb)
    wait_scatters(pb)

    plsc.subcore_barrier()
    pltpu.sync_copy(acc.at[pl.ds(r0, ROWS_PER_SUB)],
                    out_hbm.at[c].at[pl.ds(r0, ROWS_PER_SUB)])



def _tc_matmul(xp, wt):
    def body(x_ref, w_ref, o_ref):
        o_ref[...] = jnp.dot(x_ref[...], w_ref[...],
                             preferred_element_type=_F32)
    return pl.pallas_call(
        body, out_shape=jax.ShapeDtypeStruct((NPAD, CP), _F32),
    )(xp, wt)


def _deg_col(d_ref):
    return d_ref[0, :, 0:1] + d_ref[1, :, 0:1] + 1.0


def _tc_scale(degp, y):
    def body(d_ref, y_ref, o_ref):
        o_ref[...] = y_ref[...] * lax.rsqrt(_deg_col(d_ref))
    return pl.pallas_call(
        body, out_shape=jax.ShapeDtypeStruct((NPAD, CP), _F32),
    )(degp, y)


def _tc_mid(p, g0, degp):
    def body(p_ref, g_ref, d_ref, o_ref):
        ssum = p_ref[0] + p_ref[1] + g_ref[...]
        o_ref[...] = ssum / _deg_col(d_ref)
    return pl.pallas_call(
        body, out_shape=jax.ShapeDtypeStruct((NPAD, CP), _F32),
    )(p, g0, degp)


def _tc_final(q, g1, degp, bp):
    def body(q_ref, g_ref, d_ref, b_ref, o_ref):
        t = ((q_ref[0] + q_ref[1] + g_ref[...])
             * lax.rsqrt(_deg_col(d_ref)))
        logits = t + b_ref[...]
        mask = lax.broadcasted_iota(jnp.int32, (1, CP), 1) < C
        masked = jnp.where(mask, logits, -jnp.inf)
        m = jnp.max(masked, axis=1, keepdims=True)
        ex = jnp.where(mask, jnp.exp(logits - m), 0.0)
        lse = jnp.log(jnp.sum(ex, axis=1, keepdims=True))
        o_ref[...] = logits - m - lse
    return pl.pallas_call(
        body, out_shape=jax.ShapeDtypeStruct((NPAD, CP), _F32),
    )(q, g1, degp, bp)



def kernel(x, edge_index, W, b):
    xp = jnp.zeros((NPAD, F_IN), _F32).at[:N].set(x)
    wt = jnp.zeros((F_IN, CP), _F32).at[:, :C].set(W.T)
    bp = jnp.zeros((1, CP), _F32).at[0, :C].set(b)

    epad = jnp.asarray(_JUNK)
    rows2d = jnp.concatenate([edge_index[0].astype(jnp.int32), epad]
                             ).reshape(EPAD // CH, CH)
    cols2d = jnp.concatenate([edge_index[1].astype(jnp.int32), epad]
                             ).reshape(EPAD // CH, CH)

    zeros_dw = jnp.zeros((NPAD, DW), _F32)
    zeros_cp = jnp.zeros((NPAD, CP), _F32)
    ones_ch = jnp.ones((CH, DW), _F32)

    degp = _sc_degree(cols2d, ones_ch, zeros_dw)
    y = _tc_matmul(xp, wt)
    g0 = _tc_scale(degp, y)
    p = _sc_hop(g0, rows2d, cols2d, zeros_cp)
    g1 = _tc_mid(p, g0, degp)
    q = _sc_hop(g1, rows2d, cols2d, zeros_cp)
    out = _tc_final(q, g1, degp, bp)
    return out[:N, :C]

# --- scband reference (transcript-rebuilt; emitter-appended) ---
"""Pipeline reference for scband-sgc-18159121727554 (READ-ONLY COPY).

The authoritative reference and input builder live on the scoring server;
editing this copy changes nothing except your own understanding.
"""

import jax, jax.numpy as jnp
import numpy as np

N = 10000
E = 320000
F_IN = 128
C = 40
K = 2


def setup_inputs(seed: int = 0) -> dict:
    key = jax.random.key(seed)
    k1, k2, k3 = jax.random.split(key, 3)
    x = jax.random.normal(k1, (N, F_IN), dtype=jnp.float32)
    edge_index = jax.random.randint(k2, (2, E), 0, N)
    # SGConv has a single Linear(num_features, num_classes) applied after K-hop propagation
    W = jax.random.normal(k3, (C, F_IN), dtype=jnp.float32) * 0.05
    b = jnp.zeros((C,), dtype=jnp.float32)
    return {"x": x, "edge_index": edge_index, "W": W, "b": b}


def reference(x, edge_index, W, b):
    # --- gcn_norm with self loops (PyG SGConv default: add_self_loops=True) ---
    row = jnp.concatenate([edge_index[0], jnp.arange(N)])
    col = jnp.concatenate([edge_index[1], jnp.arange(N)])
    ones = jnp.ones(row.shape[0], dtype=x.dtype)
    deg = jax.ops.segment_sum(ones, col, num_segments=N)
    dinv = jnp.where(deg > 0, jax.lax.rsqrt(deg), jnp.zeros_like(deg))
    norm = dinv[row] * dinv[col]
    # --- K-hop propagation: x <- A_hat_norm @ x, K times ---
    h = x
    for _ in range(K):
        msg = norm[:, None] * h[row]          # gather from source nodes
        h = jax.ops.segment_sum(msg, col, num_segments=N)  # scatter-add to dst nodes
    # --- final linear + log_softmax ---
    out = h @ W.T + b
    return jax.nn.log_softmax(out, axis=1)

if __name__ == "__main__":
    import jax
    _d = setup_inputs()
    print(jax.jit(kernel)(*tuple(_d.values())))

</pallas_src>

<mosaic_0001>
#map = affine_map<(d0, d1) -> (0, 0)>
#map1 = affine_map<(d0, d1) -> (0, 0, 0)>
module attributes {stable_mosaic.version = 14 : i64} {
  func.func @_sc_hop(%arg0: i32, %arg1: i32, %arg2: memref<10240x48xf32, #tpu.memory_space<hbm>>, %arg3: memref<2560x128xi32, #tpu.memory_space<hbm>>, %arg4: memref<2560x128xi32, #tpu.memory_space<hbm>>, %arg5: memref<10240x48xf32, #tpu.memory_space<hbm>>, %arg6: memref<2x10240x48xf32, #tpu.memory_space<hbm>>, %arg7: memref<80x128xi32, #tpu.memory_space<vmem>>, %arg8: memref<80x128xi32, #tpu.memory_space<vmem>>, %arg9: memref<2x5x128x48xf32, #tpu.memory_space<vmem>>, %arg10: memref<10240x48xf32, #tpu.memory_space<vmem_shared>>, %arg11: memref<!tpu.dma_semaphore, #tpu.memory_space<semaphore_mem>>, %arg12: memref<!tpu.dma_semaphore, #tpu.memory_space<semaphore_mem>>) attributes {dimension_semantics = [#tpu.dimension_semantics<core_parallel>, #tpu.dimension_semantics<subcore_parallel>], iteration_bounds = array<i64: 2, 16>, scalar_prefetch = 0 : i64, scratch_operands = 6 : i64, tpu.core_type = #tpu.core_type<sc_vector_subcore>, window_params = [{transform_indices = #map}, {transform_indices = #map}, {transform_indices = #map}, {transform_indices = #map}, {transform_indices = #map1}]} {
    %mul3A = arith.constant 16 : i32
    %mul3A_0 = arith.muli %arg0, %mul3A : i32
    %add3A = arith.addi %mul3A_0, %arg1 : i32
    %mul3A_1 = arith.constant 640 : i32
    %mul3A_2 = arith.muli %arg1, %mul3A_1 : i32
    %mul3A_3 = arith.constant 80 : i32
    %mul3A_4 = arith.muli %add3A, %mul3A_3 : i32
    "tpu.region"() ({
      %run_scoped3A = tpu.sem_alloc : memref<!tpu.dma_semaphore, #tpu.memory_space<semaphore_mem>>
      %dma_start3A_460 = arith.constant 0 : i32
      %dma_start3A_461 = tpu.memref_slice %arg3[%mul3A_4, %dma_start3A_460] : memref<2560x128xi32, #tpu.memory_space<hbm>> -> memref<80x128xi32, #tpu.memory_space<hbm>>
      %dma_start3A_462 = arith.constant 0 : i32
      %dma_start3A_463 = tpu.memref_slice %arg3[%mul3A_4, %dma_start3A_462] : memref<2560x128xi32, #tpu.memory_space<hbm>> -> memref<80x128xi32, #tpu.memory_space<hbm>>
      tpu.enqueue_dma source(%dma_start3A_463 : memref<80x128xi32, #tpu.memory_space<hbm>>) target(%arg7 : memref<80x128xi32, #tpu.memory_space<vmem>>) target_semaphore(%run_scoped3A : memref<!tpu.dma_semaphore, #tpu.memory_space<semaphore_mem>>)
      %dma_wait3A_464 = arith.constant 0 : i32
      %dma_wait3A_465 = tpu.memref_slice %arg3[%mul3A_4, %dma_wait3A_464] : memref<2560x128xi32, #tpu.memory_space<hbm>> -> memref<80x128xi32, #tpu.memory_space<hbm>>
      %dma_wait3A_466 = arith.constant 0 : i32
      %dma_wait3A_467 = tpu.memref_slice %arg3[%mul3A_4, %dma_wait3A_466] : memref<2560x128xi32, #tpu.memory_space<hbm>> -> memref<80x128xi32, #tpu.memory_space<hbm>>
      tpu.wait_dma2 semaphore(%run_scoped3A : memref<!tpu.dma_semaphore, #tpu.memory_space<semaphore_mem>>) src(%dma_wait3A_467 : memref<80x128xi32, #tpu.memory_space<hbm>>) dst(%arg7 : memref<80x128xi32, #tpu.memory_space<vmem>>)
      tpu.yield
    }) : () -> ()
    %mul3A_5 = arith.constant 80 : i32
    %mul3A_6 = arith.muli %add3A, %mul3A_5 : i32
    "tpu.region"() ({
      %run_scoped3A = tpu.sem_alloc : memref<!tpu.dma_semaphore, #tpu.memory_space<semaphore_mem>>
      %dma_start3A_460 = arith.constant 0 : i32
      %dma_start3A_461 = tpu.memref_slice %arg4[%mul3A_6, %dma_start3A_460] : memref<2560x128xi32, #tpu.memory_space<hbm>> -> memref<80x128xi32, #tpu.memory_space<hbm>>
      %dma_start3A_462 = arith.constant 0 : i32
      %dma_start3A_463 = tpu.memref_slice %arg4[%mul3A_6, %dma_start3A_462] : memref<2560x128xi32, #tpu.memory_space<hbm>> -> memref<80x128xi32, #tpu.memory_space<hbm>>
      tpu.enqueue_dma source(%dma_start3A_463 : memref<80x128xi32, #tpu.memory_space<hbm>>) target(%arg8 : memref<80x128xi32, #tpu.memory_space<vmem>>) target_semaphore(%run_scoped3A : memref<!tpu.dma_semaphore, #tpu.memory_space<semaphore_mem>>)
      %dma_wait3A_464 = arith.constant 0 : i32
      %dma_wait3A_465 = tpu.memref_slice %arg4[%mul3A_6, %dma_wait3A_464] : memref<2560x128xi32, #tpu.memory_space<hbm>> -> memref<80x128xi32, #tpu.memory_space<hbm>>
      %dma_wait3A_466 = arith.constant 0 : i32
      %dma_wait3A_467 = tpu.memref_slice %arg4[%mul3A_6, %dma_wait3A_466] : memref<2560x128xi32, #tpu.memory_space<hbm>> -> memref<80x128xi32, #tpu.memory_space<hbm>>
      tpu.wait_dma2 semaphore(%run_scoped3A : memref<!tpu.dma_semaphore, #tpu.memory_space<semaphore_mem>>) src(%dma_wait3A_467 : memref<80x128xi32, #tpu.memory_space<hbm>>) dst(%arg8 : memref<80x128xi32, #tpu.memory_space<vmem>>)
      tpu.yield
    }) : () -> ()
    "tpu.region"() ({
      %run_scoped3A = tpu.sem_alloc : memref<!tpu.dma_semaphore, #tpu.memory_space<semaphore_mem>>
      %dma_start3A_460 = arith.constant 0 : i32
      %dma_start3A_461 = tpu.memref_slice %arg10[%mul3A_2, %dma_start3A_460] : memref<10240x48xf32, #tpu.memory_space<vmem_shared>> -> memref<640x48xf32, #tpu.memory_space<vmem_shared>>
      %dma_start3A_462 = arith.constant 0 : i32
      %dma_start3A_463 = tpu.memref_slice %arg5[%mul3A_2, %dma_start3A_462] : memref<10240x48xf32, #tpu.memory_space<hbm>> -> memref<640x48xf32, #tpu.memory_space<hbm>>
      tpu.enqueue_dma source(%dma_start3A_463 : memref<640x48xf32, #tpu.memory_space<hbm>>) target(%dma_start3A_461 : memref<640x48xf32, #tpu.memory_space<vmem_shared>>) target_semaphore(%run_scoped3A : memref<!tpu.dma_semaphore, #tpu.memory_space<semaphore_mem>>)
      %dma_wait3A_464 = arith.constant 0 : i32
      %dma_wait3A_465 = tpu.memref_slice %arg10[%mul3A_2, %dma_wait3A_464] : memref<10240x48xf32, #tpu.memory_space<vmem_shared>> -> memref<640x48xf32, #tpu.memory_space<vmem_shared>>
      %dma_wait3A_466 = arith.constant 0 : i32
      %dma_wait3A_467 = tpu.memref_slice %arg5[%mul3A_2, %dma_wait3A_466] : memref<10240x48xf32, #tpu.memory_space<hbm>> -> memref<640x48xf32, #tpu.memory_space<hbm>>
      tpu.wait_dma2 semaphore(%run_scoped3A : memref<!tpu.dma_semaphore, #tpu.memory_space<semaphore_mem>>) src(%dma_wait3A_467 : memref<640x48xf32, #tpu.memory_space<hbm>>) dst(%dma_wait3A_465 : memref<640x48xf32, #tpu.memory_space<vmem_shared>>)
      tpu.yield
    }) : () -> ()
    %barrier3A = arith.constant 0 : index
    tpu.barrier barrier_id(%barrier3A)
    %dma_start3A = arith.constant 0 : i32
    %dma_start3A_7 = arith.constant 0 : i32
    %dma_start3A_8 = arith.constant 0 : i32
    %dma_start3A_9 = arith.constant 0 : i32
    %dma_start3A_10 = arith.constant 0 : i32
    %dma_start3A_11 = arith.constant 0 : i32
    %dma_start3A_12 = tpu.memref_slice %arg9[%dma_start3A_7, %dma_start3A_9, %dma_start3A_10, %dma_start3A_11] : memref<2x5x128x48xf32, #tpu.memory_space<vmem>> -> memref<1x5x128x48xf32, #tpu.memory_space<vmem>>
    %dma_start3A_13 = tpu.memref_squeeze %dma_start3A_12 : memref<1x5x128x48xf32, #tpu.memory_space<vmem>> -> memref<5x128x48xf32, #tpu.memory_space<vmem>>
    %dma_start3A_14 = arith.constant 0 : i32
    %dma_start3A_15 = arith.constant 0 : i32
    %dma_start3A_16 = tpu.memref_slice %dma_start3A_13[%dma_start3A_8, %dma_start3A_14, %dma_start3A_15] : memref<5x128x48xf32, #tpu.memory_space<vmem>> -> memref<1x128x48xf32, #tpu.memory_space<vmem>>
    %dma_start3A_17 = tpu.memref_squeeze %dma_start3A_16 : memref<1x128x48xf32, #tpu.memory_space<vmem>> -> memref<128x48xf32, #tpu.memory_space<vmem>>
    %dma_start3A_18 = arith.constant 0 : i32
    %dma_start3A_19 = tpu.memref_slice %arg7[%dma_start3A, %dma_start3A_18] : memref<80x128xi32, #tpu.memory_space<vmem>> -> memref<1x128xi32, #tpu.memory_space<vmem>>
    %dma_start3A_20 = tpu.memref_squeeze %dma_start3A_19 : memref<1x128xi32, #tpu.memory_space<vmem>> -> memref<128xi32, #tpu.memory_space<vmem>>
    %dma_start3A_21 = arith.constant 0 : i32
    %dma_start3A_22 = arith.constant 0 : i32
    %dma_start3A_23 = tpu.memref_slice %arg2[%dma_start3A_21, %dma_start3A_22] : memref<10240x48xf32, #tpu.memory_space<hbm>> -> memref<10240x48xf32, #tpu.memory_space<hbm>>
    tpu.enqueue_indirect_dma source(%dma_start3A_23 : memref<10240x48xf32, #tpu.memory_space<hbm>>) target(%dma_start3A_17 : memref<128x48xf32, #tpu.memory_space<vmem>>) offsets(%dma_start3A_20 : memref<128xi32, #tpu.memory_space<vmem>>) semaphore(%arg11 : memref<!tpu.dma_semaphore, #tpu.memory_space<semaphore_mem>>)
    %dma_start3A_24 = arith.constant 1 : i32
    %dma_start3A_25 = arith.constant 0 : i32
    %dma_start3A_26 = arith.constant 1 : i32
    %dma_start3A_27 = arith.constant 0 : i32
    %dma_start3A_28 = arith.constant 0 : i32
    %dma_start3A_29 = arith.constant 0 : i32
    %dma_start3A_30 = tpu.memref_slice %arg9[%dma_start3A_25, %dma_start3A_27, %dma_start3A_28, %dma_start3A_29] : memref<2x5x128x48xf32, #tpu.memory_space<vmem>> -> memref<1x5x128x48xf32, #tpu.memory_space<vmem>>
    %dma_start3A_31 = tpu.memref_squeeze %dma_start3A_30 : memref<1x5x128x48xf32, #tpu.memory_space<vmem>> -> memref<5x128x48xf32, #tpu.memory_space<vmem>>
    %dma_start3A_32 = arith.constant 0 : i32
    %dma_start3A_33 = arith.constant 0 : i32
    %dma_start3A_34 = tpu.memref_slice %dma_start3A_31[%dma_start3A_26, %dma_start3A_32, %dma_start3A_33] : memref<5x128x48xf32, #tpu.memory_space<vmem>> -> memref<1x128x48xf32, #tpu.memory_space<vmem>>
    %dma_start3A_35 = tpu.memref_squeeze %dma_start3A_34 : memref<1x128x48xf32, #tpu.memory_space<vmem>> -> memref<128x48xf32, #tpu.memory_space<vmem>>
    %dma_start3A_36 = arith.constant 0 : i32
    %dma_start3A_37 = tpu.memref_slice %arg7[%dma_start3A_24, %dma_start3A_36] : memref<80x128xi32, #tpu.memory_space<vmem>> -> memref<1x128xi32, #tpu.memory_space<vmem>>
    %dma_start3A_38 = tpu.memref_squeeze %dma_start3A_37 : memref<1x128xi32, #tpu.memory_space<vmem>> -> memref<128xi32, #tpu.memory_space<vmem>>
    %dma_start3A_39 = arith.constant 0 : i32
    %dma_start3A_40 = arith.constant 0 : i32
    %dma_start3A_41 = tpu.memref_slice %arg2[%dma_start3A_39, %dma_start3A_40] : memref<10240x48xf32, #tpu.memory_space<hbm>> -> memref<10240x48xf32, #tpu.memory_space<hbm>>
    tpu.enqueue_indirect_dma source(%dma_start3A_41 : memref<10240x48xf32, #tpu.memory_space<hbm>>) target(%dma_start3A_35 : memref<128x48xf32, #tpu.memory_space<vmem>>) offsets(%dma_start3A_38 : memref<128xi32, #tpu.memory_space<vmem>>) semaphore(%arg11 : memref<!tpu.dma_semaphore, #tpu.memory_space<semaphore_mem>>)
    %dma_start3A_42 = arith.constant 2 : i32
    %dma_start3A_43 = arith.constant 0 : i32
    %dma_start3A_44 = arith.constant 2 : i32
    %dma_start3A_45 = arith.constant 0 : i32
    %dma_start3A_46 = arith.constant 0 : i32
    %dma_start3A_47 = arith.constant 0 : i32
    %dma_start3A_48 = tpu.memref_slice %arg9[%dma_start3A_43, %dma_start3A_45, %dma_start3A_46, %dma_start3A_47] : memref<2x5x128x48xf32, #tpu.memory_space<vmem>> -> memref<1x5x128x48xf32, #tpu.memory_space<vmem>>
    %dma_start3A_49 = tpu.memref_squeeze %dma_start3A_48 : memref<1x5x128x48xf32, #tpu.memory_space<vmem>> -> memref<5x128x48xf32, #tpu.memory_space<vmem>>
    %dma_start3A_50 = arith.constant 0 : i32
    %dma_start3A_51 = arith.constant 0 : i32
    %dma_start3A_52 = tpu.memref_slice %dma_start3A_49[%dma_start3A_44, %dma_start3A_50, %dma_start3A_51] : memref<5x128x48xf32, #tpu.memory_space<vmem>> -> memref<1x128x48xf32, #tpu.memory_space<vmem>>
    %dma_start3A_53 = tpu.memref_squeeze %dma_start3A_52 : memref<1x128x48xf32, #tpu.memory_space<vmem>> -> memref<128x48xf32, #tpu.memory_space<vmem>>
    %dma_start3A_54 = arith.constant 0 : i32
    %dma_start3A_55 = tpu.memref_slice %arg7[%dma_start3A_42, %dma_start3A_54] : memref<80x128xi32, #tpu.memory_space<vmem>> -> memref<1x128xi32, #tpu.memory_space<vmem>>
    %dma_start3A_56 = tpu.memref_squeeze %dma_start3A_55 : memref<1x128xi32, #tpu.memory_space<vmem>> -> memref<128xi32, #tpu.memory_space<vmem>>
    %dma_start3A_57 = arith.constant 0 : i32
    %dma_start3A_58 = arith.constant 0 : i32
    %dma_start3A_59 = tpu.memref_slice %arg2[%dma_start3A_57, %dma_start3A_58] : memref<10240x48xf32, #tpu.memory_space<hbm>> -> memref<10240x48xf32, #tpu.memory_space<hbm>>
    tpu.enqueue_indirect_dma source(%dma_start3A_59 : memref<10240x48xf32, #tpu.memory_space<hbm>>) target(%dma_start3A_53 : memref<128x48xf32, #tpu.memory_space<vmem>>) offsets(%dma_start3A_56 : memref<128xi32, #tpu.memory_space<vmem>>) semaphore(%arg11 : memref<!tpu.dma_semaphore, #tpu.memory_space<semaphore_mem>>)
    %dma_start3A_60 = arith.constant 3 : i32
    %dma_start3A_61 = arith.constant 0 : i32
    %dma_start3A_62 = arith.constant 3 : i32
    %dma_start3A_63 = arith.constant 0 : i32
    %dma_start3A_64 = arith.constant 0 : i32
    %dma_start3A_65 = arith.constant 0 : i32
    %dma_start3A_66 = tpu.memref_slice %arg9[%dma_start3A_61, %dma_start3A_63, %dma_start3A_64, %dma_start3A_65] : memref<2x5x128x48xf32, #tpu.memory_space<vmem>> -> memref<1x5x128x48xf32, #tpu.memory_space<vmem>>
    %dma_start3A_67 = tpu.memref_squeeze %dma_start3A_66 : memref<1x5x128x48xf32, #tpu.memory_space<vmem>> -> memref<5x128x48xf32, #tpu.memory_space<vmem>>
    %dma_start3A_68 = arith.constant 0 : i32
    %dma_start3A_69 = arith.constant 0 : i32
    %dma_start3A_70 = tpu.memref_slice %dma_start3A_67[%dma_start3A_62, %dma_start3A_68, %dma_start3A_69] : memref<5x128x48xf32, #tpu.memory_space<vmem>> -> memref<1x128x48xf32, #tpu.memory_space<vmem>>
    %dma_start3A_71 = tpu.memref_squeeze %dma_start3A_70 : memref<1x128x48xf32, #tpu.memory_space<vmem>> -> memref<128x48xf32, #tpu.memory_space<vmem>>
    %dma_start3A_72 = arith.constant 0 : i32
    %dma_start3A_73 = tpu.memref_slice %arg7[%dma_start3A_60, %dma_start3A_72] : memref<80x128xi32, #tpu.memory_space<vmem>> -> memref<1x128xi32, #tpu.memory_space<vmem>>
    %dma_start3A_74 = tpu.memref_squeeze %dma_start3A_73 : memref<1x128xi32, #tpu.memory_space<vmem>> -> memref<128xi32, #tpu.memory_space<vmem>>
    %dma_start3A_75 = arith.constant 0 : i32
    %dma_start3A_76 = arith.constant 0 : i32
    %dma_start3A_77 = tpu.memref_slice %arg2[%dma_start3A_75, %dma_start3A_76] : memref<10240x48xf32, #tpu.memory_space<hbm>> -> memref<10240x48xf32, #tpu.memory_space<hbm>>
    tpu.enqueue_indirect_dma source(%dma_start3A_77 : memref<10240x48xf32, #tpu.memory_space<hbm>>) target(%dma_start3A_71 : memref<128x48xf32, #tpu.memory_space<vmem>>) offsets(%dma_start3A_74 : memref<128xi32, #tpu.memory_space<vmem>>) semaphore(%arg11 : memref<!tpu.dma_semaphore, #tpu.memory_space<semaphore_mem>>)
    %dma_start3A_78 = arith.constant 4 : i32
    %dma_start3A_79 = arith.constant 0 : i32
    %dma_start3A_80 = arith.constant 4 : i32
    %dma_start3A_81 = arith.constant 0 : i32
    %dma_start3A_82 = arith.constant 0 : i32
    %dma_start3A_83 = arith.constant 0 : i32
    %dma_start3A_84 = tpu.memref_slice %arg9[%dma_start3A_79, %dma_start3A_81, %dma_start3A_82, %dma_start3A_83] : memref<2x5x128x48xf32, #tpu.memory_space<vmem>> -> memref<1x5x128x48xf32, #tpu.memory_space<vmem>>
    %dma_start3A_85 = tpu.memref_squeeze %dma_start3A_84 : memref<1x5x128x48xf32, #tpu.memory_space<vmem>> -> memref<5x128x48xf32, #tpu.memory_space<vmem>>
    %dma_start3A_86 = arith.constant 0 : i32
    %dma_start3A_87 = arith.constant 0 : i32
    %dma_start3A_88 = tpu.memref_slice %dma_start3A_85[%dma_start3A_80, %dma_start3A_86, %dma_start3A_87] : memref<5x128x48xf32, #tpu.memory_space<vmem>> -> memref<1x128x48xf32, #tpu.memory_space<vmem>>
    %dma_start3A_89 = tpu.memref_squeeze %dma_start3A_88 : memref<1x128x48xf32, #tpu.memory_space<vmem>> -> memref<128x48xf32, #tpu.memory_space<vmem>>
    %dma_start3A_90 = arith.constant 0 : i32
    %dma_start3A_91 = tpu.memref_slice %arg7[%dma_start3A_78, %dma_start3A_90] : memref<80x128xi32, #tpu.memory_space<vmem>> -> memref<1x128xi32, #tpu.memory_space<vmem>>
    %dma_start3A_92 = tpu.memref_squeeze %dma_start3A_91 : memref<1x128xi32, #tpu.memory_space<vmem>> -> memref<128xi32, #tpu.memory_space<vmem>>
    %dma_start3A_93 = arith.constant 0 : i32
    %dma_start3A_94 = arith.constant 0 : i32
    %dma_start3A_95 = tpu.memref_slice %arg2[%dma_start3A_93, %dma_start3A_94] : memref<10240x48xf32, #tpu.memory_space<hbm>> -> memref<10240x48xf32, #tpu.memory_space<hbm>>
    tpu.enqueue_indirect_dma source(%dma_start3A_95 : memref<10240x48xf32, #tpu.memory_space<hbm>>) target(%dma_start3A_89 : memref<128x48xf32, #tpu.memory_space<vmem>>) offsets(%dma_start3A_92 : memref<128xi32, #tpu.memory_space<vmem>>) semaphore(%arg11 : memref<!tpu.dma_semaphore, #tpu.memory_space<semaphore_mem>>)
    %scan3A = arith.constant 0 : i32
    %scan3A_96 = arith.constant 15 : i32
    %scan3A_97 = arith.addi %scan3A, %scan3A_96 : i32
    %scan3A_98 = arith.constant 1 : i32
    scf.for %scan3A_460 = %scan3A to %scan3A_97 step %scan3A_98  : i32 {
      %mul3A_461 = arith.constant 1 : i32
      %mul3A_462 = arith.muli %scan3A_460, %mul3A_461 : i32
      %add3A_463 = arith.constant 0 : i32
      %add3A_464 = arith.addi %add3A_463, %mul3A_462 : i32
      %rem3A = arith.constant 2 : i32
      %rem3A_465 = arith.remsi %add3A_464, %rem3A : i32
      %sub3A = arith.constant 1 : i32
      %sub3A_466 = arith.subi %sub3A, %rem3A_465 : i32
      %ge3A = arith.constant 1 : i32
      %ge3A_467 = arith.cmpi sge, %add3A_464, %ge3A : i32
      %convert_element_type3A = arith.extui %ge3A_467 : i1 to i32
      %cond3A = arith.constant 0 : i32
      %cond3A_468 = arith.cmpi ne, %convert_element_type3A, %cond3A : i32
      scf.if %cond3A_468 {
        %dma_wait3A_756 = arith.constant 0 : i32
        %dma_wait3A_757 = arith.constant 0 : i32
        %dma_wait3A_758 = arith.constant 0 : i32
        %dma_wait3A_759 = arith.constant 0 : i32
        %dma_wait3A_760 = arith.constant 0 : i32
        %dma_wait3A_761 = tpu.memref_slice %arg9[%sub3A_466, %dma_wait3A_758, %dma_wait3A_759, %dma_wait3A_760] : memref<2x5x128x48xf32, #tpu.memory_space<vmem>> -> memref<1x5x128x48xf32, #tpu.memory_space<vmem>>
        %dma_wait3A_762 = tpu.memref_squeeze %dma_wait3A_761 : memref<1x5x128x48xf32, #tpu.memory_space<vmem>> -> memref<5x128x48xf32, #tpu.memory_space<vmem>>
        %dma_wait3A_763 = arith.constant 0 : i32
        %dma_wait3A_764 = arith.constant 0 : i32
        %dma_wait3A_765 = tpu.memref_slice %dma_wait3A_762[%dma_wait3A_756, %dma_wait3A_763, %dma_wait3A_764] : memref<5x128x48xf32, #tpu.memory_space<vmem>> -> memref<1x128x48xf32, #tpu.memory_space<vmem>>
        %dma_wait3A_766 = tpu.memref_squeeze %dma_wait3A_765 : memref<1x128x48xf32, #tpu.memory_space<vmem>> -> memref<128x48xf32, #tpu.memory_space<vmem>>
        %dma_wait3A_767 = arith.constant 0 : i32
        %dma_wait3A_768 = tpu.memref_slice %arg8[%dma_wait3A_757, %dma_wait3A_767] : memref<80x128xi32, #tpu.memory_space<vmem>> -> memref<1x128xi32, #tpu.memory_space<vmem>>
        %dma_wait3A_769 = tpu.memref_squeeze %dma_wait3A_768 : memref<1x128xi32, #tpu.memory_space<vmem>> -> memref<128xi32, #tpu.memory_space<vmem>>
        %dma_wait3A_770 = arith.constant 0 : i32
        %dma_wait3A_771 = arith.constant 0 : i32
        %dma_wait3A_772 = tpu.memref_slice %arg10[%dma_wait3A_770, %dma_wait3A_771] : memref<10240x48xf32, #tpu.memory_space<vmem_shared>> -> memref<10240x48xf32, #tpu.memory_space<vmem_shared>>
        tpu.wait_indirect_dma semaphore(%arg12 : memref<!tpu.dma_semaphore, #tpu.memory_space<semaphore_mem>>) src(%dma_wait3A_766 : memref<128x48xf32, #tpu.memory_space<vmem>>) dst(%dma_wait3A_772 : memref<10240x48xf32, #tpu.memory_space<vmem_shared>>)
        %dma_wait3A_773 = arith.constant 1 : i32
        %dma_wait3A_774 = arith.constant 1 : i32
        %dma_wait3A_775 = arith.constant 0 : i32
        %dma_wait3A_776 = arith.constant 0 : i32
        %dma_wait3A_777 = arith.constant 0 : i32
        %dma_wait3A_778 = tpu.memref_slice %arg9[%sub3A_466, %dma_wait3A_775, %dma_wait3A_776, %dma_wait3A_777] : memref<2x5x128x48xf32, #tpu.memory_space<vmem>> -> memref<1x5x128x48xf32, #tpu.memory_space<vmem>>
        %dma_wait3A_779 = tpu.memref_squeeze %dma_wait3A_778 : memref<1x5x128x48xf32, #tpu.memory_space<vmem>> -> memref<5x128x48xf32, #tpu.memory_space<vmem>>
        %dma_wait3A_780 = arith.constant 0 : i32
        %dma_wait3A_781 = arith.constant 0 : i32
        %dma_wait3A_782 = tpu.memref_slice %dma_wait3A_779[%dma_wait3A_773, %dma_wait3A_780, %dma_wait3A_781] : memref<5x128x48xf32, #tpu.memory_space<vmem>> -> memref<1x128x48xf32, #tpu.memory_space<vmem>>
        %dma_wait3A_783 = tpu.memref_squeeze %dma_wait3A_782 : memref<1x128x48xf32, #tpu.memory_space<vmem>> -> memref<128x48xf32, #tpu.memory_space<vmem>>
        %dma_wait3A_784 = arith.constant 0 : i32
        %dma_wait3A_785 = tpu.memref_slice %arg8[%dma_wait3A_774, %dma_wait3A_784] : memref<80x128xi32, #tpu.memory_space<vmem>> -> memref<1x128xi32, #tpu.memory_space<vmem>>
        %dma_wait3A_786 = tpu.memref_squeeze %dma_wait3A_785 : memref<1x128xi32, #tpu.memory_space<vmem>> -> memref<128xi32, #tpu.memory_space<vmem>>
        %dma_wait3A_787 = arith.constant 0 : i32
        %dma_wait3A_788 = arith.constant 0 : i32
        %dma_wait3A_789 = tpu.memref_slice %arg10[%dma_wait3A_787, %dma_wait3A_788] : memref<10240x48xf32, #tpu.memory_space<vmem_shared>> -> memref<10240x48xf32, #tpu.memory_space<vmem_shared>>
        tpu.wait_indirect_dma semaphore(%arg12 : memref<!tpu.dma_semaphore, #tpu.memory_space<semaphore_mem>>) src(%dma_wait3A_783 : memref<128x48xf32, #tpu.memory_space<vmem>>) dst(%dma_wait3A_789 : memref<10240x48xf32, #tpu.memory_space<vmem_shared>>)
        %dma_wait3A_790 = arith.constant 2 : i32
        %dma_wait3A_791 = arith.constant 2 : i32
        %dma_wait3A_792 = arith.constant 0 : i32
        %dma_wait3A_793 = arith.constant 0 : i32
        %dma_wait3A_794 = arith.constant 0 : i32
        %dma_wait3A_795 = tpu.memref_slice %arg9[%sub3A_466, %dma_wait3A_792, %dma_wait3A_793, %dma_wait3A_794] : memref<2x5x128x48xf32, #tpu.memory_space<vmem>> -> memref<1x5x128x48xf32, #tpu.memory_space<vmem>>
        %dma_wait3A_796 = tpu.memref_squeeze %dma_wait3A_795 : memref<1x5x128x48xf32, #tpu.memory_space<vmem>> -> memref<5x128x48xf32, #tpu.memory_space<vmem>>
        %dma_wait3A_797 = arith.constant 0 : i32
        %dma_wait3A_798 = arith.constant 0 : i32
        %dma_wait3A_799 = tpu.memref_slice %dma_wait3A_796[%dma_wait3A_790, %dma_wait3A_797, %dma_wait3A_798] : memref<5x128x48xf32, #tpu.memory_space<vmem>> -> memref<1x128x48xf32, #tpu.memory_space<vmem>>
        %dma_wait3A_800 = tpu.memref_squeeze %dma_wait3A_799 : memref<1x128x48xf32, #tpu.memory_space<vmem>> -> memref<128x48xf32, #tpu.memory_space<vmem>>
        %dma_wait3A_801 = arith.constant 0 : i32
        %dma_wait3A_802 = tpu.memref_slice %arg8[%dma_wait3A_791, %dma_wait3A_801] : memref<80x128xi32, #tpu.memory_space<vmem>> -> memref<1x128xi32, #tpu.memory_space<vmem>>
        %dma_wait3A_803 = tpu.memref_squeeze %dma_wait3A_802 : memref<1x128xi32, #tpu.memory_space<vmem>> -> memref<128xi32, #tpu.memory_space<vmem>>
        %dma_wait3A_804 = arith.constant 0 : i32
        %dma_wait3A_805 = arith.constant 0 : i32
        %dma_wait3A_806 = tpu.memref_slice %arg10[%dma_wait3A_804, %dma_wait3A_805] : memref<10240x48xf32, #tpu.memory_space<vmem_shared>> -> memref<10240x48xf32, #tpu.memory_space<vmem_shared>>
        tpu.wait_indirect_dma semaphore(%arg12 : memref<!tpu.dma_semaphore, #tpu.memory_space<semaphore_mem>>) src(%dma_wait3A_800 : memref<128x48xf32, #tpu.memory_space<vmem>>) dst(%dma_wait3A_806 : memref<10240x48xf32, #tpu.memory_space<vmem_shared>>)
        %dma_wait3A_807 = arith.constant 3 : i32
        %dma_wait3A_808 = arith.constant 3 : i32
        %dma_wait3A_809 = arith.constant 0 : i32
        %dma_wait3A_810 = arith.constant 0 : i32
        %dma_wait3A_811 = arith.constant 0 : i32
        %dma_wait3A_812 = tpu.memref_slice %arg9[%sub3A_466, %dma_wait3A_809, %dma_wait3A_810, %dma_wait3A_811] : memref<2x5x128x48xf32, #tpu.memory_space<vmem>> -> memref<1x5x128x48xf32, #tpu.memory_space<vmem>>
        %dma_wait3A_813 = tpu.memref_squeeze %dma_wait3A_812 : memref<1x5x128x48xf32, #tpu.memory_space<vmem>> -> memref<5x128x48xf32, #tpu.memory_space<vmem>>
        %dma_wait3A_814 = arith.constant 0 : i32
        %dma_wait3A_815 = arith.constant 0 : i32
        %dma_wait3A_816 = tpu.memref_slice %dma_wait3A_813[%dma_wait3A_807, %dma_wait3A_814, %dma_wait3A_815] : memref<5x128x48xf32, #tpu.memory_space<vmem>> -> memref<1x128x48xf32, #tpu.memory_space<vmem>>
        %dma_wait3A_817 = tpu.memref_squeeze %dma_wait3A_816 : memref<1x128x48xf32, #tpu.memory_space<vmem>> -> memref<128x48xf32, #tpu.memory_space<vmem>>
        %dma_wait3A_818 = arith.constant 0 : i32
        %dma_wait3A_819 = tpu.memref_slice %arg8[%dma_wait3A_808, %dma_wait3A_818] : memref<80x128xi32, #tpu.memory_space<vmem>> -> memref<1x128xi32, #tpu.memory_space<vmem>>
        %dma_wait3A_820 = tpu.memref_squeeze %dma_wait3A_819 : memref<1x128xi32, #tpu.memory_space<vmem>> -> memref<128xi32, #tpu.memory_space<vmem>>
        %dma_wait3A_821 = arith.constant 0 : i32
        %dma_wait3A_822 = arith.constant 0 : i32
        %dma_wait3A_823 = tpu.memref_slice %arg10[%dma_wait3A_821, %dma_wait3A_822] : memref<10240x48xf32, #tpu.memory_space<vmem_shared>> -> memref<10240x48xf32, #tpu.memory_space<vmem_shared>>
        tpu.wait_indirect_dma semaphore(%arg12 : memref<!tpu.dma_semaphore, #tpu.memory_space<semaphore_mem>>) src(%dma_wait3A_817 : memref<128x48xf32, #tpu.memory_space<vmem>>) dst(%dma_wait3A_823 : memref<10240x48xf32, #tpu.memory_space<vmem_shared>>)
        %dma_wait3A_824 = arith.constant 4 : i32
        %dma_wait3A_825 = arith.constant 4 : i32
        %dma_wait3A_826 = arith.constant 0 : i32
        %dma_wait3A_827 = arith.constant 0 : i32
        %dma_wait3A_828 = arith.constant 0 : i32
        %dma_wait3A_829 = tpu.memref_slice %arg9[%sub3A_466, %dma_wait3A_826, %dma_wait3A_827, %dma_wait3A_828] : memref<2x5x128x48xf32, #tpu.memory_space<vmem>> -> memref<1x5x128x48xf32, #tpu.memory_space<vmem>>
        %dma_wait3A_830 = tpu.memref_squeeze %dma_wait3A_829 : memref<1x5x128x48xf32, #tpu.memory_space<vmem>> -> memref<5x128x48xf32, #tpu.memory_space<vmem>>
        %dma_wait3A_831 = arith.constant 0 : i32
        %dma_wait3A_832 = arith.constant 0 : i32
        %dma_wait3A_833 = tpu.memref_slice %dma_wait3A_830[%dma_wait3A_824, %dma_wait3A_831, %dma_wait3A_832] : memref<5x128x48xf32, #tpu.memory_space<vmem>> -> memref<1x128x48xf32, #tpu.memory_space<vmem>>
        %dma_wait3A_834 = tpu.memref_squeeze %dma_wait3A_833 : memref<1x128x48xf32, #tpu.memory_space<vmem>> -> memref<128x48xf32, #tpu.memory_space<vmem>>
        %dma_wait3A_835 = arith.constant 0 : i32
        %dma_wait3A_836 = tpu.memref_slice %arg8[%dma_wait3A_825, %dma_wait3A_835] : memref<80x128xi32, #tpu.memory_space<vmem>> -> memref<1x128xi32, #tpu.memory_space<vmem>>
        %dma_wait3A_837 = tpu.memref_squeeze %dma_wait3A_836 : memref<1x128xi32, #tpu.memory_space<vmem>> -> memref<128xi32, #tpu.memory_space<vmem>>
        %dma_wait3A_838 = arith.constant 0 : i32
        %dma_wait3A_839 = arith.constant 0 : i32
        %dma_wait3A_840 = tpu.memref_slice %arg10[%dma_wait3A_838, %dma_wait3A_839] : memref<10240x48xf32, #tpu.memory_space<vmem_shared>> -> memref<10240x48xf32, #tpu.memory_space<vmem_shared>>
        tpu.wait_indirect_dma semaphore(%arg12 : memref<!tpu.dma_semaphore, #tpu.memory_space<semaphore_mem>>) src(%dma_wait3A_834 : memref<128x48xf32, #tpu.memory_space<vmem>>) dst(%dma_wait3A_840 : memref<10240x48xf32, #tpu.memory_space<vmem_shared>>)
      } else {
      }
      %add3A_469 = arith.constant 1 : i32
      %add3A_470 = arith.addi %add3A_464, %add3A_469 : i32
      %mul3A_471 = arith.constant 5 : i32
      %mul3A_472 = arith.muli %add3A_470, %mul3A_471 : i32
      %add3A_473 = arith.constant 0 : i32
      %add3A_474 = arith.addi %mul3A_472, %add3A_473 : i32
      %dma_start3A_475 = arith.constant 0 : i32
      %dma_start3A_476 = arith.constant 0 : i32
      %dma_start3A_477 = arith.constant 0 : i32
      %dma_start3A_478 = arith.constant 0 : i32
      %dma_start3A_479 = tpu.memref_slice %arg9[%sub3A_466, %dma_start3A_476, %dma_start3A_477, %dma_start3A_478] : memref<2x5x128x48xf32, #tpu.memory_space<vmem>> -> memref<1x5x128x48xf32, #tpu.memory_space<vmem>>
      %dma_start3A_480 = tpu.memref_squeeze %dma_start3A_479 : memref<1x5x128x48xf32, #tpu.memory_space<vmem>> -> memref<5x128x48xf32, #tpu.memory_space<vmem>>
      %dma_start3A_481 = arith.constant 0 : i32
      %dma_start3A_482 = arith.constant 0 : i32
      %dma_start3A_483 = tpu.memref_slice %dma_start3A_480[%dma_start3A_475, %dma_start3A_481, %dma_start3A_482] : memref<5x128x48xf32, #tpu.memory_space<vmem>> -> memref<1x128x48xf32, #tpu.memory_space<vmem>>
      %dma_start3A_484 = tpu.memref_squeeze %dma_start3A_483 : memref<1x128x48xf32, #tpu.memory_space<vmem>> -> memref<128x48xf32, #tpu.memory_space<vmem>>
      %dma_start3A_485 = arith.constant 0 : i32
      %dma_start3A_486 = tpu.memref_slice %arg7[%add3A_474, %dma_start3A_485] : memref<80x128xi32, #tpu.memory_space<vmem>> -> memref<1x128xi32, #tpu.memory_space<vmem>>
      %dma_start3A_487 = tpu.memref_squeeze %dma_start3A_486 : memref<1x128xi32, #tpu.memory_space<vmem>> -> memref<128xi32, #tpu.memory_space<vmem>>
      %dma_start3A_488 = arith.constant 0 : i32
      %dma_start3A_489 = arith.constant 0 : i32
      %dma_start3A_490 = tpu.memref_slice %arg2[%dma_start3A_488, %dma_start3A_489] : memref<10240x48xf32, #tpu.memory_space<hbm>> -> memref<10240x48xf32, #tpu.memory_space<hbm>>
      tpu.enqueue_indirect_dma source(%dma_start3A_490 : memref<10240x48xf32, #tpu.memory_space<hbm>>) target(%dma_start3A_484 : memref<128x48xf32, #tpu.memory_space<vmem>>) offsets(%dma_start3A_487 : memref<128xi32, #tpu.memory_space<vmem>>) semaphore(%arg11 : memref<!tpu.dma_semaphore, #tpu.memory_space<semaphore_mem>>)
      %mul3A_491 = arith.constant 5 : i32
      %mul3A_492 = arith.muli %add3A_470, %mul3A_491 : i32
      %add3A_493 = arith.constant 1 : i32
      %add3A_494 = arith.addi %mul3A_492, %add3A_493 : i32
      %dma_start3A_495 = arith.constant 1 : i32
      %dma_start3A_496 = arith.constant 0 : i32
      %dma_start3A_497 = arith.constant 0 : i32
      %dma_start3A_498 = arith.constant 0 : i32
      %dma_start3A_499 = tpu.memref_slice %arg9[%sub3A_466, %dma_start3A_496, %dma_start3A_497, %dma_start3A_498] : memref<2x5x128x48xf32, #tpu.memory_space<vmem>> -> memref<1x5x128x48xf32, #tpu.memory_space<vmem>>
      %dma_start3A_500 = tpu.memref_squeeze %dma_start3A_499 : memref<1x5x128x48xf32, #tpu.memory_space<vmem>> -> memref<5x128x48xf32, #tpu.memory_space<vmem>>
      %dma_start3A_501 = arith.constant 0 : i32
      %dma_start3A_502 = arith.constant 0 : i32
      %dma_start3A_503 = tpu.memref_slice %dma_start3A_500[%dma_start3A_495, %dma_start3A_501, %dma_start3A_502] : memref<5x128x48xf32, #tpu.memory_space<vmem>> -> memref<1x128x48xf32, #tpu.memory_space<vmem>>
      %dma_start3A_504 = tpu.memref_squeeze %dma_start3A_503 : memref<1x128x48xf32, #tpu.memory_space<vmem>> -> memref<128x48xf32, #tpu.memory_space<vmem>>
      %dma_start3A_505 = arith.constant 0 : i32
      %dma_start3A_506 = tpu.memref_slice %arg7[%add3A_494, %dma_start3A_505] : memref<80x128xi32, #tpu.memory_space<vmem>> -> memref<1x128xi32, #tpu.memory_space<vmem>>
      %dma_start3A_507 = tpu.memref_squeeze %dma_start3A_506 : memref<1x128xi32, #tpu.memory_space<vmem>> -> memref<128xi32, #tpu.memory_space<vmem>>
      %dma_start3A_508 = arith.constant 0 : i32
      %dma_start3A_509 = arith.constant 0 : i32
      %dma_start3A_510 = tpu.memref_slice %arg2[%dma_start3A_508, %dma_start3A_509] : memref<10240x48xf32, #tpu.memory_space<hbm>> -> memref<10240x48xf32, #tpu.memory_space<hbm>>
      tpu.enqueue_indirect_dma source(%dma_start3A_510 : memref<10240x48xf32, #tpu.memory_space<hbm>>) target(%dma_start3A_504 : memref<128x48xf32, #tpu.memory_space<vmem>>) offsets(%dma_start3A_507 : memref<128xi32, #tpu.memory_space<vmem>>) semaphore(%arg11 : memref<!tpu.dma_semaphore, #tpu.memory_space<semaphore_mem>>)
      %mul3A_511 = arith.constant 5 : i32
      %mul3A_512 = arith.muli %add3A_470, %mul3A_511 : i32
      %add3A_513 = arith.constant 2 : i32
      %add3A_514 = arith.addi %mul3A_512, %add3A_513 : i32
      %dma_start3A_515 = arith.constant 2 : i32
      %dma_start3A_516 = arith.constant 0 : i32
      %dma_start3A_517 = arith.constant 0 : i32
      %dma_start3A_518 = arith.constant 0 : i32
      %dma_start3A_519 = tpu.memref_slice %arg9[%sub3A_466, %dma_start3A_516, %dma_start3A_517, %dma_start3A_518] : memref<2x5x128x48xf32, #tpu.memory_space<vmem>> -> memref<1x5x128x48xf32, #tpu.memory_space<vmem>>
      %dma_start3A_520 = tpu.memref_squeeze %dma_start3A_519 : memref<1x5x128x48xf32, #tpu.memory_space<vmem>> -> memref<5x128x48xf32, #tpu.memory_space<vmem>>
      %dma_start3A_521 = arith.constant 0 : i32
      %dma_start3A_522 = arith.constant 0 : i32
      %dma_start3A_523 = tpu.memref_slice %dma_start3A_520[%dma_start3A_515, %dma_start3A_521, %dma_start3A_522] : memref<5x128x48xf32, #tpu.memory_space<vmem>> -> memref<1x128x48xf32, #tpu.memory_space<vmem>>
      %dma_start3A_524 = tpu.memref_squeeze %dma_start3A_523 : memref<1x128x48xf32, #tpu.memory_space<vmem>> -> memref<128x48xf32, #tpu.memory_space<vmem>>
      %dma_start3A_525 = arith.constant 0 : i32
      %dma_start3A_526 = tpu.memref_slice %arg7[%add3A_514, %dma_start3A_525] : memref<80x128xi32, #tpu.memory_space<vmem>> -> memref<1x128xi32, #tpu.memory_space<vmem>>
      %dma_start3A_527 = tpu.memref_squeeze %dma_start3A_526 : memref<1x128xi32, #tpu.memory_space<vmem>> -> memref<128xi32, #tpu.memory_space<vmem>>
      %dma_start3A_528 = arith.constant 0 : i32
      %dma_start3A_529 = arith.constant 0 : i32
      %dma_start3A_530 = tpu.memref_slice %arg2[%dma_start3A_528, %dma_start3A_529] : memref<10240x48xf32, #tpu.memory_space<hbm>> -> memref<10240x48xf32, #tpu.memory_space<hbm>>
      tpu.enqueue_indirect_dma source(%dma_start3A_530 : memref<10240x48xf32, #tpu.memory_space<hbm>>) target(%dma_start3A_524 : memref<128x48xf32, #tpu.memory_space<vmem>>) offsets(%dma_start3A_527 : memref<128xi32, #tpu.memory_space<vmem>>) semaphore(%arg11 : memref<!tpu.dma_semaphore, #tpu.memory_space<semaphore_mem>>)
      %mul3A_531 = arith.constant 5 : i32
      %mul3A_532 = arith.muli %add3A_470, %mul3A_531 : i32
      %add3A_533 = arith.constant 3 : i32
      %add3A_534 = arith.addi %mul3A_532, %add3A_533 : i32
      %dma_start3A_535 = arith.constant 3 : i32
      %dma_start3A_536 = arith.constant 0 : i32
      %dma_start3A_537 = arith.constant 0 : i32
      %dma_start3A_538 = arith.constant 0 : i32
      %dma_start3A_539 = tpu.memref_slice %arg9[%sub3A_466, %dma_start3A_536, %dma_start3A_537, %dma_start3A_538] : memref<2x5x128x48xf32, #tpu.memory_space<vmem>> -> memref<1x5x128x48xf32, #tpu.memory_space<vmem>>
      %dma_start3A_540 = tpu.memref_squeeze %dma_start3A_539 : memref<1x5x128x48xf32, #tpu.memory_space<vmem>> -> memref<5x128x48xf32, #tpu.memory_space<vmem>>
      %dma_start3A_541 = arith.constant 0 : i32
      %dma_start3A_542 = arith.constant 0 : i32
      %dma_start3A_543 = tpu.memref_slice %dma_start3A_540[%dma_start3A_535, %dma_start3A_541, %dma_start3A_542] : memref<5x128x48xf32, #tpu.memory_space<vmem>> -> memref<1x128x48xf32, #tpu.memory_space<vmem>>
      %dma_start3A_544 = tpu.memref_squeeze %dma_start3A_543 : memref<1x128x48xf32, #tpu.memory_space<vmem>> -> memref<128x48xf32, #tpu.memory_space<vmem>>
      %dma_start3A_545 = arith.constant 0 : i32
      %dma_start3A_546 = tpu.memref_slice %arg7[%add3A_534, %dma_start3A_545] : memref<80x128xi32, #tpu.memory_space<vmem>> -> memref<1x128xi32, #tpu.memory_space<vmem>>
      %dma_start3A_547 = tpu.memref_squeeze %dma_start3A_546 : memref<1x128xi32, #tpu.memory_space<vmem>> -> memref<128xi32, #tpu.memory_space<vmem>>
      %dma_start3A_548 = arith.constant 0 : i32
      %dma_start3A_549 = arith.constant 0 : i32
      %dma_start3A_550 = tpu.memref_slice %arg2[%dma_start3A_548, %dma_start3A_549] : memref<10240x48xf32, #tpu.memory_space<hbm>> -> memref<10240x48xf32, #tpu.memory_space<hbm>>
      tpu.enqueue_indirect_dma source(%dma_start3A_550 : memref<10240x48xf32, #tpu.memory_space<hbm>>) target(%dma_start3A_544 : memref<128x48xf32, #tpu.memory_space<vmem>>) offsets(%dma_start3A_547 : memref<128xi32, #tpu.memory_space<vmem>>) semaphore(%arg11 : memref<!tpu.dma_semaphore, #tpu.memory_space<semaphore_mem>>)
      %mul3A_551 = arith.constant 5 : i32
      %mul3A_552 = arith.muli %add3A_470, %mul3A_551 : i32
      %add3A_553 = arith.constant 4 : i32
      %add3A_554 = arith.addi %mul3A_552, %add3A_553 : i32
      %dma_start3A_555 = arith.constant 4 : i32
      %dma_start3A_556 = arith.constant 0 : i32
      %dma_start3A_557 = arith.constant 0 : i32
      %dma_start3A_558 = arith.constant 0 : i32
      %dma_start3A_559 = tpu.memref_slice %arg9[%sub3A_466, %dma_start3A_556, %dma_start3A_557, %dma_start3A_558] : memref<2x5x128x48xf32, #tpu.memory_space<vmem>> -> memref<1x5x128x48xf32, #tpu.memory_space<vmem>>
      %dma_start3A_560 = tpu.memref_squeeze %dma_start3A_559 : memref<1x5x128x48xf32, #tpu.memory_space<vmem>> -> memref<5x128x48xf32, #tpu.memory_space<vmem>>
      %dma_start3A_561 = arith.constant 0 : i32
      %dma_start3A_562 = arith.constant 0 : i32
      %dma_start3A_563 = tpu.memref_slice %dma_start3A_560[%dma_start3A_555, %dma_start3A_561, %dma_start3A_562] : memref<5x128x48xf32, #tpu.memory_space<vmem>> -> memref<1x128x48xf32, #tpu.memory_space<vmem>>
      %dma_start3A_564 = tpu.memref_squeeze %dma_start3A_563 : memref<1x128x48xf32, #tpu.memory_space<vmem>> -> memref<128x48xf32, #tpu.memory_space<vmem>>
      %dma_start3A_565 = arith.constant 0 : i32
      %dma_start3A_566 = tpu.memref_slice %arg7[%add3A_554, %dma_start3A_565] : memref<80x128xi32, #tpu.memory_space<vmem>> -> memref<1x128xi32, #tpu.memory_space<vmem>>
      %dma_start3A_567 = tpu.memref_squeeze %dma_start3A_566 : memref<1x128xi32, #tpu.memory_space<vmem>> -> memref<128xi32, #tpu.memory_space<vmem>>
      %dma_start3A_568 = arith.constant 0 : i32
      %dma_start3A_569 = arith.constant 0 : i32
      %dma_start3A_570 = tpu.memref_slice %arg2[%dma_start3A_568, %dma_start3A_569] : memref<10240x48xf32, #tpu.memory_space<hbm>> -> memref<10240x48xf32, #tpu.memory_space<hbm>>
      tpu.enqueue_indirect_dma source(%dma_start3A_570 : memref<10240x48xf32, #tpu.memory_space<hbm>>) target(%dma_start3A_564 : memref<128x48xf32, #tpu.memory_space<vmem>>) offsets(%dma_start3A_567 : memref<128xi32, #tpu.memory_space<vmem>>) semaphore(%arg11 : memref<!tpu.dma_semaphore, #tpu.memory_space<semaphore_mem>>)
      %dma_wait3A_571 = arith.constant 0 : i32
      %dma_wait3A_572 = arith.constant 0 : i32
      %dma_wait3A_573 = arith.constant 0 : i32
      %dma_wait3A_574 = arith.constant 0 : i32
      %dma_wait3A_575 = arith.constant 0 : i32
      %dma_wait3A_576 = tpu.memref_slice %arg9[%rem3A_465, %dma_wait3A_573, %dma_wait3A_574, %dma_wait3A_575] : memref<2x5x128x48xf32, #tpu.memory_space<vmem>> -> memref<1x5x128x48xf32, #tpu.memory_space<vmem>>
      %dma_wait3A_577 = tpu.memref_squeeze %dma_wait3A_576 : memref<1x5x128x48xf32, #tpu.memory_space<vmem>> -> memref<5x128x48xf32, #tpu.memory_space<vmem>>
      %dma_wait3A_578 = arith.constant 0 : i32
      %dma_wait3A_579 = arith.constant 0 : i32
      %dma_wait3A_580 = tpu.memref_slice %dma_wait3A_577[%dma_wait3A_572, %dma_wait3A_578, %dma_wait3A_579] : memref<5x128x48xf32, #tpu.memory_space<vmem>> -> memref<1x128x48xf32, #tpu.memory_space<vmem>>
      %dma_wait3A_581 = tpu.memref_squeeze %dma_wait3A_580 : memref<1x128x48xf32, #tpu.memory_space<vmem>> -> memref<128x48xf32, #tpu.memory_space<vmem>>
      %dma_wait3A_582 = arith.constant 0 : i32
      %dma_wait3A_583 = tpu.memref_slice %arg7[%dma_wait3A_571, %dma_wait3A_582] : memref<80x128xi32, #tpu.memory_space<vmem>> -> memref<1x128xi32, #tpu.memory_space<vmem>>
      %dma_wait3A_584 = tpu.memref_squeeze %dma_wait3A_583 : memref<1x128xi32, #tpu.memory_space<vmem>> -> memref<128xi32, #tpu.memory_space<vmem>>
      %dma_wait3A_585 = arith.constant 0 : i32
      %dma_wait3A_586 = arith.constant 0 : i32
      %dma_wait3A_587 = tpu.memref_slice %arg2[%dma_wait3A_585, %dma_wait3A_586] : memref<10240x48xf32, #tpu.memory_space<hbm>> -> memref<10240x48xf32, #tpu.memory_space<hbm>>
      tpu.wait_indirect_dma semaphore(%arg11 : memref<!tpu.dma_semaphore, #tpu.memory_space<semaphore_mem>>) src(%dma_wait3A_587 : memref<10240x48xf32, #tpu.memory_space<hbm>>) dst(%dma_wait3A_581 : memref<128x48xf32, #tpu.memory_space<vmem>>)
      %dma_wait3A_588 = arith.constant 1 : i32
      %dma_wait3A_589 = arith.constant 1 : i32
      %dma_wait3A_590 = arith.constant 0 : i32
      %dma_wait3A_591 = arith.constant 0 : i32
      %dma_wait3A_592 = arith.constant 0 : i32
      %dma_wait3A_593 = tpu.memref_slice %arg9[%rem3A_465, %dma_wait3A_590, %dma_wait3A_591, %dma_wait3A_592] : memref<2x5x128x48xf32, #tpu.memory_space<vmem>> -> memref<1x5x128x48xf32, #tpu.memory_space<vmem>>
      %dma_wait3A_594 = tpu.memref_squeeze %dma_wait3A_593 : memref<1x5x128x48xf32, #tpu.memory_space<vmem>> -> memref<5x128x48xf32, #tpu.memory_space<vmem>>
      %dma_wait3A_595 = arith.constant 0 : i32
      %dma_wait3A_596 = arith.constant 0 : i32
      %dma_wait3A_597 = tpu.memref_slice %dma_wait3A_594[%dma_wait3A_589, %dma_wait3A_595, %dma_wait3A_596] : memref<5x128x48xf32, #tpu.memory_space<vmem>> -> memref<1x128x48xf32, #tpu.memory_space<vmem>>
      %dma_wait3A_598 = tpu.memref_squeeze %dma_wait3A_597 : memref<1x128x48xf32, #tpu.memory_space<vmem>> -> memref<128x48xf32, #tpu.memory_space<vmem>>
      %dma_wait3A_599 = arith.constant 0 : i32
      %dma_wait3A_600 = tpu.memref_slice %arg7[%dma_wait3A_588, %dma_wait3A_599] : memref<80x128xi32, #tpu.memory_space<vmem>> -> memref<1x128xi32, #tpu.memory_space<vmem>>
      %dma_wait3A_601 = tpu.memref_squeeze %dma_wait3A_600 : memref<1x128xi32, #tpu.memory_space<vmem>> -> memref<128xi32, #tpu.memory_space<vmem>>
      %dma_wait3A_602 = arith.constant 0 : i32
      %dma_wait3A_603 = arith.constant 0 : i32
      %dma_wait3A_604 = tpu.memref_slice %arg2[%dma_wait3A_602, %dma_wait3A_603] : memref<10240x48xf32, #tpu.memory_space<hbm>> -> memref<10240x48xf32, #tpu.memory_space<hbm>>
      tpu.wait_indirect_dma semaphore(%arg11 : memref<!tpu.dma_semaphore, #tpu.memory_space<semaphore_mem>>) src(%dma_wait3A_604 : memref<10240x48xf32, #tpu.memory_space<hbm>>) dst(%dma_wait3A_598 : memref<128x48xf32, #tpu.memory_space<vmem>>)
      %dma_wait3A_605 = arith.constant 2 : i32
      %dma_wait3A_606 = arith.constant 2 : i32
      %dma_wait3A_607 = arith.constant 0 : i32
      %dma_wait3A_608 = arith.constant 0 : i32
      %dma_wait3A_609 = arith.constant 0 : i32
      %dma_wait3A_610 = tpu.memref_slice %arg9[%rem3A_465, %dma_wait3A_607, %dma_wait3A_608, %dma_wait3A_609] : memref<2x5x128x48xf32, #tpu.memory_space<vmem>> -> memref<1x5x128x48xf32, #tpu.memory_space<vmem>>
      %dma_wait3A_611 = tpu.memref_squeeze %dma_wait3A_610 : memref<1x5x128x48xf32, #tpu.memory_space<vmem>> -> memref<5x128x48xf32, #tpu.memory_space<vmem>>
      %dma_wait3A_612 = arith.constant 0 : i32
      %dma_wait3A_613 = arith.constant 0 : i32
      %dma_wait3A_614 = tpu.memref_slice %dma_wait3A_611[%dma_wait3A_606, %dma_wait3A_612, %dma_wait3A_613] : memref<5x128x48xf32, #tpu.memory_space<vmem>> -> memref<1x128x48xf32, #tpu.memory_space<vmem>>
      %dma_wait3A_615 = tpu.memref_squeeze %dma_wait3A_614 : memref<1x128x48xf32, #tpu.memory_space<vmem>> -> memref<128x48xf32, #tpu.memory_space<vmem>>
      %dma_wait3A_616 = arith.constant 0 : i32
      %dma_wait3A_617 = tpu.memref_slice %arg7[%dma_wait3A_605, %dma_wait3A_616] : memref<80x128xi32, #tpu.memory_space<vmem>> -> memref<1x128xi32, #tpu.memory_space<vmem>>
      %dma_wait3A_618 = tpu.memref_squeeze %dma_wait3A_617 : memref<1x128xi32, #tpu.memory_space<vmem>> -> memref<128xi32, #tpu.memory_space<vmem>>
      %dma_wait3A_619 = arith.constant 0 : i32
      %dma_wait3A_620 = arith.constant 0 : i32
      %dma_wait3A_621 = tpu.memref_slice %arg2[%dma_wait3A_619, %dma_wait3A_620] : memref<10240x48xf32, #tpu.memory_space<hbm>> -> memref<10240x48xf32, #tpu.memory_space<hbm>>
      tpu.wait_indirect_dma semaphore(%arg11 : memref<!tpu.dma_semaphore, #tpu.memory_space<semaphore_mem>>) src(%dma_wait3A_621 : memref<10240x48xf32, #tpu.memory_space<hbm>>) dst(%dma_wait3A_615 : memref<128x48xf32, #tpu.memory_space<vmem>>)
      %dma_wait3A_622 = arith.constant 3 : i32
      %dma_wait3A_623 = arith.constant 3 : i32
      %dma_wait3A_624 = arith.constant 0 : i32
      %dma_wait3A_625 = arith.constant 0 : i32
      %dma_wait3A_626 = arith.constant 0 : i32
      %dma_wait3A_627 = tpu.memref_slice %arg9[%rem3A_465, %dma_wait3A_624, %dma_wait3A_625, %dma_wait3A_626] : memref<2x5x128x48xf32, #tpu.memory_space<vmem>> -> memref<1x5x128x48xf32, #tpu.memory_space<vmem>>
      %dma_wait3A_628 = tpu.memref_squeeze %dma_wait3A_627 : memref<1x5x128x48xf32, #tpu.memory_space<vmem>> -> memref<5x128x48xf32, #tpu.memory_space<vmem>>
      %dma_wait3A_629 = arith.constant 0 : i32
      %dma_wait3A_630 = arith.constant 0 : i32
      %dma_wait3A_631 = tpu.memref_slice %dma_wait3A_628[%dma_wait3A_623, %dma_wait3A_629, %dma_wait3A_630] : memref<5x128x48xf32, #tpu.memory_space<vmem>> -> memref<1x128x48xf32, #tpu.memory_space<vmem>>
      %dma_wait3A_632 = tpu.memref_squeeze %dma_wait3A_631 : memref<1x128x48xf32, #tpu.memory_space<vmem>> -> memref<128x48xf32, #tpu.memory_space<vmem>>
      %dma_wait3A_633 = arith.constant 0 : i32
      %dma_wait3A_634 = tpu.memref_slice %arg7[%dma_wait3A_622, %dma_wait3A_633] : memref<80x128xi32, #tpu.memory_space<vmem>> -> memref<1x128xi32, #tpu.memory_space<vmem>>
      %dma_wait3A_635 = tpu.memref_squeeze %dma_wait3A_634 : memref<1x128xi32, #tpu.memory_space<vmem>> -> memref<128xi32, #tpu.memory_space<vmem>>
      %dma_wait3A_636 = arith.constant 0 : i32
      %dma_wait3A_637 = arith.constant 0 : i32
      %dma_wait3A_638 = tpu.memref_slice %arg2[%dma_wait3A_636, %dma_wait3A_637] : memref<10240x48xf32, #tpu.memory_space<hbm>> -> memref<10240x48xf32, #tpu.memory_space<hbm>>
      tpu.wait_indirect_dma semaphore(%arg11 : memref<!tpu.dma_semaphore, #tpu.memory_space<semaphore_mem>>) src(%dma_wait3A_638 : memref<10240x48xf32, #tpu.memory_space<hbm>>) dst(%dma_wait3A_632 : memref<128x48xf32, #tpu.memory_space<vmem>>)
      %dma_wait3A_639 = arith.constant 4 : i32
      %dma_wait3A_640 = arith.constant 4 : i32
      %dma_wait3A_641 = arith.constant 0 : i32
      %dma_wait3A_642 = arith.constant 0 : i32
      %dma_wait3A_643 = arith.constant 0 : i32
      %dma_wait3A_644 = tpu.memref_slice %arg9[%rem3A_465, %dma_wait3A_641, %dma_wait3A_642, %dma_wait3A_643] : memref<2x5x128x48xf32, #tpu.memory_space<vmem>> -> memref<1x5x128x48xf32, #tpu.memory_space<vmem>>
      %dma_wait3A_645 = tpu.memref_squeeze %dma_wait3A_644 : memref<1x5x128x48xf32, #tpu.memory_space<vmem>> -> memref<5x128x48xf32, #tpu.memory_space<vmem>>
      %dma_wait3A_646 = arith.constant 0 : i32
      %dma_wait3A_647 = arith.constant 0 : i32
      %dma_wait3A_648 = tpu.memref_slice %dma_wait3A_645[%dma_wait3A_640, %dma_wait3A_646, %dma_wait3A_647] : memref<5x128x48xf32, #tpu.memory_space<vmem>> -> memref<1x128x48xf32, #tpu.memory_space<vmem>>
      %dma_wait3A_649 = tpu.memref_squeeze %dma_wait3A_648 : memref<1x128x48xf32, #tpu.memory_space<vmem>> -> memref<128x48xf32, #tpu.memory_space<vmem>>
      %dma_wait3A_650 = arith.constant 0 : i32
      %dma_wait3A_651 = tpu.memref_slice %arg7[%dma_wait3A_639, %dma_wait3A_650] : memref<80x128xi32, #tpu.memory_space<vmem>> -> memref<1x128xi32, #tpu.memory_space<vmem>>
      %dma_wait3A_652 = tpu.memref_squeeze %dma_wait3A_651 : memref<1x128xi32, #tpu.memory_space<vmem>> -> memref<128xi32, #tpu.memory_space<vmem>>
      %dma_wait3A_653 = arith.constant 0 : i32
      %dma_wait3A_654 = arith.constant 0 : i32
      %dma_wait3A_655 = tpu.memref_slice %arg2[%dma_wait3A_653, %dma_wait3A_654] : memref<10240x48xf32, #tpu.memory_space<hbm>> -> memref<10240x48xf32, #tpu.memory_space<hbm>>
      tpu.wait_indirect_dma semaphore(%arg11 : memref<!tpu.dma_semaphore, #tpu.memory_space<semaphore_mem>>) src(%dma_wait3A_655 : memref<10240x48xf32, #tpu.memory_space<hbm>>) dst(%dma_wait3A_649 : memref<128x48xf32, #tpu.memory_space<vmem>>)
      %mul3A_656 = arith.constant 5 : i32
      %mul3A_657 = arith.muli %add3A_464, %mul3A_656 : i32
      %add3A_658 = arith.constant 0 : i32
      %add3A_659 = arith.addi %mul3A_657, %add3A_658 : i32
      %dma_start3A_660 = arith.constant 0 : i32
      %dma_start3A_661 = arith.constant 0 : i32
      %dma_start3A_662 = arith.constant 0 : i32
      %dma_start3A_663 = arith.constant 0 : i32
      %dma_start3A_664 = tpu.memref_slice %arg9[%rem3A_465, %dma_start3A_661, %dma_start3A_662, %dma_start3A_663] : memref<2x5x128x48xf32, #tpu.memory_space<vmem>> -> memref<1x5x128x48xf32, #tpu.memory_space<vmem>>
      %dma_start3A_665 = tpu.memref_squeeze %dma_start3A_664 : memref<1x5x128x48xf32, #tpu.memory_space<vmem>> -> memref<5x128x48xf32, #tpu.memory_space<vmem>>
      %dma_start3A_666 = arith.constant 0 : i32
      %dma_start3A_667 = arith.constant 0 : i32
      %dma_start3A_668 = tpu.memref_slice %dma_start3A_665[%dma_start3A_660, %dma_start3A_666, %dma_start3A_667] : memref<5x128x48xf32, #tpu.memory_space<vmem>> -> memref<1x128x48xf32, #tpu.memory_space<vmem>>
      %dma_start3A_669 = tpu.memref_squeeze %dma_start3A_668 : memref<1x128x48xf32, #tpu.memory_space<vmem>> -> memref<128x48xf32, #tpu.memory_space<vmem>>
      %dma_start3A_670 = arith.constant 0 : i32
      %dma_start3A_671 = tpu.memref_slice %arg8[%add3A_659, %dma_start3A_670] : memref<80x128xi32, #tpu.memory_space<vmem>> -> memref<1x128xi32, #tpu.memory_space<vmem>>
      %dma_start3A_672 = tpu.memref_squeeze %dma_start3A_671 : memref<1x128xi32, #tpu.memory_space<vmem>> -> memref<128xi32, #tpu.memory_space<vmem>>
      %dma_start3A_673 = arith.constant 0 : i32
      %dma_start3A_674 = arith.constant 0 : i32
      %dma_start3A_675 = tpu.memref_slice %arg10[%dma_start3A_673, %dma_start3A_674] : memref<10240x48xf32, #tpu.memory_space<vmem_shared>> -> memref<10240x48xf32, #tpu.memory_space<vmem_shared>>
      tpu.enqueue_indirect_dma source(%dma_start3A_669 : memref<128x48xf32, #tpu.memory_space<vmem>>) target(%dma_start3A_675 : memref<10240x48xf32, #tpu.memory_space<vmem_shared>>) offsets(%dma_start3A_672 : memref<128xi32, #tpu.memory_space<vmem>>) semaphore(%arg12 : memref<!tpu.dma_semaphore, #tpu.memory_space<semaphore_mem>>) {add = true}
      %mul3A_676 = arith.constant 5 : i32
      %mul3A_677 = arith.muli %add3A_464, %mul3A_676 : i32
      %add3A_678 = arith.constant 1 : i32
      %add3A_679 = arith.addi %mul3A_677, %add3A_678 : i32
      %dma_start3A_680 = arith.constant 1 : i32
      %dma_start3A_681 = arith.constant 0 : i32
      %dma_start3A_682 = arith.constant 0 : i32
      %dma_start3A_683 = arith.constant 0 : i32
      %dma_start3A_684 = tpu.memref_slice %arg9[%rem3A_465, %dma_start3A_681, %dma_start3A_682, %dma_start3A_683] : memref<2x5x128x48xf32, #tpu.memory_space<vmem>> -> memref<1x5x128x48xf32, #tpu.memory_space<vmem>>
      %dma_start3A_685 = tpu.memref_squeeze %dma_start3A_684 : memref<1x5x128x48xf32, #tpu.memory_space<vmem>> -> memref<5x128x48xf32, #tpu.memory_space<vmem>>
      %dma_start3A_686 = arith.constant 0 : i32
      %dma_start3A_687 = arith.constant 0 : i32
      %dma_start3A_688 = tpu.memref_slice %dma_start3A_685[%dma_start3A_680, %dma_start3A_686, %dma_start3A_687] : memref<5x128x48xf32, #tpu.memory_space<vmem>> -> memref<1x128x48xf32, #tpu.memory_space<vmem>>
      %dma_start3A_689 = tpu.memref_squeeze %dma_start3A_688 : memref<1x128x48xf32, #tpu.memory_space<vmem>> -> memref<128x48xf32, #tpu.memory_space<vmem>>
      %dma_start3A_690 = arith.constant 0 : i32
      %dma_start3A_691 = tpu.memref_slice %arg8[%add3A_679, %dma_start3A_690] : memref<80x128xi32, #tpu.memory_space<vmem>> -> memref<1x128xi32, #tpu.memory_space<vmem>>
      %dma_start3A_692 = tpu.memref_squeeze %dma_start3A_691 : memref<1x128xi32, #tpu.memory_space<vmem>> -> memref<128xi32, #tpu.memory_space<vmem>>
      %dma_start3A_693 = arith.constant 0 : i32
      %dma_start3A_694 = arith.constant 0 : i32
      %dma_start3A_695 = tpu.memref_slice %arg10[%dma_start3A_693, %dma_start3A_694] : memref<10240x48xf32, #tpu.memory_space<vmem_shared>> -> memref<10240x48xf32, #tpu.memory_space<vmem_shared>>
      tpu.enqueue_indirect_dma source(%dma_start3A_689 : memref<128x48xf32, #tpu.memory_space<vmem>>) target(%dma_start3A_695 : memref<10240x48xf32, #tpu.memory_space<vmem_shared>>) offsets(%dma_start3A_692 : memref<128xi32, #tpu.memory_space<vmem>>) semaphore(%arg12 : memref<!tpu.dma_semaphore, #tpu.memory_space<semaphore_mem>>) {add = true}
      %mul3A_696 = arith.constant 5 : i32
      %mul3A_697 = arith.muli %add3A_464, %mul3A_696 : i32
      %add3A_698 = arith.constant 2 : i32
      %add3A_699 = arith.addi %mul3A_697, %add3A_698 : i32
      %dma_start3A_700 = arith.constant 2 : i32
      %dma_start3A_701 = arith.constant 0 : i32
      %dma_start3A_702 = arith.constant 0 : i32
      %dma_start3A_703 = arith.constant 0 : i32
      %dma_start3A_704 = tpu.memref_slice %arg9[%rem3A_465, %dma_start3A_701, %dma_start3A_702, %dma_start3A_703] : memref<2x5x128x48xf32, #tpu.memory_space<vmem>> -> memref<1x5x128x48xf32, #tpu.memory_space<vmem>>
      %dma_start3A_705 = tpu.memref_squeeze %dma_start3A_704 : memref<1x5x128x48xf32, #tpu.memory_space<vmem>> -> memref<5x128x48xf32, #tpu.memory_space<vmem>>
      %dma_start3A_706 = arith.constant 0 : i32
      %dma_start3A_707 = arith.constant 0 : i32
      %dma_start3A_708 = tpu.memref_slice %dma_start3A_705[%dma_start3A_700, %dma_start3A_706, %dma_start3A_707] : memref<5x128x48xf32, #tpu.memory_space<vmem>> -> memref<1x128x48xf32, #tpu.memory_space<vmem>>
      %dma_start3A_709 = tpu.memref_squeeze %dma_start3A_708 : memref<1x128x48xf32, #tpu.memory_space<vmem>> -> memref<128x48xf32, #tpu.memory_space<vmem>>
      %dma_start3A_710 = arith.constant 0 : i32
      %dma_start3A_711 = tpu.memref_slice %arg8[%add3A_699, %dma_start3A_710] : memref<80x128xi32, #tpu.memory_space<vmem>> -> memref<1x128xi32, #tpu.memory_space<vmem>>
      %dma_start3A_712 = tpu.memref_squeeze %dma_start3A_711 : memref<1x128xi32, #tpu.memory_space<vmem>> -> memref<128xi32, #tpu.memory_space<vmem>>
      %dma_start3A_713 = arith.constant 0 : i32
      %dma_start3A_714 = arith.constant 0 : i32
      %dma_start3A_715 = tpu.memref_slice %arg10[%dma_start3A_713, %dma_start3A_714] : memref<10240x48xf32, #tpu.memory_space<vmem_shared>> -> memref<10240x48xf32, #tpu.memory_space<vmem_shared>>
      tpu.enqueue_indirect_dma source(%dma_start3A_709 : memref<128x48xf32, #tpu.memory_space<vmem>>) target(%dma_start3A_715 : memref<10240x48xf32, #tpu.memory_space<vmem_shared>>) offsets(%dma_start3A_712 : memref<128xi32, #tpu.memory_space<vmem>>) semaphore(%arg12 : memref<!tpu.dma_semaphore, #tpu.memory_space<semaphore_mem>>) {add = true}
      %mul3A_716 = arith.constant 5 : i32
      %mul3A_717 = arith.muli %add3A_464, %mul3A_716 : i32
      %add3A_718 = arith.constant 3 : i32
      %add3A_719 = arith.addi %mul3A_717, %add3A_718 : i32
      %dma_start3A_720 = arith.constant 3 : i32
      %dma_start3A_721 = arith.constant 0 : i32
      %dma_start3A_722 = arith.constant 0 : i32
      %dma_start3A_723 = arith.constant 0 : i32
      %dma_start3A_724 = tpu.memref_slice %arg9[%rem3A_465, %dma_start3A_721, %dma_start3A_722, %dma_start3A_723] : memref<2x5x128x48xf32, #tpu.memory_space<vmem>> -> memref<1x5x128x48xf32, #tpu.memory_space<vmem>>
      %dma_start3A_725 = tpu.memref_squeeze %dma_start3A_724 : memref<1x5x128x48xf32, #tpu.memory_space<vmem>> -> memref<5x128x48xf32, #tpu.memory_space<vmem>>
      %dma_start3A_726 = arith.constant 0 : i32
      %dma_start3A_727 = arith.constant 0 : i32
      %dma_start3A_728 = tpu.memref_slice %dma_start3A_725[%dma_start3A_720, %dma_start3A_726, %dma_start3A_727] : memref<5x128x48xf32, #tpu.memory_space<vmem>> -> memref<1x128x48xf32, #tpu.memory_space<vmem>>
      %dma_start3A_729 = tpu.memref_squeeze %dma_start3A_728 : memref<1x128x48xf32, #tpu.memory_space<vmem>> -> memref<128x48xf32, #tpu.memory_space<vmem>>
      %dma_start3A_730 = arith.constant 0 : i32
      %dma_start3A_731 = tpu.memref_slice %arg8[%add3A_719, %dma_start3A_730] : memref<80x128xi32, #tpu.memory_space<vmem>> -> memref<1x128xi32, #tpu.memory_space<vmem>>
      %dma_start3A_732 = tpu.memref_squeeze %dma_start3A_731 : memref<1x128xi32, #tpu.memory_space<vmem>> -> memref<128xi32, #tpu.memory_space<vmem>>
      %dma_start3A_733 = arith.constant 0 : i32
      %dma_start3A_734 = arith.constant 0 : i32
      %dma_start3A_735 = tpu.memref_slice %arg10[%dma_start3A_733, %dma_start3A_734] : memref<10240x48xf32, #tpu.memory_space<vmem_shared>> -> memref<10240x48xf32, #tpu.memory_space<vmem_shared>>
      tpu.enqueue_indirect_dma source(%dma_start3A_729 : memref<128x48xf32, #tpu.memory_space<vmem>>) target(%dma_start3A_735 : memref<10240x48xf32, #tpu.memory_space<vmem_shared>>) offsets(%dma_start3A_732 : memref<128xi32, #tpu.memory_space<vmem>>) semaphore(%arg12 : memref<!tpu.dma_semaphore, #tpu.memory_space<semaphore_mem>>) {add = true}
      %mul3A_736 = arith.constant 5 : i32
      %mul3A_737 = arith.muli %add3A_464, %mul3A_736 : i32
      %add3A_738 = arith.constant 4 : i32
      %add3A_739 = arith.addi %mul3A_737, %add3A_738 : i32
      %dma_start3A_740 = arith.constant 4 : i32
      %dma_start3A_741 = arith.constant 0 : i32
      %dma_start3A_742 = arith.constant 0 : i32
      %dma_start3A_743 = arith.constant 0 : i32
      %dma_start3A_744 = tpu.memref_slice %arg9[%rem3A_465, %dma_start3A_741, %dma_start3A_742, %dma_start3A_743] : memref<2x5x128x48xf32, #tpu.memory_space<vmem>> -> memref<1x5x128x48xf32, #tpu.memory_space<vmem>>
      %dma_start3A_745 = tpu.memref_squeeze %dma_start3A_744 : memref<1x5x128x48xf32, #tpu.memory_space<vmem>> -> memref<5x128x48xf32, #tpu.memory_space<vmem>>
      %dma_start3A_746 = arith.constant 0 : i32
      %dma_start3A_747 = arith.constant 0 : i32
      %dma_start3A_748 = tpu.memref_slice %dma_start3A_745[%dma_start3A_740, %dma_start3A_746, %dma_start3A_747] : memref<5x128x48xf32, #tpu.memory_space<vmem>> -> memref<1x128x48xf32, #tpu.memory_space<vmem>>
      %dma_start3A_749 = tpu.memref_squeeze %dma_start3A_748 : memref<1x128x48xf32, #tpu.memory_space<vmem>> -> memref<128x48xf32, #tpu.memory_space<vmem>>
      %dma_start3A_750 = arith.constant 0 : i32
      %dma_start3A_751 = tpu.memref_slice %arg8[%add3A_739, %dma_start3A_750] : memref<80x128xi32, #tpu.memory_space<vmem>> -> memref<1x128xi32, #tpu.memory_space<vmem>>
      %dma_start3A_752 = tpu.memref_squeeze %dma_start3A_751 : memref<1x128xi32, #tpu.memory_space<vmem>> -> memref<128xi32, #tpu.memory_space<vmem>>
      %dma_start3A_753 = arith.constant 0 : i32
      %dma_start3A_754 = arith.constant 0 : i32
      %dma_start3A_755 = tpu.memref_slice %arg10[%dma_start3A_753, %dma_start3A_754] : memref<10240x48xf32, #tpu.memory_space<vmem_shared>> -> memref<10240x48xf32, #tpu.memory_space<vmem_shared>>
      tpu.enqueue_indirect_dma source(%dma_start3A_749 : memref<128x48xf32, #tpu.memory_space<vmem>>) target(%dma_start3A_755 : memref<10240x48xf32, #tpu.memory_space<vmem_shared>>) offsets(%dma_start3A_752 : memref<128xi32, #tpu.memory_space<vmem>>) semaphore(%arg12 : memref<!tpu.dma_semaphore, #tpu.memory_space<semaphore_mem>>) {add = true}
    }
    %scan3A_99 = arith.constant 15 : i32
    %dma_wait3A = arith.constant 0 : i32
    %dma_wait3A_100 = arith.constant 0 : i32
    %dma_wait3A_101 = arith.constant 0 : i32
    %dma_wait3A_102 = arith.constant 0 : i32
    %dma_wait3A_103 = arith.constant 0 : i32
    %dma_wait3A_104 = arith.constant 0 : i32
    %dma_wait3A_105 = tpu.memref_slice %arg9[%dma_wait3A, %dma_wait3A_102, %dma_wait3A_103, %dma_wait3A_104] : memref<2x5x128x48xf32, #tpu.memory_space<vmem>> -> memref<1x5x128x48xf32, #tpu.memory_space<vmem>>
    %dma_wait3A_106 = tpu.memref_squeeze %dma_wait3A_105 : memref<1x5x128x48xf32, #tpu.memory_space<vmem>> -> memref<5x128x48xf32, #tpu.memory_space<vmem>>
    %dma_wait3A_107 = arith.constant 0 : i32
    %dma_wait3A_108 = arith.constant 0 : i32
    %dma_wait3A_109 = tpu.memref_slice %dma_wait3A_106[%dma_wait3A_100, %dma_wait3A_107, %dma_wait3A_108] : memref<5x128x48xf32, #tpu.memory_space<vmem>> -> memref<1x128x48xf32, #tpu.memory_space<vmem>>
    %dma_wait3A_110 = tpu.memref_squeeze %dma_wait3A_109 : memref<1x128x48xf32, #tpu.memory_space<vmem>> -> memref<128x48xf32, #tpu.memory_space<vmem>>
    %dma_wait3A_111 = arith.constant 0 : i32
    %dma_wait3A_112 = tpu.memref_slice %arg8[%dma_wait3A_101, %dma_wait3A_111] : memref<80x128xi32, #tpu.memory_space<vmem>> -> memref<1x128xi32, #tpu.memory_space<vmem>>
    %dma_wait3A_113 = tpu.memref_squeeze %dma_wait3A_112 : memref<1x128xi32, #tpu.memory_space<vmem>> -> memref<128xi32, #tpu.memory_space<vmem>>
    %dma_wait3A_114 = arith.constant 0 : i32
    %dma_wait3A_115 = arith.constant 0 : i32
    %dma_wait3A_116 = tpu.memref_slice %arg10[%dma_wait3A_114, %dma_wait3A_115] : memref<10240x48xf32, #tpu.memory_space<vmem_shared>> -> memref<10240x48xf32, #tpu.memory_space<vmem_shared>>
    tpu.wait_indirect_dma semaphore(%arg12 : memref<!tpu.dma_semaphore, #tpu.memory_space<semaphore_mem>>) src(%dma_wait3A_110 : memref<128x48xf32, #tpu.memory_space<vmem>>) dst(%dma_wait3A_116 : memref<10240x48xf32, #tpu.memory_space<vmem_shared>>)
    %dma_wait3A_117 = arith.constant 0 : i32
    %dma_wait3A_118 = arith.constant 1 : i32
    %dma_wait3A_119 = arith.constant 1 : i32
    %dma_wait3A_120 = arith.constant 0 : i32
    %dma_wait3A_121 = arith.constant 0 : i32
    %dma_wait3A_122 = arith.constant 0 : i32
    %dma_wait3A_123 = tpu.memref_slice %arg9[%dma_wait3A_117, %dma_wait3A_120, %dma_wait3A_121, %dma_wait3A_122] : memref<2x5x128x48xf32, #tpu.memory_space<vmem>> -> memref<1x5x128x48xf32, #tpu.memory_space<vmem>>
    %dma_wait3A_124 = tpu.memref_squeeze %dma_wait3A_123 : memref<1x5x128x48xf32, #tpu.memory_space<vmem>> -> memref<5x128x48xf32, #tpu.memory_space<vmem>>
    %dma_wait3A_125 = arith.constant 0 : i32
    %dma_wait3A_126 = arith.constant 0 : i32
    %dma_wait3A_127 = tpu.memref_slice %dma_wait3A_124[%dma_wait3A_118, %dma_wait3A_125, %dma_wait3A_126] : memref<5x128x48xf32, #tpu.memory_space<vmem>> -> memref<1x128x48xf32, #tpu.memory_space<vmem>>
    %dma_wait3A_128 = tpu.memref_squeeze %dma_wait3A_127 : memref<1x128x48xf32, #tpu.memory_space<vmem>> -> memref<128x48xf32, #tpu.memory_space<vmem>>
    %dma_wait3A_129 = arith.constant 0 : i32
    %dma_wait3A_130 = tpu.memref_slice %arg8[%dma_wait3A_119, %dma_wait3A_129] : memref<80x128xi32, #tpu.memory_space<vmem>> -> memref<1x128xi32, #tpu.memory_space<vmem>>
    %dma_wait3A_131 = tpu.memref_squeeze %dma_wait3A_130 : memref<1x128xi32, #tpu.memory_space<vmem>> -> memref<128xi32, #tpu.memory_space<vmem>>
    %dma_wait3A_132 = arith.constant 0 : i32
    %dma_wait3A_133 = arith.constant 0 : i32
    %dma_wait3A_134 = tpu.memref_slice %arg10[%dma_wait3A_132, %dma_wait3A_133] : memref<10240x48xf32, #tpu.memory_space<vmem_shared>> -> memref<10240x48xf32, #tpu.memory_space<vmem_shared>>
    tpu.wait_indirect_dma semaphore(%arg12 : memref<!tpu.dma_semaphore, #tpu.memory_space<semaphore_mem>>) src(%dma_wait3A_128 : memref<128x48xf32, #tpu.memory_space<vmem>>) dst(%dma_wait3A_134 : memref<10240x48xf32, #tpu.memory_space<vmem_shared>>)
    %dma_wait3A_135 = arith.constant 0 : i32
    %dma_wait3A_136 = arith.constant 2 : i32
    %dma_wait3A_137 = arith.constant 2 : i32
    %dma_wait3A_138 = arith.constant 0 : i32
    %dma_wait3A_139 = arith.constant 0 : i32
    %dma_wait3A_140 = arith.constant 0 : i32
    %dma_wait3A_141 = tpu.memref_slice %arg9[%dma_wait3A_135, %dma_wait3A_138, %dma_wait3A_139, %dma_wait3A_140] : memref<2x5x128x48xf32, #tpu.memory_space<vmem>> -> memref<1x5x128x48xf32, #tpu.memory_space<vmem>>
    %dma_wait3A_142 = tpu.memref_squeeze %dma_wait3A_141 : memref<1x5x128x48xf32, #tpu.memory_space<vmem>> -> memref<5x128x48xf32, #tpu.memory_space<vmem>>
    %dma_wait3A_143 = arith.constant 0 : i32
    %dma_wait3A_144 = arith.constant 0 : i32
    %dma_wait3A_145 = tpu.memref_slice %dma_wait3A_142[%dma_wait3A_136, %dma_wait3A_143, %dma_wait3A_144] : memref<5x128x48xf32, #tpu.memory_space<vmem>> -> memref<1x128x48xf32, #tpu.memory_space<vmem>>
    %dma_wait3A_146 = tpu.memref_squeeze %dma_wait3A_145 : memref<1x128x48xf32, #tpu.memory_space<vmem>> -> memref<128x48xf32, #tpu.memory_space<vmem>>
    %dma_wait3A_147 = arith.constant 0 : i32
    %dma_wait3A_148 = tpu.memref_slice %arg8[%dma_wait3A_137, %dma_wait3A_147] : memref<80x128xi32, #tpu.memory_space<vmem>> -> memref<1x128xi32, #tpu.memory_space<vmem>>
    %dma_wait3A_149 = tpu.memref_squeeze %dma_wait3A_148 : memref<1x128xi32, #tpu.memory_space<vmem>> -> memref<128xi32, #tpu.memory_space<vmem>>
    %dma_wait3A_150 = arith.constant 0 : i32
    %dma_wait3A_151 = arith.constant 0 : i32
    %dma_wait3A_152 = tpu.memref_slice %arg10[%dma_wait3A_150, %dma_wait3A_151] : memref<10240x48xf32, #tpu.memory_space<vmem_shared>> -> memref<10240x48xf32, #tpu.memory_space<vmem_shared>>
    tpu.wait_indirect_dma semaphore(%arg12 : memref<!tpu.dma_semaphore, #tpu.memory_space<semaphore_mem>>) src(%dma_wait3A_146 : memref<128x48xf32, #tpu.memory_space<vmem>>) dst(%dma_wait3A_152 : memref<10240x48xf32, #tpu.memory_space<vmem_shared>>)
    %dma_wait3A_153 = arith.constant 0 : i32
    %dma_wait3A_154 = arith.constant 3 : i32
    %dma_wait3A_155 = arith.constant 3 : i32
    %dma_wait3A_156 = arith.constant 0 : i32
    %dma_wait3A_157 = arith.constant 0 : i32
    %dma_wait3A_158 = arith.constant 0 : i32
    %dma_wait3A_159 = tpu.memref_slice %arg9[%dma_wait3A_153, %dma_wait3A_156, %dma_wait3A_157, %dma_wait3A_158] : memref<2x5x128x48xf32, #tpu.memory_space<vmem>> -> memref<1x5x128x48xf32, #tpu.memory_space<vmem>>
    %dma_wait3A_160 = tpu.memref_squeeze %dma_wait3A_159 : memref<1x5x128x48xf32, #tpu.memory_space<vmem>> -> memref<5x128x48xf32, #tpu.memory_space<vmem>>
    %dma_wait3A_161 = arith.constant 0 : i32
    %dma_wait3A_162 = arith.constant 0 : i32
    %dma_wait3A_163 = tpu.memref_slice %dma_wait3A_160[%dma_wait3A_154, %dma_wait3A_161, %dma_wait3A_162] : memref<5x128x48xf32, #tpu.memory_space<vmem>> -> memref<1x128x48xf32, #tpu.memory_space<vmem>>
    %dma_wait3A_164 = tpu.memref_squeeze %dma_wait3A_163 : memref<1x128x48xf32, #tpu.memory_space<vmem>> -> memref<128x48xf32, #tpu.memory_space<vmem>>
    %dma_wait3A_165 = arith.constant 0 : i32
    %dma_wait3A_166 = tpu.memref_slice %arg8[%dma_wait3A_155, %dma_wait3A_165] : memref<80x128xi32, #tpu.memory_space<vmem>> -> memref<1x128xi32, #tpu.memory_space<vmem>>
    %dma_wait3A_167 = tpu.memref_squeeze %dma_wait3A_166 : memref<1x128xi32, #tpu.memory_space<vmem>> -> memref<128xi32, #tpu.memory_space<vmem>>
    %dma_wait3A_168 = arith.constant 0 : i32
    %dma_wait3A_169 = arith.constant 0 : i32
    %dma_wait3A_170 = tpu.memref_slice %arg10[%dma_wait3A_168, %dma_wait3A_169] : memref<10240x48xf32, #tpu.memory_space<vmem_shared>> -> memref<10240x48xf32, #tpu.memory_space<vmem_shared>>
    tpu.wait_indirect_dma semaphore(%arg12 : memref<!tpu.dma_semaphore, #tpu.memory_space<semaphore_mem>>) src(%dma_wait3A_164 : memref<128x48xf32, #tpu.memory_space<vmem>>) dst(%dma_wait3A_170 : memref<10240x48xf32, #tpu.memory_space<vmem_shared>>)
    %dma_wait3A_171 = arith.constant 0 : i32
    %dma_wait3A_172 = arith.constant 4 : i32
    %dma_wait3A_173 = arith.constant 4 : i32
    %dma_wait3A_174 = arith.constant 0 : i32
    %dma_wait3A_175 = arith.constant 0 : i32
    %dma_wait3A_176 = arith.constant 0 : i32
    %dma_wait3A_177 = tpu.memref_slice %arg9[%dma_wait3A_171, %dma_wait3A_174, %dma_wait3A_175, %dma_wait3A_176] : memref<2x5x128x48xf32, #tpu.memory_space<vmem>> -> memref<1x5x128x48xf32, #tpu.memory_space<vmem>>
    %dma_wait3A_178 = tpu.memref_squeeze %dma_wait3A_177 : memref<1x5x128x48xf32, #tpu.memory_space<vmem>> -> memref<5x128x48xf32, #tpu.memory_space<vmem>>
    %dma_wait3A_179 = arith.constant 0 : i32
    %dma_wait3A_180 = arith.constant 0 : i32
    %dma_wait3A_181 = tpu.memref_slice %dma_wait3A_178[%dma_wait3A_172, %dma_wait3A_179, %dma_wait3A_180] : memref<5x128x48xf32, #tpu.memory_space<vmem>> -> memref<1x128x48xf32, #tpu.memory_space<vmem>>
    %dma_wait3A_182 = tpu.memref_squeeze %dma_wait3A_181 : memref<1x128x48xf32, #tpu.memory_space<vmem>> -> memref<128x48xf32, #tpu.memory_space<vmem>>
    %dma_wait3A_183 = arith.constant 0 : i32
    %dma_wait3A_184 = tpu.memref_slice %arg8[%dma_wait3A_173, %dma_wait3A_183] : memref<80x128xi32, #tpu.memory_space<vmem>> -> memref<1x128xi32, #tpu.memory_space<vmem>>
    %dma_wait3A_185 = tpu.memref_squeeze %dma_wait3A_184 : memref<1x128xi32, #tpu.memory_space<vmem>> -> memref<128xi32, #tpu.memory_space<vmem>>
    %dma_wait3A_186 = arith.constant 0 : i32
    %dma_wait3A_187 = arith.constant 0 : i32
    %dma_wait3A_188 = tpu.memref_slice %arg10[%dma_wait3A_186, %dma_wait3A_187] : memref<10240x48xf32, #tpu.memory_space<vmem_shared>> -> memref<10240x48xf32, #tpu.memory_space<vmem_shared>>
    tpu.wait_indirect_dma semaphore(%arg12 : memref<!tpu.dma_semaphore, #tpu.memory_space<semaphore_mem>>) src(%dma_wait3A_182 : memref<128x48xf32, #tpu.memory_space<vmem>>) dst(%dma_wait3A_188 : memref<10240x48xf32, #tpu.memory_space<vmem_shared>>)
    %dma_wait3A_189 = arith.constant 0 : i32
    %dma_wait3A_190 = arith.constant 1 : i32
    %dma_wait3A_191 = arith.constant 0 : i32
    %dma_wait3A_192 = arith.constant 0 : i32
    %dma_wait3A_193 = arith.constant 0 : i32
    %dma_wait3A_194 = arith.constant 0 : i32
    %dma_wait3A_195 = tpu.memref_slice %arg9[%dma_wait3A_190, %dma_wait3A_192, %dma_wait3A_193, %dma_wait3A_194] : memref<2x5x128x48xf32, #tpu.memory_space<vmem>> -> memref<1x5x128x48xf32, #tpu.memory_space<vmem>>
    %dma_wait3A_196 = tpu.memref_squeeze %dma_wait3A_195 : memref<1x5x128x48xf32, #tpu.memory_space<vmem>> -> memref<5x128x48xf32, #tpu.memory_space<vmem>>
    %dma_wait3A_197 = arith.constant 0 : i32
    %dma_wait3A_198 = arith.constant 0 : i32
    %dma_wait3A_199 = tpu.memref_slice %dma_wait3A_196[%dma_wait3A_191, %dma_wait3A_197, %dma_wait3A_198] : memref<5x128x48xf32, #tpu.memory_space<vmem>> -> memref<1x128x48xf32, #tpu.memory_space<vmem>>
    %dma_wait3A_200 = tpu.memref_squeeze %dma_wait3A_199 : memref<1x128x48xf32, #tpu.memory_space<vmem>> -> memref<128x48xf32, #tpu.memory_space<vmem>>
    %dma_wait3A_201 = arith.constant 0 : i32
    %dma_wait3A_202 = tpu.memref_slice %arg7[%dma_wait3A_189, %dma_wait3A_201] : memref<80x128xi32, #tpu.memory_space<vmem>> -> memref<1x128xi32, #tpu.memory_space<vmem>>
    %dma_wait3A_203 = tpu.memref_squeeze %dma_wait3A_202 : memref<1x128xi32, #tpu.memory_space<vmem>> -> memref<128xi32, #tpu.memory_space<vmem>>
    %dma_wait3A_204 = arith.constant 0 : i32
    %dma_wait3A_205 = arith.constant 0 : i32
    %dma_wait3A_206 = tpu.memref_slice %arg2[%dma_wait3A_204, %dma_wait3A_205] : memref<10240x48xf32, #tpu.memory_space<hbm>> -> memref<10240x48xf32, #tpu.memory_space<hbm>>
    tpu.wait_indirect_dma semaphore(%arg11 : memref<!tpu.dma_semaphore, #tpu.memory_space<semaphore_mem>>) src(%dma_wait3A_206 : memref<10240x48xf32, #tpu.memory_space<hbm>>) dst(%dma_wait3A_200 : memref<128x48xf32, #tpu.memory_space<vmem>>)
    %dma_wait3A_207 = arith.constant 1 : i32
    %dma_wait3A_208 = arith.constant 1 : i32
    %dma_wait3A_209 = arith.constant 1 : i32
    %dma_wait3A_210 = arith.constant 0 : i32
    %dma_wait3A_211 = arith.constant 0 : i32
    %dma_wait3A_212 = arith.constant 0 : i32
    %dma_wait3A_213 = tpu.memref_slice %arg9[%dma_wait3A_208, %dma_wait3A_210, %dma_wait3A_211, %dma_wait3A_212] : memref<2x5x128x48xf32, #tpu.memory_space<vmem>> -> memref<1x5x128x48xf32, #tpu.memory_space<vmem>>
    %dma_wait3A_214 = tpu.memref_squeeze %dma_wait3A_213 : memref<1x5x128x48xf32, #tpu.memory_space<vmem>> -> memref<5x128x48xf32, #tpu.memory_space<vmem>>
    %dma_wait3A_215 = arith.constant 0 : i32
    %dma_wait3A_216 = arith.constant 0 : i32
    %dma_wait3A_217 = tpu.memref_slice %dma_wait3A_214[%dma_wait3A_209, %dma_wait3A_215, %dma_wait3A_216] : memref<5x128x48xf32, #tpu.memory_space<vmem>> -> memref<1x128x48xf32, #tpu.memory_space<vmem>>
    %dma_wait3A_218 = tpu.memref_squeeze %dma_wait3A_217 : memref<1x128x48xf32, #tpu.memory_space<vmem>> -> memref<128x48xf32, #tpu.memory_space<vmem>>
    %dma_wait3A_219 = arith.constant 0 : i32
    %dma_wait3A_220 = tpu.memref_slice %arg7[%dma_wait3A_207, %dma_wait3A_219] : memref<80x128xi32, #tpu.memory_space<vmem>> -> memref<1x128xi32, #tpu.memory_space<vmem>>
    %dma_wait3A_221 = tpu.memref_squeeze %dma_wait3A_220 : memref<1x128xi32, #tpu.memory_space<vmem>> -> memref<128xi32, #tpu.memory_space<vmem>>
    %dma_wait3A_222 = arith.constant 0 : i32
    %dma_wait3A_223 = arith.constant 0 : i32
    %dma_wait3A_224 = tpu.memref_slice %arg2[%dma_wait3A_222, %dma_wait3A_223] : memref<10240x48xf32, #tpu.memory_space<hbm>> -> memref<10240x48xf32, #tpu.memory_space<hbm>>
    tpu.wait_indirect_dma semaphore(%arg11 : memref<!tpu.dma_semaphore, #tpu.memory_space<semaphore_mem>>) src(%dma_wait3A_224 : memref<10240x48xf32, #tpu.memory_space<hbm>>) dst(%dma_wait3A_218 : memref<128x48xf32, #tpu.memory_space<vmem>>)
    %dma_wait3A_225 = arith.constant 2 : i32
    %dma_wait3A_226 = arith.constant 1 : i32
    %dma_wait3A_227 = arith.constant 2 : i32
    %dma_wait3A_228 = arith.constant 0 : i32
    %dma_wait3A_229 = arith.constant 0 : i32
    %dma_wait3A_230 = arith.constant 0 : i32
    %dma_wait3A_231 = tpu.memref_slice %arg9[%dma_wait3A_226, %dma_wait3A_228, %dma_wait3A_229, %dma_wait3A_230] : memref<2x5x128x48xf32, #tpu.memory_space<vmem>> -> memref<1x5x128x48xf32, #tpu.memory_space<vmem>>
    %dma_wait3A_232 = tpu.memref_squeeze %dma_wait3A_231 : memref<1x5x128x48xf32, #tpu.memory_space<vmem>> -> memref<5x128x48xf32, #tpu.memory_space<vmem>>
    %dma_wait3A_233 = arith.constant 0 : i32
    %dma_wait3A_234 = arith.constant 0 : i32
    %dma_wait3A_235 = tpu.memref_slice %dma_wait3A_232[%dma_wait3A_227, %dma_wait3A_233, %dma_wait3A_234] : memref<5x128x48xf32, #tpu.memory_space<vmem>> -> memref<1x128x48xf32, #tpu.memory_space<vmem>>
    %dma_wait3A_236 = tpu.memref_squeeze %dma_wait3A_235 : memref<1x128x48xf32, #tpu.memory_space<vmem>> -> memref<128x48xf32, #tpu.memory_space<vmem>>
    %dma_wait3A_237 = arith.constant 0 : i32
    %dma_wait3A_238 = tpu.memref_slice %arg7[%dma_wait3A_225, %dma_wait3A_237] : memref<80x128xi32, #tpu.memory_space<vmem>> -> memref<1x128xi32, #tpu.memory_space<vmem>>
    %dma_wait3A_239 = tpu.memref_squeeze %dma_wait3A_238 : memref<1x128xi32, #tpu.memory_space<vmem>> -> memref<128xi32, #tpu.memory_space<vmem>>
    %dma_wait3A_240 = arith.constant 0 : i32
    %dma_wait3A_241 = arith.constant 0 : i32
    %dma_wait3A_242 = tpu.memref_slice %arg2[%dma_wait3A_240, %dma_wait3A_241] : memref<10240x48xf32, #tpu.memory_space<hbm>> -> memref<10240x48xf32, #tpu.memory_space<hbm>>
    tpu.wait_indirect_dma semaphore(%arg11 : memref<!tpu.dma_semaphore, #tpu.memory_space<semaphore_mem>>) src(%dma_wait3A_242 : memref<10240x48xf32, #tpu.memory_space<hbm>>) dst(%dma_wait3A_236 : memref<128x48xf32, #tpu.memory_space<vmem>>)
    %dma_wait3A_243 = arith.constant 3 : i32
    %dma_wait3A_244 = arith.constant 1 : i32
    %dma_wait3A_245 = arith.constant 3 : i32
    %dma_wait3A_246 = arith.constant 0 : i32
    %dma_wait3A_247 = arith.constant 0 : i32
    %dma_wait3A_248 = arith.constant 0 : i32
    %dma_wait3A_249 = tpu.memref_slice %arg9[%dma_wait3A_244, %dma_wait3A_246, %dma_wait3A_247, %dma_wait3A_248] : memref<2x5x128x48xf32, #tpu.memory_space<vmem>> -> memref<1x5x128x48xf32, #tpu.memory_space<vmem>>
    %dma_wait3A_250 = tpu.memref_squeeze %dma_wait3A_249 : memref<1x5x128x48xf32, #tpu.memory_space<vmem>> -> memref<5x128x48xf32, #tpu.memory_space<vmem>>
    %dma_wait3A_251 = arith.constant 0 : i32
    %dma_wait3A_252 = arith.constant 0 : i32
    %dma_wait3A_253 = tpu.memref_slice %dma_wait3A_250[%dma_wait3A_245, %dma_wait3A_251, %dma_wait3A_252] : memref<5x128x48xf32, #tpu.memory_space<vmem>> -> memref<1x128x48xf32, #tpu.memory_space<vmem>>
    %dma_wait3A_254 = tpu.memref_squeeze %dma_wait3A_253 : memref<1x128x48xf32, #tpu.memory_space<vmem>> -> memref<128x48xf32, #tpu.memory_space<vmem>>
    %dma_wait3A_255 = arith.constant 0 : i32
    %dma_wait3A_256 = tpu.memref_slice %arg7[%dma_wait3A_243, %dma_wait3A_255] : memref<80x128xi32, #tpu.memory_space<vmem>> -> memref<1x128xi32, #tpu.memory_space<vmem>>
    %dma_wait3A_257 = tpu.memref_squeeze %dma_wait3A_256 : memref<1x128xi32, #tpu.memory_space<vmem>> -> memref<128xi32, #tpu.memory_space<vmem>>
    %dma_wait3A_258 = arith.constant 0 : i32
    %dma_wait3A_259 = arith.constant 0 : i32
    %dma_wait3A_260 = tpu.memref_slice %arg2[%dma_wait3A_258, %dma_wait3A_259] : memref<10240x48xf32, #tpu.memory_space<hbm>> -> memref<10240x48xf32, #tpu.memory_space<hbm>>
    tpu.wait_indirect_dma semaphore(%arg11 : memref<!tpu.dma_semaphore, #tpu.memory_space<semaphore_mem>>) src(%dma_wait3A_260 : memref<10240x48xf32, #tpu.memory_space<hbm>>) dst(%dma_wait3A_254 : memref<128x48xf32, #tpu.memory_space<vmem>>)
    %dma_wait3A_261 = arith.constant 4 : i32
    %dma_wait3A_262 = arith.constant 1 : i32
    %dma_wait3A_263 = arith.constant 4 : i32
    %dma_wait3A_264 = arith.constant 0 : i32
    %dma_wait3A_265 = arith.constant 0 : i32
    %dma_wait3A_266 = arith.constant 0 : i32
    %dma_wait3A_267 = tpu.memref_slice %arg9[%dma_wait3A_262, %dma_wait3A_264, %dma_wait3A_265, %dma_wait3A_266] : memref<2x5x128x48xf32, #tpu.memory_space<vmem>> -> memref<1x5x128x48xf32, #tpu.memory_space<vmem>>
    %dma_wait3A_268 = tpu.memref_squeeze %dma_wait3A_267 : memref<1x5x128x48xf32, #tpu.memory_space<vmem>> -> memref<5x128x48xf32, #tpu.memory_space<vmem>>
    %dma_wait3A_269 = arith.constant 0 : i32
    %dma_wait3A_270 = arith.constant 0 : i32
    %dma_wait3A_271 = tpu.memref_slice %dma_wait3A_268[%dma_wait3A_263, %dma_wait3A_269, %dma_wait3A_270] : memref<5x128x48xf32, #tpu.memory_space<vmem>> -> memref<1x128x48xf32, #tpu.memory_space<vmem>>
    %dma_wait3A_272 = tpu.memref_squeeze %dma_wait3A_271 : memref<1x128x48xf32, #tpu.memory_space<vmem>> -> memref<128x48xf32, #tpu.memory_space<vmem>>
    %dma_wait3A_273 = arith.constant 0 : i32
    %dma_wait3A_274 = tpu.memref_slice %arg7[%dma_wait3A_261, %dma_wait3A_273] : memref<80x128xi32, #tpu.memory_space<vmem>> -> memref<1x128xi32, #tpu.memory_space<vmem>>
    %dma_wait3A_275 = tpu.memref_squeeze %dma_wait3A_274 : memref<1x128xi32, #tpu.memory_space<vmem>> -> memref<128xi32, #tpu.memory_space<vmem>>
    %dma_wait3A_276 = arith.constant 0 : i32
    %dma_wait3A_277 = arith.constant 0 : i32
    %dma_wait3A_278 = tpu.memref_slice %arg2[%dma_wait3A_276, %dma_wait3A_277] : memref<10240x48xf32, #tpu.memory_space<hbm>> -> memref<10240x48xf32, #tpu.memory_space<hbm>>
    tpu.wait_indirect_dma semaphore(%arg11 : memref<!tpu.dma_semaphore, #tpu.memory_space<semaphore_mem>>) src(%dma_wait3A_278 : memref<10240x48xf32, #tpu.memory_space<hbm>>) dst(%dma_wait3A_272 : memref<128x48xf32, #tpu.memory_space<vmem>>)
    %dma_start3A_279 = arith.constant 1 : i32
    %dma_start3A_280 = arith.constant 0 : i32
    %dma_start3A_281 = arith.constant 75 : i32
    %dma_start3A_282 = arith.constant 0 : i32
    %dma_start3A_283 = arith.constant 0 : i32
    %dma_start3A_284 = arith.constant 0 : i32
    %dma_start3A_285 = tpu.memref_slice %arg9[%dma_start3A_279, %dma_start3A_282, %dma_start3A_283, %dma_start3A_284] : memref<2x5x128x48xf32, #tpu.memory_space<vmem>> -> memref<1x5x128x48xf32, #tpu.memory_space<vmem>>
    %dma_start3A_286 = tpu.memref_squeeze %dma_start3A_285 : memref<1x5x128x48xf32, #tpu.memory_space<vmem>> -> memref<5x128x48xf32, #tpu.memory_space<vmem>>
    %dma_start3A_287 = arith.constant 0 : i32
    %dma_start3A_288 = arith.constant 0 : i32
    %dma_start3A_289 = tpu.memref_slice %dma_start3A_286[%dma_start3A_280, %dma_start3A_287, %dma_start3A_288] : memref<5x128x48xf32, #tpu.memory_space<vmem>> -> memref<1x128x48xf32, #tpu.memory_space<vmem>>
    %dma_start3A_290 = tpu.memref_squeeze %dma_start3A_289 : memref<1x128x48xf32, #tpu.memory_space<vmem>> -> memref<128x48xf32, #tpu.memory_space<vmem>>
    %dma_start3A_291 = arith.constant 0 : i32
    %dma_start3A_292 = tpu.memref_slice %arg8[%dma_start3A_281, %dma_start3A_291] : memref<80x128xi32, #tpu.memory_space<vmem>> -> memref<1x128xi32, #tpu.memory_space<vmem>>
    %dma_start3A_293 = tpu.memref_squeeze %dma_start3A_292 : memref<1x128xi32, #tpu.memory_space<vmem>> -> memref<128xi32, #tpu.memory_space<vmem>>
    %dma_start3A_294 = arith.constant 0 : i32
    %dma_start3A_295 = arith.constant 0 : i32
    %dma_start3A_296 = tpu.memref_slice %arg10[%dma_start3A_294, %dma_start3A_295] : memref<10240x48xf32, #tpu.memory_space<vmem_shared>> -> memref<10240x48xf32, #tpu.memory_space<vmem_shared>>
    tpu.enqueue_indirect_dma source(%dma_start3A_290 : memref<128x48xf32, #tpu.memory_space<vmem>>) target(%dma_start3A_296 : memref<10240x48xf32, #tpu.memory_space<vmem_shared>>) offsets(%dma_start3A_293 : memref<128xi32, #tpu.memory_space<vmem>>) semaphore(%arg12 : memref<!tpu.dma_semaphore, #tpu.memory_space<semaphore_mem>>) {add = true}
    %dma_start3A_297 = arith.constant 1 : i32
    %dma_start3A_298 = arith.constant 1 : i32
    %dma_start3A_299 = arith.constant 76 : i32
    %dma_start3A_300 = arith.constant 0 : i32
    %dma_start3A_301 = arith.constant 0 : i32
    %dma_start3A_302 = arith.constant 0 : i32
    %dma_start3A_303 = tpu.memref_slice %arg9[%dma_start3A_297, %dma_start3A_300, %dma_start3A_301, %dma_start3A_302] : memref<2x5x128x48xf32, #tpu.memory_space<vmem>> -> memref<1x5x128x48xf32, #tpu.memory_space<vmem>>
    %dma_start3A_304 = tpu.memref_squeeze %dma_start3A_303 : memref<1x5x128x48xf32, #tpu.memory_space<vmem>> -> memref<5x128x48xf32, #tpu.memory_space<vmem>>
    %dma_start3A_305 = arith.constant 0 : i32
    %dma_start3A_306 = arith.constant 0 : i32
    %dma_start3A_307 = tpu.memref_slice %dma_start3A_304[%dma_start3A_298, %dma_start3A_305, %dma_start3A_306] : memref<5x128x48xf32, #tpu.memory_space<vmem>> -> memref<1x128x48xf32, #tpu.memory_space<vmem>>
    %dma_start3A_308 = tpu.memref_squeeze %dma_start3A_307 : memref<1x128x48xf32, #tpu.memory_space<vmem>> -> memref<128x48xf32, #tpu.memory_space<vmem>>
    %dma_start3A_309 = arith.constant 0 : i32
    %dma_start3A_310 = tpu.memref_slice %arg8[%dma_start3A_299, %dma_start3A_309] : memref<80x128xi32, #tpu.memory_space<vmem>> -> memref<1x128xi32, #tpu.memory_space<vmem>>
    %dma_start3A_311 = tpu.memref_squeeze %dma_start3A_310 : memref<1x128xi32, #tpu.memory_space<vmem>> -> memref<128xi32, #tpu.memory_space<vmem>>
    %dma_start3A_312 = arith.constant 0 : i32
    %dma_start3A_313 = arith.constant 0 : i32
    %dma_start3A_314 = tpu.memref_slice %arg10[%dma_start3A_312, %dma_start3A_313] : memref<10240x48xf32, #tpu.memory_space<vmem_shared>> -> memref<10240x48xf32, #tpu.memory_space<vmem_shared>>
    tpu.enqueue_indirect_dma source(%dma_start3A_308 : memref<128x48xf32, #tpu.memory_space<vmem>>) target(%dma_start3A_314 : memref<10240x48xf32, #tpu.memory_space<vmem_shared>>) offsets(%dma_start3A_311 : memref<128xi32, #tpu.memory_space<vmem>>) semaphore(%arg12 : memref<!tpu.dma_semaphore, #tpu.memory_space<semaphore_mem>>) {add = true}
    %dma_start3A_315 = arith.constant 1 : i32
    %dma_start3A_316 = arith.constant 2 : i32
    %dma_start3A_317 = arith.constant 77 : i32
    %dma_start3A_318 = arith.constant 0 : i32
    %dma_start3A_319 = arith.constant 0 : i32
    %dma_start3A_320 = arith.constant 0 : i32
    %dma_start3A_321 = tpu.memref_slice %arg9[%dma_start3A_315, %dma_start3A_318, %dma_start3A_319, %dma_start3A_320] : memref<2x5x128x48xf32, #tpu.memory_space<vmem>> -> memref<1x5x128x48xf32, #tpu.memory_space<vmem>>
    %dma_start3A_322 = tpu.memref_squeeze %dma_start3A_321 : memref<1x5x128x48xf32, #tpu.memory_space<vmem>> -> memref<5x128x48xf32, #tpu.memory_space<vmem>>
    %dma_start3A_323 = arith.constant 0 : i32
    %dma_start3A_324 = arith.constant 0 : i32
    %dma_start3A_325 = tpu.memref_slice %dma_start3A_322[%dma_start3A_316, %dma_start3A_323, %dma_start3A_324] : memref<5x128x48xf32, #tpu.memory_space<vmem>> -> memref<1x128x48xf32, #tpu.memory_space<vmem>>
    %dma_start3A_326 = tpu.memref_squeeze %dma_start3A_325 : memref<1x128x48xf32, #tpu.memory_space<vmem>> -> memref<128x48xf32, #tpu.memory_space<vmem>>
    %dma_start3A_327 = arith.constant 0 : i32
    %dma_start3A_328 = tpu.memref_slice %arg8[%dma_start3A_317, %dma_start3A_327] : memref<80x128xi32, #tpu.memory_space<vmem>> -> memref<1x128xi32, #tpu.memory_space<vmem>>
    %dma_start3A_329 = tpu.memref_squeeze %dma_start3A_328 : memref<1x128xi32, #tpu.memory_space<vmem>> -> memref<128xi32, #tpu.memory_space<vmem>>
    %dma_start3A_330 = arith.constant 0 : i32
    %dma_start3A_331 = arith.constant 0 : i32
    %dma_start3A_332 = tpu.memref_slice %arg10[%dma_start3A_330, %dma_start3A_331] : memref<10240x48xf32, #tpu.memory_space<vmem_shared>> -> memref<10240x48xf32, #tpu.memory_space<vmem_shared>>
    tpu.enqueue_indirect_dma source(%dma_start3A_326 : memref<128x48xf32, #tpu.memory_space<vmem>>) target(%dma_start3A_332 : memref<10240x48xf32, #tpu.memory_space<vmem_shared>>) offsets(%dma_start3A_329 : memref<128xi32, #tpu.memory_space<vmem>>) semaphore(%arg12 : memref<!tpu.dma_semaphore, #tpu.memory_space<semaphore_mem>>) {add = true}
    %dma_start3A_333 = arith.constant 1 : i32
    %dma_start3A_334 = arith.constant 3 : i32
    %dma_start3A_335 = arith.constant 78 : i32
    %dma_start3A_336 = arith.constant 0 : i32
    %dma_start3A_337 = arith.constant 0 : i32
    %dma_start3A_338 = arith.constant 0 : i32
    %dma_start3A_339 = tpu.memref_slice %arg9[%dma_start3A_333, %dma_start3A_336, %dma_start3A_337, %dma_start3A_338] : memref<2x5x128x48xf32, #tpu.memory_space<vmem>> -> memref<1x5x128x48xf32, #tpu.memory_space<vmem>>
    %dma_start3A_340 = tpu.memref_squeeze %dma_start3A_339 : memref<1x5x128x48xf32, #tpu.memory_space<vmem>> -> memref<5x128x48xf32, #tpu.memory_space<vmem>>
    %dma_start3A_341 = arith.constant 0 : i32
    %dma_start3A_342 = arith.constant 0 : i32
    %dma_start3A_343 = tpu.memref_slice %dma_start3A_340[%dma_start3A_334, %dma_start3A_341, %dma_start3A_342] : memref<5x128x48xf32, #tpu.memory_space<vmem>> -> memref<1x128x48xf32, #tpu.memory_space<vmem>>
    %dma_start3A_344 = tpu.memref_squeeze %dma_start3A_343 : memref<1x128x48xf32, #tpu.memory_space<vmem>> -> memref<128x48xf32, #tpu.memory_space<vmem>>
    %dma_start3A_345 = arith.constant 0 : i32
    %dma_start3A_346 = tpu.memref_slice %arg8[%dma_start3A_335, %dma_start3A_345] : memref<80x128xi32, #tpu.memory_space<vmem>> -> memref<1x128xi32, #tpu.memory_space<vmem>>
    %dma_start3A_347 = tpu.memref_squeeze %dma_start3A_346 : memref<1x128xi32, #tpu.memory_space<vmem>> -> memref<128xi32, #tpu.memory_space<vmem>>
    %dma_start3A_348 = arith.constant 0 : i32
    %dma_start3A_349 = arith.constant 0 : i32
    %dma_start3A_350 = tpu.memref_slice %arg10[%dma_start3A_348, %dma_start3A_349] : memref<10240x48xf32, #tpu.memory_space<vmem_shared>> -> memref<10240x48xf32, #tpu.memory_space<vmem_shared>>
    tpu.enqueue_indirect_dma source(%dma_start3A_344 : memref<128x48xf32, #tpu.memory_space<vmem>>) target(%dma_start3A_350 : memref<10240x48xf32, #tpu.memory_space<vmem_shared>>) offsets(%dma_start3A_347 : memref<128xi32, #tpu.memory_space<vmem>>) semaphore(%arg12 : memref<!tpu.dma_semaphore, #tpu.memory_space<semaphore_mem>>) {add = true}
    %dma_start3A_351 = arith.constant 1 : i32
    %dma_start3A_352 = arith.constant 4 : i32
    %dma_start3A_353 = arith.constant 79 : i32
    %dma_start3A_354 = arith.constant 0 : i32
    %dma_start3A_355 = arith.constant 0 : i32
    %dma_start3A_356 = arith.constant 0 : i32
    %dma_start3A_357 = tpu.memref_slice %arg9[%dma_start3A_351, %dma_start3A_354, %dma_start3A_355, %dma_start3A_356] : memref<2x5x128x48xf32, #tpu.memory_space<vmem>> -> memref<1x5x128x48xf32, #tpu.memory_space<vmem>>
    %dma_start3A_358 = tpu.memref_squeeze %dma_start3A_357 : memref<1x5x128x48xf32, #tpu.memory_space<vmem>> -> memref<5x128x48xf32, #tpu.memory_space<vmem>>
    %dma_start3A_359 = arith.constant 0 : i32
    %dma_start3A_360 = arith.constant 0 : i32
    %dma_start3A_361 = tpu.memref_slice %dma_start3A_358[%dma_start3A_352, %dma_start3A_359, %dma_start3A_360] : memref<5x128x48xf32, #tpu.memory_space<vmem>> -> memref<1x128x48xf32, #tpu.memory_space<vmem>>
    %dma_start3A_362 = tpu.memref_squeeze %dma_start3A_361 : memref<1x128x48xf32, #tpu.memory_space<vmem>> -> memref<128x48xf32, #tpu.memory_space<vmem>>
    %dma_start3A_363 = arith.constant 0 : i32
    %dma_start3A_364 = tpu.memref_slice %arg8[%dma_start3A_353, %dma_start3A_363] : memref<80x128xi32, #tpu.memory_space<vmem>> -> memref<1x128xi32, #tpu.memory_space<vmem>>
    %dma_start3A_365 = tpu.memref_squeeze %dma_start3A_364 : memref<1x128xi32, #tpu.memory_space<vmem>> -> memref<128xi32, #tpu.memory_space<vmem>>
    %dma_start3A_366 = arith.constant 0 : i32
    %dma_start3A_367 = arith.constant 0 : i32
    %dma_start3A_368 = tpu.memref_slice %arg10[%dma_start3A_366, %dma_start3A_367] : memref<10240x48xf32, #tpu.memory_space<vmem_shared>> -> memref<10240x48xf32, #tpu.memory_space<vmem_shared>>
    tpu.enqueue_indirect_dma source(%dma_start3A_362 : memref<128x48xf32, #tpu.memory_space<vmem>>) target(%dma_start3A_368 : memref<10240x48xf32, #tpu.memory_space<vmem_shared>>) offsets(%dma_start3A_365 : memref<128xi32, #tpu.memory_space<vmem>>) semaphore(%arg12 : memref<!tpu.dma_semaphore, #tpu.memory_space<semaphore_mem>>) {add = true}
    %dma_wait3A_369 = arith.constant 1 : i32
    %dma_wait3A_370 = arith.constant 0 : i32
    %dma_wait3A_371 = arith.constant 0 : i32
    %dma_wait3A_372 = arith.constant 0 : i32
    %dma_wait3A_373 = arith.constant 0 : i32
    %dma_wait3A_374 = arith.constant 0 : i32
    %dma_wait3A_375 = tpu.memref_slice %arg9[%dma_wait3A_369, %dma_wait3A_372, %dma_wait3A_373, %dma_wait3A_374] : memref<2x5x128x48xf32, #tpu.memory_space<vmem>> -> memref<1x5x128x48xf32, #tpu.memory_space<vmem>>
    %dma_wait3A_376 = tpu.memref_squeeze %dma_wait3A_375 : memref<1x5x128x48xf32, #tpu.memory_space<vmem>> -> memref<5x128x48xf32, #tpu.memory_space<vmem>>
    %dma_wait3A_377 = arith.constant 0 : i32
    %dma_wait3A_378 = arith.constant 0 : i32
    %dma_wait3A_379 = tpu.memref_slice %dma_wait3A_376[%dma_wait3A_370, %dma_wait3A_377, %dma_wait3A_378] : memref<5x128x48xf32, #tpu.memory_space<vmem>> -> memref<1x128x48xf32, #tpu.memory_space<vmem>>
    %dma_wait3A_380 = tpu.memref_squeeze %dma_wait3A_379 : memref<1x128x48xf32, #tpu.memory_space<vmem>> -> memref<128x48xf32, #tpu.memory_space<vmem>>
    %dma_wait3A_381 = arith.constant 0 : i32
    %dma_wait3A_382 = tpu.memref_slice %arg8[%dma_wait3A_371, %dma_wait3A_381] : memref<80x128xi32, #tpu.memory_space<vmem>> -> memref<1x128xi32, #tpu.memory_space<vmem>>
    %dma_wait3A_383 = tpu.memref_squeeze %dma_wait3A_382 : memref<1x128xi32, #tpu.memory_space<vmem>> -> memref<128xi32, #tpu.memory_space<vmem>>
    %dma_wait3A_384 = arith.constant 0 : i32
    %dma_wait3A_385 = arith.constant 0 : i32
    %dma_wait3A_386 = tpu.memref_slice %arg10[%dma_wait3A_384, %dma_wait3A_385] : memref<10240x48xf32, #tpu.memory_space<vmem_shared>> -> memref<10240x48xf32, #tpu.memory_space<vmem_shared>>
    tpu.wait_indirect_dma semaphore(%arg12 : memref<!tpu.dma_semaphore, #tpu.memory_space<semaphore_mem>>) src(%dma_wait3A_380 : memref<128x48xf32, #tpu.memory_space<vmem>>) dst(%dma_wait3A_386 : memref<10240x48xf32, #tpu.memory_space<vmem_shared>>)
    %dma_wait3A_387 = arith.constant 1 : i32
    %dma_wait3A_388 = arith.constant 1 : i32
    %dma_wait3A_389 = arith.constant 1 : i32
    %dma_wait3A_390 = arith.constant 0 : i32
    %dma_wait3A_391 = arith.constant 0 : i32
    %dma_wait3A_392 = arith.constant 0 : i32
    %dma_wait3A_393 = tpu.memref_slice %arg9[%dma_wait3A_387, %dma_wait3A_390, %dma_wait3A_391, %dma_wait3A_392] : memref<2x5x128x48xf32, #tpu.memory_space<vmem>> -> memref<1x5x128x48xf32, #tpu.memory_space<vmem>>
    %dma_wait3A_394 = tpu.memref_squeeze %dma_wait3A_393 : memref<1x5x128x48xf32, #tpu.memory_space<vmem>> -> memref<5x128x48xf32, #tpu.memory_space<vmem>>
    %dma_wait3A_395 = arith.constant 0 : i32
    %dma_wait3A_396 = arith.constant 0 : i32
    %dma_wait3A_397 = tpu.memref_slice %dma_wait3A_394[%dma_wait3A_388, %dma_wait3A_395, %dma_wait3A_396] : memref<5x128x48xf32, #tpu.memory_space<vmem>> -> memref<1x128x48xf32, #tpu.memory_space<vmem>>
    %dma_wait3A_398 = tpu.memref_squeeze %dma_wait3A_397 : memref<1x128x48xf32, #tpu.memory_space<vmem>> -> memref<128x48xf32, #tpu.memory_space<vmem>>
    %dma_wait3A_399 = arith.constant 0 : i32
    %dma_wait3A_400 = tpu.memref_slice %arg8[%dma_wait3A_389, %dma_wait3A_399] : memref<80x128xi32, #tpu.memory_space<vmem>> -> memref<1x128xi32, #tpu.memory_space<vmem>>
    %dma_wait3A_401 = tpu.memref_squeeze %dma_wait3A_400 : memref<1x128xi32, #tpu.memory_space<vmem>> -> memref<128xi32, #tpu.memory_space<vmem>>
    %dma_wait3A_402 = arith.constant 0 : i32
    %dma_wait3A_403 = arith.constant 0 : i32
    %dma_wait3A_404 = tpu.memref_slice %arg10[%dma_wait3A_402, %dma_wait3A_403] : memref<10240x48xf32, #tpu.memory_space<vmem_shared>> -> memref<10240x48xf32, #tpu.memory_space<vmem_shared>>
    tpu.wait_indirect_dma semaphore(%arg12 : memref<!tpu.dma_semaphore, #tpu.memory_space<semaphore_mem>>) src(%dma_wait3A_398 : memref<128x48xf32, #tpu.memory_space<vmem>>) dst(%dma_wait3A_404 : memref<10240x48xf32, #tpu.memory_space<vmem_shared>>)
    %dma_wait3A_405 = arith.constant 1 : i32
    %dma_wait3A_406 = arith.constant 2 : i32
    %dma_wait3A_407 = arith.constant 2 : i32
    %dma_wait3A_408 = arith.constant 0 : i32
    %dma_wait3A_409 = arith.constant 0 : i32
    %dma_wait3A_410 = arith.constant 0 : i32
    %dma_wait3A_411 = tpu.memref_slice %arg9[%dma_wait3A_405, %dma_wait3A_408, %dma_wait3A_409, %dma_wait3A_410] : memref<2x5x128x48xf32, #tpu.memory_space<vmem>> -> memref<1x5x128x48xf32, #tpu.memory_space<vmem>>
    %dma_wait3A_412 = tpu.memref_squeeze %dma_wait3A_411 : memref<1x5x128x48xf32, #tpu.memory_space<vmem>> -> memref<5x128x48xf32, #tpu.memory_space<vmem>>
    %dma_wait3A_413 = arith.constant 0 : i32
    %dma_wait3A_414 = arith.constant 0 : i32
    %dma_wait3A_415 = tpu.memref_slice %dma_wait3A_412[%dma_wait3A_406, %dma_wait3A_413, %dma_wait3A_414] : memref<5x128x48xf32, #tpu.memory_space<vmem>> -> memref<1x128x48xf32, #tpu.memory_space<vmem>>
    %dma_wait3A_416 = tpu.memref_squeeze %dma_wait3A_415 : memref<1x128x48xf32, #tpu.memory_space<vmem>> -> memref<128x48xf32, #tpu.memory_space<vmem>>
    %dma_wait3A_417 = arith.constant 0 : i32
    %dma_wait3A_418 = tpu.memref_slice %arg8[%dma_wait3A_407, %dma_wait3A_417] : memref<80x128xi32, #tpu.memory_space<vmem>> -> memref<1x128xi32, #tpu.memory_space<vmem>>
    %dma_wait3A_419 = tpu.memref_squeeze %dma_wait3A_418 : memref<1x128xi32, #tpu.memory_space<vmem>> -> memref<128xi32, #tpu.memory_space<vmem>>
    %dma_wait3A_420 = arith.constant 0 : i32
    %dma_wait3A_421 = arith.constant 0 : i32
    %dma_wait3A_422 = tpu.memref_slice %arg10[%dma_wait3A_420, %dma_wait3A_421] : memref<10240x48xf32, #tpu.memory_space<vmem_shared>> -> memref<10240x48xf32, #tpu.memory_space<vmem_shared>>
    tpu.wait_indirect_dma semaphore(%arg12 : memref<!tpu.dma_semaphore, #tpu.memory_space<semaphore_mem>>) src(%dma_wait3A_416 : memref<128x48xf32, #tpu.memory_space<vmem>>) dst(%dma_wait3A_422 : memref<10240x48xf32, #tpu.memory_space<vmem_shared>>)
    %dma_wait3A_423 = arith.constant 1 : i32
    %dma_wait3A_424 = arith.constant 3 : i32
    %dma_wait3A_425 = arith.constant 3 : i32
    %dma_wait3A_426 = arith.constant 0 : i32
    %dma_wait3A_427 = arith.constant 0 : i32
    %dma_wait3A_428 = arith.constant 0 : i32
    %dma_wait3A_429 = tpu.memref_slice %arg9[%dma_wait3A_423, %dma_wait3A_426, %dma_wait3A_427, %dma_wait3A_428] : memref<2x5x128x48xf32, #tpu.memory_space<vmem>> -> memref<1x5x128x48xf32, #tpu.memory_space<vmem>>
    %dma_wait3A_430 = tpu.memref_squeeze %dma_wait3A_429 : memref<1x5x128x48xf32, #tpu.memory_space<vmem>> -> memref<5x128x48xf32, #tpu.memory_space<vmem>>
    %dma_wait3A_431 = arith.constant 0 : i32
    %dma_wait3A_432 = arith.constant 0 : i32
    %dma_wait3A_433 = tpu.memref_slice %dma_wait3A_430[%dma_wait3A_424, %dma_wait3A_431, %dma_wait3A_432] : memref<5x128x48xf32, #tpu.memory_space<vmem>> -> memref<1x128x48xf32, #tpu.memory_space<vmem>>
    %dma_wait3A_434 = tpu.memref_squeeze %dma_wait3A_433 : memref<1x128x48xf32, #tpu.memory_space<vmem>> -> memref<128x48xf32, #tpu.memory_space<vmem>>
    %dma_wait3A_435 = arith.constant 0 : i32
    %dma_wait3A_436 = tpu.memref_slice %arg8[%dma_wait3A_425, %dma_wait3A_435] : memref<80x128xi32, #tpu.memory_space<vmem>> -> memref<1x128xi32, #tpu.memory_space<vmem>>
    %dma_wait3A_437 = tpu.memref_squeeze %dma_wait3A_436 : memref<1x128xi32, #tpu.memory_space<vmem>> -> memref<128xi32, #tpu.memory_space<vmem>>
    %dma_wait3A_438 = arith.constant 0 : i32
    %dma_wait3A_439 = arith.constant 0 : i32
    %dma_wait3A_440 = tpu.memref_slice %arg10[%dma_wait3A_438, %dma_wait3A_439] : memref<10240x48xf32, #tpu.memory_space<vmem_shared>> -> memref<10240x48xf32, #tpu.memory_space<vmem_shared>>
    tpu.wait_indirect_dma semaphore(%arg12 : memref<!tpu.dma_semaphore, #tpu.memory_space<semaphore_mem>>) src(%dma_wait3A_434 : memref<128x48xf32, #tpu.memory_space<vmem>>) dst(%dma_wait3A_440 : memref<10240x48xf32, #tpu.memory_space<vmem_shared>>)
    %dma_wait3A_441 = arith.constant 1 : i32
    %dma_wait3A_442 = arith.constant 4 : i32
    %dma_wait3A_443 = arith.constant 4 : i32
    %dma_wait3A_444 = arith.constant 0 : i32
    %dma_wait3A_445 = arith.constant 0 : i32
    %dma_wait3A_446 = arith.constant 0 : i32
    %dma_wait3A_447 = tpu.memref_slice %arg9[%dma_wait3A_441, %dma_wait3A_444, %dma_wait3A_445, %dma_wait3A_446] : memref<2x5x128x48xf32, #tpu.memory_space<vmem>> -> memref<1x5x128x48xf32, #tpu.memory_space<vmem>>
    %dma_wait3A_448 = tpu.memref_squeeze %dma_wait3A_447 : memref<1x5x128x48xf32, #tpu.memory_space<vmem>> -> memref<5x128x48xf32, #tpu.memory_space<vmem>>
    %dma_wait3A_449 = arith.constant 0 : i32
    %dma_wait3A_450 = arith.constant 0 : i32
    %dma_wait3A_451 = tpu.memref_slice %dma_wait3A_448[%dma_wait3A_442, %dma_wait3A_449, %dma_wait3A_450] : memref<5x128x48xf32, #tpu.memory_space<vmem>> -> memref<1x128x48xf32, #tpu.memory_space<vmem>>
    %dma_wait3A_452 = tpu.memref_squeeze %dma_wait3A_451 : memref<1x128x48xf32, #tpu.memory_space<vmem>> -> memref<128x48xf32, #tpu.memory_space<vmem>>
    %dma_wait3A_453 = arith.constant 0 : i32
    %dma_wait3A_454 = tpu.memref_slice %arg8[%dma_wait3A_443, %dma_wait3A_453] : memref<80x128xi32, #tpu.memory_space<vmem>> -> memref<1x128xi32, #tpu.memory_space<vmem>>
    %dma_wait3A_455 = tpu.memref_squeeze %dma_wait3A_454 : memref<1x128xi32, #tpu.memory_space<vmem>> -> memref<128xi32, #tpu.memory_space<vmem>>
    %dma_wait3A_456 = arith.constant 0 : i32
    %dma_wait3A_457 = arith.constant 0 : i32
    %dma_wait3A_458 = tpu.memref_slice %arg10[%dma_wait3A_456, %dma_wait3A_457] : memref<10240x48xf32, #tpu.memory_space<vmem_shared>> -> memref<10240x48xf32, #tpu.memory_space<vmem_shared>>
    tpu.wait_indirect_dma semaphore(%arg12 : memref<!tpu.dma_semaphore, #tpu.memory_space<semaphore_mem>>) src(%dma_wait3A_452 : memref<128x48xf32, #tpu.memory_space<vmem>>) dst(%dma_wait3A_458 : memref<10240x48xf32, #tpu.memory_space<vmem_shared>>)
    %barrier3A_459 = arith.constant 0 : index
    tpu.barrier barrier_id(%barrier3A_459)
    "tpu.region"() ({
      %run_scoped3A = tpu.sem_alloc : memref<!tpu.dma_semaphore, #tpu.memory_space<semaphore_mem>>
      %dma_start3A_460 = arith.constant 0 : i32
      %dma_start3A_461 = arith.constant 0 : i32
      %dma_start3A_462 = tpu.memref_slice %arg6[%arg0, %dma_start3A_460, %dma_start3A_461] : memref<2x10240x48xf32, #tpu.memory_space<hbm>> -> memref<1x10240x48xf32, #tpu.memory_space<hbm>>
      %dma_start3A_463 = tpu.memref_squeeze %dma_start3A_462 : memref<1x10240x48xf32, #tpu.memory_space<hbm>> -> memref<10240x48xf32, #tpu.memory_space<hbm>>
      %dma_start3A_464 = arith.constant 0 : i32
      %dma_start3A_465 = tpu.memref_slice %dma_start3A_463[%mul3A_2, %dma_start3A_464] : memref<10240x48xf32, #tpu.memory_space<hbm>> -> memref<640x48xf32, #tpu.memory_space<hbm>>
      %dma_start3A_466 = arith.constant 0 : i32
      %dma_start3A_467 = tpu.memref_slice %arg10[%mul3A_2, %dma_start3A_466] : memref<10240x48xf32, #tpu.memory_space<vmem_shared>> -> memref<640x48xf32, #tpu.memory_space<vmem_shared>>
      tpu.enqueue_dma source(%dma_start3A_467 : memref<640x48xf32, #tpu.memory_space<vmem_shared>>) target(%dma_start3A_465 : memref<640x48xf32, #tpu.memory_space<hbm>>) target_semaphore(%run_scoped3A : memref<!tpu.dma_semaphore, #tpu.memory_space<semaphore_mem>>)
      %dma_wait3A_468 = arith.constant 0 : i32
      %dma_wait3A_469 = arith.constant 0 : i32
      %dma_wait3A_470 = tpu.memref_slice %arg6[%arg0, %dma_wait3A_468, %dma_wait3A_469] : memref<2x10240x48xf32, #tpu.memory_space<hbm>> -> memref<1x10240x48xf32, #tpu.memory_space<hbm>>
      %dma_wait3A_471 = tpu.memref_squeeze %dma_wait3A_470 : memref<1x10240x48xf32, #tpu.memory_space<hbm>> -> memref<10240x48xf32, #tpu.memory_space<hbm>>
      %dma_wait3A_472 = arith.constant 0 : i32
      %dma_wait3A_473 = tpu.memref_slice %dma_wait3A_471[%mul3A_2, %dma_wait3A_472] : memref<10240x48xf32, #tpu.memory_space<hbm>> -> memref<640x48xf32, #tpu.memory_space<hbm>>
      %dma_wait3A_474 = arith.constant 0 : i32
      %dma_wait3A_475 = tpu.memref_slice %arg10[%mul3A_2, %dma_wait3A_474] : memref<10240x48xf32, #tpu.memory_space<vmem_shared>> -> memref<640x48xf32, #tpu.memory_space<vmem_shared>>
      tpu.wait_dma2 semaphore(%run_scoped3A : memref<!tpu.dma_semaphore, #tpu.memory_space<semaphore_mem>>) src(%dma_wait3A_475 : memref<640x48xf32, #tpu.memory_space<vmem_shared>>) dst(%dma_wait3A_473 : memref<640x48xf32, #tpu.memory_space<hbm>>)
      tpu.yield
    }) : () -> ()
    return
  }
}

#map = affine_map<(d0, d1) -> (0, 0)>
#map1 = affine_map<(d0, d1) -> (0, 0, 0)>
module attributes {stable_mosaic.version = 14 : i64} {
  func.func @_sc_degree(%arg0: i32, %arg1: i32, %arg2: memref<2560x128xi32, #tpu.memory_space<hbm>>, %arg3: memref<128x16xf32, #tpu.memory_space<hbm>>, %arg4: memref<10240x16xf32, #tpu.memory_space<hbm>>, %arg5: memref<2x10240x16xf32, #tpu.memory_space<hbm>>, %arg6: memref<80x128xi32, #tpu.memory_space<vmem>>, %arg7: memref<128x16xf32, #tpu.memory_space<vmem>>, %arg8: memref<10240x16xf32, #tpu.memory_space<vmem_shared>>, %arg9: memref<!tpu.dma_semaphore, #tpu.memory_space<semaphore_mem>>) attributes {dimension_semantics = [#tpu.dimension_semantics<core_parallel>, #tpu.dimension_semantics<subcore_parallel>], iteration_bounds = array<i64: 2, 16>, scalar_prefetch = 0 : i64, scratch_operands = 4 : i64, tpu.core_type = #tpu.core_type<sc_vector_subcore>, window_params = [{transform_indices = #map}, {transform_indices = #map}, {transform_indices = #map}, {transform_indices = #map1}]} {
    %mul3A = arith.constant 16 : i32
    %mul3A_0 = arith.muli %arg0, %mul3A : i32
    %add3A = arith.addi %mul3A_0, %arg1 : i32
    %mul3A_1 = arith.constant 640 : i32
    %mul3A_2 = arith.muli %arg1, %mul3A_1 : i32
    %mul3A_3 = arith.constant 80 : i32
    %mul3A_4 = arith.muli %add3A, %mul3A_3 : i32
    "tpu.region"() ({
      %run_scoped3A = tpu.sem_alloc : memref<!tpu.dma_semaphore, #tpu.memory_space<semaphore_mem>>
      %dma_start3A = arith.constant 0 : i32
      %dma_start3A_10 = tpu.memref_slice %arg2[%mul3A_4, %dma_start3A] : memref<2560x128xi32, #tpu.memory_space<hbm>> -> memref<80x128xi32, #tpu.memory_space<hbm>>
      %dma_start3A_11 = arith.constant 0 : i32
      %dma_start3A_12 = tpu.memref_slice %arg2[%mul3A_4, %dma_start3A_11] : memref<2560x128xi32, #tpu.memory_space<hbm>> -> memref<80x128xi32, #tpu.memory_space<hbm>>
      tpu.enqueue_dma source(%dma_start3A_12 : memref<80x128xi32, #tpu.memory_space<hbm>>) target(%arg6 : memref<80x128xi32, #tpu.memory_space<vmem>>) target_semaphore(%run_scoped3A : memref<!tpu.dma_semaphore, #tpu.memory_space<semaphore_mem>>)
      %dma_wait3A = arith.constant 0 : i32
      %dma_wait3A_13 = tpu.memref_slice %arg2[%mul3A_4, %dma_wait3A] : memref<2560x128xi32, #tpu.memory_space<hbm>> -> memref<80x128xi32, #tpu.memory_space<hbm>>
      %dma_wait3A_14 = arith.constant 0 : i32
      %dma_wait3A_15 = tpu.memref_slice %arg2[%mul3A_4, %dma_wait3A_14] : memref<2560x128xi32, #tpu.memory_space<hbm>> -> memref<80x128xi32, #tpu.memory_space<hbm>>
      tpu.wait_dma2 semaphore(%run_scoped3A : memref<!tpu.dma_semaphore, #tpu.memory_space<semaphore_mem>>) src(%dma_wait3A_15 : memref<80x128xi32, #tpu.memory_space<hbm>>) dst(%arg6 : memref<80x128xi32, #tpu.memory_space<vmem>>)
      tpu.yield
    }) : () -> ()
    "tpu.region"() ({
      %run_scoped3A = tpu.sem_alloc : memref<!tpu.dma_semaphore, #tpu.memory_space<semaphore_mem>>
      %dma_start3A = arith.constant 0 : i32
      %dma_start3A_10 = tpu.memref_slice %arg8[%mul3A_2, %dma_start3A] : memref<10240x16xf32, #tpu.memory_space<vmem_shared>> -> memref<640x16xf32, #tpu.memory_space<vmem_shared>>
      %dma_start3A_11 = arith.constant 0 : i32
      %dma_start3A_12 = tpu.memref_slice %arg4[%mul3A_2, %dma_start3A_11] : memref<10240x16xf32, #tpu.memory_space<hbm>> -> memref<640x16xf32, #tpu.memory_space<hbm>>
      tpu.enqueue_dma source(%dma_start3A_12 : memref<640x16xf32, #tpu.memory_space<hbm>>) target(%dma_start3A_10 : memref<640x16xf32, #tpu.memory_space<vmem_shared>>) target_semaphore(%run_scoped3A : memref<!tpu.dma_semaphore, #tpu.memory_space<semaphore_mem>>)
      %dma_wait3A = arith.constant 0 : i32
      %dma_wait3A_13 = tpu.memref_slice %arg8[%mul3A_2, %dma_wait3A] : memref<10240x16xf32, #tpu.memory_space<vmem_shared>> -> memref<640x16xf32, #tpu.memory_space<vmem_shared>>
      %dma_wait3A_14 = arith.constant 0 : i32
      %dma_wait3A_15 = tpu.memref_slice %arg4[%mul3A_2, %dma_wait3A_14] : memref<10240x16xf32, #tpu.memory_space<hbm>> -> memref<640x16xf32, #tpu.memory_space<hbm>>
      tpu.wait_dma2 semaphore(%run_scoped3A : memref<!tpu.dma_semaphore, #tpu.memory_space<semaphore_mem>>) src(%dma_wait3A_15 : memref<640x16xf32, #tpu.memory_space<hbm>>) dst(%dma_wait3A_13 : memref<640x16xf32, #tpu.memory_space<vmem_shared>>)
      tpu.yield
    }) : () -> ()
    "tpu.region"() ({
      %run_scoped3A = tpu.sem_alloc : memref<!tpu.dma_semaphore, #tpu.memory_space<semaphore_mem>>
      tpu.enqueue_dma source(%arg3 : memref<128x16xf32, #tpu.memory_space<hbm>>) target(%arg7 : memref<128x16xf32, #tpu.memory_space<vmem>>) target_semaphore(%run_scoped3A : memref<!tpu.dma_semaphore, #tpu.memory_space<semaphore_mem>>)
      tpu.wait_dma2 semaphore(%run_scoped3A : memref<!tpu.dma_semaphore, #tpu.memory_space<semaphore_mem>>) src(%arg3 : memref<128x16xf32, #tpu.memory_space<hbm>>) dst(%arg7 : memref<128x16xf32, #tpu.memory_space<vmem>>)
      tpu.yield
    }) : () -> ()
    %barrier3A = arith.constant 0 : index
    tpu.barrier barrier_id(%barrier3A)
    %scan3A = arith.constant 0 : i32
    %scan3A_5 = arith.constant 16 : i32
    %scan3A_6 = arith.addi %scan3A, %scan3A_5 : i32
    %scan3A_7 = arith.constant 1 : i32
    scf.for %scan3A_10 = %scan3A to %scan3A_6 step %scan3A_7  : i32 {
      %mul3A_11 = arith.constant 5 : i32
      %mul3A_12 = arith.muli %scan3A_10, %mul3A_11 : i32
      %add3A_13 = arith.constant 0 : i32
      %add3A_14 = arith.addi %add3A_13, %mul3A_12 : i32
      %add3A_15 = arith.constant 0 : i32
      %add3A_16 = arith.addi %add3A_14, %add3A_15 : i32
      %dma_start3A = arith.constant 0 : i32
      %dma_start3A_17 = tpu.memref_slice %arg6[%add3A_16, %dma_start3A] : memref<80x128xi32, #tpu.memory_space<vmem>> -> memref<1x128xi32, #tpu.memory_space<vmem>>
      %dma_start3A_18 = tpu.memref_squeeze %dma_start3A_17 : memref<1x128xi32, #tpu.memory_space<vmem>> -> memref<128xi32, #tpu.memory_space<vmem>>
      %dma_start3A_19 = arith.constant 0 : i32
      %dma_start3A_20 = arith.constant 0 : i32
      %dma_start3A_21 = tpu.memref_slice %arg8[%dma_start3A_19, %dma_start3A_20] : memref<10240x16xf32, #tpu.memory_space<vmem_shared>> -> memref<10240x16xf32, #tpu.memory_space<vmem_shared>>
      tpu.enqueue_indirect_dma source(%arg7 : memref<128x16xf32, #tpu.memory_space<vmem>>) target(%dma_start3A_21 : memref<10240x16xf32, #tpu.memory_space<vmem_shared>>) offsets(%dma_start3A_18 : memref<128xi32, #tpu.memory_space<vmem>>) semaphore(%arg9 : memref<!tpu.dma_semaphore, #tpu.memory_space<semaphore_mem>>) {add = true}
      %add3A_22 = arith.constant 1 : i32
      %add3A_23 = arith.addi %add3A_14, %add3A_22 : i32
      %dma_start3A_24 = arith.constant 0 : i32
      %dma_start3A_25 = tpu.memref_slice %arg6[%add3A_23, %dma_start3A_24] : memref<80x128xi32, #tpu.memory_space<vmem>> -> memref<1x128xi32, #tpu.memory_space<vmem>>
      %dma_start3A_26 = tpu.memref_squeeze %dma_start3A_25 : memref<1x128xi32, #tpu.memory_space<vmem>> -> memref<128xi32, #tpu.memory_space<vmem>>
      %dma_start3A_27 = arith.constant 0 : i32
      %dma_start3A_28 = arith.constant 0 : i32
      %dma_start3A_29 = tpu.memref_slice %arg8[%dma_start3A_27, %dma_start3A_28] : memref<10240x16xf32, #tpu.memory_space<vmem_shared>> -> memref<10240x16xf32, #tpu.memory_space<vmem_shared>>
      tpu.enqueue_indirect_dma source(%arg7 : memref<128x16xf32, #tpu.memory_space<vmem>>) target(%dma_start3A_29 : memref<10240x16xf32, #tpu.memory_space<vmem_shared>>) offsets(%dma_start3A_26 : memref<128xi32, #tpu.memory_space<vmem>>) semaphore(%arg9 : memref<!tpu.dma_semaphore, #tpu.memory_space<semaphore_mem>>) {add = true}
      %add3A_30 = arith.constant 2 : i32
      %add3A_31 = arith.addi %add3A_14, %add3A_30 : i32
      %dma_start3A_32 = arith.constant 0 : i32
      %dma_start3A_33 = tpu.memref_slice %arg6[%add3A_31, %dma_start3A_32] : memref<80x128xi32, #tpu.memory_space<vmem>> -> memref<1x128xi32, #tpu.memory_space<vmem>>
      %dma_start3A_34 = tpu.memref_squeeze %dma_start3A_33 : memref<1x128xi32, #tpu.memory_space<vmem>> -> memref<128xi32, #tpu.memory_space<vmem>>
      %dma_start3A_35 = arith.constant 0 : i32
      %dma_start3A_36 = arith.constant 0 : i32
      %dma_start3A_37 = tpu.memref_slice %arg8[%dma_start3A_35, %dma_start3A_36] : memref<10240x16xf32, #tpu.memory_space<vmem_shared>> -> memref<10240x16xf32, #tpu.memory_space<vmem_shared>>
      tpu.enqueue_indirect_dma source(%arg7 : memref<128x16xf32, #tpu.memory_space<vmem>>) target(%dma_start3A_37 : memref<10240x16xf32, #tpu.memory_space<vmem_shared>>) offsets(%dma_start3A_34 : memref<128xi32, #tpu.memory_space<vmem>>) semaphore(%arg9 : memref<!tpu.dma_semaphore, #tpu.memory_space<semaphore_mem>>) {add = true}
      %add3A_38 = arith.constant 3 : i32
      %add3A_39 = arith.addi %add3A_14, %add3A_38 : i32
      %dma_start3A_40 = arith.constant 0 : i32
      %dma_start3A_41 = tpu.memref_slice %arg6[%add3A_39, %dma_start3A_40] : memref<80x128xi32, #tpu.memory_space<vmem>> -> memref<1x128xi32, #tpu.memory_space<vmem>>
      %dma_start3A_42 = tpu.memref_squeeze %dma_start3A_41 : memref<1x128xi32, #tpu.memory_space<vmem>> -> memref<128xi32, #tpu.memory_space<vmem>>
      %dma_start3A_43 = arith.constant 0 : i32
      %dma_start3A_44 = arith.constant 0 : i32
      %dma_start3A_45 = tpu.memref_slice %arg8[%dma_start3A_43, %dma_start3A_44] : memref<10240x16xf32, #tpu.memory_space<vmem_shared>> -> memref<10240x16xf32, #tpu.memory_space<vmem_shared>>
      tpu.enqueue_indirect_dma source(%arg7 : memref<128x16xf32, #tpu.memory_space<vmem>>) target(%dma_start3A_45 : memref<10240x16xf32, #tpu.memory_space<vmem_shared>>) offsets(%dma_start3A_42 : memref<128xi32, #tpu.memory_space<vmem>>) semaphore(%arg9 : memref<!tpu.dma_semaphore, #tpu.memory_space<semaphore_mem>>) {add = true}
      %add3A_46 = arith.constant 4 : i32
      %add3A_47 = arith.addi %add3A_14, %add3A_46 : i32
      %dma_start3A_48 = arith.constant 0 : i32
      %dma_start3A_49 = tpu.memref_slice %arg6[%add3A_47, %dma_start3A_48] : memref<80x128xi32, #tpu.memory_space<vmem>> -> memref<1x128xi32, #tpu.memory_space<vmem>>
      %dma_start3A_50 = tpu.memref_squeeze %dma_start3A_49 : memref<1x128xi32, #tpu.memory_space<vmem>> -> memref<128xi32, #tpu.memory_space<vmem>>
      %dma_start3A_51 = arith.constant 0 : i32
      %dma_start3A_52 = arith.constant 0 : i32
      %dma_start3A_53 = tpu.memref_slice %arg8[%dma_start3A_51, %dma_start3A_52] : memref<10240x16xf32, #tpu.memory_space<vmem_shared>> -> memref<10240x16xf32, #tpu.memory_space<vmem_shared>>
      tpu.enqueue_indirect_dma source(%arg7 : memref<128x16xf32, #tpu.memory_space<vmem>>) target(%dma_start3A_53 : memref<10240x16xf32, #tpu.memory_space<vmem_shared>>) offsets(%dma_start3A_50 : memref<128xi32, #tpu.memory_space<vmem>>) semaphore(%arg9 : memref<!tpu.dma_semaphore, #tpu.memory_space<semaphore_mem>>) {add = true}
      %dma_wait3A = arith.constant 0 : i32
      %dma_wait3A_54 = tpu.memref_slice %arg6[%add3A_16, %dma_wait3A] : memref<80x128xi32, #tpu.memory_space<vmem>> -> memref<1x128xi32, #tpu.memory_space<vmem>>
      %dma_wait3A_55 = tpu.memref_squeeze %dma_wait3A_54 : memref<1x128xi32, #tpu.memory_space<vmem>> -> memref<128xi32, #tpu.memory_space<vmem>>
      %dma_wait3A_56 = arith.constant 0 : i32
      %dma_wait3A_57 = arith.constant 0 : i32
      %dma_wait3A_58 = tpu.memref_slice %arg8[%dma_wait3A_56, %dma_wait3A_57] : memref<10240x16xf32, #tpu.memory_space<vmem_shared>> -> memref<10240x16xf32, #tpu.memory_space<vmem_shared>>
      tpu.wait_indirect_dma semaphore(%arg9 : memref<!tpu.dma_semaphore, #tpu.memory_space<semaphore_mem>>) src(%arg7 : memref<128x16xf32, #tpu.memory_space<vmem>>) dst(%dma_wait3A_58 : memref<10240x16xf32, #tpu.memory_space<vmem_shared>>)
      %dma_wait3A_59 = arith.constant 0 : i32
      %dma_wait3A_60 = tpu.memref_slice %arg6[%add3A_23, %dma_wait3A_59] : memref<80x128xi32, #tpu.memory_space<vmem>> -> memref<1x128xi32, #tpu.memory_space<vmem>>
      %dma_wait3A_61 = tpu.memref_squeeze %dma_wait3A_60 : memref<1x128xi32, #tpu.memory_space<vmem>> -> memref<128xi32, #tpu.memory_space<vmem>>
      %dma_wait3A_62 = arith.constant 0 : i32
      %dma_wait3A_63 = arith.constant 0 : i32
      %dma_wait3A_64 = tpu.memref_slice %arg8[%dma_wait3A_62, %dma_wait3A_63] : memref<10240x16xf32, #tpu.memory_space<vmem_shared>> -> memref<10240x16xf32, #tpu.memory_space<vmem_shared>>
      tpu.wait_indirect_dma semaphore(%arg9 : memref<!tpu.dma_semaphore, #tpu.memory_space<semaphore_mem>>) src(%arg7 : memref<128x16xf32, #tpu.memory_space<vmem>>) dst(%dma_wait3A_64 : memref<10240x16xf32, #tpu.memory_space<vmem_shared>>)
      %dma_wait3A_65 = arith.constant 0 : i32
      %dma_wait3A_66 = tpu.memref_slice %arg6[%add3A_31, %dma_wait3A_65] : memref<80x128xi32, #tpu.memory_space<vmem>> -> memref<1x128xi32, #tpu.memory_space<vmem>>
      %dma_wait3A_67 = tpu.memref_squeeze %dma_wait3A_66 : memref<1x128xi32, #tpu.memory_space<vmem>> -> memref<128xi32, #tpu.memory_space<vmem>>
      %dma_wait3A_68 = arith.constant 0 : i32
      %dma_wait3A_69 = arith.constant 0 : i32
      %dma_wait3A_70 = tpu.memref_slice %arg8[%dma_wait3A_68, %dma_wait3A_69] : memref<10240x16xf32, #tpu.memory_space<vmem_shared>> -> memref<10240x16xf32, #tpu.memory_space<vmem_shared>>
      tpu.wait_indirect_dma semaphore(%arg9 : memref<!tpu.dma_semaphore, #tpu.memory_space<semaphore_mem>>) src(%arg7 : memref<128x16xf32, #tpu.memory_space<vmem>>) dst(%dma_wait3A_70 : memref<10240x16xf32, #tpu.memory_space<vmem_shared>>)
      %dma_wait3A_71 = arith.constant 0 : i32
      %dma_wait3A_72 = tpu.memref_slice %arg6[%add3A_39, %dma_wait3A_71] : memref<80x128xi32, #tpu.memory_space<vmem>> -> memref<1x128xi32, #tpu.memory_space<vmem>>
      %dma_wait3A_73 = tpu.memref_squeeze %dma_wait3A_72 : memref<1x128xi32, #tpu.memory_space<vmem>> -> memref<128xi32, #tpu.memory_space<vmem>>
      %dma_wait3A_74 = arith.constant 0 : i32
      %dma_wait3A_75 = arith.constant 0 : i32
      %dma_wait3A_76 = tpu.memref_slice %arg8[%dma_wait3A_74, %dma_wait3A_75] : memref<10240x16xf32, #tpu.memory_space<vmem_shared>> -> memref<10240x16xf32, #tpu.memory_space<vmem_shared>>
      tpu.wait_indirect_dma semaphore(%arg9 : memref<!tpu.dma_semaphore, #tpu.memory_space<semaphore_mem>>) src(%arg7 : memref<128x16xf32, #tpu.memory_space<vmem>>) dst(%dma_wait3A_76 : memref<10240x16xf32, #tpu.memory_space<vmem_shared>>)
      %dma_wait3A_77 = arith.constant 0 : i32
      %dma_wait3A_78 = tpu.memref_slice %arg6[%add3A_47, %dma_wait3A_77] : memref<80x128xi32, #tpu.memory_space<vmem>> -> memref<1x128xi32, #tpu.memory_space<vmem>>
      %dma_wait3A_79 = tpu.memref_squeeze %dma_wait3A_78 : memref<1x128xi32, #tpu.memory_space<vmem>> -> memref<128xi32, #tpu.memory_space<vmem>>
      %dma_wait3A_80 = arith.constant 0 : i32
      %dma_wait3A_81 = arith.constant 0 : i32
      %dma_wait3A_82 = tpu.memref_slice %arg8[%dma_wait3A_80, %dma_wait3A_81] : memref<10240x16xf32, #tpu.memory_space<vmem_shared>> -> memref<10240x16xf32, #tpu.memory_space<vmem_shared>>
      tpu.wait_indirect_dma semaphore(%arg9 : memref<!tpu.dma_semaphore, #tpu.memory_space<semaphore_mem>>) src(%arg7 : memref<128x16xf32, #tpu.memory_space<vmem>>) dst(%dma_wait3A_82 : memref<10240x16xf32, #tpu.memory_space<vmem_shared>>)
    }
    %scan3A_8 = arith.constant 16 : i32
    %barrier3A_9 = arith.constant 0 : index
    tpu.barrier barrier_id(%barrier3A_9)
    "tpu.region"() ({
      %run_scoped3A = tpu.sem_alloc : memref<!tpu.dma_semaphore, #tpu.memory_space<semaphore_mem>>
      %dma_start3A = arith.constant 0 : i32
      %dma_start3A_10 = arith.constant 0 : i32
      %dma_start3A_11 = tpu.memref_slice %arg5[%arg0, %dma_start3A, %dma_start3A_10] : memref<2x10240x16xf32, #tpu.memory_space<hbm>> -> memref<1x10240x16xf32, #tpu.memory_space<hbm>>
      %dma_start3A_12 = tpu.memref_squeeze %dma_start3A_11 : memref<1x10240x16xf32, #tpu.memory_space<hbm>> -> memref<10240x16xf32, #tpu.memory_space<hbm>>
      %dma_start3A_13 = arith.constant 0 : i32
      %dma_start3A_14 = tpu.memref_slice %dma_start3A_12[%mul3A_2, %dma_start3A_13] : memref<10240x16xf32, #tpu.memory_space<hbm>> -> memref<640x16xf32, #tpu.memory_space<hbm>>
      %dma_start3A_15 = arith.constant 0 : i32
      %dma_start3A_16 = tpu.memref_slice %arg8[%mul3A_2, %dma_start3A_15] : memref<10240x16xf32, #tpu.memory_space<vmem_shared>> -> memref<640x16xf32, #tpu.memory_space<vmem_shared>>
      tpu.enqueue_dma source(%dma_start3A_16 : memref<640x16xf32, #tpu.memory_space<vmem_shared>>) target(%dma_start3A_14 : memref<640x16xf32, #tpu.memory_space<hbm>>) target_semaphore(%run_scoped3A : memref<!tpu.dma_semaphore, #tpu.memory_space<semaphore_mem>>)
      %dma_wait3A = arith.constant 0 : i32
      %dma_wait3A_17 = arith.constant 0 : i32
      %dma_wait3A_18 = tpu.memref_slice %arg5[%arg0, %dma_wait3A, %dma_wait3A_17] : memref<2x10240x16xf32, #tpu.memory_space<hbm>> -> memref<1x10240x16xf32, #tpu.memory_space<hbm>>
      %dma_wait3A_19 = tpu.memref_squeeze %dma_wait3A_18 : memref<1x10240x16xf32, #tpu.memory_space<hbm>> -> memref<10240x16xf32, #tpu.memory_space<hbm>>
      %dma_wait3A_20 = arith.constant 0 : i32
      %dma_wait3A_21 = tpu.memref_slice %dma_wait3A_19[%mul3A_2, %dma_wait3A_20] : memref<10240x16xf32, #tpu.memory_space<hbm>> -> memref<640x16xf32, #tpu.memory_space<hbm>>
      %dma_wait3A_22 = arith.constant 0 : i32
      %dma_wait3A_23 = tpu.memref_slice %arg8[%mul3A_2, %dma_wait3A_22] : memref<10240x16xf32, #tpu.memory_space<vmem_shared>> -> memref<640x16xf32, #tpu.memory_space<vmem_shared>>
      tpu.wait_dma2 semaphore(%run_scoped3A : memref<!tpu.dma_semaphore, #tpu.memory_space<semaphore_mem>>) src(%dma_wait3A_23 : memref<640x16xf32, #tpu.memory_space<vmem_shared>>) dst(%dma_wait3A_21 : memref<640x16xf32, #tpu.memory_space<hbm>>)
      tpu.yield
    }) : () -> ()
    return
  }
}

#map = affine_map<(d0, d1) -> (0, 0)>
#map1 = affine_map<(d0, d1) -> (0, 0, 0)>
module attributes {stable_mosaic.version = 14 : i64} {
  func.func @_sc_hop(%arg0: i32, %arg1: i32, %arg2: memref<10240x48xf32, #tpu.memory_space<hbm>>, %arg3: memref<2560x128xi32, #tpu.memory_space<hbm>>, %arg4: memref<2560x128xi32, #tpu.memory_space<hbm>>, %arg5: memref<10240x48xf32, #tpu.memory_space<hbm>>, %arg6: memref<2x10240x48xf32, #tpu.memory_space<hbm>>, %arg7: memref<80x128xi32, #tpu.memory_space<vmem>>, %arg8: memref<80x128xi32, #tpu.memory_space<vmem>>, %arg9: memref<2x5x128x48xf32, #tpu.memory_space<vmem>>, %arg10: memref<10240x48xf32, #tpu.memory_space<vmem_shared>>, %arg11: memref<!tpu.dma_semaphore, #tpu.memory_space<semaphore_mem>>, %arg12: memref<!tpu.dma_semaphore, #tpu.memory_space<semaphore_mem>>) attributes {dimension_semantics = [#tpu.dimension_semantics<core_parallel>, #tpu.dimension_semantics<subcore_parallel>], iteration_bounds = array<i64: 2, 16>, scalar_prefetch = 0 : i64, scratch_operands = 6 : i64, tpu.core_type = #tpu.core_type<sc_vector_subcore>, window_params = [{transform_indices = #map}, {transform_indices = #map}, {transform_indices = #map}, {transform_indices = #map}, {transform_indices = #map1}]} {
    %mul3A = arith.constant 16 : i32
    %mul3A_0 = arith.muli %arg0, %mul3A : i32
    %add3A = arith.addi %mul3A_0, %arg1 : i32
    %mul3A_1 = arith.constant 640 : i32
    %mul3A_2 = arith.muli %arg1, %mul3A_1 : i32
    %mul3A_3 = arith.constant 80 : i32
    %mul3A_4 = arith.muli %add3A, %mul3A_3 : i32
    "tpu.region"() ({
      %run_scoped3A = tpu.sem_alloc : memref<!tpu.dma_semaphore, #tpu.memory_space<semaphore_mem>>
      %dma_start3A_460 = arith.constant 0 : i32
      %dma_start3A_461 = tpu.memref_slice %arg3[%mul3A_4, %dma_start3A_460] : memref<2560x128xi32, #tpu.memory_space<hbm>> -> memref<80x128xi32, #tpu.memory_space<hbm>>
      %dma_start3A_462 = arith.constant 0 : i32
      %dma_start3A_463 = tpu.memref_slice %arg3[%mul3A_4, %dma_start3A_462] : memref<2560x128xi32, #tpu.memory_space<hbm>> -> memref<80x128xi32, #tpu.memory_space<hbm>>
      tpu.enqueue_dma source(%dma_start3A_463 : memref<80x128xi32, #tpu.memory_space<hbm>>) target(%arg7 : memref<80x128xi32, #tpu.memory_space<vmem>>) target_semaphore(%run_scoped3A : memref<!tpu.dma_semaphore, #tpu.memory_space<semaphore_mem>>)
      %dma_wait3A_464 = arith.constant 0 : i32
      %dma_wait3A_465 = tpu.memref_slice %arg3[%mul3A_4, %dma_wait3A_464] : memref<2560x128xi32, #tpu.memory_space<hbm>> -> memref<80x128xi32, #tpu.memory_space<hbm>>
      %dma_wait3A_466 = arith.constant 0 : i32
      %dma_wait3A_467 = tpu.memref_slice %arg3[%mul3A_4, %dma_wait3A_466] : memref<2560x128xi32, #tpu.memory_space<hbm>> -> memref<80x128xi32, #tpu.memory_space<hbm>>
      tpu.wait_dma2 semaphore(%run_scoped3A : memref<!tpu.dma_semaphore, #tpu.memory_space<semaphore_mem>>) src(%dma_wait3A_467 : memref<80x128xi32, #tpu.memory_space<hbm>>) dst(%arg7 : memref<80x128xi32, #tpu.memory_space<vmem>>)
      tpu.yield
    }) : () -> ()
    %mul3A_5 = arith.constant 80 : i32
    %mul3A_6 = arith.muli %add3A, %mul3A_5 : i32
    "tpu.region"() ({
      %run_scoped3A = tpu.sem_alloc : memref<!tpu.dma_semaphore, #tpu.memory_space<semaphore_mem>>
      %dma_start3A_460 = arith.constant 0 : i32
      %dma_start3A_461 = tpu.memref_slice %arg4[%mul3A_6, %dma_start3A_460] : memref<2560x128xi32, #tpu.memory_space<hbm>> -> memref<80x128xi32, #tpu.memory_space<hbm>>
      %dma_start3A_462 = arith.constant 0 : i32
      %dma_start3A_463 = tpu.memref_slice %arg4[%mul3A_6, %dma_start3A_462] : memref<2560x128xi32, #tpu.memory_space<hbm>> -> memref<80x128xi32, #tpu.memory_space<hbm>>
      tpu.enqueue_dma source(%dma_start3A_463 : memref<80x128xi32, #tpu.memory_space<hbm>>) target(%arg8 : memref<80x128xi32, #tpu.memory_space<vmem>>) target_semaphore(%run_scoped3A : memref<!tpu.dma_semaphore, #tpu.memory_space<semaphore_mem>>)
      %dma_wait3A_464 = arith.constant 0 : i32
      %dma_wait3A_465 = tpu.memref_slice %arg4[%mul3A_6, %dma_wait3A_464] : memref<2560x128xi32, #tpu.memory_space<hbm>> -> memref<80x128xi32, #tpu.memory_space<hbm>>
      %dma_wait3A_466 = arith.constant 0 : i32
      %dma_wait3A_467 = tpu.memref_slice %arg4[%mul3A_6, %dma_wait3A_466] : memref<2560x128xi32, #tpu.memory_space<hbm>> -> memref<80x128xi32, #tpu.memory_space<hbm>>
      tpu.wait_dma2 semaphore(%run_scoped3A : memref<!tpu.dma_semaphore, #tpu.memory_space<semaphore_mem>>) src(%dma_wait3A_467 : memref<80x128xi32, #tpu.memory_space<hbm>>) dst(%arg8 : memref<80x128xi32, #tpu.memory_space<vmem>>)
      tpu.yield
    }) : () -> ()
    "tpu.region"() ({
      %run_scoped3A = tpu.sem_alloc : memref<!tpu.dma_semaphore, #tpu.memory_space<semaphore_mem>>
      %dma_start3A_460 = arith.constant 0 : i32
      %dma_start3A_461 = tpu.memref_slice %arg10[%mul3A_2, %dma_start3A_460] : memref<10240x48xf32, #tpu.memory_space<vmem_shared>> -> memref<640x48xf32, #tpu.memory_space<vmem_shared>>
      %dma_start3A_462 = arith.constant 0 : i32
      %dma_start3A_463 = tpu.memref_slice %arg5[%mul3A_2, %dma_start3A_462] : memref<10240x48xf32, #tpu.memory_space<hbm>> -> memref<640x48xf32, #tpu.memory_space<hbm>>
      tpu.enqueue_dma source(%dma_start3A_463 : memref<640x48xf32, #tpu.memory_space<hbm>>) target(%dma_start3A_461 : memref<640x48xf32, #tpu.memory_space<vmem_shared>>) target_semaphore(%run_scoped3A : memref<!tpu.dma_semaphore, #tpu.memory_space<semaphore_mem>>)
      %dma_wait3A_464 = arith.constant 0 : i32
      %dma_wait3A_465 = tpu.memref_slice %arg10[%mul3A_2, %dma_wait3A_464] : memref<10240x48xf32, #tpu.memory_space<vmem_shared>> -> memref<640x48xf32, #tpu.memory_space<vmem_shared>>
      %dma_wait3A_466 = arith.constant 0 : i32
      %dma_wait3A_467 = tpu.memref_slice %arg5[%mul3A_2, %dma_wait3A_466] : memref<10240x48xf32, #tpu.memory_space<hbm>> -> memref<640x48xf32, #tpu.memory_space<hbm>>
      tpu.wait_dma2 semaphore(%run_scoped3A : memref<!tpu.dma_semaphore, #tpu.memory_space<semaphore_mem>>) src(%dma_wait3A_467 : memref<640x48xf32, #tpu.memory_space<hbm>>) dst(%dma_wait3A_465 : memref<640x48xf32, #tpu.memory_space<vmem_shared>>)
      tpu.yield
    }) : () -> ()
    %barrier3A = arith.constant 0 : index
    tpu.barrier barrier_id(%barrier3A)
    %dma_start3A = arith.constant 0 : i32
    %dma_start3A_7 = arith.constant 0 : i32
    %dma_start3A_8 = arith.constant 0 : i32
    %dma_start3A_9 = arith.constant 0 : i32
    %dma_start3A_10 = arith.constant 0 : i32
    %dma_start3A_11 = arith.constant 0 : i32
    %dma_start3A_12 = tpu.memref_slice %arg9[%dma_start3A_7, %dma_start3A_9, %dma_start3A_10, %dma_start3A_11] : memref<2x5x128x48xf32, #tpu.memory_space<vmem>> -> memref<1x5x128x48xf32, #tpu.memory_space<vmem>>
    %dma_start3A_13 = tpu.memref_squeeze %dma_start3A_12 : memref<1x5x128x48xf32, #tpu.memory_space<vmem>> -> memref<5x128x48xf32, #tpu.memory_space<vmem>>
    %dma_start3A_14 = arith.constant 0 : i32
    %dma_start3A_15 = arith.constant 0 : i32
    %dma_start3A_16 = tpu.memref_slice %dma_start3A_13[%dma_start3A_8, %dma_start3A_14, %dma_start3A_15] : memref<5x128x48xf32, #tpu.memory_space<vmem>> -> memref<1x128x48xf32, #tpu.memory_space<vmem>>
    %dma_start3A_17 = tpu.memref_squeeze %dma_start3A_16 : memref<1x128x48xf32, #tpu.memory_space<vmem>> -> memref<128x48xf32, #tpu.memory_space<vmem>>
    %dma_start3A_18 = arith.constant 0 : i32
    %dma_start3A_19 = tpu.memref_slice %arg7[%dma_start3A, %dma_start3A_18] : memref<80x128xi32, #tpu.memory_space<vmem>> -> memref<1x128xi32, #tpu.memory_space<vmem>>
    %dma_start3A_20 = tpu.memref_squeeze %dma_start3A_19 : memref<1x128xi32, #tpu.memory_space<vmem>> -> memref<128xi32, #tpu.memory_space<vmem>>
    %dma_start3A_21 = arith.constant 0 : i32
    %dma_start3A_22 = arith.constant 0 : i32
    %dma_start3A_23 = tpu.memref_slice %arg2[%dma_start3A_21, %dma_start3A_22] : memref<10240x48xf32, #tpu.memory_space<hbm>> -> memref<10240x48xf32, #tpu.memory_space<hbm>>
    tpu.enqueue_indirect_dma source(%dma_start3A_23 : memref<10240x48xf32, #tpu.memory_space<hbm>>) target(%dma_start3A_17 : memref<128x48xf32, #tpu.memory_space<vmem>>) offsets(%dma_start3A_20 : memref<128xi32, #tpu.memory_space<vmem>>) semaphore(%arg11 : memref<!tpu.dma_semaphore, #tpu.memory_space<semaphore_mem>>)
    %dma_start3A_24 = arith.constant 1 : i32
    %dma_start3A_25 = arith.constant 0 : i32
    %dma_start3A_26 = arith.constant 1 : i32
    %dma_start3A_27 = arith.constant 0 : i32
    %dma_start3A_28 = arith.constant 0 : i32
    %dma_start3A_29 = arith.constant 0 : i32
    %dma_start3A_30 = tpu.memref_slice %arg9[%dma_start3A_25, %dma_start3A_27, %dma_start3A_28, %dma_start3A_29] : memref<2x5x128x48xf32, #tpu.memory_space<vmem>> -> memref<1x5x128x48xf32, #tpu.memory_space<vmem>>
    %dma_start3A_31 = tpu.memref_squeeze %dma_start3A_30 : memref<1x5x128x48xf32, #tpu.memory_space<vmem>> -> memref<5x128x48xf32, #tpu.memory_space<vmem>>
    %dma_start3A_32 = arith.constant 0 : i32
    %dma_start3A_33 = arith.constant 0 : i32
    %dma_start3A_34 = tpu.memref_slice %dma_start3A_31[%dma_start3A_26, %dma_start3A_32, %dma_start3A_33] : memref<5x128x48xf32, #tpu.memory_space<vmem>> -> memref<1x128x48xf32, #tpu.memory_space<vmem>>
    %dma_start3A_35 = tpu.memref_squeeze %dma_start3A_34 : memref<1x128x48xf32, #tpu.memory_space<vmem>> -> memref<128x48xf32, #tpu.memory_space<vmem>>
    %dma_start3A_36 = arith.constant 0 : i32
    %dma_start3A_37 = tpu.memref_slice %arg7[%dma_start3A_24, %dma_start3A_36] : memref<80x128xi32, #tpu.memory_space<vmem>> -> memref<1x128xi32, #tpu.memory_space<vmem>>
    %dma_start3A_38 = tpu.memref_squeeze %dma_start3A_37 : memref<1x128xi32, #tpu.memory_space<vmem>> -> memref<128xi32, #tpu.memory_space<vmem>>
    %dma_start3A_39 = arith.constant 0 : i32
    %dma_start3A_40 = arith.constant 0 : i32
    %dma_start3A_41 = tpu.memref_slice %arg2[%dma_start3A_39, %dma_start3A_40] : memref<10240x48xf32, #tpu.memory_space<hbm>> -> memref<10240x48xf32, #tpu.memory_space<hbm>>
    tpu.enqueue_indirect_dma source(%dma_start3A_41 : memref<10240x48xf32, #tpu.memory_space<hbm>>) target(%dma_start3A_35 : memref<128x48xf32, #tpu.memory_space<vmem>>) offsets(%dma_start3A_38 : memref<128xi32, #tpu.memory_space<vmem>>) semaphore(%arg11 : memref<!tpu.dma_semaphore, #tpu.memory_space<semaphore_mem>>)
    %dma_start3A_42 = arith.constant 2 : i32
    %dma_start3A_43 = arith.constant 0 : i32
    %dma_start3A_44 = arith.constant 2 : i32
    %dma_start3A_45 = arith.constant 0 : i32
    %dma_start3A_46 = arith.constant 0 : i32
    %dma_start3A_47 = arith.constant 0 : i32
    %dma_start3A_48 = tpu.memref_slice %arg9[%dma_start3A_43, %dma_start3A_45, %dma_start3A_46, %dma_start3A_47] : memref<2x5x128x48xf32, #tpu.memory_space<vmem>> -> memref<1x5x128x48xf32, #tpu.memory_space<vmem>>
    %dma_start3A_49 = tpu.memref_squeeze %dma_start3A_48 : memref<1x5x128x48xf32, #tpu.memory_space<vmem>> -> memref<5x128x48xf32, #tpu.memory_space<vmem>>
    %dma_start3A_50 = arith.constant 0 : i32
    %dma_start3A_51 = arith.constant 0 : i32
    %dma_start3A_52 = tpu.memref_slice %dma_start3A_49[%dma_start3A_44, %dma_start3A_50, %dma_start3A_51] : memref<5x128x48xf32, #tpu.memory_space<vmem>> -> memref<1x128x48xf32, #tpu.memory_space<vmem>>
    %dma_start3A_53 = tpu.memref_squeeze %dma_start3A_52 : memref<1x128x48xf32, #tpu.memory_space<vmem>> -> memref<128x48xf32, #tpu.memory_space<vmem>>
    %dma_start3A_54 = arith.constant 0 : i32
    %dma_start3A_55 = tpu.memref_slice %arg7[%dma_start3A_42, %dma_start3A_54] : memref<80x128xi32, #tpu.memory_space<vmem>> -> memref<1x128xi32, #tpu.memory_space<vmem>>
    %dma_start3A_56 = tpu.memref_squeeze %dma_start3A_55 : memref<1x128xi32, #tpu.memory_space<vmem>> -> memref<128xi32, #tpu.memory_space<vmem>>
    %dma_start3A_57 = arith.constant 0 : i32
    %dma_start3A_58 = arith.constant 0 : i32
    %dma_start3A_59 = tpu.memref_slice %arg2[%dma_start3A_57, %dma_start3A_58] : memref<10240x48xf32, #tpu.memory_space<hbm>> -> memref<10240x48xf32, #tpu.memory_space<hbm>>
    tpu.enqueue_indirect_dma source(%dma_start3A_59 : memref<10240x48xf32, #tpu.memory_space<hbm>>) target(%dma_start3A_53 : memref<128x48xf32, #tpu.memory_space<vmem>>) offsets(%dma_start3A_56 : memref<128xi32, #tpu.memory_space<vmem>>) semaphore(%arg11 : memref<!tpu.dma_semaphore, #tpu.memory_space<semaphore_mem>>)
    %dma_start3A_60 = arith.constant 3 : i32
    %dma_start3A_61 = arith.constant 0 : i32
    %dma_start3A_62 = arith.constant 3 : i32
    %dma_start3A_63 = arith.constant 0 : i32
    %dma_start3A_64 = arith.constant 0 : i32
    %dma_start3A_65 = arith.constant 0 : i32
    %dma_start3A_66 = tpu.memref_slice %arg9[%dma_start3A_61, %dma_start3A_63, %dma_start3A_64, %dma_start3A_65] : memref<2x5x128x48xf32, #tpu.memory_space<vmem>> -> memref<1x5x128x48xf32, #tpu.memory_space<vmem>>
    %dma_start3A_67 = tpu.memref_squeeze %dma_start3A_66 : memref<1x5x128x48xf32, #tpu.memory_space<vmem>> -> memref<5x128x48xf32, #tpu.memory_space<vmem>>
    %dma_start3A_68 = arith.constant 0 : i32
    %dma_start3A_69 = arith.constant 0 : i32
    %dma_start3A_70 = tpu.memref_slice %dma_start3A_67[%dma_start3A_62, %dma_start3A_68, %dma_start3A_69] : memref<5x128x48xf32, #tpu.memory_space<vmem>> -> memref<1x128x48xf32, #tpu.memory_space<vmem>>
    %dma_start3A_71 = tpu.memref_squeeze %dma_start3A_70 : memref<1x128x48xf32, #tpu.memory_space<vmem>> -> memref<128x48xf32, #tpu.memory_space<vmem>>
    %dma_start3A_72 = arith.constant 0 : i32
    %dma_start3A_73 = tpu.memref_slice %arg7[%dma_start3A_60, %dma_start3A_72] : memref<80x128xi32, #tpu.memory_space<vmem>> -> memref<1x128xi32, #tpu.memory_space<vmem>>
    %dma_start3A_74 = tpu.memref_squeeze %dma_start3A_73 : memref<1x128xi32, #tpu.memory_space<vmem>> -> memref<128xi32, #tpu.memory_space<vmem>>
    %dma_start3A_75 = arith.constant 0 : i32
    %dma_start3A_76 = arith.constant 0 : i32
    %dma_start3A_77 = tpu.memref_slice %arg2[%dma_start3A_75, %dma_start3A_76] : memref<10240x48xf32, #tpu.memory_space<hbm>> -> memref<10240x48xf32, #tpu.memory_space<hbm>>
    tpu.enqueue_indirect_dma source(%dma_start3A_77 : memref<10240x48xf32, #tpu.memory_space<hbm>>) target(%dma_start3A_71 : memref<128x48xf32, #tpu.memory_space<vmem>>) offsets(%dma_start3A_74 : memref<128xi32, #tpu.memory_space<vmem>>) semaphore(%arg11 : memref<!tpu.dma_semaphore, #tpu.memory_space<semaphore_mem>>)
    %dma_start3A_78 = arith.constant 4 : i32
    %dma_start3A_79 = arith.constant 0 : i32
    %dma_start3A_80 = arith.constant 4 : i32
    %dma_start3A_81 = arith.constant 0 : i32
    %dma_start3A_82 = arith.constant 0 : i32
    %dma_start3A_83 = arith.constant 0 : i32
    %dma_start3A_84 = tpu.memref_slice %arg9[%dma_start3A_79, %dma_start3A_81, %dma_start3A_82, %dma_start3A_83] : memref<2x5x128x48xf32, #tpu.memory_space<vmem>> -> memref<1x5x128x48xf32, #tpu.memory_space<vmem>>
    %dma_start3A_85 = tpu.memref_squeeze %dma_start3A_84 : memref<1x5x128x48xf32, #tpu.memory_space<vmem>> -> memref<5x128x48xf32, #tpu.memory_space<vmem>>
    %dma_start3A_86 = arith.constant 0 : i32
    %dma_start3A_87 = arith.constant 0 : i32
    %dma_start3A_88 = tpu.memref_slice %dma_start3A_85[%dma_start3A_80, %dma_start3A_86, %dma_start3A_87] : memref<5x128x48xf32, #tpu.memory_space<vmem>> -> memref<1x128x48xf32, #tpu.memory_space<vmem>>
    %dma_start3A_89 = tpu.memref_squeeze %dma_start3A_88 : memref<1x128x48xf32, #tpu.memory_space<vmem>> -> memref<128x48xf32, #tpu.memory_space<vmem>>
    %dma_start3A_90 = arith.constant 0 : i32
    %dma_start3A_91 = tpu.memref_slice %arg7[%dma_start3A_78, %dma_start3A_90] : memref<80x128xi32, #tpu.memory_space<vmem>> -> memref<1x128xi32, #tpu.memory_space<vmem>>
    %dma_start3A_92 = tpu.memref_squeeze %dma_start3A_91 : memref<1x128xi32, #tpu.memory_space<vmem>> -> memref<128xi32, #tpu.memory_space<vmem>>
    %dma_start3A_93 = arith.constant 0 : i32
    %dma_start3A_94 = arith.constant 0 : i32
    %dma_start3A_95 = tpu.memref_slice %arg2[%dma_start3A_93, %dma_start3A_94] : memref<10240x48xf32, #tpu.memory_space<hbm>> -> memref<10240x48xf32, #tpu.memory_space<hbm>>
    tpu.enqueue_indirect_dma source(%dma_start3A_95 : memref<10240x48xf32, #tpu.memory_space<hbm>>) target(%dma_start3A_89 : memref<128x48xf32, #tpu.memory_space<vmem>>) offsets(%dma_start3A_92 : memref<128xi32, #tpu.memory_space<vmem>>) semaphore(%arg11 : memref<!tpu.dma_semaphore, #tpu.memory_space<semaphore_mem>>)
    %scan3A = arith.constant 0 : i32
    %scan3A_96 = arith.constant 15 : i32
    %scan3A_97 = arith.addi %scan3A, %scan3A_96 : i32
    %scan3A_98 = arith.constant 1 : i32
    scf.for %scan3A_460 = %scan3A to %scan3A_97 step %scan3A_98  : i32 {
      %mul3A_461 = arith.constant 1 : i32
      %mul3A_462 = arith.muli %scan3A_460, %mul3A_461 : i32
      %add3A_463 = arith.constant 0 : i32
      %add3A_464 = arith.addi %add3A_463, %mul3A_462 : i32
      %rem3A = arith.constant 2 : i32
      %rem3A_465 = arith.remsi %add3A_464, %rem3A : i32
      %sub3A = arith.constant 1 : i32
      %sub3A_466 = arith.subi %sub3A, %rem3A_465 : i32
      %ge3A = arith.constant 1 : i32
      %ge3A_467 = arith.cmpi sge, %add3A_464, %ge3A : i32
      %convert_element_type3A = arith.extui %ge3A_467 : i1 to i32
      %cond3A = arith.constant 0 : i32
      %cond3A_468 = arith.cmpi ne, %convert_element_type3A, %cond3A : i32
      scf.if %cond3A_468 {
        %dma_wait3A_756 = arith.constant 0 : i32
        %dma_wait3A_757 = arith.constant 0 : i32
        %dma_wait3A_758 = arith.constant 0 : i32
        %dma_wait3A_759 = arith.constant 0 : i32
        %dma_wait3A_760 = arith.constant 0 : i32
        %dma_wait3A_761 = tpu.memref_slice %arg9[%sub3A_466, %dma_wait3A_758, %dma_wait3A_759, %dma_wait3A_760] : memref<2x5x128x48xf32, #tpu.memory_space<vmem>> -> memref<1x5x128x48xf32, #tpu.memory_space<vmem>>
        %dma_wait3A_762 = tpu.memref_squeeze %dma_wait3A_761 : memref<1x5x128x48xf32, #tpu.memory_space<vmem>> -> memref<5x128x48xf32, #tpu.memory_space<vmem>>
        %dma_wait3A_763 = arith.constant 0 : i32
        %dma_wait3A_764 = arith.constant 0 : i32
        %dma_wait3A_765 = tpu.memref_slice %dma_wait3A_762[%dma_wait3A_756, %dma_wait3A_763, %dma_wait3A_764] : memref<5x128x48xf32, #tpu.memory_space<vmem>> -> memref<1x128x48xf32, #tpu.memory_space<vmem>>
        %dma_wait3A_766 = tpu.memref_squeeze %dma_wait3A_765 : memref<1x128x48xf32, #tpu.memory_space<vmem>> -> memref<128x48xf32, #tpu.memory_space<vmem>>
        %dma_wait3A_767 = arith.constant 0 : i32
        %dma_wait3A_768 = tpu.memref_slice %arg8[%dma_wait3A_757, %dma_wait3A_767] : memref<80x128xi32, #tpu.memory_space<vmem>> -> memref<1x128xi32, #tpu.memory_space<vmem>>
        %dma_wait3A_769 = tpu.memref_squeeze %dma_wait3A_768 : memref<1x128xi32, #tpu.memory_space<vmem>> -> memref<128xi32, #tpu.memory_space<vmem>>
        %dma_wait3A_770 = arith.constant 0 : i32
        %dma_wait3A_771 = arith.constant 0 : i32
        %dma_wait3A_772 = tpu.memref_slice %arg10[%dma_wait3A_770, %dma_wait3A_771] : memref<10240x48xf32, #tpu.memory_space<vmem_shared>> -> memref<10240x48xf32, #tpu.memory_space<vmem_shared>>
        tpu.wait_indirect_dma semaphore(%arg12 : memref<!tpu.dma_semaphore, #tpu.memory_space<semaphore_mem>>) src(%dma_wait3A_766 : memref<128x48xf32, #tpu.memory_space<vmem>>) dst(%dma_wait3A_772 : memref<10240x48xf32, #tpu.memory_space<vmem_shared>>)
        %dma_wait3A_773 = arith.constant 1 : i32
        %dma_wait3A_774 = arith.constant 1 : i32
        %dma_wait3A_775 = arith.constant 0 : i32
        %dma_wait3A_776 = arith.constant 0 : i32
        %dma_wait3A_777 = arith.constant 0 : i32
        %dma_wait3A_778 = tpu.memref_slice %arg9[%sub3A_466, %dma_wait3A_775, %dma_wait3A_776, %dma_wait3A_777] : memref<2x5x128x48xf32, #tpu.memory_space<vmem>> -> memref<1x5x128x48xf32, #tpu.memory_space<vmem>>
        %dma_wait3A_779 = tpu.memref_squeeze %dma_wait3A_778 : memref<1x5x128x48xf32, #tpu.memory_space<vmem>> -> memref<5x128x48xf32, #tpu.memory_space<vmem>>
        %dma_wait3A_780 = arith.constant 0 : i32
        %dma_wait3A_781 = arith.constant 0 : i32
        %dma_wait3A_782 = tpu.memref_slice %dma_wait3A_779[%dma_wait3A_773, %dma_wait3A_780, %dma_wait3A_781] : memref<5x128x48xf32, #tpu.memory_space<vmem>> -> memref<1x128x48xf32, #tpu.memory_space<vmem>>
        %dma_wait3A_783 = tpu.memref_squeeze %dma_wait3A_782 : memref<1x128x48xf32, #tpu.memory_space<vmem>> -> memref<128x48xf32, #tpu.memory_space<vmem>>
        %dma_wait3A_784 = arith.constant 0 : i32
        %dma_wait3A_785 = tpu.memref_slice %arg8[%dma_wait3A_774, %dma_wait3A_784] : memref<80x128xi32, #tpu.memory_space<vmem>> -> memref<1x128xi32, #tpu.memory_space<vmem>>
        %dma_wait3A_786 = tpu.memref_squeeze %dma_wait3A_785 : memref<1x128xi32, #tpu.memory_space<vmem>> -> memref<128xi32, #tpu.memory_space<vmem>>
        %dma_wait3A_787 = arith.constant 0 : i32
        %dma_wait3A_788 = arith.constant 0 : i32
        %dma_wait3A_789 = tpu.memref_slice %arg10[%dma_wait3A_787, %dma_wait3A_788] : memref<10240x48xf32, #tpu.memory_space<vmem_shared>> -> memref<10240x48xf32, #tpu.memory_space<vmem_shared>>
        tpu.wait_indirect_dma semaphore(%arg12 : memref<!tpu.dma_semaphore, #tpu.memory_space<semaphore_mem>>) src(%dma_wait3A_783 : memref<128x48xf32, #tpu.memory_space<vmem>>) dst(%dma_wait3A_789 : memref<10240x48xf32, #tpu.memory_space<vmem_shared>>)
        %dma_wait3A_790 = arith.constant 2 : i32
        %dma_wait3A_791 = arith.constant 2 : i32
        %dma_wait3A_792 = arith.constant 0 : i32
        %dma_wait3A_793 = arith.constant 0 : i32
        %dma_wait3A_794 = arith.constant 0 : i32
        %dma_wait3A_795 = tpu.memref_slice %arg9[%sub3A_466, %dma_wait3A_792, %dma_wait3A_793, %dma_wait3A_794] : memref<2x5x128x48xf32, #tpu.memory_space<vmem>> -> memref<1x5x128x48xf32, #tpu.memory_space<vmem>>
        %dma_wait3A_796 = tpu.memref_squeeze %dma_wait3A_795 : memref<1x5x128x48xf32, #tpu.memory_space<vmem>> -> memref<5x128x48xf32, #tpu.memory_space<vmem>>
        %dma_wait3A_797 = arith.constant 0 : i32
        %dma_wait3A_798 = arith.constant 0 : i32
        %dma_wait3A_799 = tpu.memref_slice %dma_wait3A_796[%dma_wait3A_790, %dma_wait3A_797, %dma_wait3A_798] : memref<5x128x48xf32, #tpu.memory_space<vmem>> -> memref<1x128x48xf32, #tpu.memory_space<vmem>>
        %dma_wait3A_800 = tpu.memref_squeeze %dma_wait3A_799 : memref<1x128x48xf32, #tpu.memory_space<vmem>> -> memref<128x48xf32, #tpu.memory_space<vmem>>
        %dma_wait3A_801 = arith.constant 0 : i32
        %dma_wait3A_802 = tpu.memref_slice %arg8[%dma_wait3A_791, %dma_wait3A_801] : memref<80x128xi32, #tpu.memory_space<vmem>> -> memref<1x128xi32, #tpu.memory_space<vmem>>
        %dma_wait3A_803 = tpu.memref_squeeze %dma_wait3A_802 : memref<1x128xi32, #tpu.memory_space<vmem>> -> memref<128xi32, #tpu.memory_space<vmem>>
        %dma_wait3A_804 = arith.constant 0 : i32
        %dma_wait3A_805 = arith.constant 0 : i32
        %dma_wait3A_806 = tpu.memref_slice %arg10[%dma_wait3A_804, %dma_wait3A_805] : memref<10240x48xf32, #tpu.memory_space<vmem_shared>> -> memref<10240x48xf32, #tpu.memory_space<vmem_shared>>
        tpu.wait_indirect_dma semaphore(%arg12 : memref<!tpu.dma_semaphore, #tpu.memory_space<semaphore_mem>>) src(%dma_wait3A_800 : memref<128x48xf32, #tpu.memory_space<vmem>>) dst(%dma_wait3A_806 : memref<10240x48xf32, #tpu.memory_space<vmem_shared>>)
        %dma_wait3A_807 = arith.constant 3 : i32
        %dma_wait3A_808 = arith.constant 3 : i32
        %dma_wait3A_809 = arith.constant 0 : i32
        %dma_wait3A_810 = arith.constant 0 : i32
        %dma_wait3A_811 = arith.constant 0 : i32
        %dma_wait3A_812 = tpu.memref_slice %arg9[%sub3A_466, %dma_wait3A_809, %dma_wait3A_810, %dma_wait3A_811] : memref<2x5x128x48xf32, #tpu.memory_space<vmem>> -> memref<1x5x128x48xf32, #tpu.memory_space<vmem>>
        %dma_wait3A_813 = tpu.memref_squeeze %dma_wait3A_812 : memref<1x5x128x48xf32, #tpu.memory_space<vmem>> -> memref<5x128x48xf32, #tpu.memory_space<vmem>>
        %dma_wait3A_814 = arith.constant 0 : i32
        %dma_wait3A_815 = arith.constant 0 : i32
        %dma_wait3A_816 = tpu.memref_slice %dma_wait3A_813[%dma_wait3A_807, %dma_wait3A_814, %dma_wait3A_815] : memref<5x128x48xf32, #tpu.memory_space<vmem>> -> memref<1x128x48xf32, #tpu.memory_space<vmem>>
        %dma_wait3A_817 = tpu.memref_squeeze %dma_wait3A_816 : memref<1x128x48xf32, #tpu.memory_space<vmem>> -> memref<128x48xf32, #tpu.memory_space<vmem>>
        %dma_wait3A_818 = arith.constant 0 : i32
        %dma_wait3A_819 = tpu.memref_slice %arg8[%dma_wait3A_808, %dma_wait3A_818] : memref<80x128xi32, #tpu.memory_space<vmem>> -> memref<1x128xi32, #tpu.memory_space<vmem>>
        %dma_wait3A_820 = tpu.memref_squeeze %dma_wait3A_819 : memref<1x128xi32, #tpu.memory_space<vmem>> -> memref<128xi32, #tpu.memory_space<vmem>>
        %dma_wait3A_821 = arith.constant 0 : i32
        %dma_wait3A_822 = arith.constant 0 : i32
        %dma_wait3A_823 = tpu.memref_slice %arg10[%dma_wait3A_821, %dma_wait3A_822] : memref<10240x48xf32, #tpu.memory_space<vmem_shared>> -> memref<10240x48xf32, #tpu.memory_space<vmem_shared>>
        tpu.wait_indirect_dma semaphore(%arg12 : memref<!tpu.dma_semaphore, #tpu.memory_space<semaphore_mem>>) src(%dma_wait3A_817 : memref<128x48xf32, #tpu.memory_space<vmem>>) dst(%dma_wait3A_823 : memref<10240x48xf32, #tpu.memory_space<vmem_shared>>)
        %dma_wait3A_824 = arith.constant 4 : i32
        %dma_wait3A_825 = arith.constant 4 : i32
        %dma_wait3A_826 = arith.constant 0 : i32
        %dma_wait3A_827 = arith.constant 0 : i32
        %dma_wait3A_828 = arith.constant 0 : i32
        %dma_wait3A_829 = tpu.memref_slice %arg9[%sub3A_466, %dma_wait3A_826, %dma_wait3A_827, %dma_wait3A_828] : memref<2x5x128x48xf32, #tpu.memory_space<vmem>> -> memref<1x5x128x48xf32, #tpu.memory_space<vmem>>
        %dma_wait3A_830 = tpu.memref_squeeze %dma_wait3A_829 : memref<1x5x128x48xf32, #tpu.memory_space<vmem>> -> memref<5x128x48xf32, #tpu.memory_space<vmem>>
        %dma_wait3A_831 = arith.constant 0 : i32
        %dma_wait3A_832 = arith.constant 0 : i32
        %dma_wait3A_833 = tpu.memref_slice %dma_wait3A_830[%dma_wait3A_824, %dma_wait3A_831, %dma_wait3A_832] : memref<5x128x48xf32, #tpu.memory_space<vmem>> -> memref<1x128x48xf32, #tpu.memory_space<vmem>>
        %dma_wait3A_834 = tpu.memref_squeeze %dma_wait3A_833 : memref<1x128x48xf32, #tpu.memory_space<vmem>> -> memref<128x48xf32, #tpu.memory_space<vmem>>
        %dma_wait3A_835 = arith.constant 0 : i32
        %dma_wait3A_836 = tpu.memref_slice %arg8[%dma_wait3A_825, %dma_wait3A_835] : memref<80x128xi32, #tpu.memory_space<vmem>> -> memref<1x128xi32, #tpu.memory_space<vmem>>
        %dma_wait3A_837 = tpu.memref_squeeze %dma_wait3A_836 : memref<1x128xi32, #tpu.memory_space<vmem>> -> memref<128xi32, #tpu.memory_space<vmem>>
        %dma_wait3A_838 = arith.constant 0 : i32
        %dma_wait3A_839 = arith.constant 0 : i32
        %dma_wait3A_840 = tpu.memref_slice %arg10[%dma_wait3A_838, %dma_wait3A_839] : memref<10240x48xf32, #tpu.memory_space<vmem_shared>> -> memref<10240x48xf32, #tpu.memory_space<vmem_shared>>
        tpu.wait_indirect_dma semaphore(%arg12 : memref<!tpu.dma_semaphore, #tpu.memory_space<semaphore_mem>>) src(%dma_wait3A_834 : memref<128x48xf32, #tpu.memory_space<vmem>>) dst(%dma_wait3A_840 : memref<10240x48xf32, #tpu.memory_space<vmem_shared>>)
      } else {
      }
      %add3A_469 = arith.constant 1 : i32
      %add3A_470 = arith.addi %add3A_464, %add3A_469 : i32
      %mul3A_471 = arith.constant 5 : i32
      %mul3A_472 = arith.muli %add3A_470, %mul3A_471 : i32
      %add3A_473 = arith.constant 0 : i32
      %add3A_474 = arith.addi %mul3A_472, %add3A_473 : i32
      %dma_start3A_475 = arith.constant 0 : i32
      %dma_start3A_476 = arith.constant 0 : i32
      %dma_start3A_477 = arith.constant 0 : i32
      %dma_start3A_478 = arith.constant 0 : i32
      %dma_start3A_479 = tpu.memref_slice %arg9[%sub3A_466, %dma_start3A_476, %dma_start3A_477, %dma_start3A_478] : memref<2x5x128x48xf32, #tpu.memory_space<vmem>> -> memref<1x5x128x48xf32, #tpu.memory_space<vmem>>
      %dma_start3A_480 = tpu.memref_squeeze %dma_start3A_479 : memref<1x5x128x48xf32, #tpu.memory_space<vmem>> -> memref<5x128x48xf32, #tpu.memory_space<vmem>>
      %dma_start3A_481 = arith.constant 0 : i32
      %dma_start3A_482 = arith.constant 0 : i32
      %dma_start3A_483 = tpu.memref_slice %dma_start3A_480[%dma_start3A_475, %dma_start3A_481, %dma_start3A_482] : memref<5x128x48xf32, #tpu.memory_space<vmem>> -> memref<1x128x48xf32, #tpu.memory_space<vmem>>
      %dma_start3A_484 = tpu.memref_squeeze %dma_start3A_483 : memref<1x128x48xf32, #tpu.memory_space<vmem>> -> memref<128x48xf32, #tpu.memory_space<vmem>>
      %dma_start3A_485 = arith.constant 0 : i32
      %dma_start3A_486 = tpu.memref_slice %arg7[%add3A_474, %dma_start3A_485] : memref<80x128xi32, #tpu.memory_space<vmem>> -> memref<1x128xi32, #tpu.memory_space<vmem>>
      %dma_start3A_487 = tpu.memref_squeeze %dma_start3A_486 : memref<1x128xi32, #tpu.memory_space<vmem>> -> memref<128xi32, #tpu.memory_space<vmem>>
      %dma_start3A_488 = arith.constant 0 : i32
      %dma_start3A_489 = arith.constant 0 : i32
      %dma_start3A_490 = tpu.memref_slice %arg2[%dma_start3A_488, %dma_start3A_489] : memref<10240x48xf32, #tpu.memory_space<hbm>> -> memref<10240x48xf32, #tpu.memory_space<hbm>>
      tpu.enqueue_indirect_dma source(%dma_start3A_490 : memref<10240x48xf32, #tpu.memory_space<hbm>>) target(%dma_start3A_484 : memref<128x48xf32, #tpu.memory_space<vmem>>) offsets(%dma_start3A_487 : memref<128xi32, #tpu.memory_space<vmem>>) semaphore(%arg11 : memref<!tpu.dma_semaphore, #tpu.memory_space<semaphore_mem>>)
      %mul3A_491 = arith.constant 5 : i32
      %mul3A_492 = arith.muli %add3A_470, %mul3A_491 : i32
      %add3A_493 = arith.constant 1 : i32
      %add3A_494 = arith.addi %mul3A_492, %add3A_493 : i32
      %dma_start3A_495 = arith.constant 1 : i32
      %dma_start3A_496 = arith.constant 0 : i32
      %dma_start3A_497 = arith.constant 0 : i32
      %dma_start3A_498 = arith.constant 0 : i32
      %dma_start3A_499 = tpu.memref_slice %arg9[%sub3A_466, %dma_start3A_496, %dma_start3A_497, %dma_start3A_498] : memref<2x5x128x48xf32, #tpu.memory_space<vmem>> -> memref<1x5x128x48xf32, #tpu.memory_space<vmem>>
      %dma_start3A_500 = tpu.memref_squeeze %dma_start3A_499 : memref<1x5x128x48xf32, #tpu.memory_space<vmem>> -> memref<5x128x48xf32, #tpu.memory_space<vmem>>
      %dma_start3A_501 = arith.constant 0 : i32
      %dma_start3A_502 = arith.constant 0 : i32
      %dma_start3A_503 = tpu.memref_slice %dma_start3A_500[%dma_start3A_495, %dma_start3A_501, %dma_start3A_502] : memref<5x128x48xf32, #tpu.memory_space<vmem>> -> memref<1x128x48xf32, #tpu.memory_space<vmem>>
      %dma_start3A_504 = tpu.memref_squeeze %dma_start3A_503 : memref<1x128x48xf32, #tpu.memory_space<vmem>> -> memref<128x48xf32, #tpu.memory_space<vmem>>
      %dma_start3A_505 = arith.constant 0 : i32
      %dma_start3A_506 = tpu.memref_slice %arg7[%add3A_494, %dma_start3A_505] : memref<80x128xi32, #tpu.memory_space<vmem>> -> memref<1x128xi32, #tpu.memory_space<vmem>>
      %dma_start3A_507 = tpu.memref_squeeze %dma_start3A_506 : memref<1x128xi32, #tpu.memory_space<vmem>> -> memref<128xi32, #tpu.memory_space<vmem>>
      %dma_start3A_508 = arith.constant 0 : i32
      %dma_start3A_509 = arith.constant 0 : i32
      %dma_start3A_510 = tpu.memref_slice %arg2[%dma_start3A_508, %dma_start3A_509] : memref<10240x48xf32, #tpu.memory_space<hbm>> -> memref<10240x48xf32, #tpu.memory_space<hbm>>
      tpu.enqueue_indirect_dma source(%dma_start3A_510 : memref<10240x48xf32, #tpu.memory_space<hbm>>) target(%dma_start3A_504 : memref<128x48xf32, #tpu.memory_space<vmem>>) offsets(%dma_start3A_507 : memref<128xi32, #tpu.memory_space<vmem>>) semaphore(%arg11 : memref<!tpu.dma_semaphore, #tpu.memory_space<semaphore_mem>>)
      %mul3A_511 = arith.constant 5 : i32
      %mul3A_512 = arith.muli %add3A_470, %mul3A_511 : i32
      %add3A_513 = arith.constant 2 : i32
      %add3A_514 = arith.addi %mul3A_512, %add3A_513 : i32
      %dma_start3A_515 = arith.constant 2 : i32
      %dma_start3A_516 = arith.constant 0 : i32
      %dma_start3A_517 = arith.constant 0 : i32
      %dma_start3A_518 = arith.constant 0 : i32
      %dma_start3A_519 = tpu.memref_slice %arg9[%sub3A_466, %dma_start3A_516, %dma_start3A_517, %dma_start3A_518] : memref<2x5x128x48xf32, #tpu.memory_space<vmem>> -> memref<1x5x128x48xf32, #tpu.memory_space<vmem>>
      %dma_start3A_520 = tpu.memref_squeeze %dma_start3A_519 : memref<1x5x128x48xf32, #tpu.memory_space<vmem>> -> memref<5x128x48xf32, #tpu.memory_space<vmem>>
      %dma_start3A_521 = arith.constant 0 : i32
      %dma_start3A_522 = arith.constant 0 : i32
      %dma_start3A_523 = tpu.memref_slice %dma_start3A_520[%dma_start3A_515, %dma_start3A_521, %dma_start3A_522] : memref<5x128x48xf32, #tpu.memory_space<vmem>> -> memref<1x128x48xf32, #tpu.memory_space<vmem>>
      %dma_start3A_524 = tpu.memref_squeeze %dma_start3A_523 : memref<1x128x48xf32, #tpu.memory_space<vmem>> -> memref<128x48xf32, #tpu.memory_space<vmem>>
      %dma_start3A_525 = arith.constant 0 : i32
      %dma_start3A_526 = tpu.memref_slice %arg7[%add3A_514, %dma_start3A_525] : memref<80x128xi32, #tpu.memory_space<vmem>> -> memref<1x128xi32, #tpu.memory_space<vmem>>
      %dma_start3A_527 = tpu.memref_squeeze %dma_start3A_526 : memref<1x128xi32, #tpu.memory_space<vmem>> -> memref<128xi32, #tpu.memory_space<vmem>>
      %dma_start3A_528 = arith.constant 0 : i32
      %dma_start3A_529 = arith.constant 0 : i32
      %dma_start3A_530 = tpu.memref_slice %arg2[%dma_start3A_528, %dma_start3A_529] : memref<10240x48xf32, #tpu.memory_space<hbm>> -> memref<10240x48xf32, #tpu.memory_space<hbm>>
      tpu.enqueue_indirect_dma source(%dma_start3A_530 : memref<10240x48xf32, #tpu.memory_space<hbm>>) target(%dma_start3A_524 : memref<128x48xf32, #tpu.memory_space<vmem>>) offsets(%dma_start3A_527 : memref<128xi32, #tpu.memory_space<vmem>>) semaphore(%arg11 : memref<!tpu.dma_semaphore, #tpu.memory_space<semaphore_mem>>)
      %mul3A_531 = arith.constant 5 : i32
      %mul3A_532 = arith.muli %add3A_470, %mul3A_531 : i32
      %add3A_533 = arith.constant 3 : i32
      %add3A_534 = arith.addi %mul3A_532, %add3A_533 : i32
      %dma_start3A_535 = arith.constant 3 : i32
      %dma_start3A_536 = arith.constant 0 : i32
      %dma_start3A_537 = arith.constant 0 : i32
      %dma_start3A_538 = arith.constant 0 : i32
      %dma_start3A_539 = tpu.memref_slice %arg9[%sub3A_466, %dma_start3A_536, %dma_start3A_537, %dma_start3A_538] : memref<2x5x128x48xf32, #tpu.memory_space<vmem>> -> memref<1x5x128x48xf32, #tpu.memory_space<vmem>>
      %dma_start3A_540 = tpu.memref_squeeze %dma_start3A_539 : memref<1x5x128x48xf32, #tpu.memory_space<vmem>> -> memref<5x128x48xf32, #tpu.memory_space<vmem>>
      %dma_start3A_541 = arith.constant 0 : i32
      %dma_start3A_542 = arith.constant 0 : i32
      %dma_start3A_543 = tpu.memref_slice %dma_start3A_540[%dma_start3A_535, %dma_start3A_541, %dma_start3A_542] : memref<5x128x48xf32, #tpu.memory_space<vmem>> -> memref<1x128x48xf32, #tpu.memory_space<vmem>>
      %dma_start3A_544 = tpu.memref_squeeze %dma_start3A_543 : memref<1x128x48xf32, #tpu.memory_space<vmem>> -> memref<128x48xf32, #tpu.memory_space<vmem>>
      %dma_start3A_545 = arith.constant 0 : i32
      %dma_start3A_546 = tpu.memref_slice %arg7[%add3A_534, %dma_start3A_545] : memref<80x128xi32, #tpu.memory_space<vmem>> -> memref<1x128xi32, #tpu.memory_space<vmem>>
      %dma_start3A_547 = tpu.memref_squeeze %dma_start3A_546 : memref<1x128xi32, #tpu.memory_space<vmem>> -> memref<128xi32, #tpu.memory_space<vmem>>
      %dma_start3A_548 = arith.constant 0 : i32
      %dma_start3A_549 = arith.constant 0 : i32
      %dma_start3A_550 = tpu.memref_slice %arg2[%dma_start3A_548, %dma_start3A_549] : memref<10240x48xf32, #tpu.memory_space<hbm>> -> memref<10240x48xf32, #tpu.memory_space<hbm>>
      tpu.enqueue_indirect_dma source(%dma_start3A_550 : memref<10240x48xf32, #tpu.memory_space<hbm>>) target(%dma_start3A_544 : memref<128x48xf32, #tpu.memory_space<vmem>>) offsets(%dma_start3A_547 : memref<128xi32, #tpu.memory_space<vmem>>) semaphore(%arg11 : memref<!tpu.dma_semaphore, #tpu.memory_space<semaphore_mem>>)
      %mul3A_551 = arith.constant 5 : i32
      %mul3A_552 = arith.muli %add3A_470, %mul3A_551 : i32
      %add3A_553 = arith.constant 4 : i32
      %add3A_554 = arith.addi %mul3A_552, %add3A_553 : i32
      %dma_start3A_555 = arith.constant 4 : i32
      %dma_start3A_556 = arith.constant 0 : i32
      %dma_start3A_557 = arith.constant 0 : i32
      %dma_start3A_558 = arith.constant 0 : i32
      %dma_start3A_559 = tpu.memref_slice %arg9[%sub3A_466, %dma_start3A_556, %dma_start3A_557, %dma_start3A_558] : memref<2x5x128x48xf32, #tpu.memory_space<vmem>> -> memref<1x5x128x48xf32, #tpu.memory_space<vmem>>
      %dma_start3A_560 = tpu.memref_squeeze %dma_start3A_559 : memref<1x5x128x48xf32, #tpu.memory_space<vmem>> -> memref<5x128x48xf32, #tpu.memory_space<vmem>>
      %dma_start3A_561 = arith.constant 0 : i32
      %dma_start3A_562 = arith.constant 0 : i32
      %dma_start3A_563 = tpu.memref_slice %dma_start3A_560[%dma_start3A_555, %dma_start3A_561, %dma_start3A_562] : memref<5x128x48xf32, #tpu.memory_space<vmem>> -> memref<1x128x48xf32, #tpu.memory_space<vmem>>
      %dma_start3A_564 = tpu.memref_squeeze %dma_start3A_563 : memref<1x128x48xf32, #tpu.memory_space<vmem>> -> memref<128x48xf32, #tpu.memory_space<vmem>>
      %dma_start3A_565 = arith.constant 0 : i32
      %dma_start3A_566 = tpu.memref_slice %arg7[%add3A_554, %dma_start3A_565] : memref<80x128xi32, #tpu.memory_space<vmem>> -> memref<1x128xi32, #tpu.memory_space<vmem>>
      %dma_start3A_567 = tpu.memref_squeeze %dma_start3A_566 : memref<1x128xi32, #tpu.memory_space<vmem>> -> memref<128xi32, #tpu.memory_space<vmem>>
      %dma_start3A_568 = arith.constant 0 : i32
      %dma_start3A_569 = arith.constant 0 : i32
      %dma_start3A_570 = tpu.memref_slice %arg2[%dma_start3A_568, %dma_start3A_569] : memref<10240x48xf32, #tpu.memory_space<hbm>> -> memref<10240x48xf32, #tpu.memory_space<hbm>>
      tpu.enqueue_indirect_dma source(%dma_start3A_570 : memref<10240x48xf32, #tpu.memory_space<hbm>>) target(%dma_start3A_564 : memref<128x48xf32, #tpu.memory_space<vmem>>) offsets(%dma_start3A_567 : memref<128xi32, #tpu.memory_space<vmem>>) semaphore(%arg11 : memref<!tpu.dma_semaphore, #tpu.memory_space<semaphore_mem>>)
      %dma_wait3A_571 = arith.constant 0 : i32
      %dma_wait3A_572 = arith.constant 0 : i32
      %dma_wait3A_573 = arith.constant 0 : i32
      %dma_wait3A_574 = arith.constant 0 : i32
      %dma_wait3A_575 = arith.constant 0 : i32
      %dma_wait3A_576 = tpu.memref_slice %arg9[%rem3A_465, %dma_wait3A_573, %dma_wait3A_574, %dma_wait3A_575] : memref<2x5x128x48xf32, #tpu.memory_space<vmem>> -> memref<1x5x128x48xf32, #tpu.memory_space<vmem>>
      %dma_wait3A_577 = tpu.memref_squeeze %dma_wait3A_576 : memref<1x5x128x48xf32, #tpu.memory_space<vmem>> -> memref<5x128x48xf32, #tpu.memory_space<vmem>>
      %dma_wait3A_578 = arith.constant 0 : i32
      %dma_wait3A_579 = arith.constant 0 : i32
      %dma_wait3A_580 = tpu.memref_slice %dma_wait3A_577[%dma_wait3A_572, %dma_wait3A_578, %dma_wait3A_579] : memref<5x128x48xf32, #tpu.memory_space<vmem>> -> memref<1x128x48xf32, #tpu.memory_space<vmem>>
      %dma_wait3A_581 = tpu.memref_squeeze %dma_wait3A_580 : memref<1x128x48xf32, #tpu.memory_space<vmem>> -> memref<128x48xf32, #tpu.memory_space<vmem>>
      %dma_wait3A_582 = arith.constant 0 : i32
      %dma_wait3A_583 = tpu.memref_slice %arg7[%dma_wait3A_571, %dma_wait3A_582] : memref<80x128xi32, #tpu.memory_space<vmem>> -> memref<1x128xi32, #tpu.memory_space<vmem>>
      %dma_wait3A_584 = tpu.memref_squeeze %dma_wait3A_583 : memref<1x128xi32, #tpu.memory_space<vmem>> -> memref<128xi32, #tpu.memory_space<vmem>>
      %dma_wait3A_585 = arith.constant 0 : i32
      %dma_wait3A_586 = arith.constant 0 : i32
      %dma_wait3A_587 = tpu.memref_slice %arg2[%dma_wait3A_585, %dma_wait3A_586] : memref<10240x48xf32, #tpu.memory_space<hbm>> -> memref<10240x48xf32, #tpu.memory_space<hbm>>
      tpu.wait_indirect_dma semaphore(%arg11 : memref<!tpu.dma_semaphore, #tpu.memory_space<semaphore_mem>>) src(%dma_wait3A_587 : memref<10240x48xf32, #tpu.memory_space<hbm>>) dst(%dma_wait3A_581 : memref<128x48xf32, #tpu.memory_space<vmem>>)
      %dma_wait3A_588 = arith.constant 1 : i32
      %dma_wait3A_589 = arith.constant 1 : i32
      %dma_wait3A_590 = arith.constant 0 : i32
      %dma_wait3A_591 = arith.constant 0 : i32
      %dma_wait3A_592 = arith.constant 0 : i32
      %dma_wait3A_593 = tpu.memref_slice %arg9[%rem3A_465, %dma_wait3A_590, %dma_wait3A_591, %dma_wait3A_592] : memref<2x5x128x48xf32, #tpu.memory_space<vmem>> -> memref<1x5x128x48xf32, #tpu.memory_space<vmem>>
      %dma_wait3A_594 = tpu.memref_squeeze %dma_wait3A_593 : memref<1x5x128x48xf32, #tpu.memory_space<vmem>> -> memref<5x128x48xf32, #tpu.memory_space<vmem>>
      %dma_wait3A_595 = arith.constant 0 : i32
      %dma_wait3A_596 = arith.constant 0 : i32
      %dma_wait3A_597 = tpu.memref_slice %dma_wait3A_594[%dma_wait3A_589, %dma_wait3A_595, %dma_wait3A_596] : memref<5x128x48xf32, #tpu.memory_space<vmem>> -> memref<1x128x48xf32, #tpu.memory_space<vmem>>
      %dma_wait3A_598 = tpu.memref_squeeze %dma_wait3A_597 : memref<1x128x48xf32, #tpu.memory_space<vmem>> -> memref<128x48xf32, #tpu.memory_space<vmem>>
      %dma_wait3A_599 = arith.constant 0 : i32
      %dma_wait3A_600 = tpu.memref_slice %arg7[%dma_wait3A_588, %dma_wait3A_599] : memref<80x128xi32, #tpu.memory_space<vmem>> -> memref<1x128xi32, #tpu.memory_space<vmem>>
      %dma_wait3A_601 = tpu.memref_squeeze %dma_wait3A_600 : memref<1x128xi32, #tpu.memory_space<vmem>> -> memref<128xi32, #tpu.memory_space<vmem>>
      %dma_wait3A_602 = arith.constant 0 : i32
      %dma_wait3A_603 = arith.constant 0 : i32
      %dma_wait3A_604 = tpu.memref_slice %arg2[%dma_wait3A_602, %dma_wait3A_603] : memref<10240x48xf32, #tpu.memory_space<hbm>> -> memref<10240x48xf32, #tpu.memory_space<hbm>>
      tpu.wait_indirect_dma semaphore(%arg11 : memref<!tpu.dma_semaphore, #tpu.memory_space<semaphore_mem>>) src(%dma_wait3A_604 : memref<10240x48xf32, #tpu.memory_space<hbm>>) dst(%dma_wait3A_598 : memref<128x48xf32, #tpu.memory_space<vmem>>)
      %dma_wait3A_605 = arith.constant 2 : i32
      %dma_wait3A_606 = arith.constant 2 : i32
      %dma_wait3A_607 = arith.constant 0 : i32
      %dma_wait3A_608 = arith.constant 0 : i32
      %dma_wait3A_609 = arith.constant 0 : i32
      %dma_wait3A_610 = tpu.memref_slice %arg9[%rem3A_465, %dma_wait3A_607, %dma_wait3A_608, %dma_wait3A_609] : memref<2x5x128x48xf32, #tpu.memory_space<vmem>> -> memref<1x5x128x48xf32, #tpu.memory_space<vmem>>
      %dma_wait3A_611 = tpu.memref_squeeze %dma_wait3A_610 : memref<1x5x128x48xf32, #tpu.memory_space<vmem>> -> memref<5x128x48xf32, #tpu.memory_space<vmem>>
      %dma_wait3A_612 = arith.constant 0 : i32
      %dma_wait3A_613 = arith.constant 0 : i32
      %dma_wait3A_614 = tpu.memref_slice %dma_wait3A_611[%dma_wait3A_606, %dma_wait3A_612, %dma_wait3A_613] : memref<5x128x48xf32, #tpu.memory_space<vmem>> -> memref<1x128x48xf32, #tpu.memory_space<vmem>>
      %dma_wait3A_615 = tpu.memref_squeeze %dma_wait3A_614 : memref<1x128x48xf32, #tpu.memory_space<vmem>> -> memref<128x48xf32, #tpu.memory_space<vmem>>
      %dma_wait3A_616 = arith.constant 0 : i32
      %dma_wait3A_617 = tpu.memref_slice %arg7[%dma_wait3A_605, %dma_wait3A_616] : memref<80x128xi32, #tpu.memory_space<vmem>> -> memref<1x128xi32, #tpu.memory_space<vmem>>
      %dma_wait3A_618 = tpu.memref_squeeze %dma_wait3A_617 : memref<1x128xi32, #tpu.memory_space<vmem>> -> memref<128xi32, #tpu.memory_space<vmem>>
      %dma_wait3A_619 = arith.constant 0 : i32
      %dma_wait3A_620 = arith.constant 0 : i32
      %dma_wait3A_621 = tpu.memref_slice %arg2[%dma_wait3A_619, %dma_wait3A_620] : memref<10240x48xf32, #tpu.memory_space<hbm>> -> memref<10240x48xf32, #tpu.memory_space<hbm>>
      tpu.wait_indirect_dma semaphore(%arg11 : memref<!tpu.dma_semaphore, #tpu.memory_space<semaphore_mem>>) src(%dma_wait3A_621 : memref<10240x48xf32, #tpu.memory_space<hbm>>) dst(%dma_wait3A_615 : memref<128x48xf32, #tpu.memory_space<vmem>>)
      %dma_wait3A_622 = arith.constant 3 : i32
      %dma_wait3A_623 = arith.constant 3 : i32
      %dma_wait3A_624 = arith.constant 0 : i32
      %dma_wait3A_625 = arith.constant 0 : i32
      %dma_wait3A_626 = arith.constant 0 : i32
      %dma_wait3A_627 = tpu.memref_slice %arg9[%rem3A_465, %dma_wait3A_624, %dma_wait3A_625, %dma_wait3A_626] : memref<2x5x128x48xf32, #tpu.memory_space<vmem>> -> memref<1x5x128x48xf32, #tpu.memory_space<vmem>>
      %dma_wait3A_628 = tpu.memref_squeeze %dma_wait3A_627 : memref<1x5x128x48xf32, #tpu.memory_space<vmem>> -> memref<5x128x48xf32, #tpu.memory_space<vmem>>
      %dma_wait3A_629 = arith.constant 0 : i32
      %dma_wait3A_630 = arith.constant 0 : i32
      %dma_wait3A_631 = tpu.memref_slice %dma_wait3A_628[%dma_wait3A_623, %dma_wait3A_629, %dma_wait3A_630] : memref<5x128x48xf32, #tpu.memory_space<vmem>> -> memref<1x128x48xf32, #tpu.memory_space<vmem>>
      %dma_wait3A_632 = tpu.memref_squeeze %dma_wait3A_631 : memref<1x128x48xf32, #tpu.memory_space<vmem>> -> memref<128x48xf32, #tpu.memory_space<vmem>>
      %dma_wait3A_633 = arith.constant 0 : i32
      %dma_wait3A_634 = tpu.memref_slice %arg7[%dma_wait3A_622, %dma_wait3A_633] : memref<80x128xi32, #tpu.memory_space<vmem>> -> memref<1x128xi32, #tpu.memory_space<vmem>>
      %dma_wait3A_635 = tpu.memref_squeeze %dma_wait3A_634 : memref<1x128xi32, #tpu.memory_space<vmem>> -> memref<128xi32, #tpu.memory_space<vmem>>
      %dma_wait3A_636 = arith.constant 0 : i32
      %dma_wait3A_637 = arith.constant 0 : i32
      %dma_wait3A_638 = tpu.memref_slice %arg2[%dma_wait3A_636, %dma_wait3A_637] : memref<10240x48xf32, #tpu.memory_space<hbm>> -> memref<10240x48xf32, #tpu.memory_space<hbm>>
      tpu.wait_indirect_dma semaphore(%arg11 : memref<!tpu.dma_semaphore, #tpu.memory_space<semaphore_mem>>) src(%dma_wait3A_638 : memref<10240x48xf32, #tpu.memory_space<hbm>>) dst(%dma_wait3A_632 : memref<128x48xf32, #tpu.memory_space<vmem>>)
      %dma_wait3A_639 = arith.constant 4 : i32
      %dma_wait3A_640 = arith.constant 4 : i32
      %dma_wait3A_641 = arith.constant 0 : i32
      %dma_wait3A_642 = arith.constant 0 : i32
      %dma_wait3A_643 = arith.constant 0 : i32
      %dma_wait3A_644 = tpu.memref_slice %arg9[%rem3A_465, %dma_wait3A_641, %dma_wait3A_642, %dma_wait3A_643] : memref<2x5x128x48xf32, #tpu.memory_space<vmem>> -> memref<1x5x128x48xf32, #tpu.memory_space<vmem>>
      %dma_wait3A_645 = tpu.memref_squeeze %dma_wait3A_644 : memref<1x5x128x48xf32, #tpu.memory_space<vmem>> -> memref<5x128x48xf32, #tpu.memory_space<vmem>>
      %dma_wait3A_646 = arith.constant 0 : i32
      %dma_wait3A_647 = arith.constant 0 : i32
      %dma_wait3A_648 = tpu.memref_slice %dma_wait3A_645[%dma_wait3A_640, %dma_wait3A_646, %dma_wait3A_647] : memref<5x128x48xf32, #tpu.memory_space<vmem>> -> memref<1x128x48xf32, #tpu.memory_space<vmem>>
      %dma_wait3A_649 = tpu.memref_squeeze %dma_wait3A_648 : memref<1x128x48xf32, #tpu.memory_space<vmem>> -> memref<128x48xf32, #tpu.memory_space<vmem>>
      %dma_wait3A_650 = arith.constant 0 : i32
      %dma_wait3A_651 = tpu.memref_slice %arg7[%dma_wait3A_639, %dma_wait3A_650] : memref<80x128xi32, #tpu.memory_space<vmem>> -> memref<1x128xi32, #tpu.memory_space<vmem>>
      %dma_wait3A_652 = tpu.memref_squeeze %dma_wait3A_651 : memref<1x128xi32, #tpu.memory_space<vmem>> -> memref<128xi32, #tpu.memory_space<vmem>>
      %dma_wait3A_653 = arith.constant 0 : i32
      %dma_wait3A_654 = arith.constant 0 : i32
      %dma_wait3A_655 = tpu.memref_slice %arg2[%dma_wait3A_653, %dma_wait3A_654] : memref<10240x48xf32, #tpu.memory_space<hbm>> -> memref<10240x48xf32, #tpu.memory_space<hbm>>
      tpu.wait_indirect_dma semaphore(%arg11 : memref<!tpu.dma_semaphore, #tpu.memory_space<semaphore_mem>>) src(%dma_wait3A_655 : memref<10240x48xf32, #tpu.memory_space<hbm>>) dst(%dma_wait3A_649 : memref<128x48xf32, #tpu.memory_space<vmem>>)
      %mul3A_656 = arith.constant 5 : i32
      %mul3A_657 = arith.muli %add3A_464, %mul3A_656 : i32
      %add3A_658 = arith.constant 0 : i32
      %add3A_659 = arith.addi %mul3A_657, %add3A_658 : i32
      %dma_start3A_660 = arith.constant 0 : i32
      %dma_start3A_661 = arith.constant 0 : i32
      %dma_start3A_662 = arith.constant 0 : i32
      %dma_start3A_663 = arith.constant 0 : i32
      %dma_start3A_664 = tpu.memref_slice %arg9[%rem3A_465, %dma_start3A_661, %dma_start3A_662, %dma_start3A_663] : memref<2x5x128x48xf32, #tpu.memory_space<vmem>> -> memref<1x5x128x48xf32, #tpu.memory_space<vmem>>
      %dma_start3A_665 = tpu.memref_squeeze %dma_start3A_664 : memref<1x5x128x48xf32, #tpu.memory_space<vmem>> -> memref<5x128x48xf32, #tpu.memory_space<vmem>>
      %dma_start3A_666 = arith.constant 0 : i32
      %dma_start3A_667 = arith.constant 0 : i32
      %dma_start3A_668 = tpu.memref_slice %dma_start3A_665[%dma_start3A_660, %dma_start3A_666, %dma_start3A_667] : memref<5x128x48xf32, #tpu.memory_space<vmem>> -> memref<1x128x48xf32, #tpu.memory_space<vmem>>
      %dma_start3A_669 = tpu.memref_squeeze %dma_start3A_668 : memref<1x128x48xf32, #tpu.memory_space<vmem>> -> memref<128x48xf32, #tpu.memory_space<vmem>>
      %dma_start3A_670 = arith.constant 0 : i32
      %dma_start3A_671 = tpu.memref_slice %arg8[%add3A_659, %dma_start3A_670] : memref<80x128xi32, #tpu.memory_space<vmem>> -> memref<1x128xi32, #tpu.memory_space<vmem>>
      %dma_start3A_672 = tpu.memref_squeeze %dma_start3A_671 : memref<1x128xi32, #tpu.memory_space<vmem>> -> memref<128xi32, #tpu.memory_space<vmem>>
      %dma_start3A_673 = arith.constant 0 : i32
      %dma_start3A_674 = arith.constant 0 : i32
      %dma_start3A_675 = tpu.memref_slice %arg10[%dma_start3A_673, %dma_start3A_674] : memref<10240x48xf32, #tpu.memory_space<vmem_shared>> -> memref<10240x48xf32, #tpu.memory_space<vmem_shared>>
      tpu.enqueue_indirect_dma source(%dma_start3A_669 : memref<128x48xf32, #tpu.memory_space<vmem>>) target(%dma_start3A_675 : memref<10240x48xf32, #tpu.memory_space<vmem_shared>>) offsets(%dma_start3A_672 : memref<128xi32, #tpu.memory_space<vmem>>) semaphore(%arg12 : memref<!tpu.dma_semaphore, #tpu.memory_space<semaphore_mem>>) {add = true}
      %mul3A_676 = arith.constant 5 : i32
      %mul3A_677 = arith.muli %add3A_464, %mul3A_676 : i32
      %add3A_678 = arith.constant 1 : i32
      %add3A_679 = arith.addi %mul3A_677, %add3A_678 : i32
      %dma_start3A_680 = arith.constant 1 : i32
      %dma_start3A_681 = arith.constant 0 : i32
      %dma_start3A_682 = arith.constant 0 : i32
      %dma_start3A_683 = arith.constant 0 : i32
      %dma_start3A_684 = tpu.memref_slice %arg9[%rem3A_465, %dma_start3A_681, %dma_start3A_682, %dma_start3A_683] : memref<2x5x128x48xf32, #tpu.memory_space<vmem>> -> memref<1x5x128x48xf32, #tpu.memory_space<vmem>>
      %dma_start3A_685 = tpu.memref_squeeze %dma_start3A_684 : memref<1x5x128x48xf32, #tpu.memory_space<vmem>> -> memref<5x128x48xf32, #tpu.memory_space<vmem>>
      %dma_start3A_686 = arith.constant 0 : i32
      %dma_start3A_687 = arith.constant 0 : i32
      %dma_start3A_688 = tpu.memref_slice %dma_start3A_685[%dma_start3A_680, %dma_start3A_686, %dma_start3A_687] : memref<5x128x48xf32, #tpu.memory_space<vmem>> -> memref<1x128x48xf32, #tpu.memory_space<vmem>>
      %dma_start3A_689 = tpu.memref_squeeze %dma_start3A_688 : memref<1x128x48xf32, #tpu.memory_space<vmem>> -> memref<128x48xf32, #tpu.memory_space<vmem>>
      %dma_start3A_690 = arith.constant 0 : i32
      %dma_start3A_691 = tpu.memref_slice %arg8[%add3A_679, %dma_start3A_690] : memref<80x128xi32, #tpu.memory_space<vmem>> -> memref<1x128xi32, #tpu.memory_space<vmem>>
      %dma_start3A_692 = tpu.memref_squeeze %dma_start3A_691 : memref<1x128xi32, #tpu.memory_space<vmem>> -> memref<128xi32, #tpu.memory_space<vmem>>
      %dma_start3A_693 = arith.constant 0 : i32
      %dma_start3A_694 = arith.constant 0 : i32
      %dma_start3A_695 = tpu.memref_slice %arg10[%dma_start3A_693, %dma_start3A_694] : memref<10240x48xf32, #tpu.memory_space<vmem_shared>> -> memref<10240x48xf32, #tpu.memory_space<vmem_shared>>
      tpu.enqueue_indirect_dma source(%dma_start3A_689 : memref<128x48xf32, #tpu.memory_space<vmem>>) target(%dma_start3A_695 : memref<10240x48xf32, #tpu.memory_space<vmem_shared>>) offsets(%dma_start3A_692 : memref<128xi32, #tpu.memory_space<vmem>>) semaphore(%arg12 : memref<!tpu.dma_semaphore, #tpu.memory_space<semaphore_mem>>) {add = true}
      %mul3A_696 = arith.constant 5 : i32
      %mul3A_697 = arith.muli %add3A_464, %mul3A_696 : i32
      %add3A_698 = arith.constant 2 : i32
      %add3A_699 = arith.addi %mul3A_697, %add3A_698 : i32
      %dma_start3A_700 = arith.constant 2 : i32
      %dma_start3A_701 = arith.constant 0 : i32
      %dma_start3A_702 = arith.constant 0 : i32
      %dma_start3A_703 = arith.constant 0 : i32
      %dma_start3A_704 = tpu.memref_slice %arg9[%rem3A_465, %dma_start3A_701, %dma_start3A_702, %dma_start3A_703] : memref<2x5x128x48xf32, #tpu.memory_space<vmem>> -> memref<1x5x128x48xf32, #tpu.memory_space<vmem>>
      %dma_start3A_705 = tpu.memref_squeeze %dma_start3A_704 : memref<1x5x128x48xf32, #tpu.memory_space<vmem>> -> memref<5x128x48xf32, #tpu.memory_space<vmem>>
      %dma_start3A_706 = arith.constant 0 : i32
      %dma_start3A_707 = arith.constant 0 : i32
      %dma_start3A_708 = tpu.memref_slice %dma_start3A_705[%dma_start3A_700, %dma_start3A_706, %dma_start3A_707] : memref<5x128x48xf32, #tpu.memory_space<vmem>> -> memref<1x128x48xf32, #tpu.memory_space<vmem>>
      %dma_start3A_709 = tpu.memref_squeeze %dma_start3A_708 : memref<1x128x48xf32, #tpu.memory_space<vmem>> -> memref<128x48xf32, #tpu.memory_space<vmem>>
      %dma_start3A_710 = arith.constant 0 : i32
      %dma_start3A_711 = tpu.memref_slice %arg8[%add3A_699, %dma_start3A_710] : memref<80x128xi32, #tpu.memory_space<vmem>> -> memref<1x128xi32, #tpu.memory_space<vmem>>
      %dma_start3A_712 = tpu.memref_squeeze %dma_start3A_711 : memref<1x128xi32, #tpu.memory_space<vmem>> -> memref<128xi32, #tpu.memory_space<vmem>>
      %dma_start3A_713 = arith.constant 0 : i32
      %dma_start3A_714 = arith.constant 0 : i32
      %dma_start3A_715 = tpu.memref_slice %arg10[%dma_start3A_713, %dma_start3A_714] : memref<10240x48xf32, #tpu.memory_space<vmem_shared>> -> memref<10240x48xf32, #tpu.memory_space<vmem_shared>>
      tpu.enqueue_indirect_dma source(%dma_start3A_709 : memref<128x48xf32, #tpu.memory_space<vmem>>) target(%dma_start3A_715 : memref<10240x48xf32, #tpu.memory_space<vmem_shared>>) offsets(%dma_start3A_712 : memref<128xi32, #tpu.memory_space<vmem>>) semaphore(%arg12 : memref<!tpu.dma_semaphore, #tpu.memory_space<semaphore_mem>>) {add = true}
      %mul3A_716 = arith.constant 5 : i32
      %mul3A_717 = arith.muli %add3A_464, %mul3A_716 : i32
      %add3A_718 = arith.constant 3 : i32
      %add3A_719 = arith.addi %mul3A_717, %add3A_718 : i32
      %dma_start3A_720 = arith.constant 3 : i32
      %dma_start3A_721 = arith.constant 0 : i32
      %dma_start3A_722 = arith.constant 0 : i32
      %dma_start3A_723 = arith.constant 0 : i32
      %dma_start3A_724 = tpu.memref_slice %arg9[%rem3A_465, %dma_start3A_721, %dma_start3A_722, %dma_start3A_723] : memref<2x5x128x48xf32, #tpu.memory_space<vmem>> -> memref<1x5x128x48xf32, #tpu.memory_space<vmem>>
      %dma_start3A_725 = tpu.memref_squeeze %dma_start3A_724 : memref<1x5x128x48xf32, #tpu.memory_space<vmem>> -> memref<5x128x48xf32, #tpu.memory_space<vmem>>
      %dma_start3A_726 = arith.constant 0 : i32
      %dma_start3A_727 = arith.constant 0 : i32
      %dma_start3A_728 = tpu.memref_slice %dma_start3A_725[%dma_start3A_720, %dma_start3A_726, %dma_start3A_727] : memref<5x128x48xf32, #tpu.memory_space<vmem>> -> memref<1x128x48xf32, #tpu.memory_space<vmem>>
      %dma_start3A_729 = tpu.memref_squeeze %dma_start3A_728 : memref<1x128x48xf32, #tpu.memory_space<vmem>> -> memref<128x48xf32, #tpu.memory_space<vmem>>
      %dma_start3A_730 = arith.constant 0 : i32
      %dma_start3A_731 = tpu.memref_slice %arg8[%add3A_719, %dma_start3A_730] : memref<80x128xi32, #tpu.memory_space<vmem>> -> memref<1x128xi32, #tpu.memory_space<vmem>>
      %dma_start3A_732 = tpu.memref_squeeze %dma_start3A_731 : memref<1x128xi32, #tpu.memory_space<vmem>> -> memref<128xi32, #tpu.memory_space<vmem>>
      %dma_start3A_733 = arith.constant 0 : i32
      %dma_start3A_734 = arith.constant 0 : i32
      %dma_start3A_735 = tpu.memref_slice %arg10[%dma_start3A_733, %dma_start3A_734] : memref<10240x48xf32, #tpu.memory_space<vmem_shared>> -> memref<10240x48xf32, #tpu.memory_space<vmem_shared>>
      tpu.enqueue_indirect_dma source(%dma_start3A_729 : memref<128x48xf32, #tpu.memory_space<vmem>>) target(%dma_start3A_735 : memref<10240x48xf32, #tpu.memory_space<vmem_shared>>) offsets(%dma_start3A_732 : memref<128xi32, #tpu.memory_space<vmem>>) semaphore(%arg12 : memref<!tpu.dma_semaphore, #tpu.memory_space<semaphore_mem>>) {add = true}
      %mul3A_736 = arith.constant 5 : i32
      %mul3A_737 = arith.muli %add3A_464, %mul3A_736 : i32
      %add3A_738 = arith.constant 4 : i32
      %add3A_739 = arith.addi %mul3A_737, %add3A_738 : i32
      %dma_start3A_740 = arith.constant 4 : i32
      %dma_start3A_741 = arith.constant 0 : i32
      %dma_start3A_742 = arith.constant 0 : i32
      %dma_start3A_743 = arith.constant 0 : i32
      %dma_start3A_744 = tpu.memref_slice %arg9[%rem3A_465, %dma_start3A_741, %dma_start3A_742, %dma_start3A_743] : memref<2x5x128x48xf32, #tpu.memory_space<vmem>> -> memref<1x5x128x48xf32, #tpu.memory_space<vmem>>
      %dma_start3A_745 = tpu.memref_squeeze %dma_start3A_744 : memref<1x5x128x48xf32, #tpu.memory_space<vmem>> -> memref<5x128x48xf32, #tpu.memory_space<vmem>>
      %dma_start3A_746 = arith.constant 0 : i32
      %dma_start3A_747 = arith.constant 0 : i32
      %dma_start3A_748 = tpu.memref_slice %dma_start3A_745[%dma_start3A_740, %dma_start3A_746, %dma_start3A_747] : memref<5x128x48xf32, #tpu.memory_space<vmem>> -> memref<1x128x48xf32, #tpu.memory_space<vmem>>
      %dma_start3A_749 = tpu.memref_squeeze %dma_start3A_748 : memref<1x128x48xf32, #tpu.memory_space<vmem>> -> memref<128x48xf32, #tpu.memory_space<vmem>>
      %dma_start3A_750 = arith.constant 0 : i32
      %dma_start3A_751 = tpu.memref_slice %arg8[%add3A_739, %dma_start3A_750] : memref<80x128xi32, #tpu.memory_space<vmem>> -> memref<1x128xi32, #tpu.memory_space<vmem>>
      %dma_start3A_752 = tpu.memref_squeeze %dma_start3A_751 : memref<1x128xi32, #tpu.memory_space<vmem>> -> memref<128xi32, #tpu.memory_space<vmem>>
      %dma_start3A_753 = arith.constant 0 : i32
      %dma_start3A_754 = arith.constant 0 : i32
      %dma_start3A_755 = tpu.memref_slice %arg10[%dma_start3A_753, %dma_start3A_754] : memref<10240x48xf32, #tpu.memory_space<vmem_shared>> -> memref<10240x48xf32, #tpu.memory_space<vmem_shared>>
      tpu.enqueue_indirect_dma source(%dma_start3A_749 : memref<128x48xf32, #tpu.memory_space<vmem>>) target(%dma_start3A_755 : memref<10240x48xf32, #tpu.memory_space<vmem_shared>>) offsets(%dma_start3A_752 : memref<128xi32, #tpu.memory_space<vmem>>) semaphore(%arg12 : memref<!tpu.dma_semaphore, #tpu.memory_space<semaphore_mem>>) {add = true}
    }
    %scan3A_99 = arith.constant 15 : i32
    %dma_wait3A = arith.constant 0 : i32
    %dma_wait3A_100 = arith.constant 0 : i32
    %dma_wait3A_101 = arith.constant 0 : i32
    %dma_wait3A_102 = arith.constant 0 : i32
    %dma_wait3A_103 = arith.constant 0 : i32
    %dma_wait3A_104 = arith.constant 0 : i32
    %dma_wait3A_105 = tpu.memref_slice %arg9[%dma_wait3A, %dma_wait3A_102, %dma_wait3A_103, %dma_wait3A_104] : memref<2x5x128x48xf32, #tpu.memory_space<vmem>> -> memref<1x5x128x48xf32, #tpu.memory_space<vmem>>
    %dma_wait3A_106 = tpu.memref_squeeze %dma_wait3A_105 : memref<1x5x128x48xf32, #tpu.memory_space<vmem>> -> memref<5x128x48xf32, #tpu.memory_space<vmem>>
    %dma_wait3A_107 = arith.constant 0 : i32
    %dma_wait3A_108 = arith.constant 0 : i32
    %dma_wait3A_109 = tpu.memref_slice %dma_wait3A_106[%dma_wait3A_100, %dma_wait3A_107, %dma_wait3A_108] : memref<5x128x48xf32, #tpu.memory_space<vmem>> -> memref<1x128x48xf32, #tpu.memory_space<vmem>>
    %dma_wait3A_110 = tpu.memref_squeeze %dma_wait3A_109 : memref<1x128x48xf32, #tpu.memory_space<vmem>> -> memref<128x48xf32, #tpu.memory_space<vmem>>
    %dma_wait3A_111 = arith.constant 0 : i32
    %dma_wait3A_112 = tpu.memref_slice %arg8[%dma_wait3A_101, %dma_wait3A_111] : memref<80x128xi32, #tpu.memory_space<vmem>> -> memref<1x128xi32, #tpu.memory_space<vmem>>
    %dma_wait3A_113 = tpu.memref_squeeze %dma_wait3A_112 : memref<1x128xi32, #tpu.memory_space<vmem>> -> memref<128xi32, #tpu.memory_space<vmem>>
    %dma_wait3A_114 = arith.constant 0 : i32
    %dma_wait3A_115 = arith.constant 0 : i32
    %dma_wait3A_116 = tpu.memref_slice %arg10[%dma_wait3A_114, %dma_wait3A_115] : memref<10240x48xf32, #tpu.memory_space<vmem_shared>> -> memref<10240x48xf32, #tpu.memory_space<vmem_shared>>
    tpu.wait_indirect_dma semaphore(%arg12 : memref<!tpu.dma_semaphore, #tpu.memory_space<semaphore_mem>>) src(%dma_wait3A_110 : memref<128x48xf32, #tpu.memory_space<vmem>>) dst(%dma_wait3A_116 : memref<10240x48xf32, #tpu.memory_space<vmem_shared>>)
    %dma_wait3A_117 = arith.constant 0 : i32
    %dma_wait3A_118 = arith.constant 1 : i32
    %dma_wait3A_119 = arith.constant 1 : i32
    %dma_wait3A_120 = arith.constant 0 : i32
    %dma_wait3A_121 = arith.constant 0 : i32
    %dma_wait3A_122 = arith.constant 0 : i32
    %dma_wait3A_123 = tpu.memref_slice %arg9[%dma_wait3A_117, %dma_wait3A_120, %dma_wait3A_121, %dma_wait3A_122] : memref<2x5x128x48xf32, #tpu.memory_space<vmem>> -> memref<1x5x128x48xf32, #tpu.memory_space<vmem>>
    %dma_wait3A_124 = tpu.memref_squeeze %dma_wait3A_123 : memref<1x5x128x48xf32, #tpu.memory_space<vmem>> -> memref<5x128x48xf32, #tpu.memory_space<vmem>>
    %dma_wait3A_125 = arith.constant 0 : i32
    %dma_wait3A_126 = arith.constant 0 : i32
    %dma_wait3A_127 = tpu.memref_slice %dma_wait3A_124[%dma_wait3A_118, %dma_wait3A_125, %dma_wait3A_126] : memref<5x128x48xf32, #tpu.memory_space<vmem>> -> memref<1x128x48xf32, #tpu.memory_space<vmem>>
    %dma_wait3A_128 = tpu.memref_squeeze %dma_wait3A_127 : memref<1x128x48xf32, #tpu.memory_space<vmem>> -> memref<128x48xf32, #tpu.memory_space<vmem>>
    %dma_wait3A_129 = arith.constant 0 : i32
    %dma_wait3A_130 = tpu.memref_slice %arg8[%dma_wait3A_119, %dma_wait3A_129] : memref<80x128xi32, #tpu.memory_space<vmem>> -> memref<1x128xi32, #tpu.memory_space<vmem>>
    %dma_wait3A_131 = tpu.memref_squeeze %dma_wait3A_130 : memref<1x128xi32, #tpu.memory_space<vmem>> -> memref<128xi32, #tpu.memory_space<vmem>>
    %dma_wait3A_132 = arith.constant 0 : i32
    %dma_wait3A_133 = arith.constant 0 : i32
    %dma_wait3A_134 = tpu.memref_slice %arg10[%dma_wait3A_132, %dma_wait3A_133] : memref<10240x48xf32, #tpu.memory_space<vmem_shared>> -> memref<10240x48xf32, #tpu.memory_space<vmem_shared>>
    tpu.wait_indirect_dma semaphore(%arg12 : memref<!tpu.dma_semaphore, #tpu.memory_space<semaphore_mem>>) src(%dma_wait3A_128 : memref<128x48xf32, #tpu.memory_space<vmem>>) dst(%dma_wait3A_134 : memref<10240x48xf32, #tpu.memory_space<vmem_shared>>)
    %dma_wait3A_135 = arith.constant 0 : i32
    %dma_wait3A_136 = arith.constant 2 : i32
    %dma_wait3A_137 = arith.constant 2 : i32
    %dma_wait3A_138 = arith.constant 0 : i32
    %dma_wait3A_139 = arith.constant 0 : i32
    %dma_wait3A_140 = arith.constant 0 : i32
    %dma_wait3A_141 = tpu.memref_slice %arg9[%dma_wait3A_135, %dma_wait3A_138, %dma_wait3A_139, %dma_wait3A_140] : memref<2x5x128x48xf32, #tpu.memory_space<vmem>> -> memref<1x5x128x48xf32, #tpu.memory_space<vmem>>
    %dma_wait3A_142 = tpu.memref_squeeze %dma_wait3A_141 : memref<1x5x128x48xf32, #tpu.memory_space<vmem>> -> memref<5x128x48xf32, #tpu.memory_space<vmem>>
    %dma_wait3A_143 = arith.constant 0 : i32
    %dma_wait3A_144 = arith.constant 0 : i32
    %dma_wait3A_145 = tpu.memref_slice %dma_wait3A_142[%dma_wait3A_136, %dma_wait3A_143, %dma_wait3A_144] : memref<5x128x48xf32, #tpu.memory_space<vmem>> -> memref<1x128x48xf32, #tpu.memory_space<vmem>>
    %dma_wait3A_146 = tpu.memref_squeeze %dma_wait3A_145 : memref<1x128x48xf32, #tpu.memory_space<vmem>> -> memref<128x48xf32, #tpu.memory_space<vmem>>
    %dma_wait3A_147 = arith.constant 0 : i32
    %dma_wait3A_148 = tpu.memref_slice %arg8[%dma_wait3A_137, %dma_wait3A_147] : memref<80x128xi32, #tpu.memory_space<vmem>> -> memref<1x128xi32, #tpu.memory_space<vmem>>
    %dma_wait3A_149 = tpu.memref_squeeze %dma_wait3A_148 : memref<1x128xi32, #tpu.memory_space<vmem>> -> memref<128xi32, #tpu.memory_space<vmem>>
    %dma_wait3A_150 = arith.constant 0 : i32
    %dma_wait3A_151 = arith.constant 0 : i32
    %dma_wait3A_152 = tpu.memref_slice %arg10[%dma_wait3A_150, %dma_wait3A_151] : memref<10240x48xf32, #tpu.memory_space<vmem_shared>> -> memref<10240x48xf32, #tpu.memory_space<vmem_shared>>
    tpu.wait_indirect_dma semaphore(%arg12 : memref<!tpu.dma_semaphore, #tpu.memory_space<semaphore_mem>>) src(%dma_wait3A_146 : memref<128x48xf32, #tpu.memory_space<vmem>>) dst(%dma_wait3A_152 : memref<10240x48xf32, #tpu.memory_space<vmem_shared>>)
    %dma_wait3A_153 = arith.constant 0 : i32
    %dma_wait3A_154 = arith.constant 3 : i32
    %dma_wait3A_155 = arith.constant 3 : i32
    %dma_wait3A_156 = arith.constant 0 : i32
    %dma_wait3A_157 = arith.constant 0 : i32
    %dma_wait3A_158 = arith.constant 0 : i32
    %dma_wait3A_159 = tpu.memref_slice %arg9[%dma_wait3A_153, %dma_wait3A_156, %dma_wait3A_157, %dma_wait3A_158] : memref<2x5x128x48xf32, #tpu.memory_space<vmem>> -> memref<1x5x128x48xf32, #tpu.memory_space<vmem>>
    %dma_wait3A_160 = tpu.memref_squeeze %dma_wait3A_159 : memref<1x5x128x48xf32, #tpu.memory_space<vmem>> -> memref<5x128x48xf32, #tpu.memory_space<vmem>>
    %dma_wait3A_161 = arith.constant 0 : i32
    %dma_wait3A_162 = arith.constant 0 : i32
    %dma_wait3A_163 = tpu.memref_slice %dma_wait3A_160[%dma_wait3A_154, %dma_wait3A_161, %dma_wait3A_162] : memref<5x128x48xf32, #tpu.memory_space<vmem>> -> memref<1x128x48xf32, #tpu.memory_space<vmem>>
    %dma_wait3A_164 = tpu.memref_squeeze %dma_wait3A_163 : memref<1x128x48xf32, #tpu.memory_space<vmem>> -> memref<128x48xf32, #tpu.memory_space<vmem>>
    %dma_wait3A_165 = arith.constant 0 : i32
    %dma_wait3A_166 = tpu.memref_slice %arg8[%dma_wait3A_155, %dma_wait3A_165] : memref<80x128xi32, #tpu.memory_space<vmem>> -> memref<1x128xi32, #tpu.memory_space<vmem>>
    %dma_wait3A_167 = tpu.memref_squeeze %dma_wait3A_166 : memref<1x128xi32, #tpu.memory_space<vmem>> -> memref<128xi32, #tpu.memory_space<vmem>>
    %dma_wait3A_168 = arith.constant 0 : i32
    %dma_wait3A_169 = arith.constant 0 : i32
    %dma_wait3A_170 = tpu.memref_slice %arg10[%dma_wait3A_168, %dma_wait3A_169] : memref<10240x48xf32, #tpu.memory_space<vmem_shared>> -> memref<10240x48xf32, #tpu.memory_space<vmem_shared>>
    tpu.wait_indirect_dma semaphore(%arg12 : memref<!tpu.dma_semaphore, #tpu.memory_space<semaphore_mem>>) src(%dma_wait3A_164 : memref<128x48xf32, #tpu.memory_space<vmem>>) dst(%dma_wait3A_170 : memref<10240x48xf32, #tpu.memory_space<vmem_shared>>)
    %dma_wait3A_171 = arith.constant 0 : i32
    %dma_wait3A_172 = arith.constant 4 : i32
    %dma_wait3A_173 = arith.constant 4 : i32
    %dma_wait3A_174 = arith.constant 0 : i32
    %dma_wait3A_175 = arith.constant 0 : i32
    %dma_wait3A_176 = arith.constant 0 : i32
    %dma_wait3A_177 = tpu.memref_slice %arg9[%dma_wait3A_171, %dma_wait3A_174, %dma_wait3A_175, %dma_wait3A_176] : memref<2x5x128x48xf32, #tpu.memory_space<vmem>> -> memref<1x5x128x48xf32, #tpu.memory_space<vmem>>
    %dma_wait3A_178 = tpu.memref_squeeze %dma_wait3A_177 : memref<1x5x128x48xf32, #tpu.memory_space<vmem>> -> memref<5x128x48xf32, #tpu.memory_space<vmem>>
    %dma_wait3A_179 = arith.constant 0 : i32
    %dma_wait3A_180 = arith.constant 0 : i32
    %dma_wait3A_181 = tpu.memref_slice %dma_wait3A_178[%dma_wait3A_172, %dma_wait3A_179, %dma_wait3A_180] : memref<5x128x48xf32, #tpu.memory_space<vmem>> -> memref<1x128x48xf32, #tpu.memory_space<vmem>>
    %dma_wait3A_182 = tpu.memref_squeeze %dma_wait3A_181 : memref<1x128x48xf32, #tpu.memory_space<vmem>> -> memref<128x48xf32, #tpu.memory_space<vmem>>
    %dma_wait3A_183 = arith.constant 0 : i32
    %dma_wait3A_184 = tpu.memref_slice %arg8[%dma_wait3A_173, %dma_wait3A_183] : memref<80x128xi32, #tpu.memory_space<vmem>> -> memref<1x128xi32, #tpu.memory_space<vmem>>
    %dma_wait3A_185 = tpu.memref_squeeze %dma_wait3A_184 : memref<1x128xi32, #tpu.memory_space<vmem>> -> memref<128xi32, #tpu.memory_space<vmem>>
    %dma_wait3A_186 = arith.constant 0 : i32
    %dma_wait3A_187 = arith.constant 0 : i32
    %dma_wait3A_188 = tpu.memref_slice %arg10[%dma_wait3A_186, %dma_wait3A_187] : memref<10240x48xf32, #tpu.memory_space<vmem_shared>> -> memref<10240x48xf32, #tpu.memory_space<vmem_shared>>
    tpu.wait_indirect_dma semaphore(%arg12 : memref<!tpu.dma_semaphore, #tpu.memory_space<semaphore_mem>>) src(%dma_wait3A_182 : memref<128x48xf32, #tpu.memory_space<vmem>>) dst(%dma_wait3A_188 : memref<10240x48xf32, #tpu.memory_space<vmem_shared>>)
    %dma_wait3A_189 = arith.constant 0 : i32
    %dma_wait3A_190 = arith.constant 1 : i32
    %dma_wait3A_191 = arith.constant 0 : i32
    %dma_wait3A_192 = arith.constant 0 : i32
    %dma_wait3A_193 = arith.constant 0 : i32
    %dma_wait3A_194 = arith.constant 0 : i32
    %dma_wait3A_195 = tpu.memref_slice %arg9[%dma_wait3A_190, %dma_wait3A_192, %dma_wait3A_193, %dma_wait3A_194] : memref<2x5x128x48xf32, #tpu.memory_space<vmem>> -> memref<1x5x128x48xf32, #tpu.memory_space<vmem>>
    %dma_wait3A_196 = tpu.memref_squeeze %dma_wait3A_195 : memref<1x5x128x48xf32, #tpu.memory_space<vmem>> -> memref<5x128x48xf32, #tpu.memory_space<vmem>>
    %dma_wait3A_197 = arith.constant 0 : i32
    %dma_wait3A_198 = arith.constant 0 : i32
    %dma_wait3A_199 = tpu.memref_slice %dma_wait3A_196[%dma_wait3A_191, %dma_wait3A_197, %dma_wait3A_198] : memref<5x128x48xf32, #tpu.memory_space<vmem>> -> memref<1x128x48xf32, #tpu.memory_space<vmem>>
    %dma_wait3A_200 = tpu.memref_squeeze %dma_wait3A_199 : memref<1x128x48xf32, #tpu.memory_space<vmem>> -> memref<128x48xf32, #tpu.memory_space<vmem>>
    %dma_wait3A_201 = arith.constant 0 : i32
    %dma_wait3A_202 = tpu.memref_slice %arg7[%dma_wait3A_189, %dma_wait3A_201] : memref<80x128xi32, #tpu.memory_space<vmem>> -> memref<1x128xi32, #tpu.memory_space<vmem>>
    %dma_wait3A_203 = tpu.memref_squeeze %dma_wait3A_202 : memref<1x128xi32, #tpu.memory_space<vmem>> -> memref<128xi32, #tpu.memory_space<vmem>>
    %dma_wait3A_204 = arith.constant 0 : i32
    %dma_wait3A_205 = arith.constant 0 : i32
    %dma_wait3A_206 = tpu.memref_slice %arg2[%dma_wait3A_204, %dma_wait3A_205] : memref<10240x48xf32, #tpu.memory_space<hbm>> -> memref<10240x48xf32, #tpu.memory_space<hbm>>
    tpu.wait_indirect_dma semaphore(%arg11 : memref<!tpu.dma_semaphore, #tpu.memory_space<semaphore_mem>>) src(%dma_wait3A_206 : memref<10240x48xf32, #tpu.memory_space<hbm>>) dst(%dma_wait3A_200 : memref<128x48xf32, #tpu.memory_space<vmem>>)
    %dma_wait3A_207 = arith.constant 1 : i32
    %dma_wait3A_208 = arith.constant 1 : i32
    %dma_wait3A_209 = arith.constant 1 : i32
    %dma_wait3A_210 = arith.constant 0 : i32
    %dma_wait3A_211 = arith.constant 0 : i32
    %dma_wait3A_212 = arith.constant 0 : i32
    %dma_wait3A_213 = tpu.memref_slice %arg9[%dma_wait3A_208, %dma_wait3A_210, %dma_wait3A_211, %dma_wait3A_212] : memref<2x5x128x48xf32, #tpu.memory_space<vmem>> -> memref<1x5x128x48xf32, #tpu.memory_space<vmem>>
    %dma_wait3A_214 = tpu.memref_squeeze %dma_wait3A_213 : memref<1x5x128x48xf32, #tpu.memory_space<vmem>> -> memref<5x128x48xf32, #tpu.memory_space<vmem>>
    %dma_wait3A_215 = arith.constant 0 : i32
    %dma_wait3A_216 = arith.constant 0 : i32
    %dma_wait3A_217 = tpu.memref_slice %dma_wait3A_214[%dma_wait3A_209, %dma_wait3A_215, %dma_wait3A_216] : memref<5x128x48xf32, #tpu.memory_space<vmem>> -> memref<1x128x48xf32, #tpu.memory_space<vmem>>
    %dma_wait3A_218 = tpu.memref_squeeze %dma_wait3A_217 : memref<1x128x48xf32, #tpu.memory_space<vmem>> -> memref<128x48xf32, #tpu.memory_space<vmem>>
    %dma_wait3A_219 = arith.constant 0 : i32
    %dma_wait3A_220 = tpu.memref_slice %arg7[%dma_wait3A_207, %dma_wait3A_219] : memref<80x128xi32, #tpu.memory_space<vmem>> -> memref<1x128xi32, #tpu.memory_space<vmem>>
    %dma_wait3A_221 = tpu.memref_squeeze %dma_wait3A_220 : memref<1x128xi32, #tpu.memory_space<vmem>> -> memref<128xi32, #tpu.memory_space<vmem>>
    %dma_wait3A_222 = arith.constant 0 : i32
    %dma_wait3A_223 = arith.constant 0 : i32
    %dma_wait3A_224 = tpu.memref_slice %arg2[%dma_wait3A_222, %dma_wait3A_223] : memref<10240x48xf32, #tpu.memory_space<hbm>> -> memref<10240x48xf32, #tpu.memory_space<hbm>>
    tpu.wait_indirect_dma semaphore(%arg11 : memref<!tpu.dma_semaphore, #tpu.memory_space<semaphore_mem>>) src(%dma_wait3A_224 : memref<10240x48xf32, #tpu.memory_space<hbm>>) dst(%dma_wait3A_218 : memref<128x48xf32, #tpu.memory_space<vmem>>)
    %dma_wait3A_225 = arith.constant 2 : i32
    %dma_wait3A_226 = arith.constant 1 : i32
    %dma_wait3A_227 = arith.constant 2 : i32
    %dma_wait3A_228 = arith.constant 0 : i32
    %dma_wait3A_229 = arith.constant 0 : i32
    %dma_wait3A_230 = arith.constant 0 : i32
    %dma_wait3A_231 = tpu.memref_slice %arg9[%dma_wait3A_226, %dma_wait3A_228, %dma_wait3A_229, %dma_wait3A_230] : memref<2x5x128x48xf32, #tpu.memory_space<vmem>> -> memref<1x5x128x48xf32, #tpu.memory_space<vmem>>
    %dma_wait3A_232 = tpu.memref_squeeze %dma_wait3A_231 : memref<1x5x128x48xf32, #tpu.memory_space<vmem>> -> memref<5x128x48xf32, #tpu.memory_space<vmem>>
    %dma_wait3A_233 = arith.constant 0 : i32
    %dma_wait3A_234 = arith.constant 0 : i32
    %dma_wait3A_235 = tpu.memref_slice %dma_wait3A_232[%dma_wait3A_227, %dma_wait3A_233, %dma_wait3A_234] : memref<5x128x48xf32, #tpu.memory_space<vmem>> -> memref<1x128x48xf32, #tpu.memory_space<vmem>>
    %dma_wait3A_236 = tpu.memref_squeeze %dma_wait3A_235 : memref<1x128x48xf32, #tpu.memory_space<vmem>> -> memref<128x48xf32, #tpu.memory_space<vmem>>
    %dma_wait3A_237 = arith.constant 0 : i32
    %dma_wait3A_238 = tpu.memref_slice %arg7[%dma_wait3A_225, %dma_wait3A_237] : memref<80x128xi32, #tpu.memory_space<vmem>> -> memref<1x128xi32, #tpu.memory_space<vmem>>
    %dma_wait3A_239 = tpu.memref_squeeze %dma_wait3A_238 : memref<1x128xi32, #tpu.memory_space<vmem>> -> memref<128xi32, #tpu.memory_space<vmem>>
    %dma_wait3A_240 = arith.constant 0 : i32
    %dma_wait3A_241 = arith.constant 0 : i32
    %dma_wait3A_242 = tpu.memref_slice %arg2[%dma_wait3A_240, %dma_wait3A_241] : memref<10240x48xf32, #tpu.memory_space<hbm>> -> memref<10240x48xf32, #tpu.memory_space<hbm>>
    tpu.wait_indirect_dma semaphore(%arg11 : memref<!tpu.dma_semaphore, #tpu.memory_space<semaphore_mem>>) src(%dma_wait3A_242 : memref<10240x48xf32, #tpu.memory_space<hbm>>) dst(%dma_wait3A_236 : memref<128x48xf32, #tpu.memory_space<vmem>>)
    %dma_wait3A_243 = arith.constant 3 : i32
    %dma_wait3A_244 = arith.constant 1 : i32
    %dma_wait3A_245 = arith.constant 3 : i32
    %dma_wait3A_246 = arith.constant 0 : i32
    %dma_wait3A_247 = arith.constant 0 : i32
    %dma_wait3A_248 = arith.constant 0 : i32
    %dma_wait3A_249 = tpu.memref_slice %arg9[%dma_wait3A_244, %dma_wait3A_246, %dma_wait3A_247, %dma_wait3A_248] : memref<2x5x128x48xf32, #tpu.memory_space<vmem>> -> memref<1x5x128x48xf32, #tpu.memory_space<vmem>>
    %dma_wait3A_250 = tpu.memref_squeeze %dma_wait3A_249 : memref<1x5x128x48xf32, #tpu.memory_space<vmem>> -> memref<5x128x48xf32, #tpu.memory_space<vmem>>
    %dma_wait3A_251 = arith.constant 0 : i32
    %dma_wait3A_252 = arith.constant 0 : i32
    %dma_wait3A_253 = tpu.memref_slice %dma_wait3A_250[%dma_wait3A_245, %dma_wait3A_251, %dma_wait3A_252] : memref<5x128x48xf32, #tpu.memory_space<vmem>> -> memref<1x128x48xf32, #tpu.memory_space<vmem>>
    %dma_wait3A_254 = tpu.memref_squeeze %dma_wait3A_253 : memref<1x128x48xf32, #tpu.memory_space<vmem>> -> memref<128x48xf32, #tpu.memory_space<vmem>>
    %dma_wait3A_255 = arith.constant 0 : i32
    %dma_wait3A_256 = tpu.memref_slice %arg7[%dma_wait3A_243, %dma_wait3A_255] : memref<80x128xi32, #tpu.memory_space<vmem>> -> memref<1x128xi32, #tpu.memory_space<vmem>>
    %dma_wait3A_257 = tpu.memref_squeeze %dma_wait3A_256 : memref<1x128xi32, #tpu.memory_space<vmem>> -> memref<128xi32, #tpu.memory_space<vmem>>
    %dma_wait3A_258 = arith.constant 0 : i32
    %dma_wait3A_259 = arith.constant 0 : i32
    %dma_wait3A_260 = tpu.memref_slice %arg2[%dma_wait3A_258, %dma_wait3A_259] : memref<10240x48xf32, #tpu.memory_space<hbm>> -> memref<10240x48xf32, #tpu.memory_space<hbm>>
    tpu.wait_indirect_dma semaphore(%arg11 : memref<!tpu.dma_semaphore, #tpu.memory_space<semaphore_mem>>) src(%dma_wait3A_260 : memref<10240x48xf32, #tpu.memory_space<hbm>>) dst(%dma_wait3A_254 : memref<128x48xf32, #tpu.memory_space<vmem>>)
    %dma_wait3A_261 = arith.constant 4 : i32
    %dma_wait3A_262 = arith.constant 1 : i32
    %dma_wait3A_263 = arith.constant 4 : i32
    %dma_wait3A_264 = arith.constant 0 : i32
    %dma_wait3A_265 = arith.constant 0 : i32
    %dma_wait3A_266 = arith.constant 0 : i32
    %dma_wait3A_267 = tpu.memref_slice %arg9[%dma_wait3A_262, %dma_wait3A_264, %dma_wait3A_265, %dma_wait3A_266] : memref<2x5x128x48xf32, #tpu.memory_space<vmem>> -> memref<1x5x128x48xf32, #tpu.memory_space<vmem>>
    %dma_wait3A_268 = tpu.memref_squeeze %dma_wait3A_267 : memref<1x5x128x48xf32, #tpu.memory_space<vmem>> -> memref<5x128x48xf32, #tpu.memory_space<vmem>>
    %dma_wait3A_269 = arith.constant 0 : i32
    %dma_wait3A_270 = arith.constant 0 : i32
    %dma_wait3A_271 = tpu.memref_slice %dma_wait3A_268[%dma_wait3A_263, %dma_wait3A_269, %dma_wait3A_270] : memref<5x128x48xf32, #tpu.memory_space<vmem>> -> memref<1x128x48xf32, #tpu.memory_space<vmem>>
    %dma_wait3A_272 = tpu.memref_squeeze %dma_wait3A_271 : memref<1x128x48xf32, #tpu.memory_space<vmem>> -> memref<128x48xf32, #tpu.memory_space<vmem>>
    %dma_wait3A_273 = arith.constant 0 : i32
    %dma_wait3A_274 = tpu.memref_slice %arg7[%dma_wait3A_261, %dma_wait3A_273] : memref<80x128xi32, #tpu.memory_space<vmem>> -> memref<1x128xi32, #tpu.memory_space<vmem>>
    %dma_wait3A_275 = tpu.memref_squeeze %dma_wait3A_274 : memref<1x128xi32, #tpu.memory_space<vmem>> -> memref<128xi32, #tpu.memory_space<vmem>>
    %dma_wait3A_276 = arith.constant 0 : i32
    %dma_wait3A_277 = arith.constant 0 : i32
    %dma_wait3A_278 = tpu.memref_slice %arg2[%dma_wait3A_276, %dma_wait3A_277] : memref<10240x48xf32, #tpu.memory_space<hbm>> -> memref<10240x48xf32, #tpu.memory_space<hbm>>
    tpu.wait_indirect_dma semaphore(%arg11 : memref<!tpu.dma_semaphore, #tpu.memory_space<semaphore_mem>>) src(%dma_wait3A_278 : memref<10240x48xf32, #tpu.memory_space<hbm>>) dst(%dma_wait3A_272 : memref<128x48xf32, #tpu.memory_space<vmem>>)
    %dma_start3A_279 = arith.constant 1 : i32
    %dma_start3A_280 = arith.constant 0 : i32
    %dma_start3A_281 = arith.constant 75 : i32
    %dma_start3A_282 = arith.constant 0 : i32
    %dma_start3A_283 = arith.constant 0 : i32
    %dma_start3A_284 = arith.constant 0 : i32
    %dma_start3A_285 = tpu.memref_slice %arg9[%dma_start3A_279, %dma_start3A_282, %dma_start3A_283, %dma_start3A_284] : memref<2x5x128x48xf32, #tpu.memory_space<vmem>> -> memref<1x5x128x48xf32, #tpu.memory_space<vmem>>
    %dma_start3A_286 = tpu.memref_squeeze %dma_start3A_285 : memref<1x5x128x48xf32, #tpu.memory_space<vmem>> -> memref<5x128x48xf32, #tpu.memory_space<vmem>>
    %dma_start3A_287 = arith.constant 0 : i32
    %dma_start3A_288 = arith.constant 0 : i32
    %dma_start3A_289 = tpu.memref_slice %dma_start3A_286[%dma_start3A_280, %dma_start3A_287, %dma_start3A_288] : memref<5x128x48xf32, #tpu.memory_space<vmem>> -> memref<1x128x48xf32, #tpu.memory_space<vmem>>
    %dma_start3A_290 = tpu.memref_squeeze %dma_start3A_289 : memref<1x128x48xf32, #tpu.memory_space<vmem>> -> memref<128x48xf32, #tpu.memory_space<vmem>>
    %dma_start3A_291 = arith.constant 0 : i32
    %dma_start3A_292 = tpu.memref_slice %arg8[%dma_start3A_281, %dma_start3A_291] : memref<80x128xi32, #tpu.memory_space<vmem>> -> memref<1x128xi32, #tpu.memory_space<vmem>>
    %dma_start3A_293 = tpu.memref_squeeze %dma_start3A_292 : memref<1x128xi32, #tpu.memory_space<vmem>> -> memref<128xi32, #tpu.memory_space<vmem>>
    %dma_start3A_294 = arith.constant 0 : i32
    %dma_start3A_295 = arith.constant 0 : i32
    %dma_start3A_296 = tpu.memref_slice %arg10[%dma_start3A_294, %dma_start3A_295] : memref<10240x48xf32, #tpu.memory_space<vmem_shared>> -> memref<10240x48xf32, #tpu.memory_space<vmem_shared>>
    tpu.enqueue_indirect_dma source(%dma_start3A_290 : memref<128x48xf32, #tpu.memory_space<vmem>>) target(%dma_start3A_296 : memref<10240x48xf32, #tpu.memory_space<vmem_shared>>) offsets(%dma_start3A_293 : memref<128xi32, #tpu.memory_space<vmem>>) semaphore(%arg12 : memref<!tpu.dma_semaphore, #tpu.memory_space<semaphore_mem>>) {add = true}
    %dma_start3A_297 = arith.constant 1 : i32
    %dma_start3A_298 = arith.constant 1 : i32
    %dma_start3A_299 = arith.constant 76 : i32
    %dma_start3A_300 = arith.constant 0 : i32
    %dma_start3A_301 = arith.constant 0 : i32
    %dma_start3A_302 = arith.constant 0 : i32
    %dma_start3A_303 = tpu.memref_slice %arg9[%dma_start3A_297, %dma_start3A_300, %dma_start3A_301, %dma_start3A_302] : memref<2x5x128x48xf32, #tpu.memory_space<vmem>> -> memref<1x5x128x48xf32, #tpu.memory_space<vmem>>
    %dma_start3A_304 = tpu.memref_squeeze %dma_start3A_303 : memref<1x5x128x48xf32, #tpu.memory_space<vmem>> -> memref<5x128x48xf32, #tpu.memory_space<vmem>>
    %dma_start3A_305 = arith.constant 0 : i32
    %dma_start3A_306 = arith.constant 0 : i32
    %dma_start3A_307 = tpu.memref_slice %dma_start3A_304[%dma_start3A_298, %dma_start3A_305, %dma_start3A_306] : memref<5x128x48xf32, #tpu.memory_space<vmem>> -> memref<1x128x48xf32, #tpu.memory_space<vmem>>
    %dma_start3A_308 = tpu.memref_squeeze %dma_start3A_307 : memref<1x128x48xf32, #tpu.memory_space<vmem>> -> memref<128x48xf32, #tpu.memory_space<vmem>>
    %dma_start3A_309 = arith.constant 0 : i32
    %dma_start3A_310 = tpu.memref_slice %arg8[%dma_start3A_299, %dma_start3A_309] : memref<80x128xi32, #tpu.memory_space<vmem>> -> memref<1x128xi32, #tpu.memory_space<vmem>>
    %dma_start3A_311 = tpu.memref_squeeze %dma_start3A_310 : memref<1x128xi32, #tpu.memory_space<vmem>> -> memref<128xi32, #tpu.memory_space<vmem>>
    %dma_start3A_312 = arith.constant 0 : i32
    %dma_start3A_313 = arith.constant 0 : i32
    %dma_start3A_314 = tpu.memref_slice %arg10[%dma_start3A_312, %dma_start3A_313] : memref<10240x48xf32, #tpu.memory_space<vmem_shared>> -> memref<10240x48xf32, #tpu.memory_space<vmem_shared>>
    tpu.enqueue_indirect_dma source(%dma_start3A_308 : memref<128x48xf32, #tpu.memory_space<vmem>>) target(%dma_start3A_314 : memref<10240x48xf32, #tpu.memory_space<vmem_shared>>) offsets(%dma_start3A_311 : memref<128xi32, #tpu.memory_space<vmem>>) semaphore(%arg12 : memref<!tpu.dma_semaphore, #tpu.memory_space<semaphore_mem>>) {add = true}
    %dma_start3A_315 = arith.constant 1 : i32
    %dma_start3A_316 = arith.constant 2 : i32
    %dma_start3A_317 = arith.constant 77 : i32
    %dma_start3A_318 = arith.constant 0 : i32
    %dma_start3A_319 = arith.constant 0 : i32
    %dma_start3A_320 = arith.constant 0 : i32
    %dma_start3A_321 = tpu.memref_slice %arg9[%dma_start3A_315, %dma_start3A_318, %dma_start3A_319, %dma_start3A_320] : memref<2x5x128x48xf32, #tpu.memory_space<vmem>> -> memref<1x5x128x48xf32, #tpu.memory_space<vmem>>
    %dma_start3A_322 = tpu.memref_squeeze %dma_start3A_321 : memref<1x5x128x48xf32, #tpu.memory_space<vmem>> -> memref<5x128x48xf32, #tpu.memory_space<vmem>>
    %dma_start3A_323 = arith.constant 0 : i32
    %dma_start3A_324 = arith.constant 0 : i32
    %dma_start3A_325 = tpu.memref_slice %dma_start3A_322[%dma_start3A_316, %dma_start3A_323, %dma_start3A_324] : memref<5x128x48xf32, #tpu.memory_space<vmem>> -> memref<1x128x48xf32, #tpu.memory_space<vmem>>
    %dma_start3A_326 = tpu.memref_squeeze %dma_start3A_325 : memref<1x128x48xf32, #tpu.memory_space<vmem>> -> memref<128x48xf32, #tpu.memory_space<vmem>>
    %dma_start3A_327 = arith.constant 0 : i32
    %dma_start3A_328 = tpu.memref_slice %arg8[%dma_start3A_317, %dma_start3A_327] : memref<80x128xi32, #tpu.memory_space<vmem>> -> memref<1x128xi32, #tpu.memory_space<vmem>>
    %dma_start3A_329 = tpu.memref_squeeze %dma_start3A_328 : memref<1x128xi32, #tpu.memory_space<vmem>> -> memref<128xi32, #tpu.memory_space<vmem>>
    %dma_start3A_330 = arith.constant 0 : i32
    %dma_start3A_331 = arith.constant 0 : i32
    %dma_start3A_332 = tpu.memref_slice %arg10[%dma_start3A_330, %dma_start3A_331] : memref<10240x48xf32, #tpu.memory_space<vmem_shared>> -> memref<10240x48xf32, #tpu.memory_space<vmem_shared>>
    tpu.enqueue_indirect_dma source(%dma_start3A_326 : memref<128x48xf32, #tpu.memory_space<vmem>>) target(%dma_start3A_332 : memref<10240x48xf32, #tpu.memory_space<vmem_shared>>) offsets(%dma_start3A_329 : memref<128xi32, #tpu.memory_space<vmem>>) semaphore(%arg12 : memref<!tpu.dma_semaphore, #tpu.memory_space<semaphore_mem>>) {add = true}
    %dma_start3A_333 = arith.constant 1 : i32
    %dma_start3A_334 = arith.constant 3 : i32
    %dma_start3A_335 = arith.constant 78 : i32
    %dma_start3A_336 = arith.constant 0 : i32
    %dma_start3A_337 = arith.constant 0 : i32
    %dma_start3A_338 = arith.constant 0 : i32
    %dma_start3A_339 = tpu.memref_slice %arg9[%dma_start3A_333, %dma_start3A_336, %dma_start3A_337, %dma_start3A_338] : memref<2x5x128x48xf32, #tpu.memory_space<vmem>> -> memref<1x5x128x48xf32, #tpu.memory_space<vmem>>
    %dma_start3A_340 = tpu.memref_squeeze %dma_start3A_339 : memref<1x5x128x48xf32, #tpu.memory_space<vmem>> -> memref<5x128x48xf32, #tpu.memory_space<vmem>>
    %dma_start3A_341 = arith.constant 0 : i32
    %dma_start3A_342 = arith.constant 0 : i32
    %dma_start3A_343 = tpu.memref_slice %dma_start3A_340[%dma_start3A_334, %dma_start3A_341, %dma_start3A_342] : memref<5x128x48xf32, #tpu.memory_space<vmem>> -> memref<1x128x48xf32, #tpu.memory_space<vmem>>
    %dma_start3A_344 = tpu.memref_squeeze %dma_start3A_343 : memref<1x128x48xf32, #tpu.memory_space<vmem>> -> memref<128x48xf32, #tpu.memory_space<vmem>>
    %dma_start3A_345 = arith.constant 0 : i32
    %dma_start3A_346 = tpu.memref_slice %arg8[%dma_start3A_335, %dma_start3A_345] : memref<80x128xi32, #tpu.memory_space<vmem>> -> memref<1x128xi32, #tpu.memory_space<vmem>>
    %dma_start3A_347 = tpu.memref_squeeze %dma_start3A_346 : memref<1x128xi32, #tpu.memory_space<vmem>> -> memref<128xi32, #tpu.memory_space<vmem>>
    %dma_start3A_348 = arith.constant 0 : i32
    %dma_start3A_349 = arith.constant 0 : i32
    %dma_start3A_350 = tpu.memref_slice %arg10[%dma_start3A_348, %dma_start3A_349] : memref<10240x48xf32, #tpu.memory_space<vmem_shared>> -> memref<10240x48xf32, #tpu.memory_space<vmem_shared>>
    tpu.enqueue_indirect_dma source(%dma_start3A_344 : memref<128x48xf32, #tpu.memory_space<vmem>>) target(%dma_start3A_350 : memref<10240x48xf32, #tpu.memory_space<vmem_shared>>) offsets(%dma_start3A_347 : memref<128xi32, #tpu.memory_space<vmem>>) semaphore(%arg12 : memref<!tpu.dma_semaphore, #tpu.memory_space<semaphore_mem>>) {add = true}
    %dma_start3A_351 = arith.constant 1 : i32
    %dma_start3A_352 = arith.constant 4 : i32
    %dma_start3A_353 = arith.constant 79 : i32
    %dma_start3A_354 = arith.constant 0 : i32
    %dma_start3A_355 = arith.constant 0 : i32
    %dma_start3A_356 = arith.constant 0 : i32
    %dma_start3A_357 = tpu.memref_slice %arg9[%dma_start3A_351, %dma_start3A_354, %dma_start3A_355, %dma_start3A_356] : memref<2x5x128x48xf32, #tpu.memory_space<vmem>> -> memref<1x5x128x48xf32, #tpu.memory_space<vmem>>
    %dma_start3A_358 = tpu.memref_squeeze %dma_start3A_357 : memref<1x5x128x48xf32, #tpu.memory_space<vmem>> -> memref<5x128x48xf32, #tpu.memory_space<vmem>>
    %dma_start3A_359 = arith.constant 0 : i32
    %dma_start3A_360 = arith.constant 0 : i32
    %dma_start3A_361 = tpu.memref_slice %dma_start3A_358[%dma_start3A_352, %dma_start3A_359, %dma_start3A_360] : memref<5x128x48xf32, #tpu.memory_space<vmem>> -> memref<1x128x48xf32, #tpu.memory_space<vmem>>
    %dma_start3A_362 = tpu.memref_squeeze %dma_start3A_361 : memref<1x128x48xf32, #tpu.memory_space<vmem>> -> memref<128x48xf32, #tpu.memory_space<vmem>>
    %dma_start3A_363 = arith.constant 0 : i32
    %dma_start3A_364 = tpu.memref_slice %arg8[%dma_start3A_353, %dma_start3A_363] : memref<80x128xi32, #tpu.memory_space<vmem>> -> memref<1x128xi32, #tpu.memory_space<vmem>>
    %dma_start3A_365 = tpu.memref_squeeze %dma_start3A_364 : memref<1x128xi32, #tpu.memory_space<vmem>> -> memref<128xi32, #tpu.memory_space<vmem>>
    %dma_start3A_366 = arith.constant 0 : i32
    %dma_start3A_367 = arith.constant 0 : i32
    %dma_start3A_368 = tpu.memref_slice %arg10[%dma_start3A_366, %dma_start3A_367] : memref<10240x48xf32, #tpu.memory_space<vmem_shared>> -> memref<10240x48xf32, #tpu.memory_space<vmem_shared>>
    tpu.enqueue_indirect_dma source(%dma_start3A_362 : memref<128x48xf32, #tpu.memory_space<vmem>>) target(%dma_start3A_368 : memref<10240x48xf32, #tpu.memory_space<vmem_shared>>) offsets(%dma_start3A_365 : memref<128xi32, #tpu.memory_space<vmem>>) semaphore(%arg12 : memref<!tpu.dma_semaphore, #tpu.memory_space<semaphore_mem>>) {add = true}
    %dma_wait3A_369 = arith.constant 1 : i32
    %dma_wait3A_370 = arith.constant 0 : i32
    %dma_wait3A_371 = arith.constant 0 : i32
    %dma_wait3A_372 = arith.constant 0 : i32
    %dma_wait3A_373 = arith.constant 0 : i32
    %dma_wait3A_374 = arith.constant 0 : i32
    %dma_wait3A_375 = tpu.memref_slice %arg9[%dma_wait3A_369, %dma_wait3A_372, %dma_wait3A_373, %dma_wait3A_374] : memref<2x5x128x48xf32, #tpu.memory_space<vmem>> -> memref<1x5x128x48xf32, #tpu.memory_space<vmem>>
    %dma_wait3A_376 = tpu.memref_squeeze %dma_wait3A_375 : memref<1x5x128x48xf32, #tpu.memory_space<vmem>> -> memref<5x128x48xf32, #tpu.memory_space<vmem>>
    %dma_wait3A_377 = arith.constant 0 : i32
    %dma_wait3A_378 = arith.constant 0 : i32
    %dma_wait3A_379 = tpu.memref_slice %dma_wait3A_376[%dma_wait3A_370, %dma_wait3A_377, %dma_wait3A_378] : memref<5x128x48xf32, #tpu.memory_space<vmem>> -> memref<1x128x48xf32, #tpu.memory_space<vmem>>
    %dma_wait3A_380 = tpu.memref_squeeze %dma_wait3A_379 : memref<1x128x48xf32, #tpu.memory_space<vmem>> -> memref<128x48xf32, #tpu.memory_space<vmem>>
    %dma_wait3A_381 = arith.constant 0 : i32
    %dma_wait3A_382 = tpu.memref_slice %arg8[%dma_wait3A_371, %dma_wait3A_381] : memref<80x128xi32, #tpu.memory_space<vmem>> -> memref<1x128xi32, #tpu.memory_space<vmem>>
    %dma_wait3A_383 = tpu.memref_squeeze %dma_wait3A_382 : memref<1x128xi32, #tpu.memory_space<vmem>> -> memref<128xi32, #tpu.memory_space<vmem>>
    %dma_wait3A_384 = arith.constant 0 : i32
    %dma_wait3A_385 = arith.constant 0 : i32
    %dma_wait3A_386 = tpu.memref_slice %arg10[%dma_wait3A_384, %dma_wait3A_385] : memref<10240x48xf32, #tpu.memory_space<vmem_shared>> -> memref<10240x48xf32, #tpu.memory_space<vmem_shared>>
    tpu.wait_indirect_dma semaphore(%arg12 : memref<!tpu.dma_semaphore, #tpu.memory_space<semaphore_mem>>) src(%dma_wait3A_380 : memref<128x48xf32, #tpu.memory_space<vmem>>) dst(%dma_wait3A_386 : memref<10240x48xf32, #tpu.memory_space<vmem_shared>>)
    %dma_wait3A_387 = arith.constant 1 : i32
    %dma_wait3A_388 = arith.constant 1 : i32
    %dma_wait3A_389 = arith.constant 1 : i32
    %dma_wait3A_390 = arith.constant 0 : i32
    %dma_wait3A_391 = arith.constant 0 : i32
    %dma_wait3A_392 = arith.constant 0 : i32
    %dma_wait3A_393 = tpu.memref_slice %arg9[%dma_wait3A_387, %dma_wait3A_390, %dma_wait3A_391, %dma_wait3A_392] : memref<2x5x128x48xf32, #tpu.memory_space<vmem>> -> memref<1x5x128x48xf32, #tpu.memory_space<vmem>>
    %dma_wait3A_394 = tpu.memref_squeeze %dma_wait3A_393 : memref<1x5x128x48xf32, #tpu.memory_space<vmem>> -> memref<5x128x48xf32, #tpu.memory_space<vmem>>
    %dma_wait3A_395 = arith.constant 0 : i32
    %dma_wait3A_396 = arith.constant 0 : i32
    %dma_wait3A_397 = tpu.memref_slice %dma_wait3A_394[%dma_wait3A_388, %dma_wait3A_395, %dma_wait3A_396] : memref<5x128x48xf32, #tpu.memory_space<vmem>> -> memref<1x128x48xf32, #tpu.memory_space<vmem>>
    %dma_wait3A_398 = tpu.memref_squeeze %dma_wait3A_397 : memref<1x128x48xf32, #tpu.memory_space<vmem>> -> memref<128x48xf32, #tpu.memory_space<vmem>>
    %dma_wait3A_399 = arith.constant 0 : i32
    %dma_wait3A_400 = tpu.memref_slice %arg8[%dma_wait3A_389, %dma_wait3A_399] : memref<80x128xi32, #tpu.memory_space<vmem>> -> memref<1x128xi32, #tpu.memory_space<vmem>>
    %dma_wait3A_401 = tpu.memref_squeeze %dma_wait3A_400 : memref<1x128xi32, #tpu.memory_space<vmem>> -> memref<128xi32, #tpu.memory_space<vmem>>
    %dma_wait3A_402 = arith.constant 0 : i32
    %dma_wait3A_403 = arith.constant 0 : i32
    %dma_wait3A_404 = tpu.memref_slice %arg10[%dma_wait3A_402, %dma_wait3A_403] : memref<10240x48xf32, #tpu.memory_space<vmem_shared>> -> memref<10240x48xf32, #tpu.memory_space<vmem_shared>>
    tpu.wait_indirect_dma semaphore(%arg12 : memref<!tpu.dma_semaphore, #tpu.memory_space<semaphore_mem>>) src(%dma_wait3A_398 : memref<128x48xf32, #tpu.memory_space<vmem>>) dst(%dma_wait3A_404 : memref<10240x48xf32, #tpu.memory_space<vmem_shared>>)
    %dma_wait3A_405 = arith.constant 1 : i32
    %dma_wait3A_406 = arith.constant 2 : i32
    %dma_wait3A_407 = arith.constant 2 : i32
    %dma_wait3A_408 = arith.constant 0 : i32
    %dma_wait3A_409 = arith.constant 0 : i32
    %dma_wait3A_410 = arith.constant 0 : i32
    %dma_wait3A_411 = tpu.memref_slice %arg9[%dma_wait3A_405, %dma_wait3A_408, %dma_wait3A_409, %dma_wait3A_410] : memref<2x5x128x48xf32, #tpu.memory_space<vmem>> -> memref<1x5x128x48xf32, #tpu.memory_space<vmem>>
    %dma_wait3A_412 = tpu.memref_squeeze %dma_wait3A_411 : memref<1x5x128x48xf32, #tpu.memory_space<vmem>> -> memref<5x128x48xf32, #tpu.memory_space<vmem>>
    %dma_wait3A_413 = arith.constant 0 : i32
    %dma_wait3A_414 = arith.constant 0 : i32
    %dma_wait3A_415 = tpu.memref_slice %dma_wait3A_412[%dma_wait3A_406, %dma_wait3A_413, %dma_wait3A_414] : memref<5x128x48xf32, #tpu.memory_space<vmem>> -> memref<1x128x48xf32, #tpu.memory_space<vmem>>
    %dma_wait3A_416 = tpu.memref_squeeze %dma_wait3A_415 : memref<1x128x48xf32, #tpu.memory_space<vmem>> -> memref<128x48xf32, #tpu.memory_space<vmem>>
    %dma_wait3A_417 = arith.constant 0 : i32
    %dma_wait3A_418 = tpu.memref_slice %arg8[%dma_wait3A_407, %dma_wait3A_417] : memref<80x128xi32, #tpu.memory_space<vmem>> -> memref<1x128xi32, #tpu.memory_space<vmem>>
    %dma_wait3A_419 = tpu.memref_squeeze %dma_wait3A_418 : memref<1x128xi32, #tpu.memory_space<vmem>> -> memref<128xi32, #tpu.memory_space<vmem>>
    %dma_wait3A_420 = arith.constant 0 : i32
    %dma_wait3A_421 = arith.constant 0 : i32
    %dma_wait3A_422 = tpu.memref_slice %arg10[%dma_wait3A_420, %dma_wait3A_421] : memref<10240x48xf32, #tpu.memory_space<vmem_shared>> -> memref<10240x48xf32, #tpu.memory_space<vmem_shared>>
    tpu.wait_indirect_dma semaphore(%arg12 : memref<!tpu.dma_semaphore, #tpu.memory_space<semaphore_mem>>) src(%dma_wait3A_416 : memref<128x48xf32, #tpu.memory_space<vmem>>) dst(%dma_wait3A_422 : memref<10240x48xf32, #tpu.memory_space<vmem_shared>>)
    %dma_wait3A_423 = arith.constant 1 : i32
    %dma_wait3A_424 = arith.constant 3 : i32
    %dma_wait3A_425 = arith.constant 3 : i32
    %dma_wait3A_426 = arith.constant 0 : i32
    %dma_wait3A_427 = arith.constant 0 : i32
    %dma_wait3A_428 = arith.constant 0 : i32
    %dma_wait3A_429 = tpu.memref_slice %arg9[%dma_wait3A_423, %dma_wait3A_426, %dma_wait3A_427, %dma_wait3A_428] : memref<2x5x128x48xf32, #tpu.memory_space<vmem>> -> memref<1x5x128x48xf32, #tpu.memory_space<vmem>>
    %dma_wait3A_430 = tpu.memref_squeeze %dma_wait3A_429 : memref<1x5x128x48xf32, #tpu.memory_space<vmem>> -> memref<5x128x48xf32, #tpu.memory_space<vmem>>
    %dma_wait3A_431 = arith.constant 0 : i32
    %dma_wait3A_432 = arith.constant 0 : i32
    %dma_wait3A_433 = tpu.memref_slice %dma_wait3A_430[%dma_wait3A_424, %dma_wait3A_431, %dma_wait3A_432] : memref<5x128x48xf32, #tpu.memory_space<vmem>> -> memref<1x128x48xf32, #tpu.memory_space<vmem>>
    %dma_wait3A_434 = tpu.memref_squeeze %dma_wait3A_433 : memref<1x128x48xf32, #tpu.memory_space<vmem>> -> memref<128x48xf32, #tpu.memory_space<vmem>>
    %dma_wait3A_435 = arith.constant 0 : i32
    %dma_wait3A_436 = tpu.memref_slice %arg8[%dma_wait3A_425, %dma_wait3A_435] : memref<80x128xi32, #tpu.memory_space<vmem>> -> memref<1x128xi32, #tpu.memory_space<vmem>>
    %dma_wait3A_437 = tpu.memref_squeeze %dma_wait3A_436 : memref<1x128xi32, #tpu.memory_space<vmem>> -> memref<128xi32, #tpu.memory_space<vmem>>
    %dma_wait3A_438 = arith.constant 0 : i32
    %dma_wait3A_439 = arith.constant 0 : i32
    %dma_wait3A_440 = tpu.memref_slice %arg10[%dma_wait3A_438, %dma_wait3A_439] : memref<10240x48xf32, #tpu.memory_space<vmem_shared>> -> memref<10240x48xf32, #tpu.memory_space<vmem_shared>>
    tpu.wait_indirect_dma semaphore(%arg12 : memref<!tpu.dma_semaphore, #tpu.memory_space<semaphore_mem>>) src(%dma_wait3A_434 : memref<128x48xf32, #tpu.memory_space<vmem>>) dst(%dma_wait3A_440 : memref<10240x48xf32, #tpu.memory_space<vmem_shared>>)
    %dma_wait3A_441 = arith.constant 1 : i32
    %dma_wait3A_442 = arith.constant 4 : i32
    %dma_wait3A_443 = arith.constant 4 : i32
    %dma_wait3A_444 = arith.constant 0 : i32
    %dma_wait3A_445 = arith.constant 0 : i32
    %dma_wait3A_446 = arith.constant 0 : i32
    %dma_wait3A_447 = tpu.memref_slice %arg9[%dma_wait3A_441, %dma_wait3A_444, %dma_wait3A_445, %dma_wait3A_446] : memref<2x5x128x48xf32, #tpu.memory_space<vmem>> -> memref<1x5x128x48xf32, #tpu.memory_space<vmem>>
    %dma_wait3A_448 = tpu.memref_squeeze %dma_wait3A_447 : memref<1x5x128x48xf32, #tpu.memory_space<vmem>> -> memref<5x128x48xf32, #tpu.memory_space<vmem>>
    %dma_wait3A_449 = arith.constant 0 : i32
    %dma_wait3A_450 = arith.constant 0 : i32
    %dma_wait3A_451 = tpu.memref_slice %dma_wait3A_448[%dma_wait3A_442, %dma_wait3A_449, %dma_wait3A_450] : memref<5x128x48xf32, #tpu.memory_space<vmem>> -> memref<1x128x48xf32, #tpu.memory_space<vmem>>
    %dma_wait3A_452 = tpu.memref_squeeze %dma_wait3A_451 : memref<1x128x48xf32, #tpu.memory_space<vmem>> -> memref<128x48xf32, #tpu.memory_space<vmem>>
    %dma_wait3A_453 = arith.constant 0 : i32
    %dma_wait3A_454 = tpu.memref_slice %arg8[%dma_wait3A_443, %dma_wait3A_453] : memref<80x128xi32, #tpu.memory_space<vmem>> -> memref<1x128xi32, #tpu.memory_space<vmem>>
    %dma_wait3A_455 = tpu.memref_squeeze %dma_wait3A_454 : memref<1x128xi32, #tpu.memory_space<vmem>> -> memref<128xi32, #tpu.memory_space<vmem>>
    %dma_wait3A_456 = arith.constant 0 : i32
    %dma_wait3A_457 = arith.constant 0 : i32
    %dma_wait3A_458 = tpu.memref_slice %arg10[%dma_wait3A_456, %dma_wait3A_457] : memref<10240x48xf32, #tpu.memory_space<vmem_shared>> -> memref<10240x48xf32, #tpu.memory_space<vmem_shared>>
    tpu.wait_indirect_dma semaphore(%arg12 : memref<!tpu.dma_semaphore, #tpu.memory_space<semaphore_mem>>) src(%dma_wait3A_452 : memref<128x48xf32, #tpu.memory_space<vmem>>) dst(%dma_wait3A_458 : memref<10240x48xf32, #tpu.memory_space<vmem_shared>>)
    %barrier3A_459 = arith.constant 0 : index
    tpu.barrier barrier_id(%barrier3A_459)
    "tpu.region"() ({
      %run_scoped3A = tpu.sem_alloc : memref<!tpu.dma_semaphore, #tpu.memory_space<semaphore_mem>>
      %dma_start3A_460 = arith.constant 0 : i32
      %dma_start3A_461 = arith.constant 0 : i32
      %dma_start3A_462 = tpu.memref_slice %arg6[%arg0, %dma_start3A_460, %dma_start3A_461] : memref<2x10240x48xf32, #tpu.memory_space<hbm>> -> memref<1x10240x48xf32, #tpu.memory_space<hbm>>
      %dma_start3A_463 = tpu.memref_squeeze %dma_start3A_462 : memref<1x10240x48xf32, #tpu.memory_space<hbm>> -> memref<10240x48xf32, #tpu.memory_space<hbm>>
      %dma_start3A_464 = arith.constant 0 : i32
      %dma_start3A_465 = tpu.memref_slice %dma_start3A_463[%mul3A_2, %dma_start3A_464] : memref<10240x48xf32, #tpu.memory_space<hbm>> -> memref<640x48xf32, #tpu.memory_space<hbm>>
      %dma_start3A_466 = arith.constant 0 : i32
      %dma_start3A_467 = tpu.memref_slice %arg10[%mul3A_2, %dma_start3A_466] : memref<10240x48xf32, #tpu.memory_space<vmem_shared>> -> memref<640x48xf32, #tpu.memory_space<vmem_shared>>
      tpu.enqueue_dma source(%dma_start3A_467 : memref<640x48xf32, #tpu.memory_space<vmem_shared>>) target(%dma_start3A_465 : memref<640x48xf32, #tpu.memory_space<hbm>>) target_semaphore(%run_scoped3A : memref<!tpu.dma_semaphore, #tpu.memory_space<semaphore_mem>>)
      %dma_wait3A_468 = arith.constant 0 : i32
      %dma_wait3A_469 = arith.constant 0 : i32
      %dma_wait3A_470 = tpu.memref_slice %arg6[%arg0, %dma_wait3A_468, %dma_wait3A_469] : memref<2x10240x48xf32, #tpu.memory_space<hbm>> -> memref<1x10240x48xf32, #tpu.memory_space<hbm>>
      %dma_wait3A_471 = tpu.memref_squeeze %dma_wait3A_470 : memref<1x10240x48xf32, #tpu.memory_space<hbm>> -> memref<10240x48xf32, #tpu.memory_space<hbm>>
      %dma_wait3A_472 = arith.constant 0 : i32
      %dma_wait3A_473 = tpu.memref_slice %dma_wait3A_471[%mul3A_2, %dma_wait3A_472] : memref<10240x48xf32, #tpu.memory_space<hbm>> -> memref<640x48xf32, #tpu.memory_space<hbm>>
      %dma_wait3A_474 = arith.constant 0 : i32
      %dma_wait3A_475 = tpu.memref_slice %arg10[%mul3A_2, %dma_wait3A_474] : memref<10240x48xf32, #tpu.memory_space<vmem_shared>> -> memref<640x48xf32, #tpu.memory_space<vmem_shared>>
      tpu.wait_dma2 semaphore(%run_scoped3A : memref<!tpu.dma_semaphore, #tpu.memory_space<semaphore_mem>>) src(%dma_wait3A_475 : memref<640x48xf32, #tpu.memory_space<vmem_shared>>) dst(%dma_wait3A_473 : memref<640x48xf32, #tpu.memory_space<hbm>>)
      tpu.yield
    }) : () -> ()
    return
  }
}

module attributes {stable_mosaic.version = 14 : i64} {
  func.func @body(%arg0: memref<10240x128xf32, #tpu.memory_space<vmem>>, %arg1: memref<128x48xf32, #tpu.memory_space<vmem>>, %arg2: memref<10240x48xf32, #tpu.memory_space<vmem>>) attributes {dimension_semantics = [], scalar_prefetch = 0 : i64, scratch_operands = 0 : i64, tpu.core_type = #tpu.core_type<tc>} {
    %get3A = arith.constant 0 : index
    %get3A_0 = arith.constant 0 : index
    %get3A_1 = vector.load %arg0[%get3A, %get3A_0] : memref<10240x128xf32, #tpu.memory_space<vmem>>, vector<10240x128xf32>
    %get3A_2 = arith.constant 0 : index
    %get3A_3 = arith.constant 0 : index
    %get3A_4 = vector.load %arg1[%get3A_2, %get3A_3] : memref<128x48xf32, #tpu.memory_space<vmem>>, vector<128x48xf32>
    %dot_general3A = arith.constant dense<0.000000e+00> : vector<10240x48xf32>
    %dot_general3A_5 = tpu.matmul %get3A_1, %get3A_4, %dot_general3A {dimension_numbers = #tpu.dot_dimension_numbers<[1], [0], [0], [1], [0, 0, 1, 1], [], []>, transpose_lhs_hint = false} : vector<10240x128xf32>, vector<128x48xf32>, vector<10240x48xf32> -> vector<10240x48xf32>
    %swap3A = arith.constant 0 : index
    %swap3A_6 = arith.constant 0 : index
    %swap3A_7 = vector.load %arg2[%swap3A, %swap3A_6] : memref<10240x48xf32, #tpu.memory_space<vmem>>, vector<10240x48xf32>
    tpu.vector_store %arg2[%swap3A, %swap3A_6], %dot_general3A_5 {strides = array<i32>} : memref<10240x48xf32, #tpu.memory_space<vmem>>, vector<10240x48xf32>,
    return
  }
}

module attributes {stable_mosaic.version = 14 : i64} {
  func.func @body(%arg0: memref<2x10240x16xf32, #tpu.memory_space<vmem>>, %arg1: memref<10240x48xf32, #tpu.memory_space<vmem>>, %arg2: memref<10240x48xf32, #tpu.memory_space<vmem>>) attributes {dimension_semantics = [], scalar_prefetch = 0 : i64, scratch_operands = 0 : i64, tpu.core_type = #tpu.core_type<tc>} {
    %get3A = arith.constant 0 : index
    %get3A_0 = arith.constant 0 : index
    %get3A_1 = vector.load %arg1[%get3A, %get3A_0] : memref<10240x48xf32, #tpu.memory_space<vmem>>, vector<10240x48xf32>
    %get3A_2 = arith.constant 0 : index
    %get3A_3 = arith.constant 0 : index
    %get3A_4 = arith.constant 0 : index
    %get3A_5 = vector.load %arg0[%get3A_2, %get3A_3, %get3A_4] : memref<2x10240x16xf32, #tpu.memory_space<vmem>>, vector<1x10240x1xf32>
    %get3A_6 = vector.shape_cast %get3A_5 : vector<1x10240x1xf32> to vector<10240x1xf32>
    %get3A_7 = arith.constant 1 : index
    %get3A_8 = arith.constant 0 : index
    %get3A_9 = arith.constant 0 : index
    %get3A_10 = vector.load %arg0[%get3A_7, %get3A_8, %get3A_9] : memref<2x10240x16xf32, #tpu.memory_space<vmem>>, vector<1x10240x1xf32>
    %get3A_11 = vector.shape_cast %get3A_10 : vector<1x10240x1xf32> to vector<10240x1xf32>
    %add3A = arith.addf %get3A_6, %get3A_11 : vector<10240x1xf32>
    %add3A_12 = arith.constant 1.000000e+00 : f32
    %add3A_13 = vector.broadcast %add3A_12 : f32 to vector<10240x1xf32>
    %add3A_14 = arith.addf %add3A, %add3A_13 : vector<10240x1xf32>
    %rsqrt3A = math.rsqrt %add3A_14 : vector<10240x1xf32>
    %mul3A = vector.broadcast %rsqrt3A : vector<10240x1xf32> to vector<10240x48xf32>
    %mul3A_15 = arith.mulf %get3A_1, %mul3A : vector<10240x48xf32>
    %swap3A = arith.constant 0 : index
    %swap3A_16 = arith.constant 0 : index
    %swap3A_17 = vector.load %arg2[%swap3A, %swap3A_16] : memref<10240x48xf32, #tpu.memory_space<vmem>>, vector<10240x48xf32>
    tpu.vector_store %arg2[%swap3A, %swap3A_16], %mul3A_15 {strides = array<i32>} : memref<10240x48xf32, #tpu.memory_space<vmem>>, vector<10240x48xf32>,
    return
  }
}

module attributes {stable_mosaic.version = 14 : i64} {
  func.func @body(%arg0: memref<2x10240x48xf32, #tpu.memory_space<vmem>>, %arg1: memref<10240x48xf32, #tpu.memory_space<vmem>>, %arg2: memref<2x10240x16xf32, #tpu.memory_space<vmem>>, %arg3: memref<10240x48xf32, #tpu.memory_space<vmem>>) attributes {dimension_semantics = [], scalar_prefetch = 0 : i64, scratch_operands = 0 : i64, tpu.core_type = #tpu.core_type<tc>} {
    %get3A = arith.constant 0 : index
    %get3A_0 = arith.constant 0 : index
    %get3A_1 = arith.constant 0 : index
    %get3A_2 = vector.load %arg0[%get3A, %get3A_0, %get3A_1] : memref<2x10240x48xf32, #tpu.memory_space<vmem>>, vector<1x10240x48xf32>
    %get3A_3 = vector.shape_cast %get3A_2 : vector<1x10240x48xf32> to vector<10240x48xf32>
    %get3A_4 = arith.constant 1 : index
    %get3A_5 = arith.constant 0 : index
    %get3A_6 = arith.constant 0 : index
    %get3A_7 = vector.load %arg0[%get3A_4, %get3A_5, %get3A_6] : memref<2x10240x48xf32, #tpu.memory_space<vmem>>, vector<1x10240x48xf32>
    %get3A_8 = vector.shape_cast %get3A_7 : vector<1x10240x48xf32> to vector<10240x48xf32>
    %add3A = arith.addf %get3A_3, %get3A_8 : vector<10240x48xf32>
    %get3A_9 = arith.constant 0 : index
    %get3A_10 = arith.constant 0 : index
    %get3A_11 = vector.load %arg1[%get3A_9, %get3A_10] : memref<10240x48xf32, #tpu.memory_space<vmem>>, vector<10240x48xf32>
    %add3A_12 = arith.addf %add3A, %get3A_11 : vector<10240x48xf32>
    %get3A_13 = arith.constant 0 : index
    %get3A_14 = arith.constant 0 : index
    %get3A_15 = arith.constant 0 : index
    %get3A_16 = vector.load %arg2[%get3A_13, %get3A_14, %get3A_15] : memref<2x10240x16xf32, #tpu.memory_space<vmem>>, vector<1x10240x1xf32>
    %get3A_17 = vector.shape_cast %get3A_16 : vector<1x10240x1xf32> to vector<10240x1xf32>
    %get3A_18 = arith.constant 1 : index
    %get3A_19 = arith.constant 0 : index
    %get3A_20 = arith.constant 0 : index
    %get3A_21 = vector.load %arg2[%get3A_18, %get3A_19, %get3A_20] : memref<2x10240x16xf32, #tpu.memory_space<vmem>>, vector<1x10240x1xf32>
    %get3A_22 = vector.shape_cast %get3A_21 : vector<1x10240x1xf32> to vector<10240x1xf32>
    %add3A_23 = arith.addf %get3A_17, %get3A_22 : vector<10240x1xf32>
    %add3A_24 = arith.constant 1.000000e+00 : f32
    %add3A_25 = vector.broadcast %add3A_24 : f32 to vector<10240x1xf32>
    %add3A_26 = arith.addf %add3A_23, %add3A_25 : vector<10240x1xf32>
    %div3A = vector.broadcast %add3A_26 : vector<10240x1xf32> to vector<10240x48xf32>
    %div3A_27 = arith.divf %add3A_12, %div3A : vector<10240x48xf32>
    %swap3A = arith.constant 0 : index
    %swap3A_28 = arith.constant 0 : index
    %swap3A_29 = vector.load %arg3[%swap3A, %swap3A_28] : memref<10240x48xf32, #tpu.memory_space<vmem>>, vector<10240x48xf32>
    tpu.vector_store %arg3[%swap3A, %swap3A_28], %div3A_27 {strides = array<i32>} : memref<10240x48xf32, #tpu.memory_space<vmem>>, vector<10240x48xf32>,
    return
  }
}

module attributes {stable_mosaic.version = 14 : i64} {
  func.func @body(%arg0: memref<2x10240x48xf32, #tpu.memory_space<vmem>>, %arg1: memref<10240x48xf32, #tpu.memory_space<vmem>>, %arg2: memref<2x10240x16xf32, #tpu.memory_space<vmem>>, %arg3: memref<1x48xf32, #tpu.memory_space<vmem>>, %arg4: memref<10240x48xf32, #tpu.memory_space<vmem>>) attributes {dimension_semantics = [], scalar_prefetch = 0 : i64, scratch_operands = 0 : i64, tpu.core_type = #tpu.core_type<tc>} {
    %get3A = arith.constant 0 : index
    %get3A_0 = arith.constant 0 : index
    %get3A_1 = arith.constant 0 : index
    %get3A_2 = vector.load %arg0[%get3A, %get3A_0, %get3A_1] : memref<2x10240x48xf32, #tpu.memory_space<vmem>>, vector<1x10240x48xf32>
    %get3A_3 = vector.shape_cast %get3A_2 : vector<1x10240x48xf32> to vector<10240x48xf32>
    %get3A_4 = arith.constant 1 : index
    %get3A_5 = arith.constant 0 : index
    %get3A_6 = arith.constant 0 : index
    %get3A_7 = vector.load %arg0[%get3A_4, %get3A_5, %get3A_6] : memref<2x10240x48xf32, #tpu.memory_space<vmem>>, vector<1x10240x48xf32>
    %get3A_8 = vector.shape_cast %get3A_7 : vector<1x10240x48xf32> to vector<10240x48xf32>
    %add3A = arith.addf %get3A_3, %get3A_8 : vector<10240x48xf32>
    %get3A_9 = arith.constant 0 : index
    %get3A_10 = arith.constant 0 : index
    %get3A_11 = vector.load %arg1[%get3A_9, %get3A_10] : memref<10240x48xf32, #tpu.memory_space<vmem>>, vector<10240x48xf32>
    %add3A_12 = arith.addf %add3A, %get3A_11 : vector<10240x48xf32>
    %get3A_13 = arith.constant 0 : index
    %get3A_14 = arith.constant 0 : index
    %get3A_15 = arith.constant 0 : index
    %get3A_16 = vector.load %arg2[%get3A_13, %get3A_14, %get3A_15] : memref<2x10240x16xf32, #tpu.memory_space<vmem>>, vector<1x10240x1xf32>
    %get3A_17 = vector.shape_cast %get3A_16 : vector<1x10240x1xf32> to vector<10240x1xf32>
    %get3A_18 = arith.constant 1 : index
    %get3A_19 = arith.constant 0 : index
    %get3A_20 = arith.constant 0 : index
    %get3A_21 = vector.load %arg2[%get3A_18, %get3A_19, %get3A_20] : memref<2x10240x16xf32, #tpu.memory_space<vmem>>, vector<1x10240x1xf32>
    %get3A_22 = vector.shape_cast %get3A_21 : vector<1x10240x1xf32> to vector<10240x1xf32>
    %add3A_23 = arith.addf %get3A_17, %get3A_22 : vector<10240x1xf32>
    %add3A_24 = arith.constant 1.000000e+00 : f32
    %add3A_25 = vector.broadcast %add3A_24 : f32 to vector<10240x1xf32>
    %add3A_26 = arith.addf %add3A_23, %add3A_25 : vector<10240x1xf32>
    %rsqrt3A = math.rsqrt %add3A_26 : vector<10240x1xf32>
    %mul3A = vector.broadcast %rsqrt3A : vector<10240x1xf32> to vector<10240x48xf32>
    %mul3A_27 = arith.mulf %add3A_12, %mul3A : vector<10240x48xf32>
    %get3A_28 = arith.constant 0 : index
    %get3A_29 = arith.constant 0 : index
    %get3A_30 = vector.load %arg3[%get3A_28, %get3A_29] : memref<1x48xf32, #tpu.memory_space<vmem>>, vector<1x48xf32>
    %add3A_31 = vector.broadcast %get3A_30 : vector<1x48xf32> to vector<10240x48xf32>
    %add3A_32 = arith.addf %mul3A_27, %add3A_31 : vector<10240x48xf32>
    %iota3A = tpu.iota {dimensions = array<i32: 1>} : vector<1x48xi32>
    %lt3A = arith.constant 40 : i32
    %lt3A_33 = vector.broadcast %lt3A : i32 to vector<1x48xi32>
    %lt3A_34 = arith.cmpi slt, %iota3A, %lt3A_33 : vector<1x48xi32>
    %jit3A = arith.constant 0xFF800000 : f32
    %broadcast_in_dim3A = vector.shape_cast %lt3A_34 : vector<1x48xi1> to vector<1x48xi1>
    %broadcast_in_dim3A_35 = vector.broadcast %broadcast_in_dim3A : vector<1x48xi1> to vector<10240x48xi1>
    %broadcast_in_dim3A_36 = vector.broadcast %jit3A : f32 to vector<10240x48xf32>
    %select_n3A = arith.select %broadcast_in_dim3A_35, %add3A_32, %broadcast_in_dim3A_36 : vector<10240x48xi1>, vector<10240x48xf32>
    %reduce_max3A = arith.constant dense<0xFF800000> : vector<10240xf32>
    %reduce_max3A_37 = vector.multi_reduction <maximumf>, %select_n3A, %reduce_max3A [1] : vector<10240x48xf32> to vector<10240xf32>
    %broadcast_in_dim3A_38 = vector.shape_cast %reduce_max3A_37 : vector<10240xf32> to vector<10240x1xf32>
    %sub3A = vector.broadcast %broadcast_in_dim3A_38 : vector<10240x1xf32> to vector<10240x48xf32>
    %sub3A_39 = arith.subf %add3A_32, %sub3A : vector<10240x48xf32>
    %exp3A = math.exp %sub3A_39 : vector<10240x48xf32>
    %jit3A_40 = arith.constant 0.000000e+00 : f32
    %broadcast_in_dim3A_41 = vector.shape_cast %lt3A_34 : vector<1x48xi1> to vector<1x48xi1>
    %broadcast_in_dim3A_42 = vector.broadcast %broadcast_in_dim3A_41 : vector<1x48xi1> to vector<10240x48xi1>
    %broadcast_in_dim3A_43 = vector.broadcast %jit3A_40 : f32 to vector<10240x48xf32>
    %select_n3A_44 = arith.select %broadcast_in_dim3A_42, %exp3A, %broadcast_in_dim3A_43 : vector<10240x48xi1>, vector<10240x48xf32>
    %reduce_sum3A = arith.constant dense<0.000000e+00> : vector<10240xf32>
    %reduce_sum3A_45 = vector.multi_reduction <add>, %select_n3A_44, %reduce_sum3A [1] : vector<10240x48xf32> to vector<10240xf32>
    %broadcast_in_dim3A_46 = vector.shape_cast %reduce_sum3A_45 : vector<10240xf32> to vector<10240x1xf32>
    %log3A = math.log %broadcast_in_dim3A_46 : vector<10240x1xf32>
    %sub3A_47 = vector.broadcast %broadcast_in_dim3A_38 : vector<10240x1xf32> to vector<10240x48xf32>
    %sub3A_48 = arith.subf %add3A_32, %sub3A_47 : vector<10240x48xf32>
    %sub3A_49 = vector.broadcast %log3A : vector<10240x1xf32> to vector<10240x48xf32>
    %sub3A_50 = arith.subf %sub3A_48, %sub3A_49 : vector<10240x48xf32>
    %swap3A = arith.constant 0 : index
    %swap3A_51 = arith.constant 0 : index
    %swap3A_52 = vector.load %arg4[%swap3A, %swap3A_51] : memref<10240x48xf32, #tpu.memory_space<vmem>>, vector<10240x48xf32>
    tpu.vector_store %arg4[%swap3A, %swap3A_51], %sub3A_50 {strides = array<i32>} : memref<10240x48xf32, #tpu.memory_space<vmem>>, vector<10240x48xf32>,
    return
  }
}

</mosaic_0001>

<sc_bundles>
// kernel: kernel.12.cloned.1.call-start
scs
__scs_entry_jumppad:
0x0: {  	(pc) =	sbr.rel $0x88, $3  }
0x1: {  	(tag) =	ssettag $0x0;
	lr =	simm.s32 $0x1  }
0x2: {  	[smem:$0x3F9D] =	sst lr;
	_ =	strace $0xD0000000  }
0x3: {  	_ = 	snop  }
0x4: {  	_ = 	snop  }
0x5: {  	_ = 	snop  }
0x6: {  	_ = 	snop  }
0x7: {  	_ = 	snop  }
__scs_overlays_trampoline_lowered:
0x8: {  	[smem:$0x3FAC] =	sst s0  }
0x9: {  	[smem:$0x3FAD] =	sst s1  }
0xa: {  	[smem:$0x3FAE] =	sst s2  }
0xb: {  	[smem:$0x3FAF] =	sst s3  }
0xc: {  	[smem:$0x3FB0] =	sst s4  }
0xd: {  	[smem:$0x3FB1] =	sst s5  }
0xe: {  	[smem:$0x3FB2] =	sst s6  }
0xf: {  	[smem:$0x3FB3] =	sst s7  }
0x10: {  	[smem:$0x3FB4] =	sst s8  }
0x11: {  	[smem:$0x3FB5] =	sst s9;
	s0 =	simm.s32 @!p0 $0x0  }
0x12: {  	s1 =	sld [smem:$0x3F9B];
	s0 =	simm.s32 @p0 $0x1  }
0x13: {  	[smem:$0x3FB6] =	sst s0;
	s0 =	simm.s32 @!p1 $0x0  }
0x14: {  	s2 =	sld [smem:$0x3F9A];
	s0 =	simm.s32 @p1 $0x1  }
0x15: {  	[smem:$0x3FB7] =	sst s0;
	s0 =	simm.s32 @!p2 $0x0  }
0x16: {  	s3 =	sld [smem:$0x3FDB];
	s0 =	simm.s32 @p2 $0x1  }
0x17: {  	s4 =	simm.s32 $0x1BF5;
	[smem:$0x3FB9] =	sst s0  }
0x18: {  	s0 =	sld [smem:$0x3F9C];
	_ =	swait.ge [sflag:s4], $0x0  }
0x19: {  	s7 =	sld [smem:$0x3F9D]  }
0x1a: {  	s8 =	sadd.s32 $0xFFFFE003, lr  }
0x1b: {  	s9 =	sadd.s32 $0xFFFFFEF7, lr;
	s5 =	simm.s32 $0xFFFFFFFF;
	p2 =	slt.u32 s8, $0xFFFFF086  }
0x1c: {  	p1 =	slt.u32 s9, $0xF7A;
	s5 =	simm.s32 @!p2 $0x0  }
0x1d: {  	s5 =	simm.s32 @p1 $0x1;
	p0 =	seq.s32 s7, s2  }
0x1e: {  	s7 =	smul.u32 @!p0 $0xF7A, s2;
	p2 =	seq.s32 @!p0 s5, $0x0  }
0x1f: {  	s9 =	smul.u32 $0xF7A, s1;
	s8 =	simm.s32 @!p0 $0x1BF5;
	p2 =	por !p2, p0  }
0x20: {  	[sflag:s8] =	ssyncset.s32 @!p0 $0xFFFFF086;
	s6 =	sadd.s32 @!p0 s3, s7;
	s7 =	simm.s32 @!p0 $0x108  }
0x21: {  	s3 =	sadd.s32 s3, s9;
	s6 =	sadd.s32 @!p0 $0x88, s6;
	s7 =	simm.s32 @p2 $0x1082  }
0x22: {  	[simem:s7], [sflag:s8] =	dma.local @!p0 [hbm:s6], $0xF7A  }
0x23: {  	s9 =	sor.u32 $0xD0000000, s2;
	s6 =	simm.s32 $0x108;
	_ =	swait.ge @!p0 [sflag:s8], $0x0  }
0x24: {  	s3 =	sadd.s32 $0x88, s3;
	s6 =	simm.s32 @!p1 $0x1082;
	[sflag:s4] =	ssyncset.s32 $0xFFFFF086  }
0x25: {  	[simem:s6], [sflag:s4] =	dma.local [hbm:s3], $0xF7A  }
0x26: {  	[smem:$0x3F9D] =	sst s1;
	(tag) =	ssettag s2;
	_ =	strace s9  }
0x27: {  	s1 =	sld [smem:$0x3FAD]  }
0x28: {  	s2 =	sld [smem:$0x3FAE]  }
0x29: {  	s4 =	sld [smem:$0x3FB0]  }
0x2a: {  	p0 =	seq.s32 s5, $0x0;
	s5 =	sld [smem:$0x3FB1]  }
0x2b: {  	s6 =	sld [smem:$0x3FB2]  }
0x2c: {  	s7 =	sld [smem:$0x3FB3]  }
0x2d: {  	s3 =	simm.s32 $0x108;
	s8 =	sld [smem:$0x3FB4]  }
0x2e: {  	s3 =	simm.s32 @!p0 $0x1082;
	s9 =	sld [smem:$0x3FB5]  }
0x2f: {  	lr =	sadd.s32 s0, s3;
	s0 =	sld [smem:$0x3FAC]  }
0x30: {  	s3 =	sld [smem:$0x3FAF]  }
0x31: {  	[smem:$0x3FB8] =	sst s10  }
0x32: {  	s10 =	sld [smem:$0x3FB6];
	_ =	sdelay $0x3  }
0x33: {  	p0 =	seq.s32 s10, $0x1;
	s10 =	sld [smem:$0x3FB8];
	_ =	sdelay $0x3  }
0x34: {  	[smem:$0x3FB8] =	sst s10  }
0x35: {  	s10 =	sld [smem:$0x3FB7];
	_ =	sdelay $0x3  }
0x36: {  	p1 =	seq.s32 s10, $0x1;
	s10 =	sld [smem:$0x3FB8];
	_ =	sdelay $0x3  }
0x37: {  	[smem:$0x3FB8] =	sst s10  }
0x38: {  	s10 =	sld [smem:$0x3FB9]  }
0x39: {  	_ = 	snop;
	(pc) =	sbr.ind lr, $3  }
0x3a: {  	_ = 	snop  }
0x3b: {  	_ = 	snop  }
0x3c: {  	p2 =	seq.s32 s10, $0x1;
	s10 =	sld [smem:$0x3FB8]  }
0x3d: {  	_ =	shalt  }
0x3e: {  	_ =	shalt  }
0x3f: {  	_ =	shalt  }
0x40: {  	_ =	shalt  }
0x41: {  	_ =	shalt  }
0x42: {  	_ =	shalt  }
0x43: {  	_ =	shalt  }
0x44: {  	_ =	shalt  }
0x45: {  	_ =	shalt  }
0x46: {  	_ =	shalt  }
0x47: {  	_ =	shalt  }
0x48: {  	_ =	shalt  }
0x49: {  	_ =	shalt  }
0x4a: {  	_ =	shalt  }
0x4b: {  	_ =	shalt  }
0x4c: {  	_ =	shalt  }
0x4d: {  	_ =	shalt  }
0x4e: {  	_ =	shalt  }
0x4f: {  	_ =	shalt  }
0x50: {  	_ =	shalt  }
0x51: {  	_ =	shalt  }
0x52: {  	_ =	shalt  }
0x53: {  	_ =	shalt  }
0x54: {  	_ =	shalt  }
0x55: {  	_ =	shalt  }
0x56: {  	_ =	shalt  }
0x57: {  	_ =	shalt  }
0x58: {  	_ =	shalt  }
0x59: {  	_ =	shalt  }
0x5a: {  	_ =	shalt  }
0x5b: {  	_ =	shalt  }
0x5c: {  	_ =	shalt  }
0x5d: {  	_ =	shalt  }
0x5e: {  	_ =	shalt  }
0x5f: {  	_ =	shalt  }
0x60: {  	_ =	shalt  }
0x61: {  	_ =	shalt  }
0x62: {  	_ =	shalt  }
0x63: {  	_ =	shalt  }
0x64: {  	_ =	shalt  }
0x65: {  	_ =	shalt  }
0x66: {  	_ =	shalt  }
0x67: {  	_ =	shalt  }
0x68: {  	_ =	shalt  }
0x69: {  	_ =	shalt  }
0x6a: {  	_ =	shalt  }
0x6b: {  	_ =	shalt  }
0x6c: {  	_ =	shalt  }
0x6d: {  	_ =	shalt  }
0x6e: {  	_ =	shalt  }
0x6f: {  	_ =	shalt  }
0x70: {  	_ =	shalt  }
0x71: {  	_ =	shalt  }
0x72: {  	_ =	shalt  }
0x73: {  	_ =	shalt  }
0x74: {  	_ =	shalt  }
0x75: {  	_ =	shalt  }
0x76: {  	_ =	shalt  }
0x77: {  	_ =	shalt  }
0x78: {  	_ =	shalt  }
0x79: {  	_ =	shalt  }
0x7a: {  	_ =	shalt  }
0x7b: {  	_ =	shalt  }
0x7c: {  	_ =	shalt  }
0x7d: {  	_ =	shalt  }
0x7e: {  	_ =	shalt  }
0x7f: {  	_ =	shalt  }
0x80: {  	_ =	shalt  }
0x81: {  	_ =	shalt  }
0x82: {  	_ =	shalt  }
0x83: {  	_ =	shalt  }
0x84: {  	_ =	shalt  }
0x85: {  	_ =	shalt  }
0x86: {  	_ =	shalt  }
0x87: {  	_ =	shalt  }
.Lfunc_end0:
.L_simem_size_0:
called_computation.1_lowered:
.L_overlay_start_0:
0x88: {  	s2 =	sld [smem:$0x3FD9]  }
0x89: {  	s3 =	sld [smem:$0x3FFE];
	_ =	sdelay $0x1  }
0x8a: {  	s1 =	srdreg.scid  }
0x8b: {  	s0 =	sand.u32 $0x1, s1  }
0x8c: {  	s17 =	sshll.u32 s0, $0xA;
	s2 =	sadd.s32 s3, s2  }
0x8d: {  	s2 =	sadd.s32 s2, s17  }
0x8e: {  	[smem:$0x3FC4] =	sst s2  }
0x8f: {  	_ = 	snop  }
0x90: {  	s2 =	sld [smem:$0x3FD0];
	(tm) =	ssettm $0x1  }
0x91: {  	s18 =	sld [smem:$0x3FFB];
	_ =	sdelay $0x3  }
0x92: {  	_ =	strace s18  }
0x93: {  	s3 =	sld [smem:$0x3FFC];
	_ =	sdelay $0x3  }
0x94: {  	_ =	strace s3  }
0x95: {  	s3 =	sld [smem:$0x3FFD];
	_ =	sdelay $0x3  }
0x96: {  	_ =	strace s3  }
0x97: {  	_ =	strace $0x8FFFFFFF  }
0x98: {  	s19 =	sld [smem:$0x3FDB];
	_ =	sdelay $0x1  }
0x99: {  	s4 =	simm.s32 $_scs_section_size  }
0x9a: {  	s5 =	simm.s32 $_size__tile_overlayer_lowered;
	s6 =	simm.s32 $_tile_overlayer_lowered  }
0x9b: {  	s22 =	simm.s32 $0x1BFF;
	s21 =	sshll.u32 s6, $0x1;
	s3 =	sadd.s32 s4, s19  }
0x9c: {  	s7 =	simm.s32 $0x0;
	s20 =	sshll.u32 s5, $0x1;
	s5 =	sadd.s32 s21, s3  }
0x9d: {  	[timem:s7], [sflag:s22] =	dma.local [hbm:s5], s20  }
0x9e: {  	_ =	swait.ge [sflag:s22], s20  }
0x9f: {  	s4 =	ssub.s32 $0x0, s20;
	[sflag:s22] =	ssyncset.done $0x0  }
0xa0: {  	[sflag:s22] =	ssyncadd.s32 s4;
	_ =	sdelay $0x1  }
0xa1: {  	s23 =	simm.s32 $0x1B8B  }
0xa2: {  	_ =	swait.ge [sflag:s23], $0x1  }
0xa3: {  	[sflag:s23] =	ssyncset.done $0x0  }
0xa4: {  	s25 =	simm.s32 $0x1B8E;
	s24 =	sld [smem:$0x3FFE];
	[sflag:s23] =	ssyncadd.s32 $0xFFFFFFFF  }
0xa5: {  	s26 =	simm.s32 $execute0_lowered;
	[smem:$0x3FD2] =	sst s25  }
0xa6: {  	s5 =	sshll.u32 s26, $0x1;
	_ =	strace $0x80000049;
	[dreg:$0x1] =	wrdreg $0xFFFFFFFF  }
0xa7: {  	s28 =	simm.s32 $_size_execute0_lowered;
	s3 =	sadd.s32 s3, s5;
	[dreg:$0x0] =	wrdreg $0x0  }
0xa8: {  	s5 =	sshll.u32 s28, $0x1;
	[dreg:$0x2] =	wrdreg s3  }
0xa9: {  	[dreg:$0x3] =	wrdreg s5  }
0xaa: {  	[dreg:$0x4] =	wrdreg $0xC0  }
0xab: {  	_ =	task [dreg:s7], $0x5FFFF  }
0xac: {  	[dreg:$0x1] =	wrdreg $0xFFFFFFFF  }
0xad: {  	[dreg:$0x0] =	wrdreg $0x60  }
0xae: {  	[dreg:$0x2] =	wrdreg s24  }
0xaf: {  	[dreg:$0x3] =	wrdreg s2  }
0xb0: {  	[dreg:$0x4] =	wrdreg $0x140000  }
0xb1: {  	[dreg:$0x5] =	wrdreg $0x9  }
0xb2: {  	_ =	task.clear_ibuf [dreg:s7], $0x6FFFF;
	_ =	strace $0x90000049  }
0xb3: {  	s29 =	simm.s32 $0x9;
	_ =	strace $0x8000004B  }
0xb4: {  	_ =	swait.ge [sflag:s29], $0x1  }
0xb5: {  	[sflag:s29] =	ssyncadd.s32 $0xFFFFFFFF  }
0xb6: {  	_ =	strace $0x9000004B  }
0xb7: {  	_ =	sfence  }
0xb8: {  	s30 =	sld [smem:$0x0];
	_ =	sdelay $0x2  }
0xb9: {  	s31 =	sshll.u32 s1, $0xD;
	s1 =	sshrl.u32 s1, $0x2  }
0xba: {  	s3 =	sand.u32 $0x4000, s31;
	s1 =	sadd.s32 s1, s30  }
0xbb: {  	s0 =	sor.u32 s3, s0;
	s1 =	sshll.u32 s1, $0x11  }
0xbc: {  	s0 =	sor.u32 s1, s0  }
0xbd: {  	s0 =	sadd.s32 $0x8F2B, s0  }
0xbe: {  	[sflag:s0] =	ssyncadd.remote.s32 $0x1  }
0xbf: {  	_ =	sfence.sel $0xFFFF  }
0xc0: {  	[dreg:$0x0] =	wrdreg $0xFFFFFFFF;
	(pc) =	sbr.abs _section_cstart, $3  }
0xc1: {  	[dreg:$0x1] =	wrdreg $0xFFFFFFFF  }
0xc2: {  	_ =	task.clear_ibuf [dreg:s7], $0x2FFFF;
	_ =	strace $0x9FFFFFFF  }
0xc3: {  	(tm) =	ssettm $0x7FFFFFFF  }
tec
execute0_lowered:
.L_overlay_start_1:
0x0: {  	(tag) =	ssettag $0x1  }
0x1: {  	s0 =	rddreg [dreg:$0x0]  }
0x2: {  	s2 =	rddreg [dreg:$0x1]  }
0x3: {  	s1 =	rddreg [dreg:$0x2]  }
0x4: {  	s3 =	srdreg.scid;
	s12 =	stileid.u32  }
0x5: {  	s13 =	simm.s32 $0x80;
	s14 =	simm.s32 $0x5000;
	s15 =	simm.s32 $0x6800  }
0x6: {  	s17 =	simm.s32 $0x8000;
	s19 =	simm.s32 $0x9800;
	s21 =	simm.s32 $0xB000  }
0x7: {  	s23 =	simm.s32 $0xC800;
	s29 =	simm.s32 $0xF800;
	s31 =	simm.s32 $0x11000  }
0x8: {  	s28 =	simm.s32 $0x1;
	s22 =	simm.s32 $0x0;
	s5 =	sand.u32 $0x1, s3  }
0x9: {  	s3 =	simm.s32 $0x0;
	s7 =	smul.u32 $0x7800, s12;
	s30 =	sshll.u32 s12, $0x6  }
0xa: {  	s4 =	sshll.u32 s5, $0x4;
	[smem:$0x7FF] =	sst s3;
	s8 =	smul.u32 $0xF000, s5  }
0xb: {  	s5 =	ssub.s32 $0x2, s5;
	s6 =	sor.u32 s12, s4;
	_ =	strace $0x8000004A  }
0xc: {  	s4 =	sadd.s32 $0xB400, s0;
	s16 =	sshrl.u32 s7, $0x3;
	s11 =	sshrl.u32 s5, $0x1  }
0xd: {  	s26 =	sadd.s32 s7, s1;
	s6 =	smul.u32 $0x500, s6;
	s10 =	sadd.s32 s16, s0  }
0xe: {  	s24 =	ssub.s32 s5, s11;
	s11 =	sor.u32 $0x1C03, s30;
	s12 =	sshrl.u32 s26, $0x3  }
0xf: {  	s26 =	simm.s32 $0xE000;
	s7 =	sadd.s32 $0x92800, s10;
	s10 =	simm.s32 $0x2800  }
0x10: {  	s9 =	sadd.s32 s6, s0;
	s0 =	sadd.s32 s8, s0;
	s2 =	sadd.s32 s2, s6  }
0x11: {  	s8 =	smax.u32 s24, $0x1;
	[dreg:$0x4] =	wrdreg s2;
	s25 =	sadd.s32 $0x1400, s9  }
0x12: {  	s0 =	sadd.s32 $0xA1800, s0;
	s9 =	simm.s32 $0x3;
	s2 =	simm.s32 $0x12800  }
0x13: {  	[dreg:$0x5] =	wrdreg s25;
	s24 =	sadd.s32 s16, s0;
	s25 =	simm.s32 $0x2  }
.LBB2_1:
0x14: {  	s0 =	rddreg [dreg:$0x4]  }
0x15: {  	[tilespmem:s3], [sflag:$0x3] =	stream.linear.gather [hbm4b:s0+s3], $0x2800, $0x38;
	[tilespmem:$0x1B800] =	vst v63  }
0x16: {  	_ =	swait.ge [sflag:s9], $0x2800  }
0x17: {  	[sflag:s9] =	ssyncset.done $0x0  }
0x18: {  	s16 =	rddreg [dreg:$0x5];
	[sflag:s9] =	ssyncadd.s32 $0xFFFFD800  }
0x19: {  	[tilespmem:s10], [sflag:$0x3] =	stream.linear.gather [hbm4b:s16+s3], $0x2800, $0x38;
	[tilespmem:$0x1B800] =	vst v63  }
0x1a: {  	_ =	swait.ge [sflag:s9], $0x2800  }
0x1b: {  	[sflag:s9] =	ssyncset.done $0x0  }
0x1c: {  	[sflag:s9] =	ssyncadd.s32 $0xFFFFD800  }
0x1d: {  	[spmem:s12], [sflag:s11] =	dma.local [hbm:s7], $0xF00  }
0x1e: {  	_ =	swait.ge [sflag:s9], $0xF00  }
0x1f: {  	[sflag:s9] =	ssyncset.done $0x0  }
0x20: {  	[sflag:s9] =	ssyncadd.s32 $0xFFFFF100  }
0x21: {  	[bflag:$0x0] =	sbarrier.arrive $0xFFFF  }
0x22: {  	[tilespmem:s14], [sflag:$0x1] =	stream.indirect.gather [hbm4b:s4+s13], $0x30, s3, s13, $0xb8;
	[tilespmem:$0x1B800] =	vst v63  }
0x23: {  	_ = 	snop  }
0x24: {  	[tilespmem:s15], [sflag:$0x1] =	stream.indirect.gather [hbm4b:s4+s13], $0x30, s13, s13, $0xb8;
	[tilespmem:$0x1B800] =	vst v63  }
0x25: {  	s18 =	simm.s32 $0x100  }
0x26: {  	[tilespmem:s17], [sflag:$0x1] =	stream.indirect.gather [hbm4b:s4+s13], $0x30, s18, s13, $0xb8;
	[tilespmem:$0x1B800] =	vst v63  }
0x27: {  	s20 =	simm.s32 $0x180  }
0x28: {  	[tilespmem:s19], [sflag:$0x1] =	stream.indirect.gather [hbm4b:s4+s13], $0x30, s20, s13, $0xb8;
	[tilespmem:$0x1B800] =	vst v63  }
0x29: {  	s5 =	simm.s32 $0x200  }
0x2a: {  	[tilespmem:s21], [sflag:$0x1] =	stream.indirect.gather [hbm4b:s4+s13], $0x30, s5, s13, $0xb8;
	[tilespmem:$0x1B800] =	vst v63  }
0x2b: {  	s6 =	simm.s32 $0x280  }
0x2c: {  	[tilespmem:s23], [sflag:$0x1] =	stream.indirect.gather [hbm4b:s4+s13], $0x30, s6, s13, $0xb8;
	[tilespmem:$0x1B800] =	vst v63  }
0x2d: {  	s16 =	simm.s32 $0x300  }
0x2e: {  	[tilespmem:s26], [sflag:$0x1] =	stream.indirect.gather [hbm4b:s4+s13], $0x30, s16, s13, $0xb8;
	[tilespmem:$0x1B800] =	vst v63  }
0x2f: {  	s18 =	simm.s32 $0x380  }
0x30: {  	[tilespmem:s29], [sflag:$0x1] =	stream.indirect.gather [hbm4b:s4+s13], $0x30, s18, s13, $0xb8;
	[tilespmem:$0x1B800] =	vst v63  }
0x31: {  	s20 =	simm.s32 $0x400  }
0x32: {  	[tilespmem:s31], [sflag:$0x1] =	stream.indirect.gather [hbm4b:s4+s13], $0x30, s20, s13, $0xb8;
	[tilespmem:$0x1B800] =	vst v63  }
0x33: {  	s5 =	simm.s32 $0x480  }
0x34: {  	[tilespmem:s2], [sflag:$0x1] =	stream.indirect.gather [hbm4b:s4+s13], $0x30, s5, s13, $0xb8;
	[tilespmem:$0x1B800] =	vst v63  }
0x35: {  	_ =	swait.ge [sflag:s28], $0x1800  }
0x36: {  	[sflag:s28] =	ssyncset.done $0x0  }
0x37: {  	[sflag:s28] =	ssyncadd.s32 $0xFFFFE800  }
0x38: {  	_ =	swait.ge [sflag:s28], $0x1800  }
0x39: {  	[sflag:s28] =	ssyncset.done $0x0  }
0x3a: {  	[sflag:s28] =	ssyncadd.s32 $0xFFFFE800  }
0x3b: {  	_ =	swait.ge [sflag:s28], $0x1800  }
0x3c: {  	[sflag:s28] =	ssyncset.done $0x0  }
0x3d: {  	[sflag:s28] =	ssyncadd.s32 $0xFFFFE800  }
0x3e: {  	_ =	swait.ge [sflag:s28], $0x1800  }
0x3f: {  	[sflag:s28] =	ssyncset.done $0x0  }
0x40: {  	[sflag:s28] =	ssyncadd.s32 $0xFFFFE800  }
0x41: {  	_ =	swait.ge [sflag:s28], $0x1800  }
0x42: {  	[sflag:s28] =	ssyncset.done $0x0  }
0x43: {  	[sflag:s28] =	ssyncadd.s32 $0xFFFFE800  }
0x44: {  	[spmem:s1] =	stream.indirect.scatter.add.f32 [tilespmem:s14], [sflag:$0x2], $0x30, s10, s13, $0xb8;
	[tilespmem:$0x1B800] =	vst v63  }
0x45: {  	s6 =	simm.s32 $0x2880  }
0x46: {  	[spmem:s1] =	stream.indirect.scatter.add.f32 [tilespmem:s15], [sflag:$0x2], $0x30, s6, s13, $0xb8;
	[tilespmem:$0x1B800] =	vst v63  }
0x47: {  	s16 =	simm.s32 $0x2900  }
0x48: {  	[spmem:s1] =	stream.indirect.scatter.add.f32 [tilespmem:s17], [sflag:$0x2], $0x30, s16, s13, $0xb8;
	[tilespmem:$0x1B800] =	vst v63  }
0x49: {  	s18 =	simm.s32 $0x2980  }
0x4a: {  	[spmem:s1] =	stream.indirect.scatter.add.f32 [tilespmem:s19], [sflag:$0x2], $0x30, s18, s13, $0xb8;
	[tilespmem:$0x1B800] =	vst v63  }
0x4b: {  	s20 =	simm.s32 $0x2A00  }
0x4c: {  	[spmem:s1] =	stream.indirect.scatter.add.f32 [tilespmem:s21], [sflag:$0x2], $0x30, s20, s13, $0xb8;
	[tilespmem:$0x1B800] =	vst v63  }
0x4d: {  	_ =	swait.ge [sflag:s25], $0x1800  }
0x4e: {  	[sflag:s25] =	ssyncset.done $0x0  }
0x4f: {  	[sflag:s25] =	ssyncadd.s32 $0xFFFFE800  }
0x50: {  	_ =	swait.ge [sflag:s25], $0x1800  }
0x51: {  	[sflag:s25] =	ssyncset.done $0x0  }
0x52: {  	[sflag:s25] =	ssyncadd.s32 $0xFFFFE800  }
0x53: {  	_ =	swait.ge [sflag:s25], $0x1800  }
0x54: {  	[sflag:s25] =	ssyncset.done $0x0  }
0x55: {  	[sflag:s25] =	ssyncadd.s32 $0xFFFFE800  }
0x56: {  	s0 =	sand.u32 $0x1, s28;
	_ =	swait.ge [sflag:s25], $0x1800  }
0x57: {  	s16 =	sxor.u32 $0x1, s0;
	[sflag:s25] =	ssyncset.done $0x0  }
0x58: {  	s16 =	smul.u32 $0x1E000, s16;
	[sflag:s25] =	ssyncadd.s32 $0xFFFFE800  }
0x59: {  	_ =	swait.ge [sflag:s25], $0x1800  }
0x5a: {  	s16 =	sshrl.u32 s16, $0x2;
	[sflag:s25] =	ssyncset.done $0x0  }
0x5b: {  	s30 =	simm.s32 $0x500;
	s18 =	sadd.s32 $0x5000, s16;
	[sflag:s25] =	ssyncadd.s32 $0xFFFFE800  }
0x5c: {  	[tilespmem:s18], [sflag:$0x1] =	stream.indirect.gather [hbm4b:s4+s13], $0x30, s30, s13, $0xb8;
	[tilespmem:$0x1B800] =	vst v63  }
0x5d: {  	s5 =	sadd.s32 $0x6800, s16;
	s30 =	simm.s32 $0x580  }
0x5e: {  	[tilespmem:s5], [sflag:$0x1] =	stream.indirect.gather [hbm4b:s4+s13], $0x30, s30, s13, $0xb8;
	[tilespmem:$0x1B800] =	vst v63  }
0x5f: {  	s6 =	sor.u32 $0x8000, s16;
	s30 =	simm.s32 $0x600  }
0x60: {  	[tilespmem:s6], [sflag:$0x1] =	stream.indirect.gather [hbm4b:s4+s13], $0x30, s30, s13, $0xb8;
	[tilespmem:$0x1B800] =	vst v63  }
0x61: {  	s20 =	sadd.s32 $0x9800, s16;
	s30 =	simm.s32 $0x680  }
0x62: {  	[tilespmem:s20], [sflag:$0x1] =	stream.indirect.gather [hbm4b:s4+s13], $0x30, s30, s13, $0xb8;
	[tilespmem:$0x1B800] =	vst v63  }
0x63: {  	s16 =	sadd.s32 $0xB000, s16;
	s5 =	simm.s32 $0x700  }
0x64: {  	[tilespmem:s16], [sflag:$0x1] =	stream.indirect.gather [hbm4b:s4+s13], $0x30, s5, s13, $0xb8;
	[tilespmem:$0x1B800] =	vst v63  }
0x65: {  	_ =	swait.ge [sflag:s28], $0x1800  }
0x66: {  	[sflag:s28] =	ssyncset.done $0x0  }
0x67: {  	[sflag:s28] =	ssyncadd.s32 $0xFFFFE800  }
0x68: {  	_ =	swait.ge [sflag:s28], $0x1800  }
0x69: {  	[sflag:s28] =	ssyncset.done $0x0  }
0x6a: {  	[sflag:s28] =	ssyncadd.s32 $0xFFFFE800  }
0x6b: {  	_ =	swait.ge [sflag:s28], $0x1800  }
0x6c: {  	[sflag:s28] =	ssyncset.done $0x0  }
0x6d: {  	[sflag:s28] =	ssyncadd.s32 $0xFFFFE800  }
0x6e: {  	_ =	swait.ge [sflag:s28], $0x1800  }
0x6f: {  	[sflag:s28] =	ssyncset.done $0x0  }
0x70: {  	s0 =	smul.u32 $0x1E000, s0;
	[sflag:s28] =	ssyncadd.s32 $0xFFFFE800  }
0x71: {  	_ =	swait.ge [sflag:s28], $0x1800  }
0x72: {  	s16 =	sshrl.u32 s0, $0x2;
	[sflag:s28] =	ssyncset.done $0x0  }
0x73: {  	s6 =	simm.s32 $0x2A80;
	s0 =	sadd.s32 $0x5000, s16;
	[sflag:s28] =	ssyncadd.s32 $0xFFFFE800  }
0x74: {  	[spmem:s1] =	stream.indirect.scatter.add.f32 [tilespmem:s0], [sflag:$0x2], $0x30, s6, s13, $0xb8;
	[tilespmem:$0x1B800] =	vst v63  }
0x75: {  	s20 =	simm.s32 $0x2B00;
	s18 =	sadd.s32 $0x6800, s16  }
0x76: {  	[spmem:s1] =	stream.indirect.scatter.add.f32 [tilespmem:s18], [sflag:$0x2], $0x30, s20, s13, $0xb8;
	[tilespmem:$0x1B800] =	vst v63  }
0x77: {  	s5 =	sor.u32 $0x8000, s16;
	s6 =	simm.s32 $0x2B80  }
0x78: {  	[spmem:s1] =	stream.indirect.scatter.add.f32 [tilespmem:s5], [sflag:$0x2], $0x30, s6, s13, $0xb8;
	[tilespmem:$0x1B800] =	vst v63  }
0x79: {  	s30 =	simm.s32 $0xA00;
	s18 =	sadd.s32 $0x9800, s16;
	s20 =	simm.s32 $0x2C00  }
0x7a: {  	[spmem:s1] =	stream.indirect.scatter.add.f32 [tilespmem:s18], [sflag:$0x2], $0x30, s20, s13, $0xb8;
	[tilespmem:$0x1B800] =	vst v63  }
0x7b: {  	s0 =	simm.s32 $0x2;
	s16 =	sadd.s32 $0xB000, s16;
	s18 =	simm.s32 $0x2C80  }
.LBB2_2:
0x7c: {  	[spmem:s1] =	stream.indirect.scatter.add.f32 [tilespmem:s16], [sflag:$0x2], $0x30, s18, s13, $0xb8;
	[tilespmem:$0x1B800] =	vst v63  }
0x7d: {  	s18 =	smov.u32 s30  }
0x7e: {  	p0 =	sne.s32 s30, $0x8200;
	s30 =	sadd.s32 $0xA00, s30;
	_ =	swait.ge [sflag:s25], $0x1800  }
0x7f: {  	[sflag:s25] =	ssyncset.done $0x0  }
0x80: {  	[sflag:s25] =	ssyncadd.s32 $0xFFFFE800  }
0x81: {  	_ =	swait.ge [sflag:s25], $0x1800  }
0x82: {  	[sflag:s25] =	ssyncset.done $0x0  }
0x83: {  	[sflag:s25] =	ssyncadd.s32 $0xFFFFE800  }
0x84: {  	_ =	swait.ge [sflag:s25], $0x1800  }
0x85: {  	[sflag:s25] =	ssyncset.done $0x0  }
0x86: {  	[sflag:s25] =	ssyncadd.s32 $0xFFFFE800  }
0x87: {  	s16 =	sand.u32 $0x1, s0;
	_ =	swait.ge [sflag:s25], $0x1800  }
0x88: {  	s20 =	sxor.u32 $0x1, s16;
	s16 =	smul.u32 $0x1E000, s16;
	[sflag:s25] =	ssyncset.done $0x0  }
0x89: {  	s20 =	smul.u32 $0x1E000, s20;
	[sflag:s25] =	ssyncadd.s32 $0xFFFFE800  }
0x8a: {  	s16 =	sshrl.u32 s16, $0x2;
	_ =	swait.ge [sflag:s25], $0x1800  }
0x8b: {  	s18 =	sshra.s32 s18, $0x2;
	s20 =	sshrl.u32 s20, $0x2;
	[sflag:s25] =	ssyncset.done $0x0  }
0x8c: {  	s6 =	sadd.s32 $0x500, s18;
	s5 =	sadd.s32 $0x5000, s20;
	[sflag:s25] =	ssyncadd.s32 $0xFFFFE800  }
0x8d: {  	[tilespmem:s5], [sflag:$0x1] =	stream.indirect.gather [hbm4b:s4+s13], $0x30, s6, s13, $0xb8;
	[tilespmem:$0x1B800] =	vst v63  }
0x8e: {  	s5 =	sadd.s32 $0x6800, s20;
	s6 =	sadd.s32 $0x580, s18  }
0x8f: {  	[tilespmem:s5], [sflag:$0x1] =	stream.indirect.gather [hbm4b:s4+s13], $0x30, s6, s13, $0xb8;
	[tilespmem:$0x1B800] =	vst v63  }
0x90: {  	s5 =	sor.u32 $0x8000, s20;
	s6 =	sadd.s32 $0x600, s18  }
0x91: {  	[tilespmem:s5], [sflag:$0x1] =	stream.indirect.gather [hbm4b:s4+s13], $0x30, s6, s13, $0xb8;
	[tilespmem:$0x1B800] =	vst v63  }
0x92: {  	s5 =	sadd.s32 $0x9800, s20;
	s6 =	sadd.s32 $0x680, s18  }
0x93: {  	[tilespmem:s5], [sflag:$0x1] =	stream.indirect.gather [hbm4b:s4+s13], $0x30, s6, s13, $0xb8;
	[tilespmem:$0x1B800] =	vst v63  }
0x94: {  	s5 =	sadd.s32 $0xB000, s20;
	s6 =	sadd.s32 $0x700, s18  }
0x95: {  	[tilespmem:s5], [sflag:$0x1] =	stream.indirect.gather [hbm4b:s4+s13], $0x30, s6, s13, $0xb8;
	[tilespmem:$0x1B800] =	vst v63  }
0x96: {  	_ =	swait.ge [sflag:s28], $0x1800  }
0x97: {  	[sflag:s28] =	ssyncset.done $0x0  }
0x98: {  	[sflag:s28] =	ssyncadd.s32 $0xFFFFE800  }
0x99: {  	_ =	swait.ge [sflag:s28], $0x1800  }
0x9a: {  	[sflag:s28] =	ssyncset.done $0x0  }
0x9b: {  	[sflag:s28] =	ssyncadd.s32 $0xFFFFE800  }
0x9c: {  	_ =	swait.ge [sflag:s28], $0x1800  }
0x9d: {  	[sflag:s28] =	ssyncset.done $0x0  }
0x9e: {  	[sflag:s28] =	ssyncadd.s32 $0xFFFFE800  }
0x9f: {  	_ =	swait.ge [sflag:s28], $0x1800  }
0xa0: {  	[sflag:s28] =	ssyncset.done $0x0  }
0xa1: {  	[sflag:s28] =	ssyncadd.s32 $0xFFFFE800  }
0xa2: {  	_ =	swait.ge [sflag:s28], $0x1800  }
0xa3: {  	[sflag:s28] =	ssyncset.done $0x0  }
0xa4: {  	s5 =	sadd.s32 $0x5000, s16;
	s6 =	sadd.s32 $0x2A80, s18;
	[sflag:s28] =	ssyncadd.s32 $0xFFFFE800  }
0xa5: {  	[spmem:s1] =	stream.indirect.scatter.add.f32 [tilespmem:s5], [sflag:$0x2], $0x30, s6, s13, $0xb8;
	[tilespmem:$0x1B800] =	vst v63  }
0xa6: {  	s5 =	sadd.s32 $0x6800, s16;
	s6 =	sadd.s32 $0x2B00, s18  }
0xa7: {  	[spmem:s1] =	stream.indirect.scatter.add.f32 [tilespmem:s5], [sflag:$0x2], $0x30, s6, s13, $0xb8;
	[tilespmem:$0x1B800] =	vst v63  }
.Ltmp0:
0xa8: {  	s5 =	sor.u32 $0x8000, s16;
	s6 =	sadd.s32 $0x2B80, s18;
	(pc) =	sbr.rel @p0 .LBB2_2-.Ltmp0, $4  }
0xa9: {  	[spmem:s1] =	stream.indirect.scatter.add.f32 [tilespmem:s5], [sflag:$0x2], $0x30, s6, s13, $0xb8;
	[tilespmem:$0x1B800] =	vst v63  }
0xaa: {  	s5 =	sadd.s32 $0x9800, s16;
	s6 =	sadd.s32 $0x2C00, s18  }
0xab: {  	[spmem:s1] =	stream.indirect.scatter.add.f32 [tilespmem:s5], [sflag:$0x2], $0x30, s6, s13, $0xb8;
	[tilespmem:$0x1B800] =	vst v63  }
0xac: {  	s0 =	sadd.s32 $0x1, s0;
	s16 =	sadd.s32 $0xB000, s16;
	s18 =	sadd.s32 $0x2C80, s18  }
0xad: {  	[spmem:s1] =	stream.indirect.scatter.add.f32 [tilespmem:s16], [sflag:$0x2], $0x30, s18, s13, $0xb8;
	[tilespmem:$0x1B800] =	vst v63  }
0xae: {  	_ =	swait.ge [sflag:s25], $0x1800  }
0xaf: {  	[sflag:s25] =	ssyncset.done $0x0  }
0xb0: {  	[sflag:s25] =	ssyncadd.s32 $0xFFFFE800  }
0xb1: {  	_ =	swait.ge [sflag:s25], $0x1800  }
0xb2: {  	[sflag:s25] =	ssyncset.done $0x0  }
0xb3: {  	[sflag:s25] =	ssyncadd.s32 $0xFFFFE800  }
0xb4: {  	_ =	swait.ge [sflag:s25], $0x1800  }
0xb5: {  	[sflag:s25] =	ssyncset.done $0x0  }
0xb6: {  	[sflag:s25] =	ssyncadd.s32 $0xFFFFE800  }
0xb7: {  	_ =	swait.ge [sflag:s25], $0x1800  }
0xb8: {  	[sflag:s25] =	ssyncset.done $0x0  }
0xb9: {  	[sflag:s25] =	ssyncadd.s32 $0xFFFFE800  }
0xba: {  	_ =	swait.ge [sflag:s25], $0x1800  }
0xbb: {  	[sflag:s25] =	ssyncset.done $0x0  }
0xbc: {  	[sflag:s25] =	ssyncadd.s32 $0xFFFFE800  }
0xbd: {  	_ =	swait.ge [sflag:s28], $0x1800  }
0xbe: {  	[sflag:s28] =	ssyncset.done $0x0  }
0xbf: {  	[sflag:s28] =	ssyncadd.s32 $0xFFFFE800  }
0xc0: {  	_ =	swait.ge [sflag:s28], $0x1800  }
0xc1: {  	[sflag:s28] =	ssyncset.done $0x0  }
0xc2: {  	[sflag:s28] =	ssyncadd.s32 $0xFFFFE800  }
0xc3: {  	_ =	swait.ge [sflag:s28], $0x1800  }
0xc4: {  	[sflag:s28] =	ssyncset.done $0x0  }
0xc5: {  	[sflag:s28] =	ssyncadd.s32 $0xFFFFE800  }
0xc6: {  	_ =	swait.ge [sflag:s28], $0x1800  }
0xc7: {  	[sflag:s28] =	ssyncset.done $0x0  }
0xc8: {  	[sflag:s28] =	ssyncadd.s32 $0xFFFFE800  }
0xc9: {  	_ =	swait.ge [sflag:s28], $0x1800  }
0xca: {  	[sflag:s28] =	ssyncset.done $0x0  }
0xcb: {  	s0 =	simm.s32 $0x4D80;
	[sflag:s28] =	ssyncadd.s32 $0xFFFFE800  }
0xcc: {  	[spmem:s1] =	stream.indirect.scatter.add.f32 [tilespmem:s23], [sflag:$0x2], $0x30, s0, s13, $0xb8;
	[tilespmem:$0x1B800] =	vst v63  }
0xcd: {  	s16 =	simm.s32 $0x4E00  }
0xce: {  	[spmem:s1] =	stream.indirect.scatter.add.f32 [tilespmem:s26], [sflag:$0x2], $0x30, s16, s13, $0xb8;
	[tilespmem:$0x1B800] =	vst v63  }
0xcf: {  	s18 =	simm.s32 $0x4E80  }
0xd0: {  	[spmem:s1] =	stream.indirect.scatter.add.f32 [tilespmem:s29], [sflag:$0x2], $0x30, s18, s13, $0xb8;
	[tilespmem:$0x1B800] =	vst v63  }
0xd1: {  	s20 =	simm.s32 $0x4F00  }
0xd2: {  	[spmem:s1] =	stream.indirect.scatter.add.f32 [tilespmem:s31], [sflag:$0x2], $0x30, s20, s13, $0xb8;
	[tilespmem:$0x1B800] =	vst v63  }
0xd3: {  	s30 =	simm.s32 $0x4F80  }
0xd4: {  	[spmem:s1] =	stream.indirect.scatter.add.f32 [tilespmem:s2], [sflag:$0x2], $0x30, s30, s13, $0xb8;
	[tilespmem:$0x1B800] =	vst v63  }
0xd5: {  	_ =	swait.ge [sflag:s25], $0x1800  }
0xd6: {  	[sflag:s25] =	ssyncset.done $0x0  }
0xd7: {  	[sflag:s25] =	ssyncadd.s32 $0xFFFFE800  }
0xd8: {  	_ =	swait.ge [sflag:s25], $0x1800  }
0xd9: {  	[sflag:s25] =	ssyncset.done $0x0  }
0xda: {  	[sflag:s25] =	ssyncadd.s32 $0xFFFFE800  }
0xdb: {  	_ =	swait.ge [sflag:s25], $0x1800  }
0xdc: {  	[sflag:s25] =	ssyncset.done $0x0  }
0xdd: {  	[sflag:s25] =	ssyncadd.s32 $0xFFFFE800  }
0xde: {  	_ =	swait.ge [sflag:s25], $0x1800  }
0xdf: {  	[sflag:s25] =	ssyncset.done $0x0  }
0xe0: {  	[sflag:s25] =	ssyncadd.s32 $0xFFFFE800  }
0xe1: {  	_ =	swait.ge [sflag:s25], $0x1800  }
0xe2: {  	s22 =	sadd.s32 $0x1, s22;
	[sflag:s25] =	ssyncset.done $0x0  }
0xe3: {  	p0 =	sne.s32 s22, s8;
	[sflag:s25] =	ssyncadd.s32 $0xFFFFE800  }
.Ltmp1:
0xe4: {  	[bflag:$0x0] =	sbarrier.arrive $0xFFFF;
	(pc) =	sbr.rel @p0 .LBB2_1-.Ltmp1, $4  }
0xe5: {  	[hbm:s24], [sflag:s11] =	dma.local [spmem:s12], $0xF00  }
0xe6: {  	_ =	swait.ge [sflag:s9], $0xF00  }
0xe7: {  	[sflag:s9] =	ssyncset.done $0x0  }
0xe8: {  	[sflag:s9] =	ssyncadd.s32 $0xFFFFF100  }
0xe9: {  	_ =	sfence.sel $0x180000  }
0xea: {  	[bflag:$0x0] =	sbarrier.arrive $0xFFFF  }
0xeb: {  	_ =	strace $0x9000004A  }
0xec: {  	s0 =	stileid.u32;
	[bflag:$0x2] =	sbarrier.arrive $0xFFFF  }
0xed: {  	p0 =	sne.s32 s0, $0x0;
	s0 =	rddreg [dreg:$0x3]  }
0xee: {  	s0 =	sadd.s32 @!p0 $0x100000, s0  }
0xef: {  	[sflag:s0] =	ssyncadd.tile.s32 @!p0 $0x1;
	_ =	shalt  }
.Lfunc_end2:
_tile_overlayer_lowered:
.L_overlay_start_2:
0xf0: {  	(tag) =	ssettag $0x2  }
0xf1: {  	s0 =	rddreg [dreg:$0x0];
	s2 =	stileid.u32  }
0xf2: {  	s1 =	rddreg [dreg:$0x1];
	p0 =	sne.s32 s2, $0x0  }
0xf3: {  	s3 =	rddreg [dreg:$0x2];
	[bflag:$0x3] =	sbarrier.arrive $0xFFFF;
	s2 =	simm.s32 @!p0 $0x1C03  }
0xf4: {  	[timem:s3], [sflag:s2] =	dma.local @!p0 [hbm:s0], s1  }
0xf5: {  	s0 =	simm.s32 @!p0 $0x3  }
0xf6: {  	_ =	swait.ge @!p0 [sflag:s0], s1  }
0xf7: {  	s1 =	ssub.s32 @!p0 $0x0, s1;
	[sflag:s0] =	ssyncset.done @!p0 $0x0  }
0xf8: {  	[sflag:s0] =	ssyncadd.s32 @!p0 s1  }
0xf9: {  	[bflag:$0x3] =	sbarrier.arrive $0xFFFF  }
0xfa: {  	_ =	shalt  }

// kernel: kernel.15.cloned.1.call-start
scs
__scs_entry_jumppad:
0x0: {  	(pc) =	sbr.rel $0x88, $3  }
0x1: {  	(tag) =	ssettag $0x0;
	lr =	simm.s32 $0x1  }
0x2: {  	[smem:$0x3F9D] =	sst lr;
	_ =	strace $0xD0000000  }
0x3: {  	_ = 	snop  }
0x4: {  	_ = 	snop  }
0x5: {  	_ = 	snop  }
0x6: {  	_ = 	snop  }
0x7: {  	_ = 	snop  }
__scs_overlays_trampoline_lowered:
0x8: {  	[smem:$0x3FAC] =	sst s0  }
0x9: {  	[smem:$0x3FAD] =	sst s1  }
0xa: {  	[smem:$0x3FAE] =	sst s2  }
0xb: {  	[smem:$0x3FAF] =	sst s3  }
0xc: {  	[smem:$0x3FB0] =	sst s4  }
0xd: {  	[smem:$0x3FB1] =	sst s5  }
0xe: {  	[smem:$0x3FB2] =	sst s6  }
0xf: {  	[smem:$0x3FB3] =	sst s7  }
0x10: {  	[smem:$0x3FB4] =	sst s8  }
0x11: {  	[smem:$0x3FB5] =	sst s9;
	s0 =	simm.s32 @!p0 $0x0  }
0x12: {  	s1 =	sld [smem:$0x3F9B];
	s0 =	simm.s32 @p0 $0x1  }
0x13: {  	[smem:$0x3FB6] =	sst s0;
	s0 =	simm.s32 @!p1 $0x0  }
0x14: {  	s2 =	sld [smem:$0x3F9A];
	s0 =	simm.s32 @p1 $0x1  }
0x15: {  	[smem:$0x3FB7] =	sst s0;
	s0 =	simm.s32 @!p2 $0x0  }
0x16: {  	s3 =	sld [smem:$0x3FDB];
	s0 =	simm.s32 @p2 $0x1  }
0x17: {  	s4 =	simm.s32 $0x1BF5;
	[smem:$0x3FB9] =	sst s0  }
0x18: {  	s0 =	sld [smem:$0x3F9C];
	_ =	swait.ge [sflag:s4], $0x0  }
0x19: {  	s7 =	sld [smem:$0x3F9D]  }
0x1a: {  	s8 =	sadd.s32 $0xFFFFE003, lr  }
0x1b: {  	s9 =	sadd.s32 $0xFFFFFEF7, lr;
	s5 =	simm.s32 $0xFFFFFFFF;
	p2 =	slt.u32 s8, $0xFFFFF086  }
0x1c: {  	p1 =	slt.u32 s9, $0xF7A;
	s5 =	simm.s32 @!p2 $0x0  }
0x1d: {  	s5 =	simm.s32 @p1 $0x1;
	p0 =	seq.s32 s7, s2  }
0x1e: {  	s7 =	smul.u32 @!p0 $0xF7A, s2;
	p2 =	seq.s32 @!p0 s5, $0x0  }
0x1f: {  	s9 =	smul.u32 $0xF7A, s1;
	s8 =	simm.s32 @!p0 $0x1BF5;
	p2 =	por !p2, p0  }
0x20: {  	[sflag:s8] =	ssyncset.s32 @!p0 $0xFFFFF086;
	s6 =	sadd.s32 @!p0 s3, s7;
	s7 =	simm.s32 @!p0 $0x108  }
0x21: {  	s3 =	sadd.s32 s3, s9;
	s6 =	sadd.s32 @!p0 $0x88, s6;
	s7 =	simm.s32 @p2 $0x1082  }
0x22: {  	[simem:s7], [sflag:s8] =	dma.local @!p0 [hbm:s6], $0xF7A  }
0x23: {  	s9 =	sor.u32 $0xD0000000, s2;
	s6 =	simm.s32 $0x108;
	_ =	swait.ge @!p0 [sflag:s8], $0x0  }
0x24: {  	s3 =	sadd.s32 $0x88, s3;
	s6 =	simm.s32 @!p1 $0x1082;
	[sflag:s4] =	ssyncset.s32 $0xFFFFF086  }
0x25: {  	[simem:s6], [sflag:s4] =	dma.local [hbm:s3], $0xF7A  }
0x26: {  	[smem:$0x3F9D] =	sst s1;
	(tag) =	ssettag s2;
	_ =	strace s9  }
0x27: {  	s1 =	sld [smem:$0x3FAD]  }
0x28: {  	s2 =	sld [smem:$0x3FAE]  }
0x29: {  	s4 =	sld [smem:$0x3FB0]  }
0x2a: {  	p0 =	seq.s32 s5, $0x0;
	s5 =	sld [smem:$0x3FB1]  }
0x2b: {  	s6 =	sld [smem:$0x3FB2]  }
0x2c: {  	s7 =	sld [smem:$0x3FB3]  }
0x2d: {  	s3 =	simm.s32 $0x108;
	s8 =	sld [smem:$0x3FB4]  }
0x2e: {  	s3 =	simm.s32 @!p0 $0x1082;
	s9 =	sld [smem:$0x3FB5]  }
0x2f: {  	lr =	sadd.s32 s0, s3;
	s0 =	sld [smem:$0x3FAC]  }
0x30: {  	s3 =	sld [smem:$0x3FAF]  }
0x31: {  	[smem:$0x3FB8] =	sst s10  }
0x32: {  	s10 =	sld [smem:$0x3FB6];
	_ =	sdelay $0x3  }
0x33: {  	p0 =	seq.s32 s10, $0x1;
	s10 =	sld [smem:$0x3FB8];
	_ =	sdelay $0x3  }
0x34: {  	[smem:$0x3FB8] =	sst s10  }
0x35: {  	s10 =	sld [smem:$0x3FB7];
	_ =	sdelay $0x3  }
0x36: {  	p1 =	seq.s32 s10, $0x1;
	s10 =	sld [smem:$0x3FB8];
	_ =	sdelay $0x3  }
0x37: {  	[smem:$0x3FB8] =	sst s10  }
0x38: {  	s10 =	sld [smem:$0x3FB9]  }
0x39: {  	_ = 	snop;
	(pc) =	sbr.ind lr, $3  }
0x3a: {  	_ = 	snop  }
0x3b: {  	_ = 	snop  }
0x3c: {  	p2 =	seq.s32 s10, $0x1;
	s10 =	sld [smem:$0x3FB8]  }
0x3d: {  	_ =	shalt  }
0x3e: {  	_ =	shalt  }
0x3f: {  	_ =	shalt  }
0x40: {  	_ =	shalt  }
0x41: {  	_ =	shalt  }
0x42: {  	_ =	shalt  }
0x43: {  	_ =	shalt  }
0x44: {  	_ =	shalt  }
0x45: {  	_ =	shalt  }
0x46: {  	_ =	shalt  }
0x47: {  	_ =	shalt  }
0x48: {  	_ =	shalt  }
0x49: {  	_ =	shalt  }
0x4a: {  	_ =	shalt  }
0x4b: {  	_ =	shalt  }
0x4c: {  	_ =	shalt  }
0x4d: {  	_ =	shalt  }
0x4e: {  	_ =	shalt  }
0x4f: {  	_ =	shalt  }
0x50: {  	_ =	shalt  }
0x51: {  	_ =	shalt  }
0x52: {  	_ =	shalt  }
0x53: {  	_ =	shalt  }
0x54: {  	_ =	shalt  }
0x55: {  	_ =	shalt  }
0x56: {  	_ =	shalt  }
0x57: {  	_ =	shalt  }
0x58: {  	_ =	shalt  }
0x59: {  	_ =	shalt  }
0x5a: {  	_ =	shalt  }
0x5b: {  	_ =	shalt  }
0x5c: {  	_ =	shalt  }
0x5d: {  	_ =	shalt  }
0x5e: {  	_ =	shalt  }
0x5f: {  	_ =	shalt  }
0x60: {  	_ =	shalt  }
0x61: {  	_ =	shalt  }
0x62: {  	_ =	shalt  }
0x63: {  	_ =	shalt  }
0x64: {  	_ =	shalt  }
0x65: {  	_ =	shalt  }
0x66: {  	_ =	shalt  }
0x67: {  	_ =	shalt  }
0x68: {  	_ =	shalt  }
0x69: {  	_ =	shalt  }
0x6a: {  	_ =	shalt  }
0x6b: {  	_ =	shalt  }
0x6c: {  	_ =	shalt  }
0x6d: {  	_ =	shalt  }
0x6e: {  	_ =	shalt  }
0x6f: {  	_ =	shalt  }
0x70: {  	_ =	shalt  }
0x71: {  	_ =	shalt  }
0x72: {  	_ =	shalt  }
0x73: {  	_ =	shalt  }
0x74: {  	_ =	shalt  }
0x75: {  	_ =	shalt  }
0x76: {  	_ =	shalt  }
0x77: {  	_ =	shalt  }
0x78: {  	_ =	shalt  }
0x79: {  	_ =	shalt  }
0x7a: {  	_ =	shalt  }
0x7b: {  	_ =	shalt  }
0x7c: {  	_ =	shalt  }
0x7d: {  	_ =	shalt  }
0x7e: {  	_ =	shalt  }
0x7f: {  	_ =	shalt  }
0x80: {  	_ =	shalt  }
0x81: {  	_ =	shalt  }
0x82: {  	_ =	shalt  }
0x83: {  	_ =	shalt  }
0x84: {  	_ =	shalt  }
0x85: {  	_ =	shalt  }
0x86: {  	_ =	shalt  }
0x87: {  	_ =	shalt  }
.Lfunc_end0:
.L_simem_size_0:
called_computation.2_lowered:
.L_overlay_start_0:
0x88: {  	s2 =	sld [smem:$0x3FD9]  }
0x89: {  	s3 =	sld [smem:$0x3FFE];
	_ =	sdelay $0x1  }
0x8a: {  	s1 =	srdreg.scid  }
0x8b: {  	s0 =	sand.u32 $0x1, s1  }
0x8c: {  	s17 =	sshll.u32 s0, $0xA;
	s2 =	sadd.s32 s3, s2  }
0x8d: {  	s2 =	sadd.s32 s2, s17  }
0x8e: {  	[smem:$0x3FC4] =	sst s2  }
0x8f: {  	_ = 	snop  }
0x90: {  	s2 =	sld [smem:$0x3FD0];
	(tm) =	ssettm $0x1  }
0x91: {  	s18 =	sld [smem:$0x3FFB];
	_ =	sdelay $0x3  }
0x92: {  	_ =	strace s18  }
0x93: {  	s3 =	sld [smem:$0x3FFC];
	_ =	sdelay $0x3  }
0x94: {  	_ =	strace s3  }
0x95: {  	s3 =	sld [smem:$0x3FFD];
	_ =	sdelay $0x3  }
0x96: {  	_ =	strace s3  }
0x97: {  	_ =	strace $0x8FFFFFFF  }
0x98: {  	s19 =	sld [smem:$0x3FDB];
	_ =	sdelay $0x1  }
0x99: {  	s4 =	simm.s32 $_scs_section_size  }
0x9a: {  	s5 =	simm.s32 $_size__tile_overlayer_lowered;
	s6 =	simm.s32 $_tile_overlayer_lowered  }
0x9b: {  	s22 =	simm.s32 $0x1BFF;
	s21 =	sshll.u32 s6, $0x1;
	s3 =	sadd.s32 s4, s19  }
0x9c: {  	s7 =	simm.s32 $0x0;
	s20 =	sshll.u32 s5, $0x1;
	s5 =	sadd.s32 s21, s3  }
0x9d: {  	[timem:s7], [sflag:s22] =	dma.local [hbm:s5], s20  }
0x9e: {  	_ =	swait.ge [sflag:s22], s20  }
0x9f: {  	s4 =	ssub.s32 $0x0, s20;
	[sflag:s22] =	ssyncset.done $0x0  }
0xa0: {  	[sflag:s22] =	ssyncadd.s32 s4;
	_ =	sdelay $0x1  }
0xa1: {  	s23 =	simm.s32 $0x1B8B  }
0xa2: {  	_ =	swait.ge [sflag:s23], $0x1  }
0xa3: {  	[sflag:s23] =	ssyncset.done $0x0  }
0xa4: {  	s25 =	simm.s32 $0x1B8E;
	s24 =	sld [smem:$0x3FFE];
	[sflag:s23] =	ssyncadd.s32 $0xFFFFFFFF  }
0xa5: {  	s26 =	simm.s32 $execute0_lowered;
	[smem:$0x3FD2] =	sst s25  }
0xa6: {  	s5 =	sshll.u32 s26, $0x1;
	_ =	strace $0x8000004C;
	[dreg:$0x1] =	wrdreg $0xFFFFFFFF  }
0xa7: {  	s28 =	simm.s32 $_size_execute0_lowered;
	s3 =	sadd.s32 s3, s5;
	[dreg:$0x0] =	wrdreg $0x0  }
0xa8: {  	s5 =	sshll.u32 s28, $0x1;
	[dreg:$0x2] =	wrdreg s3  }
0xa9: {  	[dreg:$0x3] =	wrdreg s5  }
0xaa: {  	[dreg:$0x4] =	wrdreg $0xC0  }
0xab: {  	_ =	task [dreg:s7], $0x5FFFF  }
0xac: {  	[dreg:$0x1] =	wrdreg $0xFFFFFFFF  }
0xad: {  	[dreg:$0x0] =	wrdreg $0x60  }
0xae: {  	[dreg:$0x2] =	wrdreg s24  }
0xaf: {  	[dreg:$0x3] =	wrdreg s2  }
0xb0: {  	[dreg:$0x4] =	wrdreg $0x140000  }
0xb1: {  	[dreg:$0x5] =	wrdreg $0x9  }
0xb2: {  	_ =	task.clear_ibuf [dreg:s7], $0x6FFFF;
	_ =	strace $0x9000004C  }
0xb3: {  	s29 =	simm.s32 $0x9;
	_ =	strace $0x8000004E  }
0xb4: {  	_ =	swait.ge [sflag:s29], $0x1  }
0xb5: {  	[sflag:s29] =	ssyncadd.s32 $0xFFFFFFFF  }
0xb6: {  	_ =	strace $0x9000004E  }
0xb7: {  	_ =	sfence  }
0xb8: {  	s30 =	sld [smem:$0x0];
	_ =	sdelay $0x2  }
0xb9: {  	s31 =	sshll.u32 s1, $0xD;
	s1 =	sshrl.u32 s1, $0x2  }
0xba: {  	s3 =	sand.u32 $0x4000, s31;
	s1 =	sadd.s32 s1, s30  }
0xbb: {  	s0 =	sor.u32 s3, s0;
	s1 =	sshll.u32 s1, $0x11  }
0xbc: {  	s0 =	sor.u32 s1, s0  }
0xbd: {  	s0 =	sadd.s32 $0x8F2B, s0  }
0xbe: {  	[sflag:s0] =	ssyncadd.remote.s32 $0x1  }
0xbf: {  	_ =	sfence.sel $0xFFFF  }
0xc0: {  	[dreg:$0x0] =	wrdreg $0xFFFFFFFF;
	(pc) =	sbr.abs _section_cstart, $3  }
0xc1: {  	[dreg:$0x1] =	wrdreg $0xFFFFFFFF  }
0xc2: {  	_ =	task.clear_ibuf [dreg:s7], $0x2FFFF;
	_ =	strace $0x9FFFFFFF  }
0xc3: {  	(tm) =	ssettm $0x7FFFFFFF  }
tec
execute0_lowered:
.L_overlay_start_1:
0x0: {  	(tag) =	ssettag $0x1  }
0x1: {  	s0 =	rddreg [dreg:$0x0]  }
0x2: {  	s2 =	rddreg [dreg:$0x1]  }
0x3: {  	s1 =	rddreg [dreg:$0x2]  }
0x4: {  	s3 =	srdreg.scid;
	s12 =	stileid.u32  }
0x5: {  	s13 =	simm.s32 $0x80;
	s14 =	simm.s32 $0x5000;
	s15 =	simm.s32 $0x6800  }
0x6: {  	s17 =	simm.s32 $0x8000;
	s19 =	simm.s32 $0x9800;
	s21 =	simm.s32 $0xB000  }
0x7: {  	s23 =	simm.s32 $0xC800;
	s29 =	simm.s32 $0xF800;
	s31 =	simm.s32 $0x11000  }
0x8: {  	s28 =	simm.s32 $0x1;
	s22 =	simm.s32 $0x0;
	s5 =	sand.u32 $0x1, s3  }
0x9: {  	s3 =	simm.s32 $0x0;
	s7 =	smul.u32 $0x7800, s12;
	s30 =	sshll.u32 s12, $0x6  }
0xa: {  	s4 =	sshll.u32 s5, $0x4;
	[smem:$0x7FF] =	sst s3;
	s8 =	smul.u32 $0xF000, s5  }
0xb: {  	s5 =	ssub.s32 $0x2, s5;
	s6 =	sor.u32 s12, s4;
	_ =	strace $0x8000004D  }
0xc: {  	s4 =	sadd.s32 $0xB400, s0;
	s16 =	sshrl.u32 s7, $0x3;
	s11 =	sshrl.u32 s5, $0x1  }
0xd: {  	s26 =	sadd.s32 s7, s1;
	s6 =	smul.u32 $0x500, s6;
	s10 =	sadd.s32 s16, s0  }
0xe: {  	s24 =	ssub.s32 s5, s11;
	s11 =	sor.u32 $0x1C03, s30;
	s12 =	sshrl.u32 s26, $0x3  }
0xf: {  	s26 =	simm.s32 $0xE000;
	s7 =	sadd.s32 $0x92800, s10;
	s10 =	simm.s32 $0x2800  }
0x10: {  	s9 =	sadd.s32 s6, s0;
	s0 =	sadd.s32 s8, s0;
	s2 =	sadd.s32 s2, s6  }
0x11: {  	s8 =	smax.u32 s24, $0x1;
	[dreg:$0x4] =	wrdreg s2;
	s25 =	sadd.s32 $0x1400, s9  }
0x12: {  	s0 =	sadd.s32 $0x6A800, s0;
	s9 =	simm.s32 $0x3;
	s2 =	simm.s32 $0x12800  }
0x13: {  	[dreg:$0x5] =	wrdreg s25;
	s24 =	sadd.s32 s16, s0;
	s25 =	simm.s32 $0x2  }
.LBB2_1:
0x14: {  	s0 =	rddreg [dreg:$0x4]  }
0x15: {  	[tilespmem:s3], [sflag:$0x3] =	stream.linear.gather [hbm4b:s0+s3], $0x2800, $0x38;
	[tilespmem:$0x1B800] =	vst v63  }
0x16: {  	_ =	swait.ge [sflag:s9], $0x2800  }
0x17: {  	[sflag:s9] =	ssyncset.done $0x0  }
0x18: {  	s16 =	rddreg [dreg:$0x5];
	[sflag:s9] =	ssyncadd.s32 $0xFFFFD800  }
0x19: {  	[tilespmem:s10], [sflag:$0x3] =	stream.linear.gather [hbm4b:s16+s3], $0x2800, $0x38;
	[tilespmem:$0x1B800] =	vst v63  }
0x1a: {  	_ =	swait.ge [sflag:s9], $0x2800  }
0x1b: {  	[sflag:s9] =	ssyncset.done $0x0  }
0x1c: {  	[sflag:s9] =	ssyncadd.s32 $0xFFFFD800  }
0x1d: {  	[spmem:s12], [sflag:s11] =	dma.local [hbm:s7], $0xF00  }
0x1e: {  	_ =	swait.ge [sflag:s9], $0xF00  }
0x1f: {  	[sflag:s9] =	ssyncset.done $0x0  }
0x20: {  	[sflag:s9] =	ssyncadd.s32 $0xFFFFF100  }
0x21: {  	[bflag:$0x0] =	sbarrier.arrive $0xFFFF  }
0x22: {  	[tilespmem:s14], [sflag:$0x1] =	stream.indirect.gather [hbm4b:s4+s13], $0x30, s3, s13, $0xb8;
	[tilespmem:$0x1B800] =	vst v63  }
0x23: {  	_ = 	snop  }
0x24: {  	[tilespmem:s15], [sflag:$0x1] =	stream.indirect.gather [hbm4b:s4+s13], $0x30, s13, s13, $0xb8;
	[tilespmem:$0x1B800] =	vst v63  }
0x25: {  	s18 =	simm.s32 $0x100  }
0x26: {  	[tilespmem:s17], [sflag:$0x1] =	stream.indirect.gather [hbm4b:s4+s13], $0x30, s18, s13, $0xb8;
	[tilespmem:$0x1B800] =	vst v63  }
0x27: {  	s20 =	simm.s32 $0x180  }
0x28: {  	[tilespmem:s19], [sflag:$0x1] =	stream.indirect.gather [hbm4b:s4+s13], $0x30, s20, s13, $0xb8;
	[tilespmem:$0x1B800] =	vst v63  }
0x29: {  	s5 =	simm.s32 $0x200  }
0x2a: {  	[tilespmem:s21], [sflag:$0x1] =	stream.indirect.gather [hbm4b:s4+s13], $0x30, s5, s13, $0xb8;
	[tilespmem:$0x1B800] =	vst v63  }
0x2b: {  	s6 =	simm.s32 $0x280  }
0x2c: {  	[tilespmem:s23], [sflag:$0x1] =	stream.indirect.gather [hbm4b:s4+s13], $0x30, s6, s13, $0xb8;
	[tilespmem:$0x1B800] =	vst v63  }
0x2d: {  	s16 =	simm.s32 $0x300  }
0x2e: {  	[tilespmem:s26], [sflag:$0x1] =	stream.indirect.gather [hbm4b:s4+s13], $0x30, s16, s13, $0xb8;
	[tilespmem:$0x1B800] =	vst v63  }
0x2f: {  	s18 =	simm.s32 $0x380  }
0x30: {  	[tilespmem:s29], [sflag:$0x1] =	stream.indirect.gather [hbm4b:s4+s13], $0x30, s18, s13, $0xb8;
	[tilespmem:$0x1B800] =	vst v63  }
0x31: {  	s20 =	simm.s32 $0x400  }
0x32: {  	[tilespmem:s31], [sflag:$0x1] =	stream.indirect.gather [hbm4b:s4+s13], $0x30, s20, s13, $0xb8;
	[tilespmem:$0x1B800] =	vst v63  }
0x33: {  	s5 =	simm.s32 $0x480  }
0x34: {  	[tilespmem:s2], [sflag:$0x1] =	stream.indirect.gather [hbm4b:s4+s13], $0x30, s5, s13, $0xb8;
	[tilespmem:$0x1B800] =	vst v63  }
0x35: {  	_ =	swait.ge [sflag:s28], $0x1800  }
0x36: {  	[sflag:s28] =	ssyncset.done $0x0  }
0x37: {  	[sflag:s28] =	ssyncadd.s32 $0xFFFFE800  }
0x38: {  	_ =	swait.ge [sflag:s28], $0x1800  }
0x39: {  	[sflag:s28] =	ssyncset.done $0x0  }
0x3a: {  	[sflag:s28] =	ssyncadd.s32 $0xFFFFE800  }
0x3b: {  	_ =	swait.ge [sflag:s28], $0x1800  }
0x3c: {  	[sflag:s28] =	ssyncset.done $0x0  }
0x3d: {  	[sflag:s28] =	ssyncadd.s32 $0xFFFFE800  }
0x3e: {  	_ =	swait.ge [sflag:s28], $0x1800  }
0x3f: {  	[sflag:s28] =	ssyncset.done $0x0  }
0x40: {  	[sflag:s28] =	ssyncadd.s32 $0xFFFFE800  }
0x41: {  	_ =	swait.ge [sflag:s28], $0x1800  }
0x42: {  	[sflag:s28] =	ssyncset.done $0x0  }
0x43: {  	[sflag:s28] =	ssyncadd.s32 $0xFFFFE800  }
0x44: {  	[spmem:s1] =	stream.indirect.scatter.add.f32 [tilespmem:s14], [sflag:$0x2], $0x30, s10, s13, $0xb8;
	[tilespmem:$0x1B800] =	vst v63  }
0x45: {  	s6 =	simm.s32 $0x2880  }
0x46: {  	[spmem:s1] =	stream.indirect.scatter.add.f32 [tilespmem:s15], [sflag:$0x2], $0x30, s6, s13, $0xb8;
	[tilespmem:$0x1B800] =	vst v63  }
0x47: {  	s16 =	simm.s32 $0x2900  }
0x48: {  	[spmem:s1] =	stream.indirect.scatter.add.f32 [tilespmem:s17], [sflag:$0x2], $0x30, s16, s13, $0xb8;
	[tilespmem:$0x1B800] =	vst v63  }
0x49: {  	s18 =	simm.s32 $0x2980  }
0x4a: {  	[spmem:s1] =	stream.indirect.scatter.add.f32 [tilespmem:s19], [sflag:$0x2], $0x30, s18, s13, $0xb8;
	[tilespmem:$0x1B800] =	vst v63  }
0x4b: {  	s20 =	simm.s32 $0x2A00  }
0x4c: {  	[spmem:s1] =	stream.indirect.scatter.add.f32 [tilespmem:s21], [sflag:$0x2], $0x30, s20, s13, $0xb8;
	[tilespmem:$0x1B800] =	vst v63  }
0x4d: {  	_ =	swait.ge [sflag:s25], $0x1800  }
0x4e: {  	[sflag:s25] =	ssyncset.done $0x0  }
0x4f: {  	[sflag:s25] =	ssyncadd.s32 $0xFFFFE800  }
0x50: {  	_ =	swait.ge [sflag:s25], $0x1800  }
0x51: {  	[sflag:s25] =	ssyncset.done $0x0  }
0x52: {  	[sflag:s25] =	ssyncadd.s32 $0xFFFFE800  }
0x53: {  	_ =	swait.ge [sflag:s25], $0x1800  }
0x54: {  	[sflag:s25] =	ssyncset.done $0x0  }
0x55: {  	[sflag:s25] =	ssyncadd.s32 $0xFFFFE800  }
0x56: {  	s0 =	sand.u32 $0x1, s28;
	_ =	swait.ge [sflag:s25], $0x1800  }
0x57: {  	s16 =	sxor.u32 $0x1, s0;
	[sflag:s25] =	ssyncset.done $0x0  }
0x58: {  	s16 =	smul.u32 $0x1E000, s16;
	[sflag:s25] =	ssyncadd.s32 $0xFFFFE800  }
0x59: {  	_ =	swait.ge [sflag:s25], $0x1800  }
0x5a: {  	s16 =	sshrl.u32 s16, $0x2;
	[sflag:s25] =	ssyncset.done $0x0  }
0x5b: {  	s30 =	simm.s32 $0x500;
	s18 =	sadd.s32 $0x5000, s16;
	[sflag:s25] =	ssyncadd.s32 $0xFFFFE800  }
0x5c: {  	[tilespmem:s18], [sflag:$0x1] =	stream.indirect.gather [hbm4b:s4+s13], $0x30, s30, s13, $0xb8;
	[tilespmem:$0x1B800] =	vst v63  }
0x5d: {  	s5 =	sadd.s32 $0x6800, s16;
	s30 =	simm.s32 $0x580  }
0x5e: {  	[tilespmem:s5], [sflag:$0x1] =	stream.indirect.gather [hbm4b:s4+s13], $0x30, s30, s13, $0xb8;
	[tilespmem:$0x1B800] =	vst v63  }
0x5f: {  	s6 =	sor.u32 $0x8000, s16;
	s30 =	simm.s32 $0x600  }
0x60: {  	[tilespmem:s6], [sflag:$0x1] =	stream.indirect.gather [hbm4b:s4+s13], $0x30, s30, s13, $0xb8;
	[tilespmem:$0x1B800] =	vst v63  }
0x61: {  	s20 =	sadd.s32 $0x9800, s16;
	s30 =	simm.s32 $0x680  }
0x62: {  	[tilespmem:s20], [sflag:$0x1] =	stream.indirect.gather [hbm4b:s4+s13], $0x30, s30, s13, $0xb8;
	[tilespmem:$0x1B800] =	vst v63  }
0x63: {  	s16 =	sadd.s32 $0xB000, s16;
	s5 =	simm.s32 $0x700  }
0x64: {  	[tilespmem:s16], [sflag:$0x1] =	stream.indirect.gather [hbm4b:s4+s13], $0x30, s5, s13, $0xb8;
	[tilespmem:$0x1B800] =	vst v63  }
0x65: {  	_ =	swait.ge [sflag:s28], $0x1800  }
0x66: {  	[sflag:s28] =	ssyncset.done $0x0  }
0x67: {  	[sflag:s28] =	ssyncadd.s32 $0xFFFFE800  }
0x68: {  	_ =	swait.ge [sflag:s28], $0x1800  }
0x69: {  	[sflag:s28] =	ssyncset.done $0x0  }
0x6a: {  	[sflag:s28] =	ssyncadd.s32 $0xFFFFE800  }
0x6b: {  	_ =	swait.ge [sflag:s28], $0x1800  }
0x6c: {  	[sflag:s28] =	ssyncset.done $0x0  }
0x6d: {  	[sflag:s28] =	ssyncadd.s32 $0xFFFFE800  }
0x6e: {  	_ =	swait.ge [sflag:s28], $0x1800  }
0x6f: {  	[sflag:s28] =	ssyncset.done $0x0  }
0x70: {  	s0 =	smul.u32 $0x1E000, s0;
	[sflag:s28] =	ssyncadd.s32 $0xFFFFE800  }
0x71: {  	_ =	swait.ge [sflag:s28], $0x1800  }
0x72: {  	s16 =	sshrl.u32 s0, $0x2;
	[sflag:s28] =	ssyncset.done $0x0  }
0x73: {  	s6 =	simm.s32 $0x2A80;
	s0 =	sadd.s32 $0x5000, s16;
	[sflag:s28] =	ssyncadd.s32 $0xFFFFE800  }
0x74: {  	[spmem:s1] =	stream.indirect.scatter.add.f32 [tilespmem:s0], [sflag:$0x2], $0x30, s6, s13, $0xb8;
	[tilespmem:$0x1B800] =	vst v63  }
0x75: {  	s20 =	simm.s32 $0x2B00;
	s18 =	sadd.s32 $0x6800, s16  }
0x76: {  	[spmem:s1] =	stream.indirect.scatter.add.f32 [tilespmem:s18], [sflag:$0x2], $0x30, s20, s13, $0xb8;
	[tilespmem:$0x1B800] =	vst v63  }
0x77: {  	s5 =	sor.u32 $0x8000, s16;
	s6 =	simm.s32 $0x2B80  }
0x78: {  	[spmem:s1] =	stream.indirect.scatter.add.f32 [tilespmem:s5], [sflag:$0x2], $0x30, s6, s13, $0xb8;
	[tilespmem:$0x1B800] =	vst v63  }
0x79: {  	s30 =	simm.s32 $0xA00;
	s18 =	sadd.s32 $0x9800, s16;
	s20 =	simm.s32 $0x2C00  }
0x7a: {  	[spmem:s1] =	stream.indirect.scatter.add.f32 [tilespmem:s18], [sflag:$0x2], $0x30, s20, s13, $0xb8;
	[tilespmem:$0x1B800] =	vst v63  }
0x7b: {  	s0 =	simm.s32 $0x2;
	s16 =	sadd.s32 $0xB000, s16;
	s18 =	simm.s32 $0x2C80  }
.LBB2_2:
0x7c: {  	[spmem:s1] =	stream.indirect.scatter.add.f32 [tilespmem:s16], [sflag:$0x2], $0x30, s18, s13, $0xb8;
	[tilespmem:$0x1B800] =	vst v63  }
0x7d: {  	s18 =	smov.u32 s30  }
0x7e: {  	p0 =	sne.s32 s30, $0x8200;
	s30 =	sadd.s32 $0xA00, s30;
	_ =	swait.ge [sflag:s25], $0x1800  }
0x7f: {  	[sflag:s25] =	ssyncset.done $0x0  }
0x80: {  	[sflag:s25] =	ssyncadd.s32 $0xFFFFE800  }
0x81: {  	_ =	swait.ge [sflag:s25], $0x1800  }
0x82: {  	[sflag:s25] =	ssyncset.done $0x0  }
0x83: {  	[sflag:s25] =	ssyncadd.s32 $0xFFFFE800  }
0x84: {  	_ =	swait.ge [sflag:s25], $0x1800  }
0x85: {  	[sflag:s25] =	ssyncset.done $0x0  }
0x86: {  	[sflag:s25] =	ssyncadd.s32 $0xFFFFE800  }
0x87: {  	s16 =	sand.u32 $0x1, s0;
	_ =	swait.ge [sflag:s25], $0x1800  }
0x88: {  	s20 =	sxor.u32 $0x1, s16;
	s16 =	smul.u32 $0x1E000, s16;
	[sflag:s25] =	ssyncset.done $0x0  }
0x89: {  	s20 =	smul.u32 $0x1E000, s20;
	[sflag:s25] =	ssyncadd.s32 $0xFFFFE800  }
0x8a: {  	s16 =	sshrl.u32 s16, $0x2;
	_ =	swait.ge [sflag:s25], $0x1800  }
0x8b: {  	s18 =	sshra.s32 s18, $0x2;
	s20 =	sshrl.u32 s20, $0x2;
	[sflag:s25] =	ssyncset.done $0x0  }
0x8c: {  	s6 =	sadd.s32 $0x500, s18;
	s5 =	sadd.s32 $0x5000, s20;
	[sflag:s25] =	ssyncadd.s32 $0xFFFFE800  }
0x8d: {  	[tilespmem:s5], [sflag:$0x1] =	stream.indirect.gather [hbm4b:s4+s13], $0x30, s6, s13, $0xb8;
	[tilespmem:$0x1B800] =	vst v63  }
0x8e: {  	s5 =	sadd.s32 $0x6800, s20;
	s6 =	sadd.s32 $0x580, s18  }
0x8f: {  	[tilespmem:s5], [sflag:$0x1] =	stream.indirect.gather [hbm4b:s4+s13], $0x30, s6, s13, $0xb8;
	[tilespmem:$0x1B800] =	vst v63  }
0x90: {  	s5 =	sor.u32 $0x8000, s20;
	s6 =	sadd.s32 $0x600, s18  }
0x91: {  	[tilespmem:s5], [sflag:$0x1] =	stream.indirect.gather [hbm4b:s4+s13], $0x30, s6, s13, $0xb8;
	[tilespmem:$0x1B800] =	vst v63  }
0x92: {  	s5 =	sadd.s32 $0x9800, s20;
	s6 =	sadd.s32 $0x680, s18  }
0x93: {  	[tilespmem:s5], [sflag:$0x1] =	stream.indirect.gather [hbm4b:s4+s13], $0x30, s6, s13, $0xb8;
	[tilespmem:$0x1B800] =	vst v63  }
0x94: {  	s5 =	sadd.s32 $0xB000, s20;
	s6 =	sadd.s32 $0x700, s18  }
0x95: {  	[tilespmem:s5], [sflag:$0x1] =	stream.indirect.gather [hbm4b:s4+s13], $0x30, s6, s13, $0xb8;
	[tilespmem:$0x1B800] =	vst v63  }
0x96: {  	_ =	swait.ge [sflag:s28], $0x1800  }
0x97: {  	[sflag:s28] =	ssyncset.done $0x0  }
0x98: {  	[sflag:s28] =	ssyncadd.s32 $0xFFFFE800  }
0x99: {  	_ =	swait.ge [sflag:s28], $0x1800  }
0x9a: {  	[sflag:s28] =	ssyncset.done $0x0  }
0x9b: {  	[sflag:s28] =	ssyncadd.s32 $0xFFFFE800  }
0x9c: {  	_ =	swait.ge [sflag:s28], $0x1800  }
0x9d: {  	[sflag:s28] =	ssyncset.done $0x0  }
0x9e: {  	[sflag:s28] =	ssyncadd.s32 $0xFFFFE800  }
0x9f: {  	_ =	swait.ge [sflag:s28], $0x1800  }
0xa0: {  	[sflag:s28] =	ssyncset.done $0x0  }
0xa1: {  	[sflag:s28] =	ssyncadd.s32 $0xFFFFE800  }
0xa2: {  	_ =	swait.ge [sflag:s28], $0x1800  }
0xa3: {  	[sflag:s28] =	ssyncset.done $0x0  }
0xa4: {  	s5 =	sadd.s32 $0x5000, s16;
	s6 =	sadd.s32 $0x2A80, s18;
	[sflag:s28] =	ssyncadd.s32 $0xFFFFE800  }
0xa5: {  	[spmem:s1] =	stream.indirect.scatter.add.f32 [tilespmem:s5], [sflag:$0x2], $0x30, s6, s13, $0xb8;
	[tilespmem:$0x1B800] =	vst v63  }
0xa6: {  	s5 =	sadd.s32 $0x6800, s16;
	s6 =	sadd.s32 $0x2B00, s18  }
0xa7: {  	[spmem:s1] =	stream.indirect.scatter.add.f32 [tilespmem:s5], [sflag:$0x2], $0x30, s6, s13, $0xb8;
	[tilespmem:$0x1B800] =	vst v63  }
.Ltmp0:
0xa8: {  	s5 =	sor.u32 $0x8000, s16;
	s6 =	sadd.s32 $0x2B80, s18;
	(pc) =	sbr.rel @p0 .LBB2_2-.Ltmp0, $4  }
0xa9: {  	[spmem:s1] =	stream.indirect.scatter.add.f32 [tilespmem:s5], [sflag:$0x2], $0x30, s6, s13, $0xb8;
	[tilespmem:$0x1B800] =	vst v63  }
0xaa: {  	s5 =	sadd.s32 $0x9800, s16;
	s6 =	sadd.s32 $0x2C00, s18  }
0xab: {  	[spmem:s1] =	stream.indirect.scatter.add.f32 [tilespmem:s5], [sflag:$0x2], $0x30, s6, s13, $0xb8;
	[tilespmem:$0x1B800] =	vst v63  }
0xac: {  	s0 =	sadd.s32 $0x1, s0;
	s16 =	sadd.s32 $0xB000, s16;
	s18 =	sadd.s32 $0x2C80, s18  }
0xad: {  	[spmem:s1] =	stream.indirect.scatter.add.f32 [tilespmem:s16], [sflag:$0x2], $0x30, s18, s13, $0xb8;
	[tilespmem:$0x1B800] =	vst v63  }
0xae: {  	_ =	swait.ge [sflag:s25], $0x1800  }
0xaf: {  	[sflag:s25] =	ssyncset.done $0x0  }
0xb0: {  	[sflag:s25] =	ssyncadd.s32 $0xFFFFE800  }
0xb1: {  	_ =	swait.ge [sflag:s25], $0x1800  }
0xb2: {  	[sflag:s25] =	ssyncset.done $0x0  }
0xb3: {  	[sflag:s25] =	ssyncadd.s32 $0xFFFFE800  }
0xb4: {  	_ =	swait.ge [sflag:s25], $0x1800  }
0xb5: {  	[sflag:s25] =	ssyncset.done $0x0  }
0xb6: {  	[sflag:s25] =	ssyncadd.s32 $0xFFFFE800  }
0xb7: {  	_ =	swait.ge [sflag:s25], $0x1800  }
0xb8: {  	[sflag:s25] =	ssyncset.done $0x0  }
0xb9: {  	[sflag:s25] =	ssyncadd.s32 $0xFFFFE800  }
0xba: {  	_ =	swait.ge [sflag:s25], $0x1800  }
0xbb: {  	[sflag:s25] =	ssyncset.done $0x0  }
0xbc: {  	[sflag:s25] =	ssyncadd.s32 $0xFFFFE800  }
0xbd: {  	_ =	swait.ge [sflag:s28], $0x1800  }
0xbe: {  	[sflag:s28] =	ssyncset.done $0x0  }
0xbf: {  	[sflag:s28] =	ssyncadd.s32 $0xFFFFE800  }
0xc0: {  	_ =	swait.ge [sflag:s28], $0x1800  }
0xc1: {  	[sflag:s28] =	ssyncset.done $0x0  }
0xc2: {  	[sflag:s28] =	ssyncadd.s32 $0xFFFFE800  }
0xc3: {  	_ =	swait.ge [sflag:s28], $0x1800  }
0xc4: {  	[sflag:s28] =	ssyncset.done $0x0  }
0xc5: {  	[sflag:s28] =	ssyncadd.s32 $0xFFFFE800  }
0xc6: {  	_ =	swait.ge [sflag:s28], $0x1800  }
0xc7: {  	[sflag:s28] =	ssyncset.done $0x0  }
0xc8: {  	[sflag:s28] =	ssyncadd.s32 $0xFFFFE800  }
0xc9: {  	_ =	swait.ge [sflag:s28], $0x1800  }
0xca: {  	[sflag:s28] =	ssyncset.done $0x0  }
0xcb: {  	s0 =	simm.s32 $0x4D80;
	[sflag:s28] =	ssyncadd.s32 $0xFFFFE800  }
0xcc: {  	[spmem:s1] =	stream.indirect.scatter.add.f32 [tilespmem:s23], [sflag:$0x2], $0x30, s0, s13, $0xb8;
	[tilespmem:$0x1B800] =	vst v63  }
0xcd: {  	s16 =	simm.s32 $0x4E00  }
0xce: {  	[spmem:s1] =	stream.indirect.scatter.add.f32 [tilespmem:s26], [sflag:$0x2], $0x30, s16, s13, $0xb8;
	[tilespmem:$0x1B800] =	vst v63  }
0xcf: {  	s18 =	simm.s32 $0x4E80  }
0xd0: {  	[spmem:s1] =	stream.indirect.scatter.add.f32 [tilespmem:s29], [sflag:$0x2], $0x30, s18, s13, $0xb8;
	[tilespmem:$0x1B800] =	vst v63  }
0xd1: {  	s20 =	simm.s32 $0x4F00  }
0xd2: {  	[spmem:s1] =	stream.indirect.scatter.add.f32 [tilespmem:s31], [sflag:$0x2], $0x30, s20, s13, $0xb8;
	[tilespmem:$0x1B800] =	vst v63  }
0xd3: {  	s30 =	simm.s32 $0x4F80  }
0xd4: {  	[spmem:s1] =	stream.indirect.scatter.add.f32 [tilespmem:s2], [sflag:$0x2], $0x30, s30, s13, $0xb8;
	[tilespmem:$0x1B800] =	vst v63  }
0xd5: {  	_ =	swait.ge [sflag:s25], $0x1800  }
0xd6: {  	[sflag:s25] =	ssyncset.done $0x0  }
0xd7: {  	[sflag:s25] =	ssyncadd.s32 $0xFFFFE800  }
0xd8: {  	_ =	swait.ge [sflag:s25], $0x1800  }
0xd9: {  	[sflag:s25] =	ssyncset.done $0x0  }
0xda: {  	[sflag:s25] =	ssyncadd.s32 $0xFFFFE800  }
0xdb: {  	_ =	swait.ge [sflag:s25], $0x1800  }
0xdc: {  	[sflag:s25] =	ssyncset.done $0x0  }
0xdd: {  	[sflag:s25] =	ssyncadd.s32 $0xFFFFE800  }
0xde: {  	_ =	swait.ge [sflag:s25], $0x1800  }
0xdf: {  	[sflag:s25] =	ssyncset.done $0x0  }
0xe0: {  	[sflag:s25] =	ssyncadd.s32 $0xFFFFE800  }
0xe1: {  	_ =	swait.ge [sflag:s25], $0x1800  }
0xe2: {  	s22 =	sadd.s32 $0x1, s22;
	[sflag:s25] =	ssyncset.done $0x0  }
0xe3: {  	p0 =	sne.s32 s22, s8;
	[sflag:s25] =	ssyncadd.s32 $0xFFFFE800  }
.Ltmp1:
0xe4: {  	[bflag:$0x0] =	sbarrier.arrive $0xFFFF;
	(pc) =	sbr.rel @p0 .LBB2_1-.Ltmp1, $4  }
0xe5: {  	[hbm:s24], [sflag:s11] =	dma.local [spmem:s12], $0xF00  }
0xe6: {  	_ =	swait.ge [sflag:s9], $0xF00  }
0xe7: {  	[sflag:s9] =	ssyncset.done $0x0  }
0xe8: {  	[sflag:s9] =	ssyncadd.s32 $0xFFFFF100  }
0xe9: {  	_ =	sfence.sel $0x180000  }
0xea: {  	[bflag:$0x0] =	sbarrier.arrive $0xFFFF  }
0xeb: {  	_ =	strace $0x9000004D  }
0xec: {  	s0 =	stileid.u32;
	[bflag:$0x2] =	sbarrier.arrive $0xFFFF  }
0xed: {  	p0 =	sne.s32 s0, $0x0;
	s0 =	rddreg [dreg:$0x3]  }
0xee: {  	s0 =	sadd.s32 @!p0 $0x100000, s0  }
0xef: {  	[sflag:s0] =	ssyncadd.tile.s32 @!p0 $0x1;
	_ =	shalt  }
.Lfunc_end2:
_tile_overlayer_lowered:
.L_overlay_start_2:
0xf0: {  	(tag) =	ssettag $0x2  }
0xf1: {  	s0 =	rddreg [dreg:$0x0];
	s2 =	stileid.u32  }
0xf2: {  	s1 =	rddreg [dreg:$0x1];
	p0 =	sne.s32 s2, $0x0  }
0xf3: {  	s3 =	rddreg [dreg:$0x2];
	[bflag:$0x3] =	sbarrier.arrive $0xFFFF;
	s2 =	simm.s32 @!p0 $0x1C03  }
0xf4: {  	[timem:s3], [sflag:s2] =	dma.local @!p0 [hbm:s0], s1  }
0xf5: {  	s0 =	simm.s32 @!p0 $0x3  }
0xf6: {  	_ =	swait.ge @!p0 [sflag:s0], s1  }
0xf7: {  	s1 =	ssub.s32 @!p0 $0x0, s1;
	[sflag:s0] =	ssyncset.done @!p0 $0x0  }
0xf8: {  	[sflag:s0] =	ssyncadd.s32 @!p0 s1  }
0xf9: {  	[bflag:$0x3] =	sbarrier.arrive $0xFFFF  }
0xfa: {  	_ =	shalt  }

// kernel: kernel.9.cloned.1.call-start
scs
__scs_entry_jumppad:
0x0: {  	(pc) =	sbr.rel $0x88, $3  }
0x1: {  	(tag) =	ssettag $0x0;
	lr =	simm.s32 $0x1  }
0x2: {  	[smem:$0x3F9D] =	sst lr;
	_ =	strace $0xD0000000  }
0x3: {  	_ = 	snop  }
0x4: {  	_ = 	snop  }
0x5: {  	_ = 	snop  }
0x6: {  	_ = 	snop  }
0x7: {  	_ = 	snop  }
__scs_overlays_trampoline_lowered:
0x8: {  	[smem:$0x3FAC] =	sst s0  }
0x9: {  	[smem:$0x3FAD] =	sst s1  }
0xa: {  	[smem:$0x3FAE] =	sst s2  }
0xb: {  	[smem:$0x3FAF] =	sst s3  }
0xc: {  	[smem:$0x3FB0] =	sst s4  }
0xd: {  	[smem:$0x3FB1] =	sst s5  }
0xe: {  	[smem:$0x3FB2] =	sst s6  }
0xf: {  	[smem:$0x3FB3] =	sst s7  }
0x10: {  	[smem:$0x3FB4] =	sst s8  }
0x11: {  	[smem:$0x3FB5] =	sst s9;
	s0 =	simm.s32 @!p0 $0x0  }
0x12: {  	s1 =	sld [smem:$0x3F9B];
	s0 =	simm.s32 @p0 $0x1  }
0x13: {  	[smem:$0x3FB6] =	sst s0;
	s0 =	simm.s32 @!p1 $0x0  }
0x14: {  	s2 =	sld [smem:$0x3F9A];
	s0 =	simm.s32 @p1 $0x1  }
0x15: {  	[smem:$0x3FB7] =	sst s0;
	s0 =	simm.s32 @!p2 $0x0  }
0x16: {  	s3 =	sld [smem:$0x3FDB];
	s0 =	simm.s32 @p2 $0x1  }
0x17: {  	s4 =	simm.s32 $0x1BF5;
	[smem:$0x3FB9] =	sst s0  }
0x18: {  	s0 =	sld [smem:$0x3F9C];
	_ =	swait.ge [sflag:s4], $0x0  }
0x19: {  	s7 =	sld [smem:$0x3F9D]  }
0x1a: {  	s8 =	sadd.s32 $0xFFFFE003, lr  }
0x1b: {  	s9 =	sadd.s32 $0xFFFFFEF7, lr;
	s5 =	simm.s32 $0xFFFFFFFF;
	p2 =	slt.u32 s8, $0xFFFFF086  }
0x1c: {  	p1 =	slt.u32 s9, $0xF7A;
	s5 =	simm.s32 @!p2 $0x0  }
0x1d: {  	s5 =	simm.s32 @p1 $0x1;
	p0 =	seq.s32 s7, s2  }
0x1e: {  	s7 =	smul.u32 @!p0 $0xF7A, s2;
	p2 =	seq.s32 @!p0 s5, $0x0  }
0x1f: {  	s9 =	smul.u32 $0xF7A, s1;
	s8 =	simm.s32 @!p0 $0x1BF5;
	p2 =	por !p2, p0  }
0x20: {  	[sflag:s8] =	ssyncset.s32 @!p0 $0xFFFFF086;
	s6 =	sadd.s32 @!p0 s3, s7;
	s7 =	simm.s32 @!p0 $0x108  }
0x21: {  	s3 =	sadd.s32 s3, s9;
	s6 =	sadd.s32 @!p0 $0x88, s6;
	s7 =	simm.s32 @p2 $0x1082  }
0x22: {  	[simem:s7], [sflag:s8] =	dma.local @!p0 [hbm:s6], $0xF7A  }
0x23: {  	s9 =	sor.u32 $0xD0000000, s2;
	s6 =	simm.s32 $0x108;
	_ =	swait.ge @!p0 [sflag:s8], $0x0  }
0x24: {  	s3 =	sadd.s32 $0x88, s3;
	s6 =	simm.s32 @!p1 $0x1082;
	[sflag:s4] =	ssyncset.s32 $0xFFFFF086  }
0x25: {  	[simem:s6], [sflag:s4] =	dma.local [hbm:s3], $0xF7A  }
0x26: {  	[smem:$0x3F9D] =	sst s1;
	(tag) =	ssettag s2;
	_ =	strace s9  }
0x27: {  	s1 =	sld [smem:$0x3FAD]  }
0x28: {  	s2 =	sld [smem:$0x3FAE]  }
0x29: {  	s4 =	sld [smem:$0x3FB0]  }
0x2a: {  	p0 =	seq.s32 s5, $0x0;
	s5 =	sld [smem:$0x3FB1]  }
0x2b: {  	s6 =	sld [smem:$0x3FB2]  }
0x2c: {  	s7 =	sld [smem:$0x3FB3]  }
0x2d: {  	s3 =	simm.s32 $0x108;
	s8 =	sld [smem:$0x3FB4]  }
0x2e: {  	s3 =	simm.s32 @!p0 $0x1082;
	s9 =	sld [smem:$0x3FB5]  }
0x2f: {  	lr =	sadd.s32 s0, s3;
	s0 =	sld [smem:$0x3FAC]  }
0x30: {  	s3 =	sld [smem:$0x3FAF]  }
0x31: {  	[smem:$0x3FB8] =	sst s10  }
0x32: {  	s10 =	sld [smem:$0x3FB6];
	_ =	sdelay $0x3  }
0x33: {  	p0 =	seq.s32 s10, $0x1;
	s10 =	sld [smem:$0x3FB8];
	_ =	sdelay $0x3  }
0x34: {  	[smem:$0x3FB8] =	sst s10  }
0x35: {  	s10 =	sld [smem:$0x3FB7];
	_ =	sdelay $0x3  }
0x36: {  	p1 =	seq.s32 s10, $0x1;
	s10 =	sld [smem:$0x3FB8];
	_ =	sdelay $0x3  }
0x37: {  	[smem:$0x3FB8] =	sst s10  }
0x38: {  	s10 =	sld [smem:$0x3FB9]  }
0x39: {  	_ = 	snop;
	(pc) =	sbr.ind lr, $3  }
0x3a: {  	_ = 	snop  }
0x3b: {  	_ = 	snop  }
0x3c: {  	p2 =	seq.s32 s10, $0x1;
	s10 =	sld [smem:$0x3FB8]  }
0x3d: {  	_ =	shalt  }
0x3e: {  	_ =	shalt  }
0x3f: {  	_ =	shalt  }
0x40: {  	_ =	shalt  }
0x41: {  	_ =	shalt  }
0x42: {  	_ =	shalt  }
0x43: {  	_ =	shalt  }
0x44: {  	_ =	shalt  }
0x45: {  	_ =	shalt  }
0x46: {  	_ =	shalt  }
0x47: {  	_ =	shalt  }
0x48: {  	_ =	shalt  }
0x49: {  	_ =	shalt  }
0x4a: {  	_ =	shalt  }
0x4b: {  	_ =	shalt  }
0x4c: {  	_ =	shalt  }
0x4d: {  	_ =	shalt  }
0x4e: {  	_ =	shalt  }
0x4f: {  	_ =	shalt  }
0x50: {  	_ =	shalt  }
0x51: {  	_ =	shalt  }
0x52: {  	_ =	shalt  }
0x53: {  	_ =	shalt  }
0x54: {  	_ =	shalt  }
0x55: {  	_ =	shalt  }
0x56: {  	_ =	shalt  }
0x57: {  	_ =	shalt  }
0x58: {  	_ =	shalt  }
0x59: {  	_ =	shalt  }
0x5a: {  	_ =	shalt  }
0x5b: {  	_ =	shalt  }
0x5c: {  	_ =	shalt  }
0x5d: {  	_ =	shalt  }
0x5e: {  	_ =	shalt  }
0x5f: {  	_ =	shalt  }
0x60: {  	_ =	shalt  }
0x61: {  	_ =	shalt  }
0x62: {  	_ =	shalt  }
0x63: {  	_ =	shalt  }
0x64: {  	_ =	shalt  }
0x65: {  	_ =	shalt  }
0x66: {  	_ =	shalt  }
0x67: {  	_ =	shalt  }
0x68: {  	_ =	shalt  }
0x69: {  	_ =	shalt  }
0x6a: {  	_ =	shalt  }
0x6b: {  	_ =	shalt  }
0x6c: {  	_ =	shalt  }
0x6d: {  	_ =	shalt  }
0x6e: {  	_ =	shalt  }
0x6f: {  	_ =	shalt  }
0x70: {  	_ =	shalt  }
0x71: {  	_ =	shalt  }
0x72: {  	_ =	shalt  }
0x73: {  	_ =	shalt  }
0x74: {  	_ =	shalt  }
0x75: {  	_ =	shalt  }
0x76: {  	_ =	shalt  }
0x77: {  	_ =	shalt  }
0x78: {  	_ =	shalt  }
0x79: {  	_ =	shalt  }
0x7a: {  	_ =	shalt  }
0x7b: {  	_ =	shalt  }
0x7c: {  	_ =	shalt  }
0x7d: {  	_ =	shalt  }
0x7e: {  	_ =	shalt  }
0x7f: {  	_ =	shalt  }
0x80: {  	_ =	shalt  }
0x81: {  	_ =	shalt  }
0x82: {  	_ =	shalt  }
0x83: {  	_ =	shalt  }
0x84: {  	_ =	shalt  }
0x85: {  	_ =	shalt  }
0x86: {  	_ =	shalt  }
0x87: {  	_ =	shalt  }
.Lfunc_end0:
.L_simem_size_0:
called_computation_lowered:
.L_overlay_start_0:
0x88: {  	s2 =	sld [smem:$0x3FD9]  }
0x89: {  	s3 =	sld [smem:$0x3FFE];
	_ =	sdelay $0x1  }
0x8a: {  	s1 =	srdreg.scid  }
0x8b: {  	s0 =	sand.u32 $0x1, s1  }
0x8c: {  	s16 =	sshll.u32 s0, $0xA;
	s2 =	sadd.s32 s3, s2  }
0x8d: {  	s2 =	sadd.s32 s2, s16  }
0x8e: {  	[smem:$0x3FC4] =	sst s2  }
0x8f: {  	_ = 	snop  }
0x90: {  	(tm) =	ssettm $0x1  }
0x91: {  	s17 =	sld [smem:$0x3FFB];
	_ =	sdelay $0x3  }
0x92: {  	_ =	strace s17  }
0x93: {  	s2 =	sld [smem:$0x3FFC];
	_ =	sdelay $0x3  }
0x94: {  	_ =	strace s2  }
0x95: {  	s2 =	sld [smem:$0x3FFD];
	_ =	sdelay $0x3  }
0x96: {  	_ =	strace s2  }
0x97: {  	_ =	strace $0x8FFFFFFF  }
0x98: {  	s18 =	sld [smem:$0x3FDB];
	_ =	sdelay $0x1  }
0x99: {  	s19 =	simm.s32 $_scs_section_size  }
0x9a: {  	s4 =	simm.s32 $_size__tile_overlayer_lowered;
	s5 =	simm.s32 $_tile_overlayer_lowered  }
0x9b: {  	s22 =	simm.s32 $0x1BFF;
	s21 =	sshll.u32 s5, $0x1;
	s2 =	sadd.s32 s19, s18  }
0x9c: {  	s6 =	simm.s32 $0x0;
	s20 =	sshll.u32 s4, $0x1;
	s4 =	sadd.s32 s21, s2  }
0x9d: {  	[timem:s6], [sflag:s22] =	dma.local [hbm:s4], s20  }
0x9e: {  	_ =	swait.ge [sflag:s22], s20  }
0x9f: {  	s3 =	ssub.s32 $0x0, s20;
	[sflag:s22] =	ssyncset.done $0x0  }
0xa0: {  	[sflag:s22] =	ssyncadd.s32 s3;
	_ =	sdelay $0x1  }
0xa1: {  	s23 =	simm.s32 $0x1B8B  }
0xa2: {  	_ =	swait.ge [sflag:s23], $0x1  }
0xa3: {  	[sflag:s23] =	ssyncset.done $0x0  }
0xa4: {  	s25 =	simm.s32 $0x1B8E;
	s24 =	sld [smem:$0x3FFE];
	[sflag:s23] =	ssyncadd.s32 $0xFFFFFFFF  }
0xa5: {  	s26 =	simm.s32 $execute0_lowered;
	[smem:$0x3FD2] =	sst s25  }
0xa6: {  	s4 =	sshll.u32 s26, $0x1;
	_ =	strace $0x80000046;
	[dreg:$0x1] =	wrdreg $0xFFFFFFFF  }
0xa7: {  	s28 =	simm.s32 $_size_execute0_lowered;
	s2 =	sadd.s32 s2, s4;
	[dreg:$0x0] =	wrdreg $0x0  }
0xa8: {  	s4 =	sshll.u32 s28, $0x1;
	[dreg:$0x2] =	wrdreg s2  }
0xa9: {  	[dreg:$0x3] =	wrdreg s4  }
0xaa: {  	[dreg:$0x4] =	wrdreg $0xC0  }
0xab: {  	_ =	task [dreg:s6], $0x5FFFF  }
0xac: {  	[dreg:$0x1] =	wrdreg $0xFFFFFFFF  }
0xad: {  	[dreg:$0x0] =	wrdreg $0x60  }
0xae: {  	[dreg:$0x2] =	wrdreg s24  }
0xaf: {  	[dreg:$0x3] =	wrdreg $0x30000  }
0xb0: {  	[dreg:$0x4] =	wrdreg $0x9  }
0xb1: {  	_ =	task.clear_ibuf [dreg:s6], $0x5FFFF;
	_ =	strace $0x90000046  }
0xb2: {  	s29 =	simm.s32 $0x9;
	_ =	strace $0x80000048  }
0xb3: {  	_ =	swait.ge [sflag:s29], $0x1  }
0xb4: {  	[sflag:s29] =	ssyncadd.s32 $0xFFFFFFFF  }
0xb5: {  	_ =	strace $0x90000048  }
0xb6: {  	_ =	sfence  }
0xb7: {  	s30 =	sld [smem:$0x0];
	_ =	sdelay $0x2  }
0xb8: {  	s31 =	sshll.u32 s1, $0xD;
	s1 =	sshrl.u32 s1, $0x2  }
0xb9: {  	s3 =	sand.u32 $0x4000, s31;
	s1 =	sadd.s32 s1, s30  }
0xba: {  	s0 =	sor.u32 s3, s0;
	s1 =	sshll.u32 s1, $0x11  }
0xbb: {  	s0 =	sor.u32 s1, s0  }
0xbc: {  	s0 =	sadd.s32 $0x8F2B, s0  }
0xbd: {  	[sflag:s0] =	ssyncadd.remote.s32 $0x1  }
0xbe: {  	_ =	sfence.sel $0xFFFF  }
0xbf: {  	[dreg:$0x0] =	wrdreg $0xFFFFFFFF;
	(pc) =	sbr.abs _section_cstart, $3  }
0xc0: {  	[dreg:$0x1] =	wrdreg $0xFFFFFFFF  }
0xc1: {  	_ =	task.clear_ibuf [dreg:s6], $0x2FFFF;
	_ =	strace $0x9FFFFFFF  }
0xc2: {  	(tm) =	ssettm $0x7FFFFFFF  }
0xc3: {  	_ =	shalt  }
tec
execute0_lowered:
.L_overlay_start_1:
0x0: {  	(tag) =	ssettag $0x1  }
0x1: {  	s6 =	rddreg [dreg:$0x0]  }
0x2: {  	s0 =	srdreg.scid;
	s2 =	rddreg [dreg:$0x1]  }
0x3: {  	s3 =	simm.s32 $0x0;
	s5 =	sand.u32 $0x1, s0;
	s0 =	stileid.u32  }
0x4: {  	s13 =	simm.s32 $0x1;
	[smem:$0x7FF] =	sst s3;
	s7 =	smul.u32 $0x2800, s0  }
0x5: {  	s1 =	sshll.u32 s5, $0x4;
	s9 =	smul.u32 $0x5000, s5;
	s5 =	ssub.s32 $0x2, s5  }
0x6: {  	s31 =	sshll.u32 s0, $0x6;
	s4 =	sor.u32 s0, s1;
	s1 =	rddreg [dreg:$0x2]  }
0x7: {  	_ =	strace $0x80000047;
	s30 =	sshrl.u32 s5, $0x1;
	s4 =	smul.u32 $0x500, s4  }
0x8: {  	s14 =	sshrl.u32 s7, $0x3;
	s9 =	sadd.s32 s9, s6;
	s11 =	ssub.s32 s5, s30  }
0x9: {  	s12 =	sadd.s32 s7, s2;
	s10 =	sadd.s32 s14, s6;
	s15 =	sadd.s32 $0x10600, s9  }
0xa: {  	s7 =	smax.u32 s11, $0x1;
	s9 =	sor.u32 $0x1C02, s31;
	s11 =	simm.s32 $0x2800  }
0xb: {  	s8 =	sadd.s32 s4, s6;
	s4 =	sadd.s32 $0xB400, s6;
	s6 =	sadd.s32 $0xB600, s10  }
0xc: {  	s10 =	sshrl.u32 s12, $0x3;
	s12 =	simm.s32 $0x80;
	s14 =	sadd.s32 s14, s15  }
0xd: {  	s15 =	simm.s32 $0x0;
	s5 =	sadd.s32 $0x1400, s8;
	s8 =	simm.s32 $0x2  }
.LBB2_1:
0xe: {  	[tilespmem:s3], [sflag:$0x2] =	stream.linear.gather [hbm4b:s5+s3], $0x2800, $0x38;
	[tilespmem:$0x5800] =	vst v63  }
0xf: {  	_ =	swait.ge [sflag:s8], $0x2800  }
0x10: {  	[sflag:s8] =	ssyncset.done $0x0  }
0x11: {  	[sflag:s8] =	ssyncadd.s32 $0xFFFFD800  }
0x12: {  	[spmem:s10], [sflag:s9] =	dma.local [hbm:s6], $0x500  }
0x13: {  	_ =	swait.ge [sflag:s8], $0x500  }
0x14: {  	[sflag:s8] =	ssyncset.done $0x0  }
0x15: {  	[sflag:s8] =	ssyncadd.s32 $0xFFFFFB00  }
0x16: {  	[tilespmem:s11], [sflag:$0x2] =	stream.linear.gather [hbm4b:s4+s3], $0x800, $0x38;
	[tilespmem:$0x5800] =	vst v63  }
0x17: {  	_ =	swait.ge [sflag:s8], $0x800  }
0x18: {  	[sflag:s8] =	ssyncset.done $0x0  }
0x19: {  	[sflag:s8] =	ssyncadd.s32 $0xFFFFF800  }
0x1a: {  	s16 =	simm.s32 $0x0;
	[bflag:$0x0] =	sbarrier.arrive $0xFFFF  }
0x1b: {  	[spmem:s2] =	stream.indirect.scatter.add.f32 [tilespmem:s11], [sflag:$0x1], $0x10, s16, s12, $0xb8;
	[tilespmem:$0x5800] =	vst v63  }
0x1c: {  	s28 =	simm.s32 $0x80  }
0x1d: {  	[spmem:s2] =	stream.indirect.scatter.add.f32 [tilespmem:s11], [sflag:$0x1], $0x10, s28, s12, $0xb8;
	[tilespmem:$0x5800] =	vst v63  }
0x1e: {  	s29 =	simm.s32 $0x100  }
0x1f: {  	[spmem:s2] =	stream.indirect.scatter.add.f32 [tilespmem:s11], [sflag:$0x1], $0x10, s29, s12, $0xb8;
	[tilespmem:$0x5800] =	vst v63  }
0x20: {  	s30 =	simm.s32 $0x180  }
0x21: {  	[spmem:s2] =	stream.indirect.scatter.add.f32 [tilespmem:s11], [sflag:$0x1], $0x10, s30, s12, $0xb8;
	[tilespmem:$0x5800] =	vst v63  }
0x22: {  	s31 =	simm.s32 $0x200  }
0x23: {  	[spmem:s2] =	stream.indirect.scatter.add.f32 [tilespmem:s11], [sflag:$0x1], $0x10, s31, s12, $0xb8;
	[tilespmem:$0x5800] =	vst v63  }
0x24: {  	_ =	swait.ge [sflag:s13], $0x800  }
0x25: {  	[sflag:s13] =	ssyncset.done $0x0  }
0x26: {  	[sflag:s13] =	ssyncadd.s32 $0xFFFFF800  }
0x27: {  	_ =	swait.ge [sflag:s13], $0x800  }
0x28: {  	[sflag:s13] =	ssyncset.done $0x0  }
0x29: {  	[sflag:s13] =	ssyncadd.s32 $0xFFFFF800  }
0x2a: {  	_ =	swait.ge [sflag:s13], $0x800  }
0x2b: {  	[sflag:s13] =	ssyncset.done $0x0  }
0x2c: {  	[sflag:s13] =	ssyncadd.s32 $0xFFFFF800  }
0x2d: {  	_ =	swait.ge [sflag:s13], $0x800  }
0x2e: {  	[sflag:s13] =	ssyncset.done $0x0  }
0x2f: {  	[sflag:s13] =	ssyncadd.s32 $0xFFFFF800  }
0x30: {  	_ =	swait.ge [sflag:s13], $0x800  }
0x31: {  	s17 =	simm.s32 $0x1400;
	s16 =	simm.s32 $0xA00;
	[sflag:s13] =	ssyncset.done $0x0  }
.LBB2_2:
0x32: {  	s18 =	sshra.s32 s16, $0x2  }
0x33: {  	[sflag:s13] =	ssyncadd.s32 $0xFFFFF800;
	s16 =	smov.u32 s17;
	s19 =	sadd.s32 $0xA00, s17  }
0x34: {  	[spmem:s2] =	stream.indirect.scatter.add.f32 [tilespmem:s11], [sflag:$0x1], $0x10, s18, s12, $0xb8;
	[tilespmem:$0x5800] =	vst v63  }
0x35: {  	p0 =	sne.s32 s17, $0x9600;
	s17 =	sadd.s32 $0x80, s18  }
0x36: {  	[spmem:s2] =	stream.indirect.scatter.add.f32 [tilespmem:s11], [sflag:$0x1], $0x10, s17, s12, $0xb8;
	[tilespmem:$0x5800] =	vst v63  }
0x37: {  	s17 =	sadd.s32 $0x100, s18  }
0x38: {  	[spmem:s2] =	stream.indirect.scatter.add.f32 [tilespmem:s11], [sflag:$0x1], $0x10, s17, s12, $0xb8;
	[tilespmem:$0x5800] =	vst v63  }
0x39: {  	s17 =	sadd.s32 $0x180, s18  }
0x3a: {  	[spmem:s2] =	stream.indirect.scatter.add.f32 [tilespmem:s11], [sflag:$0x1], $0x10, s17, s12, $0xb8;
	[tilespmem:$0x5800] =	vst v63  }
0x3b: {  	s17 =	sadd.s32 $0x200, s18  }
0x3c: {  	[spmem:s2] =	stream.indirect.scatter.add.f32 [tilespmem:s11], [sflag:$0x1], $0x10, s17, s12, $0xb8;
	[tilespmem:$0x5800] =	vst v63  }
0x3d: {  	_ =	swait.ge [sflag:s13], $0x800  }
0x3e: {  	[sflag:s13] =	ssyncset.done $0x0  }
0x3f: {  	[sflag:s13] =	ssyncadd.s32 $0xFFFFF800  }
0x40: {  	_ =	swait.ge [sflag:s13], $0x800  }
0x41: {  	[sflag:s13] =	ssyncset.done $0x0  }
0x42: {  	[sflag:s13] =	ssyncadd.s32 $0xFFFFF800  }
0x43: {  	_ =	swait.ge [sflag:s13], $0x800  }
0x44: {  	[sflag:s13] =	ssyncset.done $0x0  }
0x45: {  	[sflag:s13] =	ssyncadd.s32 $0xFFFFF800  }
.Ltmp0:
0x46: {  	_ =	swait.ge [sflag:s13], $0x800;
	(pc) =	sbr.rel @p0 .LBB2_2-.Ltmp0, $4  }
0x47: {  	[sflag:s13] =	ssyncset.done $0x0  }
0x48: {  	[sflag:s13] =	ssyncadd.s32 $0xFFFFF800  }
0x49: {  	_ =	swait.ge [sflag:s13], $0x800  }
0x4a: {  	s17 =	smov.u32 s19;
	[sflag:s13] =	ssyncset.done $0x0  }
0x4b: {  	s16 =	sshra.s32 s16, $0x2;
	[sflag:s13] =	ssyncadd.s32 $0xFFFFF800  }
0x4c: {  	[spmem:s2] =	stream.indirect.scatter.add.f32 [tilespmem:s11], [sflag:$0x1], $0x10, s16, s12, $0xb8;
	[tilespmem:$0x5800] =	vst v63  }
0x4d: {  	s17 =	sadd.s32 $0x80, s16  }
0x4e: {  	[spmem:s2] =	stream.indirect.scatter.add.f32 [tilespmem:s11], [sflag:$0x1], $0x10, s17, s12, $0xb8;
	[tilespmem:$0x5800] =	vst v63  }
0x4f: {  	s30 =	sadd.s32 $0x100, s16  }
0x50: {  	[spmem:s2] =	stream.indirect.scatter.add.f32 [tilespmem:s11], [sflag:$0x1], $0x10, s30, s12, $0xb8;
	[tilespmem:$0x5800] =	vst v63  }
0x51: {  	s31 =	sadd.s32 $0x180, s16  }
0x52: {  	[spmem:s2] =	stream.indirect.scatter.add.f32 [tilespmem:s11], [sflag:$0x1], $0x10, s31, s12, $0xb8;
	[tilespmem:$0x5800] =	vst v63  }
0x53: {  	s16 =	sadd.s32 $0x200, s16  }
0x54: {  	[spmem:s2] =	stream.indirect.scatter.add.f32 [tilespmem:s11], [sflag:$0x1], $0x10, s16, s12, $0xb8;
	[tilespmem:$0x5800] =	vst v63  }
0x55: {  	_ =	swait.ge [sflag:s13], $0x800  }
0x56: {  	[sflag:s13] =	ssyncset.done $0x0  }
0x57: {  	[sflag:s13] =	ssyncadd.s32 $0xFFFFF800  }
0x58: {  	_ =	swait.ge [sflag:s13], $0x800  }
0x59: {  	[sflag:s13] =	ssyncset.done $0x0  }
0x5a: {  	[sflag:s13] =	ssyncadd.s32 $0xFFFFF800  }
0x5b: {  	_ =	swait.ge [sflag:s13], $0x800  }
0x5c: {  	[sflag:s13] =	ssyncset.done $0x0  }
0x5d: {  	[sflag:s13] =	ssyncadd.s32 $0xFFFFF800  }
0x5e: {  	_ =	swait.ge [sflag:s13], $0x800  }
0x5f: {  	[sflag:s13] =	ssyncset.done $0x0  }
0x60: {  	[sflag:s13] =	ssyncadd.s32 $0xFFFFF800  }
0x61: {  	_ =	swait.ge [sflag:s13], $0x800  }
0x62: {  	s15 =	sadd.s32 $0x1, s15;
	[sflag:s13] =	ssyncset.done $0x0  }
0x63: {  	p0 =	sne.s32 s15, s7;
	[sflag:s13] =	ssyncadd.s32 $0xFFFFF800  }
.Ltmp1:
0x64: {  	[bflag:$0x0] =	sbarrier.arrive $0xFFFF;
	(pc) =	sbr.rel @p0 .LBB2_1-.Ltmp1, $4  }
0x65: {  	[hbm:s14], [sflag:s9] =	dma.local [spmem:s10], $0x500  }
0x66: {  	_ =	swait.ge [sflag:s8], $0x500  }
0x67: {  	[sflag:s8] =	ssyncset.done $0x0  }
0x68: {  	[sflag:s8] =	ssyncadd.s32 $0xFFFFFB00  }
0x69: {  	_ =	sfence.sel $0x180000  }
0x6a: {  	[bflag:$0x0] =	sbarrier.arrive $0xFFFF  }
0x6b: {  	p0 =	sne.s32 s0, $0x0;
	_ =	strace $0x90000047  }
0x6c: {  	s0 =	sadd.s32 @!p0 $0x100000, s1;
	[bflag:$0x2] =	sbarrier.arrive $0xFFFF  }
0x6d: {  	[sflag:s0] =	ssyncadd.tile.s32 @!p0 $0x1;
	_ =	shalt  }
.Lfunc_end2:
_tile_overlayer_lowered:
.L_overlay_start_2:
0x6e: {  	(tag) =	ssettag $0x2  }
0x6f: {  	s0 =	rddreg [dreg:$0x0];
	s2 =	stileid.u32  }
0x70: {  	s1 =	rddreg [dreg:$0x1];
	p0 =	sne.s32 s2, $0x0  }
0x71: {  	s3 =	rddreg [dreg:$0x2];
	[bflag:$0x3] =	sbarrier.arrive $0xFFFF;
	s2 =	simm.s32 @!p0 $0x1C02  }
0x72: {  	[timem:s3], [sflag:s2] =	dma.local @!p0 [hbm:s0], s1  }
0x73: {  	s0 =	simm.s32 @!p0 $0x2  }
0x74: {  	_ =	swait.ge @!p0 [sflag:s0], s1  }
0x75: {  	s1 =	ssub.s32 @!p0 $0x0, s1;
	[sflag:s0] =	ssyncset.done @!p0 $0x0  }
0x76: {  	[sflag:s0] =	ssyncadd.s32 @!p0 s1  }
0x77: {  	[bflag:$0x3] =	sbarrier.arrive $0xFFFF  }
0x78: {  	_ =	shalt  }

</sc_bundles>
